<compile_context>
chip_gen: v7x
topology: tpu7x:2x2x1
jax: 0.10.2.dev20260603
libtpu: 0.0.44.dev20260713+nightly
codegen_flags: <defaults>
</compile_context>

<pallas_src>
import functools

import jax
import jax.numpy as jnp
from jax import lax
from jax.experimental import pallas as pl
from jax.experimental.pallas import tpu as pltpu
from jax.experimental.pallas import tpu_sc as plsc

_SC_PARAMS = pltpu.CompilerParams(use_tc_tiling_on_sc=False,
                                  needs_layout_passes=False)

_NC = 2
_NS = 16
_NW = _NC * _NS
_CHUNK = 128
_DMA_LAG = 16
_L = 16


def _build_table_mlp(n_ids, d_u, n1, n2, n3, h_dim, d_out):

    def body(dict_u, s1_ids, s2_ids, s3_ids, wu, ws1, ws2, ws3,
             w1_ref, b1, w21_ref, b21, out, urows, sem):
        for i in range(n_ids):
            pltpu.make_async_copy(wu.at[pl.ds(dict_u[i], 1)],
                                  urows.at[pl.ds(i, 1)], sem).start()
        for _ in range(n_ids):
            pltpu.make_async_copy(wu.at[pl.ds(0, 1)],
                                  urows.at[pl.ds(0, 1)], sem).wait()

        f32 = jnp.float32

        def dott(a, b):
            return lax.dot_general(
                a, b, (((1,), (1,)), ((), ())),
                precision=lax.Precision.HIGHEST,
                preferred_element_type=f32)

        def onehot(ids_ref, n):
            ids = ids_ref[...]
            cols = lax.broadcasted_iota(jnp.int32, (n_ids, n), 1)
            return (ids == cols).astype(f32)

        def dot0(a, b):
            return lax.dot_general(
                a, b, (((1,), (0,)), ((), ())),
                precision=lax.Precision.HIGHEST,
                preferred_element_type=f32)

        w1 = w1_ref[...]
        d1 = ws1.shape[1]
        d2 = ws2.shape[1]
        s1 = dot0(onehot(s1_ids, n1), ws1[...])
        s2 = dot0(onehot(s2_ids, n2), ws2[...])
        s3 = dot0(onehot(s3_ids, n3), ws3[...])
        h = (dott(urows[...], w1[:, :d_u])
             + dott(s1, w1[:, d_u:d_u + d1])
             + dott(s2, w1[:, d_u + d1:d_u + d1 + d2])
             + dott(s3, w1[:, d_u + d1 + d2:])
             + b1[...])
        h = jnp.maximum(h, 0.0)
        mu = dott(h, w21_ref[...]) + b21[...]

        left = jnp.broadcast_to(mu[:, None, :], (n_ids, n_ids, d_out))
        right = jnp.broadcast_to(mu[None, :, :], (n_ids, n_ids, d_out))
        out[...] = jnp.concatenate([left, right], axis=2)

    n_in = 12
    in_specs = [pl.BlockSpec(memory_space=pltpu.SMEM)]
    in_specs += [pl.BlockSpec(memory_space=pltpu.VMEM)] * 3
    in_specs += [pl.BlockSpec(memory_space=pltpu.HBM)]
    in_specs += [pl.BlockSpec(memory_space=pltpu.VMEM)] * (n_in - 5)

    return pl.pallas_call(
        body,
        out_shape=jax.ShapeDtypeStruct((n_ids, n_ids, 2 * d_out),
                                       jnp.float32),
        in_specs=in_specs,
        scratch_shapes=[
            pltpu.VMEM((n_ids, d_u), jnp.float32),
            pltpu.SemaphoreType.DMA,
        ],
    )


def _build_pair_gather(n_pairs, n_ids, d2):
    n_chunks = n_pairs // _CHUNK
    cpw = n_chunks // _NW
    tok_rows = (2 * n_pairs) // _CHUNK // _NW

    groups = []
    k0 = 0
    while k0 < cpw:
        kn = min(4 if len(groups) % 2 == 0 else 3, cpw - k0)
        groups.append((k0, kn))
        k0 += kn

    @functools.partial(
        pl.kernel,
        mesh=plsc.VectorSubcoreMesh(core_axis_name="c", subcore_axis_name="s"),
        out_type=jax.ShapeDtypeStruct((n_chunks, _CHUNK, d2), jnp.float32),
        scratch_types=[
            pltpu.VMEM((tok_rows, _CHUNK), jnp.int32),
            pltpu.VMEM((cpw, _CHUNK), jnp.int32),
            pltpu.VMEM((4, _CHUNK, d2), jnp.float32),
            pltpu.VMEM((3, _CHUNK, d2), jnp.float32),
            [pltpu.SemaphoreType.DMA] * 2,
            [pltpu.SemaphoreType.DMA] * 2,
        ],
        compiler_params=_SC_PARAMS,
    )
    def pair_gather(roads_hbm, table2_hbm, out_hbm, roads_v, idx_v,
                    buf_a, buf_b, gsems, ssems):
        wid = lax.axis_index("s") * _NC + lax.axis_index("c")
        chunk0 = wid * cpw
        pltpu.sync_copy(roads_hbm.at[pl.ds(wid * tok_rows, tok_rows)],
                        roads_v)

        n_groups = (cpw * _CHUNK) // _L
        gp_row = _CHUNK // _L

        def build(g, c):
            base = 32 * g
            row = jnp.full((_L,), base // _CHUNK, jnp.int32)
            cols = (base % _CHUNK) + 2 * lax.broadcasted_iota(
                jnp.int32, (_L,), 0)
            even = plsc.load_gather(roads_v, [row, cols])
            odd = plsc.load_gather(roads_v, [row, cols + 1])
            idx_v[g // gp_row, pl.ds((g % gp_row) * _L, _L)] = (
                even * n_ids + odd)
            return c

        lax.fori_loop(0, n_groups, build, 0)

        bufs = [buf_a, buf_b]

        def gather_start(i):
            k0, kn = groups[i]
            for k in range(kn):
                pltpu.make_async_copy(
                    table2_hbm.at[idx_v.at[k0 + k]], bufs[i % 2].at[k],
                    gsems[i % 2]).start()

        def gather_wait(i):
            k0, kn = groups[i]
            for k in range(kn):
                pltpu.make_async_copy(
                    table2_hbm.at[idx_v.at[k0 + k]], bufs[i % 2].at[k],
                    gsems[i % 2]).wait()

        def scatter_copy(i):
            k0, kn = groups[i]
            buf = bufs[i % 2].at[pl.ds(0, kn)] if kn != (4, 3)[i % 2] \
                else bufs[i % 2]
            return pltpu.make_async_copy(
                buf, out_hbm.at[pl.ds(chunk0 + k0, kn)], ssems[i % 2])

        n_g = len(groups)
        gather_start(0)
        if n_g > 1:
            gather_start(1)
        for i in range(n_g):
            gather_wait(i)
            scatter_copy(i).start()
            if i + 2 < n_g:
                scatter_copy(i).wait()
                gather_start(i + 2)
        for i in range(max(n_g - 2, 0), n_g):
            scatter_copy(i).wait()

    return pair_gather


def kernel(roads, dict_u, dict_s1, dict_s2, dict_s3, Wu, Ws1, Ws2, Ws3,
           W1, b1, W21, b21, W22, b22):
    del W22, b22
    f32 = jnp.float32
    roads = roads.astype(jnp.int32)
    B, S = roads.shape
    n_ids = dict_u.shape[0]
    d_u = Wu.shape[1]
    n1, d1 = Ws1.shape
    n2, d2 = Ws2.shape
    n3, d3 = Ws3.shape
    h_dim = W1.shape[0]
    d_out = W21.shape[0]
    n_rows = B * S
    n_pairs = n_rows // 2

    table3 = _build_table_mlp(n_ids, d_u, n1, n2, n3, h_dim, d_out)(
        dict_u.astype(jnp.int32),
        dict_s1.astype(jnp.int32).reshape(n_ids, 1),
        dict_s2.astype(jnp.int32).reshape(n_ids, 1),
        dict_s3.astype(jnp.int32).reshape(n_ids, 1),
        Wu.astype(f32),
        Ws1.astype(f32), Ws2.astype(f32), Ws3.astype(f32),
        W1.astype(f32),
        b1.astype(f32).reshape(1, h_dim),
        W21.astype(f32),
        b21.astype(f32).reshape(1, d_out),
    )
    table2 = table3.reshape(n_ids * n_ids, 2 * d_out)

    roads2d = roads.reshape(n_rows // _CHUNK, _CHUNK)
    out3 = _build_pair_gather(n_pairs, n_ids, 2 * d_out)(roads2d, table2)
    return out3.reshape(B, S, d_out)

# --- scband reference (transcript-rebuilt; emitter-appended) ---
"""Pipeline reference for scband-prob-rho-25134148616271 (READ-ONLY COPY).

The authoritative reference and input builder live on the scoring server;
editing this copy changes nothing except your own understanding.
"""

import jax, jax.numpy as jnp
import numpy as np


def setup_inputs(seed: int = 0) -> dict:
    key = jax.random.key(seed)
    ks = jax.random.split(key, 10)
    roads = jax.random.randint(ks[0], (4096, 50), 0, 128)
    dict_u = (jnp.arange(128) * 700).astype(jnp.int32)
    dict_s1 = (jnp.arange(128) % 14).astype(jnp.int32)
    dict_s2 = (jnp.arange(128) % 7).astype(jnp.int32)
    dict_s3 = (jnp.arange(128) % 2).astype(jnp.int32)
    Wu = jax.random.normal(ks[1], (100000, 64), dtype=jnp.float32) * 0.02
    Ws1 = jax.random.normal(ks[2], (14, 16), dtype=jnp.float32) * 0.02
    Ws2 = jax.random.normal(ks[3], (7, 8), dtype=jnp.float32) * 0.02
    Ws3 = jax.random.normal(ks[4], (2, 4), dtype=jnp.float32) * 0.02
    in_dim = 64 + 16 + 8 + 4  # 92
    W1 = jax.random.normal(ks[5], (256, in_dim), dtype=jnp.float32) * (1.0 / np.sqrt(in_dim))
    b1 = jnp.zeros((256,), dtype=jnp.float32)
    W21 = jax.random.normal(ks[6], (64, 256), dtype=jnp.float32) * (1.0 / np.sqrt(256))
    b21 = jnp.zeros((64,), dtype=jnp.float32)
    W22 = jax.random.normal(ks[7], (64, 256), dtype=jnp.float32) * (1.0 / np.sqrt(256))
    b22 = jnp.zeros((64,), dtype=jnp.float32)
    return {"roads": roads, "dict_u": dict_u, "dict_s1": dict_s1, "dict_s2": dict_s2,
            "dict_s3": dict_s3, "Wu": Wu, "Ws1": Ws1, "Ws2": Ws2, "Ws3": Ws3,
            "W1": W1, "b1": b1, "W21": W21, "b21": b21, "W22": W22, "b22": b22}


def reference(roads, dict_u, dict_s1, dict_s2, dict_s3, Wu, Ws1, Ws2, Ws3,
              W1, b1, W21, b21, W22, b22):
    # road id -> feature id remapping (apply_ with dict lookup in torch)
    u_idx = jnp.take(dict_u, roads, axis=0)
    s1_idx = jnp.take(dict_s1, roads, axis=0)
    s2_idx = jnp.take(dict_s2, roads, axis=0)
    s3_idx = jnp.take(dict_s3, roads, axis=0)
    # embedding lookups (SparseCore gathers)
    u = jnp.take(Wu, u_idx, axis=0)
    s1 = jnp.take(Ws1, s1_idx, axis=0)
    s2 = jnp.take(Ws2, s2_idx, axis=0)
    s3 = jnp.take(Ws3, s3_idx, axis=0)
    x = jnp.concatenate([u, s1, s2, s3], axis=2)
    # MLP2 (eval mode: dropout is identity)
    h1 = jax.nn.relu(jnp.dot(x, W1.T) + b1)
    mu = jnp.dot(h1, W21.T) + b21
    logvar = jnp.dot(h1, W22.T) + b22
    # reparameterize in eval mode returns mu
    del logvar
    return mu

if __name__ == "__main__":
    import jax
    _d = setup_inputs()
    print(jax.jit(kernel)(*tuple(_d.values())))

</pallas_src>

<mosaic_0001>
#map = affine_map<(d0, d1) -> (0, 0)>
#map1 = affine_map<(d0, d1) -> (0, 0, 0)>
module attributes {stable_mosaic.version = 14 : i64} {
  func.func @pair_gather(%arg0: i32, %arg1: i32, %arg2: memref<1600x128xi32, #tpu.memory_space<hbm>>, %arg3: memref<16384x128xf32, #tpu.memory_space<hbm>>, %arg4: memref<800x128x128xf32, #tpu.memory_space<hbm>>, %arg5: memref<50x128xi32, #tpu.memory_space<vmem>>, %arg6: memref<25x128xi32, #tpu.memory_space<vmem>>, %arg7: memref<4x128x128xf32, #tpu.memory_space<vmem>>, %arg8: memref<3x128x128xf32, #tpu.memory_space<vmem>>, %arg9: memref<!tpu.dma_semaphore, #tpu.memory_space<semaphore_mem>>, %arg10: memref<!tpu.dma_semaphore, #tpu.memory_space<semaphore_mem>>, %arg11: memref<!tpu.dma_semaphore, #tpu.memory_space<semaphore_mem>>, %arg12: memref<!tpu.dma_semaphore, #tpu.memory_space<semaphore_mem>>) attributes {dimension_semantics = [#tpu.dimension_semantics<core_parallel>, #tpu.dimension_semantics<subcore_parallel>], iteration_bounds = array<i64: 2, 16>, scalar_prefetch = 0 : i64, scratch_operands = 8 : i64, tpu.core_type = #tpu.core_type<sc_vector_subcore>, window_params = [{transform_indices = #map}, {transform_indices = #map}, {transform_indices = #map1}]} {
    %mul3A = arith.constant 2 : i32
    %mul3A_0 = arith.muli %arg1, %mul3A : i32
    %add3A = arith.addi %mul3A_0, %arg0 : i32
    %mul3A_1 = arith.constant 25 : i32
    %mul3A_2 = arith.muli %add3A, %mul3A_1 : i32
    %mul3A_3 = arith.constant 50 : i32
    %mul3A_4 = arith.muli %add3A, %mul3A_3 : i32
    "tpu.region"() ({
      %run_scoped3A = tpu.sem_alloc : memref<!tpu.dma_semaphore, #tpu.memory_space<semaphore_mem>>
      %dma_start3A_720 = arith.constant 0 : i32
      %dma_start3A_721 = tpu.memref_slice %arg2[%mul3A_4, %dma_start3A_720] : memref<1600x128xi32, #tpu.memory_space<hbm>> -> memref<50x128xi32, #tpu.memory_space<hbm>>
      %dma_start3A_722 = arith.constant 0 : i32
      %dma_start3A_723 = tpu.memref_slice %arg2[%mul3A_4, %dma_start3A_722] : memref<1600x128xi32, #tpu.memory_space<hbm>> -> memref<50x128xi32, #tpu.memory_space<hbm>>
      tpu.enqueue_dma source(%dma_start3A_723 : memref<50x128xi32, #tpu.memory_space<hbm>>) target(%arg5 : memref<50x128xi32, #tpu.memory_space<vmem>>) target_semaphore(%run_scoped3A : memref<!tpu.dma_semaphore, #tpu.memory_space<semaphore_mem>>)
      %dma_wait3A_724 = arith.constant 0 : i32
      %dma_wait3A_725 = tpu.memref_slice %arg2[%mul3A_4, %dma_wait3A_724] : memref<1600x128xi32, #tpu.memory_space<hbm>> -> memref<50x128xi32, #tpu.memory_space<hbm>>
      %dma_wait3A_726 = arith.constant 0 : i32
      %dma_wait3A_727 = tpu.memref_slice %arg2[%mul3A_4, %dma_wait3A_726] : memref<1600x128xi32, #tpu.memory_space<hbm>> -> memref<50x128xi32, #tpu.memory_space<hbm>>
      tpu.wait_dma2 semaphore(%run_scoped3A : memref<!tpu.dma_semaphore, #tpu.memory_space<semaphore_mem>>) src(%dma_wait3A_727 : memref<50x128xi32, #tpu.memory_space<hbm>>) dst(%arg5 : memref<50x128xi32, #tpu.memory_space<vmem>>)
      tpu.yield
    }) : () -> ()
    %scan3A = arith.constant 0 : i32
    %scan3A_5 = arith.constant 0 : i32
    %scan3A_6 = arith.constant 200 : i32
    %scan3A_7 = arith.addi %scan3A_5, %scan3A_6 : i32
    %scan3A_8 = arith.constant 1 : i32
    scf.for %scan3A_720 = %scan3A_5 to %scan3A_7 step %scan3A_8  : i32 {
      %mul3A_721 = arith.constant 32 : i32
      %mul3A_722 = arith.muli %mul3A_721, %scan3A_720 : i32
      %jit3A = arith.constant 128 : i32
      %div3A = arith.divsi %mul3A_722, %jit3A : i32
      %sign3A = arith.constant 0 : i32
      %sign3A_723 = arith.cmpi sgt, %mul3A_722, %sign3A : i32
      %sign3A_724 = arith.extui %sign3A_723 : i1 to i32
      %sign3A_725 = arith.constant 0 : i32
      %sign3A_726 = arith.cmpi slt, %mul3A_722, %sign3A_725 : i32
      %sign3A_727 = arith.extui %sign3A_726 : i1 to i32
      %sign3A_728 = arith.subi %sign3A_724, %sign3A_727 : i32
      %sign3A_729 = arith.constant 0 : i32
      %sign3A_730 = arith.cmpi sgt, %jit3A, %sign3A_729 : i32
      %sign3A_731 = arith.extui %sign3A_730 : i1 to i32
      %sign3A_732 = arith.constant 0 : i32
      %sign3A_733 = arith.cmpi slt, %jit3A, %sign3A_732 : i32
      %sign3A_734 = arith.extui %sign3A_733 : i1 to i32
      %sign3A_735 = arith.subi %sign3A_731, %sign3A_734 : i32
      %ne3A = arith.cmpi ne, %sign3A_728, %sign3A_735 : i32
      %rem3A = arith.remsi %mul3A_722, %jit3A : i32
      %ne3A_736 = arith.constant 0 : i32
      %ne3A_737 = arith.cmpi ne, %rem3A, %ne3A_736 : i32
      %and3A = arith.andi %ne3A, %ne3A_737 : i1
      %sub3A = arith.constant 1 : i32
      %sub3A_738 = arith.subi %div3A, %sub3A : i32
      %select_n3A = arith.select %and3A, %sub3A_738, %div3A : i32
      %broadcast_in_dim3A = vector.broadcast %select_n3A : i32 to vector<16xi32>
      %jit3A_739 = arith.constant 128 : i32
      %eq3A = arith.constant 0 : i32
      %eq3A_740 = arith.cmpi eq, %jit3A_739, %eq3A : i32
      %jit3A_741 = arith.constant 1 : i32
      %select_n3A_742 = arith.select %eq3A_740, %jit3A_741, %jit3A_739 : i32
      %rem3A_743 = arith.remsi %mul3A_722, %select_n3A_742 : i32
      %ne3A_744 = arith.constant 0 : i32
      %ne3A_745 = arith.cmpi ne, %rem3A_743, %ne3A_744 : i32
      %lt3A = arith.constant 0 : i32
      %lt3A_746 = arith.cmpi slt, %rem3A_743, %lt3A : i32
      %lt3A_747 = arith.constant 0 : i32
      %lt3A_748 = arith.cmpi slt, %select_n3A_742, %lt3A_747 : i32
      %ne3A_749 = arith.xori %lt3A_746, %lt3A_748 : i1
      %and3A_750 = arith.andi %ne3A_749, %ne3A_745 : i1
      %add3A_751 = arith.addi %rem3A_743, %select_n3A_742 : i32
      %select_n3A_752 = arith.select %and3A_750, %add3A_751, %rem3A_743 : i32
      %iota3A = tpu.iota {dimensions = array<i32: 0>} : vector<16xi32>
      %mul3A_753 = arith.constant 2 : i32
      %mul3A_754 = vector.broadcast %mul3A_753 : i32 to vector<16xi32>
      %mul3A_755 = arith.muli %mul3A_754, %iota3A : vector<16xi32>
      %add3A_756 = vector.broadcast %select_n3A_752 : i32 to vector<16xi32>
      %add3A_757 = arith.addi %add3A_756, %mul3A_755 : vector<16xi32>
      %gather3A = tpu.vector_load_idx %arg5[%broadcast_in_dim3A, %add3A_757] : memref<50x128xi32, #tpu.memory_space<vmem>>[vector<16xi32>, vector<16xi32>], vector<16xi32>,
      %add3A_758 = arith.constant 1 : i32
      %add3A_759 = vector.broadcast %add3A_758 : i32 to vector<16xi32>
      %add3A_760 = arith.addi %add3A_757, %add3A_759 : vector<16xi32>
      %gather3A_761 = tpu.vector_load_idx %arg5[%broadcast_in_dim3A, %add3A_760] : memref<50x128xi32, #tpu.memory_space<vmem>>[vector<16xi32>, vector<16xi32>], vector<16xi32>,
      %mul3A_762 = arith.constant 128 : i32
      %mul3A_763 = vector.broadcast %mul3A_762 : i32 to vector<16xi32>
      %mul3A_764 = arith.muli %gather3A, %mul3A_763 : vector<16xi32>
      %add3A_765 = arith.addi %mul3A_764, %gather3A_761 : vector<16xi32>
      %jit3A_766 = arith.constant 8 : i32
      %div3A_767 = arith.divsi %scan3A_720, %jit3A_766 : i32
      %sign3A_768 = arith.constant 0 : i32
      %sign3A_769 = arith.cmpi sgt, %scan3A_720, %sign3A_768 : i32
      %sign3A_770 = arith.extui %sign3A_769 : i1 to i32
      %sign3A_771 = arith.constant 0 : i32
      %sign3A_772 = arith.cmpi slt, %scan3A_720, %sign3A_771 : i32
      %sign3A_773 = arith.extui %sign3A_772 : i1 to i32
      %sign3A_774 = arith.subi %sign3A_770, %sign3A_773 : i32
      %sign3A_775 = arith.constant 0 : i32
      %sign3A_776 = arith.cmpi sgt, %jit3A_766, %sign3A_775 : i32
      %sign3A_777 = arith.extui %sign3A_776 : i1 to i32
      %sign3A_778 = arith.constant 0 : i32
      %sign3A_779 = arith.cmpi slt, %jit3A_766, %sign3A_778 : i32
      %sign3A_780 = arith.extui %sign3A_779 : i1 to i32
      %sign3A_781 = arith.subi %sign3A_777, %sign3A_780 : i32
      %ne3A_782 = arith.cmpi ne, %sign3A_774, %sign3A_781 : i32
      %rem3A_783 = arith.remsi %scan3A_720, %jit3A_766 : i32
      %ne3A_784 = arith.constant 0 : i32
      %ne3A_785 = arith.cmpi ne, %rem3A_783, %ne3A_784 : i32
      %and3A_786 = arith.andi %ne3A_782, %ne3A_785 : i1
      %sub3A_787 = arith.constant 1 : i32
      %sub3A_788 = arith.subi %div3A_767, %sub3A_787 : i32
      %select_n3A_789 = arith.select %and3A_786, %sub3A_788, %div3A_767 : i32
      %jit3A_790 = arith.constant 8 : i32
      %eq3A_791 = arith.constant 0 : i32
      %eq3A_792 = arith.cmpi eq, %jit3A_790, %eq3A_791 : i32
      %jit3A_793 = arith.constant 1 : i32
      %select_n3A_794 = arith.select %eq3A_792, %jit3A_793, %jit3A_790 : i32
      %rem3A_795 = arith.remsi %scan3A_720, %select_n3A_794 : i32
      %ne3A_796 = arith.constant 0 : i32
      %ne3A_797 = arith.cmpi ne, %rem3A_795, %ne3A_796 : i32
      %lt3A_798 = arith.constant 0 : i32
      %lt3A_799 = arith.cmpi slt, %rem3A_795, %lt3A_798 : i32
      %lt3A_800 = arith.constant 0 : i32
      %lt3A_801 = arith.cmpi slt, %select_n3A_794, %lt3A_800 : i32
      %ne3A_802 = arith.xori %lt3A_799, %lt3A_801 : i1
      %and3A_803 = arith.andi %ne3A_802, %ne3A_797 : i1
      %add3A_804 = arith.addi %rem3A_795, %select_n3A_794 : i32
      %select_n3A_805 = arith.select %and3A_803, %add3A_804, %rem3A_795 : i32
      %mul3A_806 = arith.constant 16 : i32
      %mul3A_807 = arith.muli %select_n3A_805, %mul3A_806 : i32
      %swap3A = arith.index_cast %select_n3A_789 : i32 to index
      %swap3A_808 = arith.index_cast %mul3A_807 : i32 to index
      %swap3A_809 = tpu.vector_load %arg6[%swap3A, %swap3A_808] {strides = array<i32>} : memref<25x128xi32, #tpu.memory_space<vmem>>, vector<16xi32>,
      tpu.vector_store %arg6[%swap3A, %swap3A_808], %add3A_765 {strides = array<i32>} : memref<25x128xi32, #tpu.memory_space<vmem>>, vector<16xi32>,
    }
    %scan3A_9 = arith.constant 200 : i32
    %dma_start3A = arith.constant 0 : i32
    %dma_start3A_10 = arith.constant 0 : i32
    %dma_start3A_11 = arith.constant 0 : i32
    %dma_start3A_12 = arith.constant 0 : i32
    %dma_start3A_13 = tpu.memref_slice %arg7[%dma_start3A_10, %dma_start3A_11, %dma_start3A_12] : memref<4x128x128xf32, #tpu.memory_space<vmem>> -> memref<1x128x128xf32, #tpu.memory_space<vmem>>
    %dma_start3A_14 = tpu.memref_squeeze %dma_start3A_13 : memref<1x128x128xf32, #tpu.memory_space<vmem>> -> memref<128x128xf32, #tpu.memory_space<vmem>>
    %dma_start3A_15 = arith.constant 0 : i32
    %dma_start3A_16 = tpu.memref_slice %arg6[%dma_start3A, %dma_start3A_15] : memref<25x128xi32, #tpu.memory_space<vmem>> -> memref<1x128xi32, #tpu.memory_space<vmem>>
    %dma_start3A_17 = tpu.memref_squeeze %dma_start3A_16 : memref<1x128xi32, #tpu.memory_space<vmem>> -> memref<128xi32, #tpu.memory_space<vmem>>
    %dma_start3A_18 = arith.constant 0 : i32
    %dma_start3A_19 = arith.constant 0 : i32
    %dma_start3A_20 = tpu.memref_slice %arg3[%dma_start3A_18, %dma_start3A_19] : memref<16384x128xf32, #tpu.memory_space<hbm>> -> memref<16384x128xf32, #tpu.memory_space<hbm>>
    tpu.enqueue_indirect_dma source(%dma_start3A_20 : memref<16384x128xf32, #tpu.memory_space<hbm>>) target(%dma_start3A_14 : memref<128x128xf32, #tpu.memory_space<vmem>>) offsets(%dma_start3A_17 : memref<128xi32, #tpu.memory_space<vmem>>) semaphore(%arg9 : memref<!tpu.dma_semaphore, #tpu.memory_space<semaphore_mem>>)
    %dma_start3A_21 = arith.constant 1 : i32
    %dma_start3A_22 = arith.constant 1 : i32
    %dma_start3A_23 = arith.constant 0 : i32
    %dma_start3A_24 = arith.constant 0 : i32
    %dma_start3A_25 = tpu.memref_slice %arg7[%dma_start3A_22, %dma_start3A_23, %dma_start3A_24] : memref<4x128x128xf32, #tpu.memory_space<vmem>> -> memref<1x128x128xf32, #tpu.memory_space<vmem>>
    %dma_start3A_26 = tpu.memref_squeeze %dma_start3A_25 : memref<1x128x128xf32, #tpu.memory_space<vmem>> -> memref<128x128xf32, #tpu.memory_space<vmem>>
    %dma_start3A_27 = arith.constant 0 : i32
    %dma_start3A_28 = tpu.memref_slice %arg6[%dma_start3A_21, %dma_start3A_27] : memref<25x128xi32, #tpu.memory_space<vmem>> -> memref<1x128xi32, #tpu.memory_space<vmem>>
    %dma_start3A_29 = tpu.memref_squeeze %dma_start3A_28 : memref<1x128xi32, #tpu.memory_space<vmem>> -> memref<128xi32, #tpu.memory_space<vmem>>
    %dma_start3A_30 = arith.constant 0 : i32
    %dma_start3A_31 = arith.constant 0 : i32
    %dma_start3A_32 = tpu.memref_slice %arg3[%dma_start3A_30, %dma_start3A_31] : memref<16384x128xf32, #tpu.memory_space<hbm>> -> memref<16384x128xf32, #tpu.memory_space<hbm>>
    tpu.enqueue_indirect_dma source(%dma_start3A_32 : memref<16384x128xf32, #tpu.memory_space<hbm>>) target(%dma_start3A_26 : memref<128x128xf32, #tpu.memory_space<vmem>>) offsets(%dma_start3A_29 : memref<128xi32, #tpu.memory_space<vmem>>) semaphore(%arg9 : memref<!tpu.dma_semaphore, #tpu.memory_space<semaphore_mem>>)
    %dma_start3A_33 = arith.constant 2 : i32
    %dma_start3A_34 = arith.constant 2 : i32
    %dma_start3A_35 = arith.constant 0 : i32
    %dma_start3A_36 = arith.constant 0 : i32
    %dma_start3A_37 = tpu.memref_slice %arg7[%dma_start3A_34, %dma_start3A_35, %dma_start3A_36] : memref<4x128x128xf32, #tpu.memory_space<vmem>> -> memref<1x128x128xf32, #tpu.memory_space<vmem>>
    %dma_start3A_38 = tpu.memref_squeeze %dma_start3A_37 : memref<1x128x128xf32, #tpu.memory_space<vmem>> -> memref<128x128xf32, #tpu.memory_space<vmem>>
    %dma_start3A_39 = arith.constant 0 : i32
    %dma_start3A_40 = tpu.memref_slice %arg6[%dma_start3A_33, %dma_start3A_39] : memref<25x128xi32, #tpu.memory_space<vmem>> -> memref<1x128xi32, #tpu.memory_space<vmem>>
    %dma_start3A_41 = tpu.memref_squeeze %dma_start3A_40 : memref<1x128xi32, #tpu.memory_space<vmem>> -> memref<128xi32, #tpu.memory_space<vmem>>
    %dma_start3A_42 = arith.constant 0 : i32
    %dma_start3A_43 = arith.constant 0 : i32
    %dma_start3A_44 = tpu.memref_slice %arg3[%dma_start3A_42, %dma_start3A_43] : memref<16384x128xf32, #tpu.memory_space<hbm>> -> memref<16384x128xf32, #tpu.memory_space<hbm>>
    tpu.enqueue_indirect_dma source(%dma_start3A_44 : memref<16384x128xf32, #tpu.memory_space<hbm>>) target(%dma_start3A_38 : memref<128x128xf32, #tpu.memory_space<vmem>>) offsets(%dma_start3A_41 : memref<128xi32, #tpu.memory_space<vmem>>) semaphore(%arg9 : memref<!tpu.dma_semaphore, #tpu.memory_space<semaphore_mem>>)
    %dma_start3A_45 = arith.constant 3 : i32
    %dma_start3A_46 = arith.constant 3 : i32
    %dma_start3A_47 = arith.constant 0 : i32
    %dma_start3A_48 = arith.constant 0 : i32
    %dma_start3A_49 = tpu.memref_slice %arg7[%dma_start3A_46, %dma_start3A_47, %dma_start3A_48] : memref<4x128x128xf32, #tpu.memory_space<vmem>> -> memref<1x128x128xf32, #tpu.memory_space<vmem>>
    %dma_start3A_50 = tpu.memref_squeeze %dma_start3A_49 : memref<1x128x128xf32, #tpu.memory_space<vmem>> -> memref<128x128xf32, #tpu.memory_space<vmem>>
    %dma_start3A_51 = arith.constant 0 : i32
    %dma_start3A_52 = tpu.memref_slice %arg6[%dma_start3A_45, %dma_start3A_51] : memref<25x128xi32, #tpu.memory_space<vmem>> -> memref<1x128xi32, #tpu.memory_space<vmem>>
    %dma_start3A_53 = tpu.memref_squeeze %dma_start3A_52 : memref<1x128xi32, #tpu.memory_space<vmem>> -> memref<128xi32, #tpu.memory_space<vmem>>
    %dma_start3A_54 = arith.constant 0 : i32
    %dma_start3A_55 = arith.constant 0 : i32
    %dma_start3A_56 = tpu.memref_slice %arg3[%dma_start3A_54, %dma_start3A_55] : memref<16384x128xf32, #tpu.memory_space<hbm>> -> memref<16384x128xf32, #tpu.memory_space<hbm>>
    tpu.enqueue_indirect_dma source(%dma_start3A_56 : memref<16384x128xf32, #tpu.memory_space<hbm>>) target(%dma_start3A_50 : memref<128x128xf32, #tpu.memory_space<vmem>>) offsets(%dma_start3A_53 : memref<128xi32, #tpu.memory_space<vmem>>) semaphore(%arg9 : memref<!tpu.dma_semaphore, #tpu.memory_space<semaphore_mem>>)
    %dma_start3A_57 = arith.constant 4 : i32
    %dma_start3A_58 = arith.constant 0 : i32
    %dma_start3A_59 = arith.constant 0 : i32
    %dma_start3A_60 = arith.constant 0 : i32
    %dma_start3A_61 = tpu.memref_slice %arg8[%dma_start3A_58, %dma_start3A_59, %dma_start3A_60] : memref<3x128x128xf32, #tpu.memory_space<vmem>> -> memref<1x128x128xf32, #tpu.memory_space<vmem>>
    %dma_start3A_62 = tpu.memref_squeeze %dma_start3A_61 : memref<1x128x128xf32, #tpu.memory_space<vmem>> -> memref<128x128xf32, #tpu.memory_space<vmem>>
    %dma_start3A_63 = arith.constant 0 : i32
    %dma_start3A_64 = tpu.memref_slice %arg6[%dma_start3A_57, %dma_start3A_63] : memref<25x128xi32, #tpu.memory_space<vmem>> -> memref<1x128xi32, #tpu.memory_space<vmem>>
    %dma_start3A_65 = tpu.memref_squeeze %dma_start3A_64 : memref<1x128xi32, #tpu.memory_space<vmem>> -> memref<128xi32, #tpu.memory_space<vmem>>
    %dma_start3A_66 = arith.constant 0 : i32
    %dma_start3A_67 = arith.constant 0 : i32
    %dma_start3A_68 = tpu.memref_slice %arg3[%dma_start3A_66, %dma_start3A_67] : memref<16384x128xf32, #tpu.memory_space<hbm>> -> memref<16384x128xf32, #tpu.memory_space<hbm>>
    tpu.enqueue_indirect_dma source(%dma_start3A_68 : memref<16384x128xf32, #tpu.memory_space<hbm>>) target(%dma_start3A_62 : memref<128x128xf32, #tpu.memory_space<vmem>>) offsets(%dma_start3A_65 : memref<128xi32, #tpu.memory_space<vmem>>) semaphore(%arg10 : memref<!tpu.dma_semaphore, #tpu.memory_space<semaphore_mem>>)
    %dma_start3A_69 = arith.constant 5 : i32
    %dma_start3A_70 = arith.constant 1 : i32
    %dma_start3A_71 = arith.constant 0 : i32
    %dma_start3A_72 = arith.constant 0 : i32
    %dma_start3A_73 = tpu.memref_slice %arg8[%dma_start3A_70, %dma_start3A_71, %dma_start3A_72] : memref<3x128x128xf32, #tpu.memory_space<vmem>> -> memref<1x128x128xf32, #tpu.memory_space<vmem>>
    %dma_start3A_74 = tpu.memref_squeeze %dma_start3A_73 : memref<1x128x128xf32, #tpu.memory_space<vmem>> -> memref<128x128xf32, #tpu.memory_space<vmem>>
    %dma_start3A_75 = arith.constant 0 : i32
    %dma_start3A_76 = tpu.memref_slice %arg6[%dma_start3A_69, %dma_start3A_75] : memref<25x128xi32, #tpu.memory_space<vmem>> -> memref<1x128xi32, #tpu.memory_space<vmem>>
    %dma_start3A_77 = tpu.memref_squeeze %dma_start3A_76 : memref<1x128xi32, #tpu.memory_space<vmem>> -> memref<128xi32, #tpu.memory_space<vmem>>
    %dma_start3A_78 = arith.constant 0 : i32
    %dma_start3A_79 = arith.constant 0 : i32
    %dma_start3A_80 = tpu.memref_slice %arg3[%dma_start3A_78, %dma_start3A_79] : memref<16384x128xf32, #tpu.memory_space<hbm>> -> memref<16384x128xf32, #tpu.memory_space<hbm>>
    tpu.enqueue_indirect_dma source(%dma_start3A_80 : memref<16384x128xf32, #tpu.memory_space<hbm>>) target(%dma_start3A_74 : memref<128x128xf32, #tpu.memory_space<vmem>>) offsets(%dma_start3A_77 : memref<128xi32, #tpu.memory_space<vmem>>) semaphore(%arg10 : memref<!tpu.dma_semaphore, #tpu.memory_space<semaphore_mem>>)
    %dma_start3A_81 = arith.constant 6 : i32
    %dma_start3A_82 = arith.constant 2 : i32
    %dma_start3A_83 = arith.constant 0 : i32
    %dma_start3A_84 = arith.constant 0 : i32
    %dma_start3A_85 = tpu.memref_slice %arg8[%dma_start3A_82, %dma_start3A_83, %dma_start3A_84] : memref<3x128x128xf32, #tpu.memory_space<vmem>> -> memref<1x128x128xf32, #tpu.memory_space<vmem>>
    %dma_start3A_86 = tpu.memref_squeeze %dma_start3A_85 : memref<1x128x128xf32, #tpu.memory_space<vmem>> -> memref<128x128xf32, #tpu.memory_space<vmem>>
    %dma_start3A_87 = arith.constant 0 : i32
    %dma_start3A_88 = tpu.memref_slice %arg6[%dma_start3A_81, %dma_start3A_87] : memref<25x128xi32, #tpu.memory_space<vmem>> -> memref<1x128xi32, #tpu.memory_space<vmem>>
    %dma_start3A_89 = tpu.memref_squeeze %dma_start3A_88 : memref<1x128xi32, #tpu.memory_space<vmem>> -> memref<128xi32, #tpu.memory_space<vmem>>
    %dma_start3A_90 = arith.constant 0 : i32
    %dma_start3A_91 = arith.constant 0 : i32
    %dma_start3A_92 = tpu.memref_slice %arg3[%dma_start3A_90, %dma_start3A_91] : memref<16384x128xf32, #tpu.memory_space<hbm>> -> memref<16384x128xf32, #tpu.memory_space<hbm>>
    tpu.enqueue_indirect_dma source(%dma_start3A_92 : memref<16384x128xf32, #tpu.memory_space<hbm>>) target(%dma_start3A_86 : memref<128x128xf32, #tpu.memory_space<vmem>>) offsets(%dma_start3A_89 : memref<128xi32, #tpu.memory_space<vmem>>) semaphore(%arg10 : memref<!tpu.dma_semaphore, #tpu.memory_space<semaphore_mem>>)
    %dma_wait3A = arith.constant 0 : i32
    %dma_wait3A_93 = arith.constant 0 : i32
    %dma_wait3A_94 = arith.constant 0 : i32
    %dma_wait3A_95 = arith.constant 0 : i32
    %dma_wait3A_96 = tpu.memref_slice %arg7[%dma_wait3A_93, %dma_wait3A_94, %dma_wait3A_95] : memref<4x128x128xf32, #tpu.memory_space<vmem>> -> memref<1x128x128xf32, #tpu.memory_space<vmem>>
    %dma_wait3A_97 = tpu.memref_squeeze %dma_wait3A_96 : memref<1x128x128xf32, #tpu.memory_space<vmem>> -> memref<128x128xf32, #tpu.memory_space<vmem>>
    %dma_wait3A_98 = arith.constant 0 : i32
    %dma_wait3A_99 = tpu.memref_slice %arg6[%dma_wait3A, %dma_wait3A_98] : memref<25x128xi32, #tpu.memory_space<vmem>> -> memref<1x128xi32, #tpu.memory_space<vmem>>
    %dma_wait3A_100 = tpu.memref_squeeze %dma_wait3A_99 : memref<1x128xi32, #tpu.memory_space<vmem>> -> memref<128xi32, #tpu.memory_space<vmem>>
    %dma_wait3A_101 = arith.constant 0 : i32
    %dma_wait3A_102 = arith.constant 0 : i32
    %dma_wait3A_103 = tpu.memref_slice %arg3[%dma_wait3A_101, %dma_wait3A_102] : memref<16384x128xf32, #tpu.memory_space<hbm>> -> memref<16384x128xf32, #tpu.memory_space<hbm>>
    tpu.wait_indirect_dma semaphore(%arg9 : memref<!tpu.dma_semaphore, #tpu.memory_space<semaphore_mem>>) src(%dma_wait3A_103 : memref<16384x128xf32, #tpu.memory_space<hbm>>) dst(%dma_wait3A_97 : memref<128x128xf32, #tpu.memory_space<vmem>>)
    %dma_wait3A_104 = arith.constant 1 : i32
    %dma_wait3A_105 = arith.constant 1 : i32
    %dma_wait3A_106 = arith.constant 0 : i32
    %dma_wait3A_107 = arith.constant 0 : i32
    %dma_wait3A_108 = tpu.memref_slice %arg7[%dma_wait3A_105, %dma_wait3A_106, %dma_wait3A_107] : memref<4x128x128xf32, #tpu.memory_space<vmem>> -> memref<1x128x128xf32, #tpu.memory_space<vmem>>
    %dma_wait3A_109 = tpu.memref_squeeze %dma_wait3A_108 : memref<1x128x128xf32, #tpu.memory_space<vmem>> -> memref<128x128xf32, #tpu.memory_space<vmem>>
    %dma_wait3A_110 = arith.constant 0 : i32
    %dma_wait3A_111 = tpu.memref_slice %arg6[%dma_wait3A_104, %dma_wait3A_110] : memref<25x128xi32, #tpu.memory_space<vmem>> -> memref<1x128xi32, #tpu.memory_space<vmem>>
    %dma_wait3A_112 = tpu.memref_squeeze %dma_wait3A_111 : memref<1x128xi32, #tpu.memory_space<vmem>> -> memref<128xi32, #tpu.memory_space<vmem>>
    %dma_wait3A_113 = arith.constant 0 : i32
    %dma_wait3A_114 = arith.constant 0 : i32
    %dma_wait3A_115 = tpu.memref_slice %arg3[%dma_wait3A_113, %dma_wait3A_114] : memref<16384x128xf32, #tpu.memory_space<hbm>> -> memref<16384x128xf32, #tpu.memory_space<hbm>>
    tpu.wait_indirect_dma semaphore(%arg9 : memref<!tpu.dma_semaphore, #tpu.memory_space<semaphore_mem>>) src(%dma_wait3A_115 : memref<16384x128xf32, #tpu.memory_space<hbm>>) dst(%dma_wait3A_109 : memref<128x128xf32, #tpu.memory_space<vmem>>)
    %dma_wait3A_116 = arith.constant 2 : i32
    %dma_wait3A_117 = arith.constant 2 : i32
    %dma_wait3A_118 = arith.constant 0 : i32
    %dma_wait3A_119 = arith.constant 0 : i32
    %dma_wait3A_120 = tpu.memref_slice %arg7[%dma_wait3A_117, %dma_wait3A_118, %dma_wait3A_119] : memref<4x128x128xf32, #tpu.memory_space<vmem>> -> memref<1x128x128xf32, #tpu.memory_space<vmem>>
    %dma_wait3A_121 = tpu.memref_squeeze %dma_wait3A_120 : memref<1x128x128xf32, #tpu.memory_space<vmem>> -> memref<128x128xf32, #tpu.memory_space<vmem>>
    %dma_wait3A_122 = arith.constant 0 : i32
    %dma_wait3A_123 = tpu.memref_slice %arg6[%dma_wait3A_116, %dma_wait3A_122] : memref<25x128xi32, #tpu.memory_space<vmem>> -> memref<1x128xi32, #tpu.memory_space<vmem>>
    %dma_wait3A_124 = tpu.memref_squeeze %dma_wait3A_123 : memref<1x128xi32, #tpu.memory_space<vmem>> -> memref<128xi32, #tpu.memory_space<vmem>>
    %dma_wait3A_125 = arith.constant 0 : i32
    %dma_wait3A_126 = arith.constant 0 : i32
    %dma_wait3A_127 = tpu.memref_slice %arg3[%dma_wait3A_125, %dma_wait3A_126] : memref<16384x128xf32, #tpu.memory_space<hbm>> -> memref<16384x128xf32, #tpu.memory_space<hbm>>
    tpu.wait_indirect_dma semaphore(%arg9 : memref<!tpu.dma_semaphore, #tpu.memory_space<semaphore_mem>>) src(%dma_wait3A_127 : memref<16384x128xf32, #tpu.memory_space<hbm>>) dst(%dma_wait3A_121 : memref<128x128xf32, #tpu.memory_space<vmem>>)
    %dma_wait3A_128 = arith.constant 3 : i32
    %dma_wait3A_129 = arith.constant 3 : i32
    %dma_wait3A_130 = arith.constant 0 : i32
    %dma_wait3A_131 = arith.constant 0 : i32
    %dma_wait3A_132 = tpu.memref_slice %arg7[%dma_wait3A_129, %dma_wait3A_130, %dma_wait3A_131] : memref<4x128x128xf32, #tpu.memory_space<vmem>> -> memref<1x128x128xf32, #tpu.memory_space<vmem>>
    %dma_wait3A_133 = tpu.memref_squeeze %dma_wait3A_132 : memref<1x128x128xf32, #tpu.memory_space<vmem>> -> memref<128x128xf32, #tpu.memory_space<vmem>>
    %dma_wait3A_134 = arith.constant 0 : i32
    %dma_wait3A_135 = tpu.memref_slice %arg6[%dma_wait3A_128, %dma_wait3A_134] : memref<25x128xi32, #tpu.memory_space<vmem>> -> memref<1x128xi32, #tpu.memory_space<vmem>>
    %dma_wait3A_136 = tpu.memref_squeeze %dma_wait3A_135 : memref<1x128xi32, #tpu.memory_space<vmem>> -> memref<128xi32, #tpu.memory_space<vmem>>
    %dma_wait3A_137 = arith.constant 0 : i32
    %dma_wait3A_138 = arith.constant 0 : i32
    %dma_wait3A_139 = tpu.memref_slice %arg3[%dma_wait3A_137, %dma_wait3A_138] : memref<16384x128xf32, #tpu.memory_space<hbm>> -> memref<16384x128xf32, #tpu.memory_space<hbm>>
    tpu.wait_indirect_dma semaphore(%arg9 : memref<!tpu.dma_semaphore, #tpu.memory_space<semaphore_mem>>) src(%dma_wait3A_139 : memref<16384x128xf32, #tpu.memory_space<hbm>>) dst(%dma_wait3A_133 : memref<128x128xf32, #tpu.memory_space<vmem>>)
    %add3A_140 = arith.constant 0 : i32
    %add3A_141 = arith.addi %mul3A_2, %add3A_140 : i32
    %dma_start3A_142 = arith.constant 0 : i32
    %dma_start3A_143 = arith.constant 0 : i32
    %dma_start3A_144 = tpu.memref_slice %arg4[%add3A_141, %dma_start3A_142, %dma_start3A_143] : memref<800x128x128xf32, #tpu.memory_space<hbm>> -> memref<4x128x128xf32, #tpu.memory_space<hbm>>
    %dma_start3A_145 = arith.constant 0 : i32
    %dma_start3A_146 = arith.constant 0 : i32
    %dma_start3A_147 = tpu.memref_slice %arg4[%add3A_141, %dma_start3A_145, %dma_start3A_146] : memref<800x128x128xf32, #tpu.memory_space<hbm>> -> memref<4x128x128xf32, #tpu.memory_space<hbm>>
    tpu.enqueue_dma source(%arg7 : memref<4x128x128xf32, #tpu.memory_space<vmem>>) target(%dma_start3A_147 : memref<4x128x128xf32, #tpu.memory_space<hbm>>) target_semaphore(%arg11 : memref<!tpu.dma_semaphore, #tpu.memory_space<semaphore_mem>>)
    %add3A_148 = arith.constant 0 : i32
    %add3A_149 = arith.addi %mul3A_2, %add3A_148 : i32
    %dma_wait3A_150 = arith.constant 0 : i32
    %dma_wait3A_151 = arith.constant 0 : i32
    %dma_wait3A_152 = tpu.memref_slice %arg4[%add3A_149, %dma_wait3A_150, %dma_wait3A_151] : memref<800x128x128xf32, #tpu.memory_space<hbm>> -> memref<4x128x128xf32, #tpu.memory_space<hbm>>
    %dma_wait3A_153 = arith.constant 0 : i32
    %dma_wait3A_154 = arith.constant 0 : i32
    %dma_wait3A_155 = tpu.memref_slice %arg4[%add3A_149, %dma_wait3A_153, %dma_wait3A_154] : memref<800x128x128xf32, #tpu.memory_space<hbm>> -> memref<4x128x128xf32, #tpu.memory_space<hbm>>
    tpu.wait_dma2 semaphore(%arg11 : memref<!tpu.dma_semaphore, #tpu.memory_space<semaphore_mem>>) src(%arg7 : memref<4x128x128xf32, #tpu.memory_space<vmem>>) dst(%dma_wait3A_155 : memref<4x128x128xf32, #tpu.memory_space<hbm>>)
    %dma_start3A_156 = arith.constant 7 : i32
    %dma_start3A_157 = arith.constant 0 : i32
    %dma_start3A_158 = arith.constant 0 : i32
    %dma_start3A_159 = arith.constant 0 : i32
    %dma_start3A_160 = tpu.memref_slice %arg7[%dma_start3A_157, %dma_start3A_158, %dma_start3A_159] : memref<4x128x128xf32, #tpu.memory_space<vmem>> -> memref<1x128x128xf32, #tpu.memory_space<vmem>>
    %dma_start3A_161 = tpu.memref_squeeze %dma_start3A_160 : memref<1x128x128xf32, #tpu.memory_space<vmem>> -> memref<128x128xf32, #tpu.memory_space<vmem>>
    %dma_start3A_162 = arith.constant 0 : i32
    %dma_start3A_163 = tpu.memref_slice %arg6[%dma_start3A_156, %dma_start3A_162] : memref<25x128xi32, #tpu.memory_space<vmem>> -> memref<1x128xi32, #tpu.memory_space<vmem>>
    %dma_start3A_164 = tpu.memref_squeeze %dma_start3A_163 : memref<1x128xi32, #tpu.memory_space<vmem>> -> memref<128xi32, #tpu.memory_space<vmem>>
    %dma_start3A_165 = arith.constant 0 : i32
    %dma_start3A_166 = arith.constant 0 : i32
    %dma_start3A_167 = tpu.memref_slice %arg3[%dma_start3A_165, %dma_start3A_166] : memref<16384x128xf32, #tpu.memory_space<hbm>> -> memref<16384x128xf32, #tpu.memory_space<hbm>>
    tpu.enqueue_indirect_dma source(%dma_start3A_167 : memref<16384x128xf32, #tpu.memory_space<hbm>>) target(%dma_start3A_161 : memref<128x128xf32, #tpu.memory_space<vmem>>) offsets(%dma_start3A_164 : memref<128xi32, #tpu.memory_space<vmem>>) semaphore(%arg9 : memref<!tpu.dma_semaphore, #tpu.memory_space<semaphore_mem>>)
    %dma_start3A_168 = arith.constant 8 : i32
    %dma_start3A_169 = arith.constant 1 : i32
    %dma_start3A_170 = arith.constant 0 : i32
    %dma_start3A_171 = arith.constant 0 : i32
    %dma_start3A_172 = tpu.memref_slice %arg7[%dma_start3A_169, %dma_start3A_170, %dma_start3A_171] : memref<4x128x128xf32, #tpu.memory_space<vmem>> -> memref<1x128x128xf32, #tpu.memory_space<vmem>>
    %dma_start3A_173 = tpu.memref_squeeze %dma_start3A_172 : memref<1x128x128xf32, #tpu.memory_space<vmem>> -> memref<128x128xf32, #tpu.memory_space<vmem>>
    %dma_start3A_174 = arith.constant 0 : i32
    %dma_start3A_175 = tpu.memref_slice %arg6[%dma_start3A_168, %dma_start3A_174] : memref<25x128xi32, #tpu.memory_space<vmem>> -> memref<1x128xi32, #tpu.memory_space<vmem>>
    %dma_start3A_176 = tpu.memref_squeeze %dma_start3A_175 : memref<1x128xi32, #tpu.memory_space<vmem>> -> memref<128xi32, #tpu.memory_space<vmem>>
    %dma_start3A_177 = arith.constant 0 : i32
    %dma_start3A_178 = arith.constant 0 : i32
    %dma_start3A_179 = tpu.memref_slice %arg3[%dma_start3A_177, %dma_start3A_178] : memref<16384x128xf32, #tpu.memory_space<hbm>> -> memref<16384x128xf32, #tpu.memory_space<hbm>>
    tpu.enqueue_indirect_dma source(%dma_start3A_179 : memref<16384x128xf32, #tpu.memory_space<hbm>>) target(%dma_start3A_173 : memref<128x128xf32, #tpu.memory_space<vmem>>) offsets(%dma_start3A_176 : memref<128xi32, #tpu.memory_space<vmem>>) semaphore(%arg9 : memref<!tpu.dma_semaphore, #tpu.memory_space<semaphore_mem>>)
    %dma_start3A_180 = arith.constant 9 : i32
    %dma_start3A_181 = arith.constant 2 : i32
    %dma_start3A_182 = arith.constant 0 : i32
    %dma_start3A_183 = arith.constant 0 : i32
    %dma_start3A_184 = tpu.memref_slice %arg7[%dma_start3A_181, %dma_start3A_182, %dma_start3A_183] : memref<4x128x128xf32, #tpu.memory_space<vmem>> -> memref<1x128x128xf32, #tpu.memory_space<vmem>>
    %dma_start3A_185 = tpu.memref_squeeze %dma_start3A_184 : memref<1x128x128xf32, #tpu.memory_space<vmem>> -> memref<128x128xf32, #tpu.memory_space<vmem>>
    %dma_start3A_186 = arith.constant 0 : i32
    %dma_start3A_187 = tpu.memref_slice %arg6[%dma_start3A_180, %dma_start3A_186] : memref<25x128xi32, #tpu.memory_space<vmem>> -> memref<1x128xi32, #tpu.memory_space<vmem>>
    %dma_start3A_188 = tpu.memref_squeeze %dma_start3A_187 : memref<1x128xi32, #tpu.memory_space<vmem>> -> memref<128xi32, #tpu.memory_space<vmem>>
    %dma_start3A_189 = arith.constant 0 : i32
    %dma_start3A_190 = arith.constant 0 : i32
    %dma_start3A_191 = tpu.memref_slice %arg3[%dma_start3A_189, %dma_start3A_190] : memref<16384x128xf32, #tpu.memory_space<hbm>> -> memref<16384x128xf32, #tpu.memory_space<hbm>>
    tpu.enqueue_indirect_dma source(%dma_start3A_191 : memref<16384x128xf32, #tpu.memory_space<hbm>>) target(%dma_start3A_185 : memref<128x128xf32, #tpu.memory_space<vmem>>) offsets(%dma_start3A_188 : memref<128xi32, #tpu.memory_space<vmem>>) semaphore(%arg9 : memref<!tpu.dma_semaphore, #tpu.memory_space<semaphore_mem>>)
    %dma_start3A_192 = arith.constant 10 : i32
    %dma_start3A_193 = arith.constant 3 : i32
    %dma_start3A_194 = arith.constant 0 : i32
    %dma_start3A_195 = arith.constant 0 : i32
    %dma_start3A_196 = tpu.memref_slice %arg7[%dma_start3A_193, %dma_start3A_194, %dma_start3A_195] : memref<4x128x128xf32, #tpu.memory_space<vmem>> -> memref<1x128x128xf32, #tpu.memory_space<vmem>>
    %dma_start3A_197 = tpu.memref_squeeze %dma_start3A_196 : memref<1x128x128xf32, #tpu.memory_space<vmem>> -> memref<128x128xf32, #tpu.memory_space<vmem>>
    %dma_start3A_198 = arith.constant 0 : i32
    %dma_start3A_199 = tpu.memref_slice %arg6[%dma_start3A_192, %dma_start3A_198] : memref<25x128xi32, #tpu.memory_space<vmem>> -> memref<1x128xi32, #tpu.memory_space<vmem>>
    %dma_start3A_200 = tpu.memref_squeeze %dma_start3A_199 : memref<1x128xi32, #tpu.memory_space<vmem>> -> memref<128xi32, #tpu.memory_space<vmem>>
    %dma_start3A_201 = arith.constant 0 : i32
    %dma_start3A_202 = arith.constant 0 : i32
    %dma_start3A_203 = tpu.memref_slice %arg3[%dma_start3A_201, %dma_start3A_202] : memref<16384x128xf32, #tpu.memory_space<hbm>> -> memref<16384x128xf32, #tpu.memory_space<hbm>>
    tpu.enqueue_indirect_dma source(%dma_start3A_203 : memref<16384x128xf32, #tpu.memory_space<hbm>>) target(%dma_start3A_197 : memref<128x128xf32, #tpu.memory_space<vmem>>) offsets(%dma_start3A_200 : memref<128xi32, #tpu.memory_space<vmem>>) semaphore(%arg9 : memref<!tpu.dma_semaphore, #tpu.memory_space<semaphore_mem>>)
    %dma_wait3A_204 = arith.constant 4 : i32
    %dma_wait3A_205 = arith.constant 0 : i32
    %dma_wait3A_206 = arith.constant 0 : i32
    %dma_wait3A_207 = arith.constant 0 : i32
    %dma_wait3A_208 = tpu.memref_slice %arg8[%dma_wait3A_205, %dma_wait3A_206, %dma_wait3A_207] : memref<3x128x128xf32, #tpu.memory_space<vmem>> -> memref<1x128x128xf32, #tpu.memory_space<vmem>>
    %dma_wait3A_209 = tpu.memref_squeeze %dma_wait3A_208 : memref<1x128x128xf32, #tpu.memory_space<vmem>> -> memref<128x128xf32, #tpu.memory_space<vmem>>
    %dma_wait3A_210 = arith.constant 0 : i32
    %dma_wait3A_211 = tpu.memref_slice %arg6[%dma_wait3A_204, %dma_wait3A_210] : memref<25x128xi32, #tpu.memory_space<vmem>> -> memref<1x128xi32, #tpu.memory_space<vmem>>
    %dma_wait3A_212 = tpu.memref_squeeze %dma_wait3A_211 : memref<1x128xi32, #tpu.memory_space<vmem>> -> memref<128xi32, #tpu.memory_space<vmem>>
    %dma_wait3A_213 = arith.constant 0 : i32
    %dma_wait3A_214 = arith.constant 0 : i32
    %dma_wait3A_215 = tpu.memref_slice %arg3[%dma_wait3A_213, %dma_wait3A_214] : memref<16384x128xf32, #tpu.memory_space<hbm>> -> memref<16384x128xf32, #tpu.memory_space<hbm>>
    tpu.wait_indirect_dma semaphore(%arg10 : memref<!tpu.dma_semaphore, #tpu.memory_space<semaphore_mem>>) src(%dma_wait3A_215 : memref<16384x128xf32, #tpu.memory_space<hbm>>) dst(%dma_wait3A_209 : memref<128x128xf32, #tpu.memory_space<vmem>>)
    %dma_wait3A_216 = arith.constant 5 : i32
    %dma_wait3A_217 = arith.constant 1 : i32
    %dma_wait3A_218 = arith.constant 0 : i32
    %dma_wait3A_219 = arith.constant 0 : i32
    %dma_wait3A_220 = tpu.memref_slice %arg8[%dma_wait3A_217, %dma_wait3A_218, %dma_wait3A_219] : memref<3x128x128xf32, #tpu.memory_space<vmem>> -> memref<1x128x128xf32, #tpu.memory_space<vmem>>
    %dma_wait3A_221 = tpu.memref_squeeze %dma_wait3A_220 : memref<1x128x128xf32, #tpu.memory_space<vmem>> -> memref<128x128xf32, #tpu.memory_space<vmem>>
    %dma_wait3A_222 = arith.constant 0 : i32
    %dma_wait3A_223 = tpu.memref_slice %arg6[%dma_wait3A_216, %dma_wait3A_222] : memref<25x128xi32, #tpu.memory_space<vmem>> -> memref<1x128xi32, #tpu.memory_space<vmem>>
    %dma_wait3A_224 = tpu.memref_squeeze %dma_wait3A_223 : memref<1x128xi32, #tpu.memory_space<vmem>> -> memref<128xi32, #tpu.memory_space<vmem>>
    %dma_wait3A_225 = arith.constant 0 : i32
    %dma_wait3A_226 = arith.constant 0 : i32
    %dma_wait3A_227 = tpu.memref_slice %arg3[%dma_wait3A_225, %dma_wait3A_226] : memref<16384x128xf32, #tpu.memory_space<hbm>> -> memref<16384x128xf32, #tpu.memory_space<hbm>>
    tpu.wait_indirect_dma semaphore(%arg10 : memref<!tpu.dma_semaphore, #tpu.memory_space<semaphore_mem>>) src(%dma_wait3A_227 : memref<16384x128xf32, #tpu.memory_space<hbm>>) dst(%dma_wait3A_221 : memref<128x128xf32, #tpu.memory_space<vmem>>)
    %dma_wait3A_228 = arith.constant 6 : i32
    %dma_wait3A_229 = arith.constant 2 : i32
    %dma_wait3A_230 = arith.constant 0 : i32
    %dma_wait3A_231 = arith.constant 0 : i32
    %dma_wait3A_232 = tpu.memref_slice %arg8[%dma_wait3A_229, %dma_wait3A_230, %dma_wait3A_231] : memref<3x128x128xf32, #tpu.memory_space<vmem>> -> memref<1x128x128xf32, #tpu.memory_space<vmem>>
    %dma_wait3A_233 = tpu.memref_squeeze %dma_wait3A_232 : memref<1x128x128xf32, #tpu.memory_space<vmem>> -> memref<128x128xf32, #tpu.memory_space<vmem>>
    %dma_wait3A_234 = arith.constant 0 : i32
    %dma_wait3A_235 = tpu.memref_slice %arg6[%dma_wait3A_228, %dma_wait3A_234] : memref<25x128xi32, #tpu.memory_space<vmem>> -> memref<1x128xi32, #tpu.memory_space<vmem>>
    %dma_wait3A_236 = tpu.memref_squeeze %dma_wait3A_235 : memref<1x128xi32, #tpu.memory_space<vmem>> -> memref<128xi32, #tpu.memory_space<vmem>>
    %dma_wait3A_237 = arith.constant 0 : i32
    %dma_wait3A_238 = arith.constant 0 : i32
    %dma_wait3A_239 = tpu.memref_slice %arg3[%dma_wait3A_237, %dma_wait3A_238] : memref<16384x128xf32, #tpu.memory_space<hbm>> -> memref<16384x128xf32, #tpu.memory_space<hbm>>
    tpu.wait_indirect_dma semaphore(%arg10 : memref<!tpu.dma_semaphore, #tpu.memory_space<semaphore_mem>>) src(%dma_wait3A_239 : memref<16384x128xf32, #tpu.memory_space<hbm>>) dst(%dma_wait3A_233 : memref<128x128xf32, #tpu.memory_space<vmem>>)
    %add3A_240 = arith.constant 4 : i32
    %add3A_241 = arith.addi %mul3A_2, %add3A_240 : i32
    %dma_start3A_242 = arith.constant 0 : i32
    %dma_start3A_243 = arith.constant 0 : i32
    %dma_start3A_244 = tpu.memref_slice %arg4[%add3A_241, %dma_start3A_242, %dma_start3A_243] : memref<800x128x128xf32, #tpu.memory_space<hbm>> -> memref<3x128x128xf32, #tpu.memory_space<hbm>>
    %dma_start3A_245 = arith.constant 0 : i32
    %dma_start3A_246 = arith.constant 0 : i32
    %dma_start3A_247 = tpu.memref_slice %arg4[%add3A_241, %dma_start3A_245, %dma_start3A_246] : memref<800x128x128xf32, #tpu.memory_space<hbm>> -> memref<3x128x128xf32, #tpu.memory_space<hbm>>
    tpu.enqueue_dma source(%arg8 : memref<3x128x128xf32, #tpu.memory_space<vmem>>) target(%dma_start3A_247 : memref<3x128x128xf32, #tpu.memory_space<hbm>>) target_semaphore(%arg12 : memref<!tpu.dma_semaphore, #tpu.memory_space<semaphore_mem>>)
    %add3A_248 = arith.constant 4 : i32
    %add3A_249 = arith.addi %mul3A_2, %add3A_248 : i32
    %dma_wait3A_250 = arith.constant 0 : i32
    %dma_wait3A_251 = arith.constant 0 : i32
    %dma_wait3A_252 = tpu.memref_slice %arg4[%add3A_249, %dma_wait3A_250, %dma_wait3A_251] : memref<800x128x128xf32, #tpu.memory_space<hbm>> -> memref<3x128x128xf32, #tpu.memory_space<hbm>>
    %dma_wait3A_253 = arith.constant 0 : i32
    %dma_wait3A_254 = arith.constant 0 : i32
    %dma_wait3A_255 = tpu.memref_slice %arg4[%add3A_249, %dma_wait3A_253, %dma_wait3A_254] : memref<800x128x128xf32, #tpu.memory_space<hbm>> -> memref<3x128x128xf32, #tpu.memory_space<hbm>>
    tpu.wait_dma2 semaphore(%arg12 : memref<!tpu.dma_semaphore, #tpu.memory_space<semaphore_mem>>) src(%arg8 : memref<3x128x128xf32, #tpu.memory_space<vmem>>) dst(%dma_wait3A_255 : memref<3x128x128xf32, #tpu.memory_space<hbm>>)
    %dma_start3A_256 = arith.constant 11 : i32
    %dma_start3A_257 = arith.constant 0 : i32
    %dma_start3A_258 = arith.constant 0 : i32
    %dma_start3A_259 = arith.constant 0 : i32
    %dma_start3A_260 = tpu.memref_slice %arg8[%dma_start3A_257, %dma_start3A_258, %dma_start3A_259] : memref<3x128x128xf32, #tpu.memory_space<vmem>> -> memref<1x128x128xf32, #tpu.memory_space<vmem>>
    %dma_start3A_261 = tpu.memref_squeeze %dma_start3A_260 : memref<1x128x128xf32, #tpu.memory_space<vmem>> -> memref<128x128xf32, #tpu.memory_space<vmem>>
    %dma_start3A_262 = arith.constant 0 : i32
    %dma_start3A_263 = tpu.memref_slice %arg6[%dma_start3A_256, %dma_start3A_262] : memref<25x128xi32, #tpu.memory_space<vmem>> -> memref<1x128xi32, #tpu.memory_space<vmem>>
    %dma_start3A_264 = tpu.memref_squeeze %dma_start3A_263 : memref<1x128xi32, #tpu.memory_space<vmem>> -> memref<128xi32, #tpu.memory_space<vmem>>
    %dma_start3A_265 = arith.constant 0 : i32
    %dma_start3A_266 = arith.constant 0 : i32
    %dma_start3A_267 = tpu.memref_slice %arg3[%dma_start3A_265, %dma_start3A_266] : memref<16384x128xf32, #tpu.memory_space<hbm>> -> memref<16384x128xf32, #tpu.memory_space<hbm>>
    tpu.enqueue_indirect_dma source(%dma_start3A_267 : memref<16384x128xf32, #tpu.memory_space<hbm>>) target(%dma_start3A_261 : memref<128x128xf32, #tpu.memory_space<vmem>>) offsets(%dma_start3A_264 : memref<128xi32, #tpu.memory_space<vmem>>) semaphore(%arg10 : memref<!tpu.dma_semaphore, #tpu.memory_space<semaphore_mem>>)
    %dma_start3A_268 = arith.constant 12 : i32
    %dma_start3A_269 = arith.constant 1 : i32
    %dma_start3A_270 = arith.constant 0 : i32
    %dma_start3A_271 = arith.constant 0 : i32
    %dma_start3A_272 = tpu.memref_slice %arg8[%dma_start3A_269, %dma_start3A_270, %dma_start3A_271] : memref<3x128x128xf32, #tpu.memory_space<vmem>> -> memref<1x128x128xf32, #tpu.memory_space<vmem>>
    %dma_start3A_273 = tpu.memref_squeeze %dma_start3A_272 : memref<1x128x128xf32, #tpu.memory_space<vmem>> -> memref<128x128xf32, #tpu.memory_space<vmem>>
    %dma_start3A_274 = arith.constant 0 : i32
    %dma_start3A_275 = tpu.memref_slice %arg6[%dma_start3A_268, %dma_start3A_274] : memref<25x128xi32, #tpu.memory_space<vmem>> -> memref<1x128xi32, #tpu.memory_space<vmem>>
    %dma_start3A_276 = tpu.memref_squeeze %dma_start3A_275 : memref<1x128xi32, #tpu.memory_space<vmem>> -> memref<128xi32, #tpu.memory_space<vmem>>
    %dma_start3A_277 = arith.constant 0 : i32
    %dma_start3A_278 = arith.constant 0 : i32
    %dma_start3A_279 = tpu.memref_slice %arg3[%dma_start3A_277, %dma_start3A_278] : memref<16384x128xf32, #tpu.memory_space<hbm>> -> memref<16384x128xf32, #tpu.memory_space<hbm>>
    tpu.enqueue_indirect_dma source(%dma_start3A_279 : memref<16384x128xf32, #tpu.memory_space<hbm>>) target(%dma_start3A_273 : memref<128x128xf32, #tpu.memory_space<vmem>>) offsets(%dma_start3A_276 : memref<128xi32, #tpu.memory_space<vmem>>) semaphore(%arg10 : memref<!tpu.dma_semaphore, #tpu.memory_space<semaphore_mem>>)
    %dma_start3A_280 = arith.constant 13 : i32
    %dma_start3A_281 = arith.constant 2 : i32
    %dma_start3A_282 = arith.constant 0 : i32
    %dma_start3A_283 = arith.constant 0 : i32
    %dma_start3A_284 = tpu.memref_slice %arg8[%dma_start3A_281, %dma_start3A_282, %dma_start3A_283] : memref<3x128x128xf32, #tpu.memory_space<vmem>> -> memref<1x128x128xf32, #tpu.memory_space<vmem>>
    %dma_start3A_285 = tpu.memref_squeeze %dma_start3A_284 : memref<1x128x128xf32, #tpu.memory_space<vmem>> -> memref<128x128xf32, #tpu.memory_space<vmem>>
    %dma_start3A_286 = arith.constant 0 : i32
    %dma_start3A_287 = tpu.memref_slice %arg6[%dma_start3A_280, %dma_start3A_286] : memref<25x128xi32, #tpu.memory_space<vmem>> -> memref<1x128xi32, #tpu.memory_space<vmem>>
    %dma_start3A_288 = tpu.memref_squeeze %dma_start3A_287 : memref<1x128xi32, #tpu.memory_space<vmem>> -> memref<128xi32, #tpu.memory_space<vmem>>
    %dma_start3A_289 = arith.constant 0 : i32
    %dma_start3A_290 = arith.constant 0 : i32
    %dma_start3A_291 = tpu.memref_slice %arg3[%dma_start3A_289, %dma_start3A_290] : memref<16384x128xf32, #tpu.memory_space<hbm>> -> memref<16384x128xf32, #tpu.memory_space<hbm>>
    tpu.enqueue_indirect_dma source(%dma_start3A_291 : memref<16384x128xf32, #tpu.memory_space<hbm>>) target(%dma_start3A_285 : memref<128x128xf32, #tpu.memory_space<vmem>>) offsets(%dma_start3A_288 : memref<128xi32, #tpu.memory_space<vmem>>) semaphore(%arg10 : memref<!tpu.dma_semaphore, #tpu.memory_space<semaphore_mem>>)
    %dma_wait3A_292 = arith.constant 7 : i32
    %dma_wait3A_293 = arith.constant 0 : i32
    %dma_wait3A_294 = arith.constant 0 : i32
    %dma_wait3A_295 = arith.constant 0 : i32
    %dma_wait3A_296 = tpu.memref_slice %arg7[%dma_wait3A_293, %dma_wait3A_294, %dma_wait3A_295] : memref<4x128x128xf32, #tpu.memory_space<vmem>> -> memref<1x128x128xf32, #tpu.memory_space<vmem>>
    %dma_wait3A_297 = tpu.memref_squeeze %dma_wait3A_296 : memref<1x128x128xf32, #tpu.memory_space<vmem>> -> memref<128x128xf32, #tpu.memory_space<vmem>>
    %dma_wait3A_298 = arith.constant 0 : i32
    %dma_wait3A_299 = tpu.memref_slice %arg6[%dma_wait3A_292, %dma_wait3A_298] : memref<25x128xi32, #tpu.memory_space<vmem>> -> memref<1x128xi32, #tpu.memory_space<vmem>>
    %dma_wait3A_300 = tpu.memref_squeeze %dma_wait3A_299 : memref<1x128xi32, #tpu.memory_space<vmem>> -> memref<128xi32, #tpu.memory_space<vmem>>
    %dma_wait3A_301 = arith.constant 0 : i32
    %dma_wait3A_302 = arith.constant 0 : i32
    %dma_wait3A_303 = tpu.memref_slice %arg3[%dma_wait3A_301, %dma_wait3A_302] : memref<16384x128xf32, #tpu.memory_space<hbm>> -> memref<16384x128xf32, #tpu.memory_space<hbm>>
    tpu.wait_indirect_dma semaphore(%arg9 : memref<!tpu.dma_semaphore, #tpu.memory_space<semaphore_mem>>) src(%dma_wait3A_303 : memref<16384x128xf32, #tpu.memory_space<hbm>>) dst(%dma_wait3A_297 : memref<128x128xf32, #tpu.memory_space<vmem>>)
    %dma_wait3A_304 = arith.constant 8 : i32
    %dma_wait3A_305 = arith.constant 1 : i32
    %dma_wait3A_306 = arith.constant 0 : i32
    %dma_wait3A_307 = arith.constant 0 : i32
    %dma_wait3A_308 = tpu.memref_slice %arg7[%dma_wait3A_305, %dma_wait3A_306, %dma_wait3A_307] : memref<4x128x128xf32, #tpu.memory_space<vmem>> -> memref<1x128x128xf32, #tpu.memory_space<vmem>>
    %dma_wait3A_309 = tpu.memref_squeeze %dma_wait3A_308 : memref<1x128x128xf32, #tpu.memory_space<vmem>> -> memref<128x128xf32, #tpu.memory_space<vmem>>
    %dma_wait3A_310 = arith.constant 0 : i32
    %dma_wait3A_311 = tpu.memref_slice %arg6[%dma_wait3A_304, %dma_wait3A_310] : memref<25x128xi32, #tpu.memory_space<vmem>> -> memref<1x128xi32, #tpu.memory_space<vmem>>
    %dma_wait3A_312 = tpu.memref_squeeze %dma_wait3A_311 : memref<1x128xi32, #tpu.memory_space<vmem>> -> memref<128xi32, #tpu.memory_space<vmem>>
    %dma_wait3A_313 = arith.constant 0 : i32
    %dma_wait3A_314 = arith.constant 0 : i32
    %dma_wait3A_315 = tpu.memref_slice %arg3[%dma_wait3A_313, %dma_wait3A_314] : memref<16384x128xf32, #tpu.memory_space<hbm>> -> memref<16384x128xf32, #tpu.memory_space<hbm>>
    tpu.wait_indirect_dma semaphore(%arg9 : memref<!tpu.dma_semaphore, #tpu.memory_space<semaphore_mem>>) src(%dma_wait3A_315 : memref<16384x128xf32, #tpu.memory_space<hbm>>) dst(%dma_wait3A_309 : memref<128x128xf32, #tpu.memory_space<vmem>>)
    %dma_wait3A_316 = arith.constant 9 : i32
    %dma_wait3A_317 = arith.constant 2 : i32
    %dma_wait3A_318 = arith.constant 0 : i32
    %dma_wait3A_319 = arith.constant 0 : i32
    %dma_wait3A_320 = tpu.memref_slice %arg7[%dma_wait3A_317, %dma_wait3A_318, %dma_wait3A_319] : memref<4x128x128xf32, #tpu.memory_space<vmem>> -> memref<1x128x128xf32, #tpu.memory_space<vmem>>
    %dma_wait3A_321 = tpu.memref_squeeze %dma_wait3A_320 : memref<1x128x128xf32, #tpu.memory_space<vmem>> -> memref<128x128xf32, #tpu.memory_space<vmem>>
    %dma_wait3A_322 = arith.constant 0 : i32
    %dma_wait3A_323 = tpu.memref_slice %arg6[%dma_wait3A_316, %dma_wait3A_322] : memref<25x128xi32, #tpu.memory_space<vmem>> -> memref<1x128xi32, #tpu.memory_space<vmem>>
    %dma_wait3A_324 = tpu.memref_squeeze %dma_wait3A_323 : memref<1x128xi32, #tpu.memory_space<vmem>> -> memref<128xi32, #tpu.memory_space<vmem>>
    %dma_wait3A_325 = arith.constant 0 : i32
    %dma_wait3A_326 = arith.constant 0 : i32
    %dma_wait3A_327 = tpu.memref_slice %arg3[%dma_wait3A_325, %dma_wait3A_326] : memref<16384x128xf32, #tpu.memory_space<hbm>> -> memref<16384x128xf32, #tpu.memory_space<hbm>>
    tpu.wait_indirect_dma semaphore(%arg9 : memref<!tpu.dma_semaphore, #tpu.memory_space<semaphore_mem>>) src(%dma_wait3A_327 : memref<16384x128xf32, #tpu.memory_space<hbm>>) dst(%dma_wait3A_321 : memref<128x128xf32, #tpu.memory_space<vmem>>)
    %dma_wait3A_328 = arith.constant 10 : i32
    %dma_wait3A_329 = arith.constant 3 : i32
    %dma_wait3A_330 = arith.constant 0 : i32
    %dma_wait3A_331 = arith.constant 0 : i32
    %dma_wait3A_332 = tpu.memref_slice %arg7[%dma_wait3A_329, %dma_wait3A_330, %dma_wait3A_331] : memref<4x128x128xf32, #tpu.memory_space<vmem>> -> memref<1x128x128xf32, #tpu.memory_space<vmem>>
    %dma_wait3A_333 = tpu.memref_squeeze %dma_wait3A_332 : memref<1x128x128xf32, #tpu.memory_space<vmem>> -> memref<128x128xf32, #tpu.memory_space<vmem>>
    %dma_wait3A_334 = arith.constant 0 : i32
    %dma_wait3A_335 = tpu.memref_slice %arg6[%dma_wait3A_328, %dma_wait3A_334] : memref<25x128xi32, #tpu.memory_space<vmem>> -> memref<1x128xi32, #tpu.memory_space<vmem>>
    %dma_wait3A_336 = tpu.memref_squeeze %dma_wait3A_335 : memref<1x128xi32, #tpu.memory_space<vmem>> -> memref<128xi32, #tpu.memory_space<vmem>>
    %dma_wait3A_337 = arith.constant 0 : i32
    %dma_wait3A_338 = arith.constant 0 : i32
    %dma_wait3A_339 = tpu.memref_slice %arg3[%dma_wait3A_337, %dma_wait3A_338] : memref<16384x128xf32, #tpu.memory_space<hbm>> -> memref<16384x128xf32, #tpu.memory_space<hbm>>
    tpu.wait_indirect_dma semaphore(%arg9 : memref<!tpu.dma_semaphore, #tpu.memory_space<semaphore_mem>>) src(%dma_wait3A_339 : memref<16384x128xf32, #tpu.memory_space<hbm>>) dst(%dma_wait3A_333 : memref<128x128xf32, #tpu.memory_space<vmem>>)
    %add3A_340 = arith.constant 7 : i32
    %add3A_341 = arith.addi %mul3A_2, %add3A_340 : i32
    %dma_start3A_342 = arith.constant 0 : i32
    %dma_start3A_343 = arith.constant 0 : i32
    %dma_start3A_344 = tpu.memref_slice %arg4[%add3A_341, %dma_start3A_342, %dma_start3A_343] : memref<800x128x128xf32, #tpu.memory_space<hbm>> -> memref<4x128x128xf32, #tpu.memory_space<hbm>>
    %dma_start3A_345 = arith.constant 0 : i32
    %dma_start3A_346 = arith.constant 0 : i32
    %dma_start3A_347 = tpu.memref_slice %arg4[%add3A_341, %dma_start3A_345, %dma_start3A_346] : memref<800x128x128xf32, #tpu.memory_space<hbm>> -> memref<4x128x128xf32, #tpu.memory_space<hbm>>
    tpu.enqueue_dma source(%arg7 : memref<4x128x128xf32, #tpu.memory_space<vmem>>) target(%dma_start3A_347 : memref<4x128x128xf32, #tpu.memory_space<hbm>>) target_semaphore(%arg11 : memref<!tpu.dma_semaphore, #tpu.memory_space<semaphore_mem>>)
    %add3A_348 = arith.constant 7 : i32
    %add3A_349 = arith.addi %mul3A_2, %add3A_348 : i32
    %dma_wait3A_350 = arith.constant 0 : i32
    %dma_wait3A_351 = arith.constant 0 : i32
    %dma_wait3A_352 = tpu.memref_slice %arg4[%add3A_349, %dma_wait3A_350, %dma_wait3A_351] : memref<800x128x128xf32, #tpu.memory_space<hbm>> -> memref<4x128x128xf32, #tpu.memory_space<hbm>>
    %dma_wait3A_353 = arith.constant 0 : i32
    %dma_wait3A_354 = arith.constant 0 : i32
    %dma_wait3A_355 = tpu.memref_slice %arg4[%add3A_349, %dma_wait3A_353, %dma_wait3A_354] : memref<800x128x128xf32, #tpu.memory_space<hbm>> -> memref<4x128x128xf32, #tpu.memory_space<hbm>>
    tpu.wait_dma2 semaphore(%arg11 : memref<!tpu.dma_semaphore, #tpu.memory_space<semaphore_mem>>) src(%arg7 : memref<4x128x128xf32, #tpu.memory_space<vmem>>) dst(%dma_wait3A_355 : memref<4x128x128xf32, #tpu.memory_space<hbm>>)
    %dma_start3A_356 = arith.constant 14 : i32
    %dma_start3A_357 = arith.constant 0 : i32
    %dma_start3A_358 = arith.constant 0 : i32
    %dma_start3A_359 = arith.constant 0 : i32
    %dma_start3A_360 = tpu.memref_slice %arg7[%dma_start3A_357, %dma_start3A_358, %dma_start3A_359] : memref<4x128x128xf32, #tpu.memory_space<vmem>> -> memref<1x128x128xf32, #tpu.memory_space<vmem>>
    %dma_start3A_361 = tpu.memref_squeeze %dma_start3A_360 : memref<1x128x128xf32, #tpu.memory_space<vmem>> -> memref<128x128xf32, #tpu.memory_space<vmem>>
    %dma_start3A_362 = arith.constant 0 : i32
    %dma_start3A_363 = tpu.memref_slice %arg6[%dma_start3A_356, %dma_start3A_362] : memref<25x128xi32, #tpu.memory_space<vmem>> -> memref<1x128xi32, #tpu.memory_space<vmem>>
    %dma_start3A_364 = tpu.memref_squeeze %dma_start3A_363 : memref<1x128xi32, #tpu.memory_space<vmem>> -> memref<128xi32, #tpu.memory_space<vmem>>
    %dma_start3A_365 = arith.constant 0 : i32
    %dma_start3A_366 = arith.constant 0 : i32
    %dma_start3A_367 = tpu.memref_slice %arg3[%dma_start3A_365, %dma_start3A_366] : memref<16384x128xf32, #tpu.memory_space<hbm>> -> memref<16384x128xf32, #tpu.memory_space<hbm>>
    tpu.enqueue_indirect_dma source(%dma_start3A_367 : memref<16384x128xf32, #tpu.memory_space<hbm>>) target(%dma_start3A_361 : memref<128x128xf32, #tpu.memory_space<vmem>>) offsets(%dma_start3A_364 : memref<128xi32, #tpu.memory_space<vmem>>) semaphore(%arg9 : memref<!tpu.dma_semaphore, #tpu.memory_space<semaphore_mem>>)
    %dma_start3A_368 = arith.constant 15 : i32
    %dma_start3A_369 = arith.constant 1 : i32
    %dma_start3A_370 = arith.constant 0 : i32
    %dma_start3A_371 = arith.constant 0 : i32
    %dma_start3A_372 = tpu.memref_slice %arg7[%dma_start3A_369, %dma_start3A_370, %dma_start3A_371] : memref<4x128x128xf32, #tpu.memory_space<vmem>> -> memref<1x128x128xf32, #tpu.memory_space<vmem>>
    %dma_start3A_373 = tpu.memref_squeeze %dma_start3A_372 : memref<1x128x128xf32, #tpu.memory_space<vmem>> -> memref<128x128xf32, #tpu.memory_space<vmem>>
    %dma_start3A_374 = arith.constant 0 : i32
    %dma_start3A_375 = tpu.memref_slice %arg6[%dma_start3A_368, %dma_start3A_374] : memref<25x128xi32, #tpu.memory_space<vmem>> -> memref<1x128xi32, #tpu.memory_space<vmem>>
    %dma_start3A_376 = tpu.memref_squeeze %dma_start3A_375 : memref<1x128xi32, #tpu.memory_space<vmem>> -> memref<128xi32, #tpu.memory_space<vmem>>
    %dma_start3A_377 = arith.constant 0 : i32
    %dma_start3A_378 = arith.constant 0 : i32
    %dma_start3A_379 = tpu.memref_slice %arg3[%dma_start3A_377, %dma_start3A_378] : memref<16384x128xf32, #tpu.memory_space<hbm>> -> memref<16384x128xf32, #tpu.memory_space<hbm>>
    tpu.enqueue_indirect_dma source(%dma_start3A_379 : memref<16384x128xf32, #tpu.memory_space<hbm>>) target(%dma_start3A_373 : memref<128x128xf32, #tpu.memory_space<vmem>>) offsets(%dma_start3A_376 : memref<128xi32, #tpu.memory_space<vmem>>) semaphore(%arg9 : memref<!tpu.dma_semaphore, #tpu.memory_space<semaphore_mem>>)
    %dma_start3A_380 = arith.constant 16 : i32
    %dma_start3A_381 = arith.constant 2 : i32
    %dma_start3A_382 = arith.constant 0 : i32
    %dma_start3A_383 = arith.constant 0 : i32
    %dma_start3A_384 = tpu.memref_slice %arg7[%dma_start3A_381, %dma_start3A_382, %dma_start3A_383] : memref<4x128x128xf32, #tpu.memory_space<vmem>> -> memref<1x128x128xf32, #tpu.memory_space<vmem>>
    %dma_start3A_385 = tpu.memref_squeeze %dma_start3A_384 : memref<1x128x128xf32, #tpu.memory_space<vmem>> -> memref<128x128xf32, #tpu.memory_space<vmem>>
    %dma_start3A_386 = arith.constant 0 : i32
    %dma_start3A_387 = tpu.memref_slice %arg6[%dma_start3A_380, %dma_start3A_386] : memref<25x128xi32, #tpu.memory_space<vmem>> -> memref<1x128xi32, #tpu.memory_space<vmem>>
    %dma_start3A_388 = tpu.memref_squeeze %dma_start3A_387 : memref<1x128xi32, #tpu.memory_space<vmem>> -> memref<128xi32, #tpu.memory_space<vmem>>
    %dma_start3A_389 = arith.constant 0 : i32
    %dma_start3A_390 = arith.constant 0 : i32
    %dma_start3A_391 = tpu.memref_slice %arg3[%dma_start3A_389, %dma_start3A_390] : memref<16384x128xf32, #tpu.memory_space<hbm>> -> memref<16384x128xf32, #tpu.memory_space<hbm>>
    tpu.enqueue_indirect_dma source(%dma_start3A_391 : memref<16384x128xf32, #tpu.memory_space<hbm>>) target(%dma_start3A_385 : memref<128x128xf32, #tpu.memory_space<vmem>>) offsets(%dma_start3A_388 : memref<128xi32, #tpu.memory_space<vmem>>) semaphore(%arg9 : memref<!tpu.dma_semaphore, #tpu.memory_space<semaphore_mem>>)
    %dma_start3A_392 = arith.constant 17 : i32
    %dma_start3A_393 = arith.constant 3 : i32
    %dma_start3A_394 = arith.constant 0 : i32
    %dma_start3A_395 = arith.constant 0 : i32
    %dma_start3A_396 = tpu.memref_slice %arg7[%dma_start3A_393, %dma_start3A_394, %dma_start3A_395] : memref<4x128x128xf32, #tpu.memory_space<vmem>> -> memref<1x128x128xf32, #tpu.memory_space<vmem>>
    %dma_start3A_397 = tpu.memref_squeeze %dma_start3A_396 : memref<1x128x128xf32, #tpu.memory_space<vmem>> -> memref<128x128xf32, #tpu.memory_space<vmem>>
    %dma_start3A_398 = arith.constant 0 : i32
    %dma_start3A_399 = tpu.memref_slice %arg6[%dma_start3A_392, %dma_start3A_398] : memref<25x128xi32, #tpu.memory_space<vmem>> -> memref<1x128xi32, #tpu.memory_space<vmem>>
    %dma_start3A_400 = tpu.memref_squeeze %dma_start3A_399 : memref<1x128xi32, #tpu.memory_space<vmem>> -> memref<128xi32, #tpu.memory_space<vmem>>
    %dma_start3A_401 = arith.constant 0 : i32
    %dma_start3A_402 = arith.constant 0 : i32
    %dma_start3A_403 = tpu.memref_slice %arg3[%dma_start3A_401, %dma_start3A_402] : memref<16384x128xf32, #tpu.memory_space<hbm>> -> memref<16384x128xf32, #tpu.memory_space<hbm>>
    tpu.enqueue_indirect_dma source(%dma_start3A_403 : memref<16384x128xf32, #tpu.memory_space<hbm>>) target(%dma_start3A_397 : memref<128x128xf32, #tpu.memory_space<vmem>>) offsets(%dma_start3A_400 : memref<128xi32, #tpu.memory_space<vmem>>) semaphore(%arg9 : memref<!tpu.dma_semaphore, #tpu.memory_space<semaphore_mem>>)
    %dma_wait3A_404 = arith.constant 11 : i32
    %dma_wait3A_405 = arith.constant 0 : i32
    %dma_wait3A_406 = arith.constant 0 : i32
    %dma_wait3A_407 = arith.constant 0 : i32
    %dma_wait3A_408 = tpu.memref_slice %arg8[%dma_wait3A_405, %dma_wait3A_406, %dma_wait3A_407] : memref<3x128x128xf32, #tpu.memory_space<vmem>> -> memref<1x128x128xf32, #tpu.memory_space<vmem>>
    %dma_wait3A_409 = tpu.memref_squeeze %dma_wait3A_408 : memref<1x128x128xf32, #tpu.memory_space<vmem>> -> memref<128x128xf32, #tpu.memory_space<vmem>>
    %dma_wait3A_410 = arith.constant 0 : i32
    %dma_wait3A_411 = tpu.memref_slice %arg6[%dma_wait3A_404, %dma_wait3A_410] : memref<25x128xi32, #tpu.memory_space<vmem>> -> memref<1x128xi32, #tpu.memory_space<vmem>>
    %dma_wait3A_412 = tpu.memref_squeeze %dma_wait3A_411 : memref<1x128xi32, #tpu.memory_space<vmem>> -> memref<128xi32, #tpu.memory_space<vmem>>
    %dma_wait3A_413 = arith.constant 0 : i32
    %dma_wait3A_414 = arith.constant 0 : i32
    %dma_wait3A_415 = tpu.memref_slice %arg3[%dma_wait3A_413, %dma_wait3A_414] : memref<16384x128xf32, #tpu.memory_space<hbm>> -> memref<16384x128xf32, #tpu.memory_space<hbm>>
    tpu.wait_indirect_dma semaphore(%arg10 : memref<!tpu.dma_semaphore, #tpu.memory_space<semaphore_mem>>) src(%dma_wait3A_415 : memref<16384x128xf32, #tpu.memory_space<hbm>>) dst(%dma_wait3A_409 : memref<128x128xf32, #tpu.memory_space<vmem>>)
    %dma_wait3A_416 = arith.constant 12 : i32
    %dma_wait3A_417 = arith.constant 1 : i32
    %dma_wait3A_418 = arith.constant 0 : i32
    %dma_wait3A_419 = arith.constant 0 : i32
    %dma_wait3A_420 = tpu.memref_slice %arg8[%dma_wait3A_417, %dma_wait3A_418, %dma_wait3A_419] : memref<3x128x128xf32, #tpu.memory_space<vmem>> -> memref<1x128x128xf32, #tpu.memory_space<vmem>>
    %dma_wait3A_421 = tpu.memref_squeeze %dma_wait3A_420 : memref<1x128x128xf32, #tpu.memory_space<vmem>> -> memref<128x128xf32, #tpu.memory_space<vmem>>
    %dma_wait3A_422 = arith.constant 0 : i32
    %dma_wait3A_423 = tpu.memref_slice %arg6[%dma_wait3A_416, %dma_wait3A_422] : memref<25x128xi32, #tpu.memory_space<vmem>> -> memref<1x128xi32, #tpu.memory_space<vmem>>
    %dma_wait3A_424 = tpu.memref_squeeze %dma_wait3A_423 : memref<1x128xi32, #tpu.memory_space<vmem>> -> memref<128xi32, #tpu.memory_space<vmem>>
    %dma_wait3A_425 = arith.constant 0 : i32
    %dma_wait3A_426 = arith.constant 0 : i32
    %dma_wait3A_427 = tpu.memref_slice %arg3[%dma_wait3A_425, %dma_wait3A_426] : memref<16384x128xf32, #tpu.memory_space<hbm>> -> memref<16384x128xf32, #tpu.memory_space<hbm>>
    tpu.wait_indirect_dma semaphore(%arg10 : memref<!tpu.dma_semaphore, #tpu.memory_space<semaphore_mem>>) src(%dma_wait3A_427 : memref<16384x128xf32, #tpu.memory_space<hbm>>) dst(%dma_wait3A_421 : memref<128x128xf32, #tpu.memory_space<vmem>>)
    %dma_wait3A_428 = arith.constant 13 : i32
    %dma_wait3A_429 = arith.constant 2 : i32
    %dma_wait3A_430 = arith.constant 0 : i32
    %dma_wait3A_431 = arith.constant 0 : i32
    %dma_wait3A_432 = tpu.memref_slice %arg8[%dma_wait3A_429, %dma_wait3A_430, %dma_wait3A_431] : memref<3x128x128xf32, #tpu.memory_space<vmem>> -> memref<1x128x128xf32, #tpu.memory_space<vmem>>
    %dma_wait3A_433 = tpu.memref_squeeze %dma_wait3A_432 : memref<1x128x128xf32, #tpu.memory_space<vmem>> -> memref<128x128xf32, #tpu.memory_space<vmem>>
    %dma_wait3A_434 = arith.constant 0 : i32
    %dma_wait3A_435 = tpu.memref_slice %arg6[%dma_wait3A_428, %dma_wait3A_434] : memref<25x128xi32, #tpu.memory_space<vmem>> -> memref<1x128xi32, #tpu.memory_space<vmem>>
    %dma_wait3A_436 = tpu.memref_squeeze %dma_wait3A_435 : memref<1x128xi32, #tpu.memory_space<vmem>> -> memref<128xi32, #tpu.memory_space<vmem>>
    %dma_wait3A_437 = arith.constant 0 : i32
    %dma_wait3A_438 = arith.constant 0 : i32
    %dma_wait3A_439 = tpu.memref_slice %arg3[%dma_wait3A_437, %dma_wait3A_438] : memref<16384x128xf32, #tpu.memory_space<hbm>> -> memref<16384x128xf32, #tpu.memory_space<hbm>>
    tpu.wait_indirect_dma semaphore(%arg10 : memref<!tpu.dma_semaphore, #tpu.memory_space<semaphore_mem>>) src(%dma_wait3A_439 : memref<16384x128xf32, #tpu.memory_space<hbm>>) dst(%dma_wait3A_433 : memref<128x128xf32, #tpu.memory_space<vmem>>)
    %add3A_440 = arith.constant 11 : i32
    %add3A_441 = arith.addi %mul3A_2, %add3A_440 : i32
    %dma_start3A_442 = arith.constant 0 : i32
    %dma_start3A_443 = arith.constant 0 : i32
    %dma_start3A_444 = tpu.memref_slice %arg4[%add3A_441, %dma_start3A_442, %dma_start3A_443] : memref<800x128x128xf32, #tpu.memory_space<hbm>> -> memref<3x128x128xf32, #tpu.memory_space<hbm>>
    %dma_start3A_445 = arith.constant 0 : i32
    %dma_start3A_446 = arith.constant 0 : i32
    %dma_start3A_447 = tpu.memref_slice %arg4[%add3A_441, %dma_start3A_445, %dma_start3A_446] : memref<800x128x128xf32, #tpu.memory_space<hbm>> -> memref<3x128x128xf32, #tpu.memory_space<hbm>>
    tpu.enqueue_dma source(%arg8 : memref<3x128x128xf32, #tpu.memory_space<vmem>>) target(%dma_start3A_447 : memref<3x128x128xf32, #tpu.memory_space<hbm>>) target_semaphore(%arg12 : memref<!tpu.dma_semaphore, #tpu.memory_space<semaphore_mem>>)
    %add3A_448 = arith.constant 11 : i32
    %add3A_449 = arith.addi %mul3A_2, %add3A_448 : i32
    %dma_wait3A_450 = arith.constant 0 : i32
    %dma_wait3A_451 = arith.constant 0 : i32
    %dma_wait3A_452 = tpu.memref_slice %arg4[%add3A_449, %dma_wait3A_450, %dma_wait3A_451] : memref<800x128x128xf32, #tpu.memory_space<hbm>> -> memref<3x128x128xf32, #tpu.memory_space<hbm>>
    %dma_wait3A_453 = arith.constant 0 : i32
    %dma_wait3A_454 = arith.constant 0 : i32
    %dma_wait3A_455 = tpu.memref_slice %arg4[%add3A_449, %dma_wait3A_453, %dma_wait3A_454] : memref<800x128x128xf32, #tpu.memory_space<hbm>> -> memref<3x128x128xf32, #tpu.memory_space<hbm>>
    tpu.wait_dma2 semaphore(%arg12 : memref<!tpu.dma_semaphore, #tpu.memory_space<semaphore_mem>>) src(%arg8 : memref<3x128x128xf32, #tpu.memory_space<vmem>>) dst(%dma_wait3A_455 : memref<3x128x128xf32, #tpu.memory_space<hbm>>)
    %dma_start3A_456 = arith.constant 18 : i32
    %dma_start3A_457 = arith.constant 0 : i32
    %dma_start3A_458 = arith.constant 0 : i32
    %dma_start3A_459 = arith.constant 0 : i32
    %dma_start3A_460 = tpu.memref_slice %arg8[%dma_start3A_457, %dma_start3A_458, %dma_start3A_459] : memref<3x128x128xf32, #tpu.memory_space<vmem>> -> memref<1x128x128xf32, #tpu.memory_space<vmem>>
    %dma_start3A_461 = tpu.memref_squeeze %dma_start3A_460 : memref<1x128x128xf32, #tpu.memory_space<vmem>> -> memref<128x128xf32, #tpu.memory_space<vmem>>
    %dma_start3A_462 = arith.constant 0 : i32
    %dma_start3A_463 = tpu.memref_slice %arg6[%dma_start3A_456, %dma_start3A_462] : memref<25x128xi32, #tpu.memory_space<vmem>> -> memref<1x128xi32, #tpu.memory_space<vmem>>
    %dma_start3A_464 = tpu.memref_squeeze %dma_start3A_463 : memref<1x128xi32, #tpu.memory_space<vmem>> -> memref<128xi32, #tpu.memory_space<vmem>>
    %dma_start3A_465 = arith.constant 0 : i32
    %dma_start3A_466 = arith.constant 0 : i32
    %dma_start3A_467 = tpu.memref_slice %arg3[%dma_start3A_465, %dma_start3A_466] : memref<16384x128xf32, #tpu.memory_space<hbm>> -> memref<16384x128xf32, #tpu.memory_space<hbm>>
    tpu.enqueue_indirect_dma source(%dma_start3A_467 : memref<16384x128xf32, #tpu.memory_space<hbm>>) target(%dma_start3A_461 : memref<128x128xf32, #tpu.memory_space<vmem>>) offsets(%dma_start3A_464 : memref<128xi32, #tpu.memory_space<vmem>>) semaphore(%arg10 : memref<!tpu.dma_semaphore, #tpu.memory_space<semaphore_mem>>)
    %dma_start3A_468 = arith.constant 19 : i32
    %dma_start3A_469 = arith.constant 1 : i32
    %dma_start3A_470 = arith.constant 0 : i32
    %dma_start3A_471 = arith.constant 0 : i32
    %dma_start3A_472 = tpu.memref_slice %arg8[%dma_start3A_469, %dma_start3A_470, %dma_start3A_471] : memref<3x128x128xf32, #tpu.memory_space<vmem>> -> memref<1x128x128xf32, #tpu.memory_space<vmem>>
    %dma_start3A_473 = tpu.memref_squeeze %dma_start3A_472 : memref<1x128x128xf32, #tpu.memory_space<vmem>> -> memref<128x128xf32, #tpu.memory_space<vmem>>
    %dma_start3A_474 = arith.constant 0 : i32
    %dma_start3A_475 = tpu.memref_slice %arg6[%dma_start3A_468, %dma_start3A_474] : memref<25x128xi32, #tpu.memory_space<vmem>> -> memref<1x128xi32, #tpu.memory_space<vmem>>
    %dma_start3A_476 = tpu.memref_squeeze %dma_start3A_475 : memref<1x128xi32, #tpu.memory_space<vmem>> -> memref<128xi32, #tpu.memory_space<vmem>>
    %dma_start3A_477 = arith.constant 0 : i32
    %dma_start3A_478 = arith.constant 0 : i32
    %dma_start3A_479 = tpu.memref_slice %arg3[%dma_start3A_477, %dma_start3A_478] : memref<16384x128xf32, #tpu.memory_space<hbm>> -> memref<16384x128xf32, #tpu.memory_space<hbm>>
    tpu.enqueue_indirect_dma source(%dma_start3A_479 : memref<16384x128xf32, #tpu.memory_space<hbm>>) target(%dma_start3A_473 : memref<128x128xf32, #tpu.memory_space<vmem>>) offsets(%dma_start3A_476 : memref<128xi32, #tpu.memory_space<vmem>>) semaphore(%arg10 : memref<!tpu.dma_semaphore, #tpu.memory_space<semaphore_mem>>)
    %dma_start3A_480 = arith.constant 20 : i32
    %dma_start3A_481 = arith.constant 2 : i32
    %dma_start3A_482 = arith.constant 0 : i32
    %dma_start3A_483 = arith.constant 0 : i32
    %dma_start3A_484 = tpu.memref_slice %arg8[%dma_start3A_481, %dma_start3A_482, %dma_start3A_483] : memref<3x128x128xf32, #tpu.memory_space<vmem>> -> memref<1x128x128xf32, #tpu.memory_space<vmem>>
    %dma_start3A_485 = tpu.memref_squeeze %dma_start3A_484 : memref<1x128x128xf32, #tpu.memory_space<vmem>> -> memref<128x128xf32, #tpu.memory_space<vmem>>
    %dma_start3A_486 = arith.constant 0 : i32
    %dma_start3A_487 = tpu.memref_slice %arg6[%dma_start3A_480, %dma_start3A_486] : memref<25x128xi32, #tpu.memory_space<vmem>> -> memref<1x128xi32, #tpu.memory_space<vmem>>
    %dma_start3A_488 = tpu.memref_squeeze %dma_start3A_487 : memref<1x128xi32, #tpu.memory_space<vmem>> -> memref<128xi32, #tpu.memory_space<vmem>>
    %dma_start3A_489 = arith.constant 0 : i32
    %dma_start3A_490 = arith.constant 0 : i32
    %dma_start3A_491 = tpu.memref_slice %arg3[%dma_start3A_489, %dma_start3A_490] : memref<16384x128xf32, #tpu.memory_space<hbm>> -> memref<16384x128xf32, #tpu.memory_space<hbm>>
    tpu.enqueue_indirect_dma source(%dma_start3A_491 : memref<16384x128xf32, #tpu.memory_space<hbm>>) target(%dma_start3A_485 : memref<128x128xf32, #tpu.memory_space<vmem>>) offsets(%dma_start3A_488 : memref<128xi32, #tpu.memory_space<vmem>>) semaphore(%arg10 : memref<!tpu.dma_semaphore, #tpu.memory_space<semaphore_mem>>)
    %dma_wait3A_492 = arith.constant 14 : i32
    %dma_wait3A_493 = arith.constant 0 : i32
    %dma_wait3A_494 = arith.constant 0 : i32
    %dma_wait3A_495 = arith.constant 0 : i32
    %dma_wait3A_496 = tpu.memref_slice %arg7[%dma_wait3A_493, %dma_wait3A_494, %dma_wait3A_495] : memref<4x128x128xf32, #tpu.memory_space<vmem>> -> memref<1x128x128xf32, #tpu.memory_space<vmem>>
    %dma_wait3A_497 = tpu.memref_squeeze %dma_wait3A_496 : memref<1x128x128xf32, #tpu.memory_space<vmem>> -> memref<128x128xf32, #tpu.memory_space<vmem>>
    %dma_wait3A_498 = arith.constant 0 : i32
    %dma_wait3A_499 = tpu.memref_slice %arg6[%dma_wait3A_492, %dma_wait3A_498] : memref<25x128xi32, #tpu.memory_space<vmem>> -> memref<1x128xi32, #tpu.memory_space<vmem>>
    %dma_wait3A_500 = tpu.memref_squeeze %dma_wait3A_499 : memref<1x128xi32, #tpu.memory_space<vmem>> -> memref<128xi32, #tpu.memory_space<vmem>>
    %dma_wait3A_501 = arith.constant 0 : i32
    %dma_wait3A_502 = arith.constant 0 : i32
    %dma_wait3A_503 = tpu.memref_slice %arg3[%dma_wait3A_501, %dma_wait3A_502] : memref<16384x128xf32, #tpu.memory_space<hbm>> -> memref<16384x128xf32, #tpu.memory_space<hbm>>
    tpu.wait_indirect_dma semaphore(%arg9 : memref<!tpu.dma_semaphore, #tpu.memory_space<semaphore_mem>>) src(%dma_wait3A_503 : memref<16384x128xf32, #tpu.memory_space<hbm>>) dst(%dma_wait3A_497 : memref<128x128xf32, #tpu.memory_space<vmem>>)
    %dma_wait3A_504 = arith.constant 15 : i32
    %dma_wait3A_505 = arith.constant 1 : i32
    %dma_wait3A_506 = arith.constant 0 : i32
    %dma_wait3A_507 = arith.constant 0 : i32
    %dma_wait3A_508 = tpu.memref_slice %arg7[%dma_wait3A_505, %dma_wait3A_506, %dma_wait3A_507] : memref<4x128x128xf32, #tpu.memory_space<vmem>> -> memref<1x128x128xf32, #tpu.memory_space<vmem>>
    %dma_wait3A_509 = tpu.memref_squeeze %dma_wait3A_508 : memref<1x128x128xf32, #tpu.memory_space<vmem>> -> memref<128x128xf32, #tpu.memory_space<vmem>>
    %dma_wait3A_510 = arith.constant 0 : i32
    %dma_wait3A_511 = tpu.memref_slice %arg6[%dma_wait3A_504, %dma_wait3A_510] : memref<25x128xi32, #tpu.memory_space<vmem>> -> memref<1x128xi32, #tpu.memory_space<vmem>>
    %dma_wait3A_512 = tpu.memref_squeeze %dma_wait3A_511 : memref<1x128xi32, #tpu.memory_space<vmem>> -> memref<128xi32, #tpu.memory_space<vmem>>
    %dma_wait3A_513 = arith.constant 0 : i32
    %dma_wait3A_514 = arith.constant 0 : i32
    %dma_wait3A_515 = tpu.memref_slice %arg3[%dma_wait3A_513, %dma_wait3A_514] : memref<16384x128xf32, #tpu.memory_space<hbm>> -> memref<16384x128xf32, #tpu.memory_space<hbm>>
    tpu.wait_indirect_dma semaphore(%arg9 : memref<!tpu.dma_semaphore, #tpu.memory_space<semaphore_mem>>) src(%dma_wait3A_515 : memref<16384x128xf32, #tpu.memory_space<hbm>>) dst(%dma_wait3A_509 : memref<128x128xf32, #tpu.memory_space<vmem>>)
    %dma_wait3A_516 = arith.constant 16 : i32
    %dma_wait3A_517 = arith.constant 2 : i32
    %dma_wait3A_518 = arith.constant 0 : i32
    %dma_wait3A_519 = arith.constant 0 : i32
    %dma_wait3A_520 = tpu.memref_slice %arg7[%dma_wait3A_517, %dma_wait3A_518, %dma_wait3A_519] : memref<4x128x128xf32, #tpu.memory_space<vmem>> -> memref<1x128x128xf32, #tpu.memory_space<vmem>>
    %dma_wait3A_521 = tpu.memref_squeeze %dma_wait3A_520 : memref<1x128x128xf32, #tpu.memory_space<vmem>> -> memref<128x128xf32, #tpu.memory_space<vmem>>
    %dma_wait3A_522 = arith.constant 0 : i32
    %dma_wait3A_523 = tpu.memref_slice %arg6[%dma_wait3A_516, %dma_wait3A_522] : memref<25x128xi32, #tpu.memory_space<vmem>> -> memref<1x128xi32, #tpu.memory_space<vmem>>
    %dma_wait3A_524 = tpu.memref_squeeze %dma_wait3A_523 : memref<1x128xi32, #tpu.memory_space<vmem>> -> memref<128xi32, #tpu.memory_space<vmem>>
    %dma_wait3A_525 = arith.constant 0 : i32
    %dma_wait3A_526 = arith.constant 0 : i32
    %dma_wait3A_527 = tpu.memref_slice %arg3[%dma_wait3A_525, %dma_wait3A_526] : memref<16384x128xf32, #tpu.memory_space<hbm>> -> memref<16384x128xf32, #tpu.memory_space<hbm>>
    tpu.wait_indirect_dma semaphore(%arg9 : memref<!tpu.dma_semaphore, #tpu.memory_space<semaphore_mem>>) src(%dma_wait3A_527 : memref<16384x128xf32, #tpu.memory_space<hbm>>) dst(%dma_wait3A_521 : memref<128x128xf32, #tpu.memory_space<vmem>>)
    %dma_wait3A_528 = arith.constant 17 : i32
    %dma_wait3A_529 = arith.constant 3 : i32
    %dma_wait3A_530 = arith.constant 0 : i32
    %dma_wait3A_531 = arith.constant 0 : i32
    %dma_wait3A_532 = tpu.memref_slice %arg7[%dma_wait3A_529, %dma_wait3A_530, %dma_wait3A_531] : memref<4x128x128xf32, #tpu.memory_space<vmem>> -> memref<1x128x128xf32, #tpu.memory_space<vmem>>
    %dma_wait3A_533 = tpu.memref_squeeze %dma_wait3A_532 : memref<1x128x128xf32, #tpu.memory_space<vmem>> -> memref<128x128xf32, #tpu.memory_space<vmem>>
    %dma_wait3A_534 = arith.constant 0 : i32
    %dma_wait3A_535 = tpu.memref_slice %arg6[%dma_wait3A_528, %dma_wait3A_534] : memref<25x128xi32, #tpu.memory_space<vmem>> -> memref<1x128xi32, #tpu.memory_space<vmem>>
    %dma_wait3A_536 = tpu.memref_squeeze %dma_wait3A_535 : memref<1x128xi32, #tpu.memory_space<vmem>> -> memref<128xi32, #tpu.memory_space<vmem>>
    %dma_wait3A_537 = arith.constant 0 : i32
    %dma_wait3A_538 = arith.constant 0 : i32
    %dma_wait3A_539 = tpu.memref_slice %arg3[%dma_wait3A_537, %dma_wait3A_538] : memref<16384x128xf32, #tpu.memory_space<hbm>> -> memref<16384x128xf32, #tpu.memory_space<hbm>>
    tpu.wait_indirect_dma semaphore(%arg9 : memref<!tpu.dma_semaphore, #tpu.memory_space<semaphore_mem>>) src(%dma_wait3A_539 : memref<16384x128xf32, #tpu.memory_space<hbm>>) dst(%dma_wait3A_533 : memref<128x128xf32, #tpu.memory_space<vmem>>)
    %add3A_540 = arith.constant 14 : i32
    %add3A_541 = arith.addi %mul3A_2, %add3A_540 : i32
    %dma_start3A_542 = arith.constant 0 : i32
    %dma_start3A_543 = arith.constant 0 : i32
    %dma_start3A_544 = tpu.memref_slice %arg4[%add3A_541, %dma_start3A_542, %dma_start3A_543] : memref<800x128x128xf32, #tpu.memory_space<hbm>> -> memref<4x128x128xf32, #tpu.memory_space<hbm>>
    %dma_start3A_545 = arith.constant 0 : i32
    %dma_start3A_546 = arith.constant 0 : i32
    %dma_start3A_547 = tpu.memref_slice %arg4[%add3A_541, %dma_start3A_545, %dma_start3A_546] : memref<800x128x128xf32, #tpu.memory_space<hbm>> -> memref<4x128x128xf32, #tpu.memory_space<hbm>>
    tpu.enqueue_dma source(%arg7 : memref<4x128x128xf32, #tpu.memory_space<vmem>>) target(%dma_start3A_547 : memref<4x128x128xf32, #tpu.memory_space<hbm>>) target_semaphore(%arg11 : memref<!tpu.dma_semaphore, #tpu.memory_space<semaphore_mem>>)
    %add3A_548 = arith.constant 14 : i32
    %add3A_549 = arith.addi %mul3A_2, %add3A_548 : i32
    %dma_wait3A_550 = arith.constant 0 : i32
    %dma_wait3A_551 = arith.constant 0 : i32
    %dma_wait3A_552 = tpu.memref_slice %arg4[%add3A_549, %dma_wait3A_550, %dma_wait3A_551] : memref<800x128x128xf32, #tpu.memory_space<hbm>> -> memref<4x128x128xf32, #tpu.memory_space<hbm>>
    %dma_wait3A_553 = arith.constant 0 : i32
    %dma_wait3A_554 = arith.constant 0 : i32
    %dma_wait3A_555 = tpu.memref_slice %arg4[%add3A_549, %dma_wait3A_553, %dma_wait3A_554] : memref<800x128x128xf32, #tpu.memory_space<hbm>> -> memref<4x128x128xf32, #tpu.memory_space<hbm>>
    tpu.wait_dma2 semaphore(%arg11 : memref<!tpu.dma_semaphore, #tpu.memory_space<semaphore_mem>>) src(%arg7 : memref<4x128x128xf32, #tpu.memory_space<vmem>>) dst(%dma_wait3A_555 : memref<4x128x128xf32, #tpu.memory_space<hbm>>)
    %dma_start3A_556 = arith.constant 21 : i32
    %dma_start3A_557 = arith.constant 0 : i32
    %dma_start3A_558 = arith.constant 0 : i32
    %dma_start3A_559 = arith.constant 0 : i32
    %dma_start3A_560 = tpu.memref_slice %arg7[%dma_start3A_557, %dma_start3A_558, %dma_start3A_559] : memref<4x128x128xf32, #tpu.memory_space<vmem>> -> memref<1x128x128xf32, #tpu.memory_space<vmem>>
    %dma_start3A_561 = tpu.memref_squeeze %dma_start3A_560 : memref<1x128x128xf32, #tpu.memory_space<vmem>> -> memref<128x128xf32, #tpu.memory_space<vmem>>
    %dma_start3A_562 = arith.constant 0 : i32
    %dma_start3A_563 = tpu.memref_slice %arg6[%dma_start3A_556, %dma_start3A_562] : memref<25x128xi32, #tpu.memory_space<vmem>> -> memref<1x128xi32, #tpu.memory_space<vmem>>
    %dma_start3A_564 = tpu.memref_squeeze %dma_start3A_563 : memref<1x128xi32, #tpu.memory_space<vmem>> -> memref<128xi32, #tpu.memory_space<vmem>>
    %dma_start3A_565 = arith.constant 0 : i32
    %dma_start3A_566 = arith.constant 0 : i32
    %dma_start3A_567 = tpu.memref_slice %arg3[%dma_start3A_565, %dma_start3A_566] : memref<16384x128xf32, #tpu.memory_space<hbm>> -> memref<16384x128xf32, #tpu.memory_space<hbm>>
    tpu.enqueue_indirect_dma source(%dma_start3A_567 : memref<16384x128xf32, #tpu.memory_space<hbm>>) target(%dma_start3A_561 : memref<128x128xf32, #tpu.memory_space<vmem>>) offsets(%dma_start3A_564 : memref<128xi32, #tpu.memory_space<vmem>>) semaphore(%arg9 : memref<!tpu.dma_semaphore, #tpu.memory_space<semaphore_mem>>)
    %dma_start3A_568 = arith.constant 22 : i32
    %dma_start3A_569 = arith.constant 1 : i32
    %dma_start3A_570 = arith.constant 0 : i32
    %dma_start3A_571 = arith.constant 0 : i32
    %dma_start3A_572 = tpu.memref_slice %arg7[%dma_start3A_569, %dma_start3A_570, %dma_start3A_571] : memref<4x128x128xf32, #tpu.memory_space<vmem>> -> memref<1x128x128xf32, #tpu.memory_space<vmem>>
    %dma_start3A_573 = tpu.memref_squeeze %dma_start3A_572 : memref<1x128x128xf32, #tpu.memory_space<vmem>> -> memref<128x128xf32, #tpu.memory_space<vmem>>
    %dma_start3A_574 = arith.constant 0 : i32
    %dma_start3A_575 = tpu.memref_slice %arg6[%dma_start3A_568, %dma_start3A_574] : memref<25x128xi32, #tpu.memory_space<vmem>> -> memref<1x128xi32, #tpu.memory_space<vmem>>
    %dma_start3A_576 = tpu.memref_squeeze %dma_start3A_575 : memref<1x128xi32, #tpu.memory_space<vmem>> -> memref<128xi32, #tpu.memory_space<vmem>>
    %dma_start3A_577 = arith.constant 0 : i32
    %dma_start3A_578 = arith.constant 0 : i32
    %dma_start3A_579 = tpu.memref_slice %arg3[%dma_start3A_577, %dma_start3A_578] : memref<16384x128xf32, #tpu.memory_space<hbm>> -> memref<16384x128xf32, #tpu.memory_space<hbm>>
    tpu.enqueue_indirect_dma source(%dma_start3A_579 : memref<16384x128xf32, #tpu.memory_space<hbm>>) target(%dma_start3A_573 : memref<128x128xf32, #tpu.memory_space<vmem>>) offsets(%dma_start3A_576 : memref<128xi32, #tpu.memory_space<vmem>>) semaphore(%arg9 : memref<!tpu.dma_semaphore, #tpu.memory_space<semaphore_mem>>)
    %dma_start3A_580 = arith.constant 23 : i32
    %dma_start3A_581 = arith.constant 2 : i32
    %dma_start3A_582 = arith.constant 0 : i32
    %dma_start3A_583 = arith.constant 0 : i32
    %dma_start3A_584 = tpu.memref_slice %arg7[%dma_start3A_581, %dma_start3A_582, %dma_start3A_583] : memref<4x128x128xf32, #tpu.memory_space<vmem>> -> memref<1x128x128xf32, #tpu.memory_space<vmem>>
    %dma_start3A_585 = tpu.memref_squeeze %dma_start3A_584 : memref<1x128x128xf32, #tpu.memory_space<vmem>> -> memref<128x128xf32, #tpu.memory_space<vmem>>
    %dma_start3A_586 = arith.constant 0 : i32
    %dma_start3A_587 = tpu.memref_slice %arg6[%dma_start3A_580, %dma_start3A_586] : memref<25x128xi32, #tpu.memory_space<vmem>> -> memref<1x128xi32, #tpu.memory_space<vmem>>
    %dma_start3A_588 = tpu.memref_squeeze %dma_start3A_587 : memref<1x128xi32, #tpu.memory_space<vmem>> -> memref<128xi32, #tpu.memory_space<vmem>>
    %dma_start3A_589 = arith.constant 0 : i32
    %dma_start3A_590 = arith.constant 0 : i32
    %dma_start3A_591 = tpu.memref_slice %arg3[%dma_start3A_589, %dma_start3A_590] : memref<16384x128xf32, #tpu.memory_space<hbm>> -> memref<16384x128xf32, #tpu.memory_space<hbm>>
    tpu.enqueue_indirect_dma source(%dma_start3A_591 : memref<16384x128xf32, #tpu.memory_space<hbm>>) target(%dma_start3A_585 : memref<128x128xf32, #tpu.memory_space<vmem>>) offsets(%dma_start3A_588 : memref<128xi32, #tpu.memory_space<vmem>>) semaphore(%arg9 : memref<!tpu.dma_semaphore, #tpu.memory_space<semaphore_mem>>)
    %dma_start3A_592 = arith.constant 24 : i32
    %dma_start3A_593 = arith.constant 3 : i32
    %dma_start3A_594 = arith.constant 0 : i32
    %dma_start3A_595 = arith.constant 0 : i32
    %dma_start3A_596 = tpu.memref_slice %arg7[%dma_start3A_593, %dma_start3A_594, %dma_start3A_595] : memref<4x128x128xf32, #tpu.memory_space<vmem>> -> memref<1x128x128xf32, #tpu.memory_space<vmem>>
    %dma_start3A_597 = tpu.memref_squeeze %dma_start3A_596 : memref<1x128x128xf32, #tpu.memory_space<vmem>> -> memref<128x128xf32, #tpu.memory_space<vmem>>
    %dma_start3A_598 = arith.constant 0 : i32
    %dma_start3A_599 = tpu.memref_slice %arg6[%dma_start3A_592, %dma_start3A_598] : memref<25x128xi32, #tpu.memory_space<vmem>> -> memref<1x128xi32, #tpu.memory_space<vmem>>
    %dma_start3A_600 = tpu.memref_squeeze %dma_start3A_599 : memref<1x128xi32, #tpu.memory_space<vmem>> -> memref<128xi32, #tpu.memory_space<vmem>>
    %dma_start3A_601 = arith.constant 0 : i32
    %dma_start3A_602 = arith.constant 0 : i32
    %dma_start3A_603 = tpu.memref_slice %arg3[%dma_start3A_601, %dma_start3A_602] : memref<16384x128xf32, #tpu.memory_space<hbm>> -> memref<16384x128xf32, #tpu.memory_space<hbm>>
    tpu.enqueue_indirect_dma source(%dma_start3A_603 : memref<16384x128xf32, #tpu.memory_space<hbm>>) target(%dma_start3A_597 : memref<128x128xf32, #tpu.memory_space<vmem>>) offsets(%dma_start3A_600 : memref<128xi32, #tpu.memory_space<vmem>>) semaphore(%arg9 : memref<!tpu.dma_semaphore, #tpu.memory_space<semaphore_mem>>)
    %dma_wait3A_604 = arith.constant 18 : i32
    %dma_wait3A_605 = arith.constant 0 : i32
    %dma_wait3A_606 = arith.constant 0 : i32
    %dma_wait3A_607 = arith.constant 0 : i32
    %dma_wait3A_608 = tpu.memref_slice %arg8[%dma_wait3A_605, %dma_wait3A_606, %dma_wait3A_607] : memref<3x128x128xf32, #tpu.memory_space<vmem>> -> memref<1x128x128xf32, #tpu.memory_space<vmem>>
    %dma_wait3A_609 = tpu.memref_squeeze %dma_wait3A_608 : memref<1x128x128xf32, #tpu.memory_space<vmem>> -> memref<128x128xf32, #tpu.memory_space<vmem>>
    %dma_wait3A_610 = arith.constant 0 : i32
    %dma_wait3A_611 = tpu.memref_slice %arg6[%dma_wait3A_604, %dma_wait3A_610] : memref<25x128xi32, #tpu.memory_space<vmem>> -> memref<1x128xi32, #tpu.memory_space<vmem>>
    %dma_wait3A_612 = tpu.memref_squeeze %dma_wait3A_611 : memref<1x128xi32, #tpu.memory_space<vmem>> -> memref<128xi32, #tpu.memory_space<vmem>>
    %dma_wait3A_613 = arith.constant 0 : i32
    %dma_wait3A_614 = arith.constant 0 : i32
    %dma_wait3A_615 = tpu.memref_slice %arg3[%dma_wait3A_613, %dma_wait3A_614] : memref<16384x128xf32, #tpu.memory_space<hbm>> -> memref<16384x128xf32, #tpu.memory_space<hbm>>
    tpu.wait_indirect_dma semaphore(%arg10 : memref<!tpu.dma_semaphore, #tpu.memory_space<semaphore_mem>>) src(%dma_wait3A_615 : memref<16384x128xf32, #tpu.memory_space<hbm>>) dst(%dma_wait3A_609 : memref<128x128xf32, #tpu.memory_space<vmem>>)
    %dma_wait3A_616 = arith.constant 19 : i32
    %dma_wait3A_617 = arith.constant 1 : i32
    %dma_wait3A_618 = arith.constant 0 : i32
    %dma_wait3A_619 = arith.constant 0 : i32
    %dma_wait3A_620 = tpu.memref_slice %arg8[%dma_wait3A_617, %dma_wait3A_618, %dma_wait3A_619] : memref<3x128x128xf32, #tpu.memory_space<vmem>> -> memref<1x128x128xf32, #tpu.memory_space<vmem>>
    %dma_wait3A_621 = tpu.memref_squeeze %dma_wait3A_620 : memref<1x128x128xf32, #tpu.memory_space<vmem>> -> memref<128x128xf32, #tpu.memory_space<vmem>>
    %dma_wait3A_622 = arith.constant 0 : i32
    %dma_wait3A_623 = tpu.memref_slice %arg6[%dma_wait3A_616, %dma_wait3A_622] : memref<25x128xi32, #tpu.memory_space<vmem>> -> memref<1x128xi32, #tpu.memory_space<vmem>>
    %dma_wait3A_624 = tpu.memref_squeeze %dma_wait3A_623 : memref<1x128xi32, #tpu.memory_space<vmem>> -> memref<128xi32, #tpu.memory_space<vmem>>
    %dma_wait3A_625 = arith.constant 0 : i32
    %dma_wait3A_626 = arith.constant 0 : i32
    %dma_wait3A_627 = tpu.memref_slice %arg3[%dma_wait3A_625, %dma_wait3A_626] : memref<16384x128xf32, #tpu.memory_space<hbm>> -> memref<16384x128xf32, #tpu.memory_space<hbm>>
    tpu.wait_indirect_dma semaphore(%arg10 : memref<!tpu.dma_semaphore, #tpu.memory_space<semaphore_mem>>) src(%dma_wait3A_627 : memref<16384x128xf32, #tpu.memory_space<hbm>>) dst(%dma_wait3A_621 : memref<128x128xf32, #tpu.memory_space<vmem>>)
    %dma_wait3A_628 = arith.constant 20 : i32
    %dma_wait3A_629 = arith.constant 2 : i32
    %dma_wait3A_630 = arith.constant 0 : i32
    %dma_wait3A_631 = arith.constant 0 : i32
    %dma_wait3A_632 = tpu.memref_slice %arg8[%dma_wait3A_629, %dma_wait3A_630, %dma_wait3A_631] : memref<3x128x128xf32, #tpu.memory_space<vmem>> -> memref<1x128x128xf32, #tpu.memory_space<vmem>>
    %dma_wait3A_633 = tpu.memref_squeeze %dma_wait3A_632 : memref<1x128x128xf32, #tpu.memory_space<vmem>> -> memref<128x128xf32, #tpu.memory_space<vmem>>
    %dma_wait3A_634 = arith.constant 0 : i32
    %dma_wait3A_635 = tpu.memref_slice %arg6[%dma_wait3A_628, %dma_wait3A_634] : memref<25x128xi32, #tpu.memory_space<vmem>> -> memref<1x128xi32, #tpu.memory_space<vmem>>
    %dma_wait3A_636 = tpu.memref_squeeze %dma_wait3A_635 : memref<1x128xi32, #tpu.memory_space<vmem>> -> memref<128xi32, #tpu.memory_space<vmem>>
    %dma_wait3A_637 = arith.constant 0 : i32
    %dma_wait3A_638 = arith.constant 0 : i32
    %dma_wait3A_639 = tpu.memref_slice %arg3[%dma_wait3A_637, %dma_wait3A_638] : memref<16384x128xf32, #tpu.memory_space<hbm>> -> memref<16384x128xf32, #tpu.memory_space<hbm>>
    tpu.wait_indirect_dma semaphore(%arg10 : memref<!tpu.dma_semaphore, #tpu.memory_space<semaphore_mem>>) src(%dma_wait3A_639 : memref<16384x128xf32, #tpu.memory_space<hbm>>) dst(%dma_wait3A_633 : memref<128x128xf32, #tpu.memory_space<vmem>>)
    %add3A_640 = arith.constant 18 : i32
    %add3A_641 = arith.addi %mul3A_2, %add3A_640 : i32
    %dma_start3A_642 = arith.constant 0 : i32
    %dma_start3A_643 = arith.constant 0 : i32
    %dma_start3A_644 = tpu.memref_slice %arg4[%add3A_641, %dma_start3A_642, %dma_start3A_643] : memref<800x128x128xf32, #tpu.memory_space<hbm>> -> memref<3x128x128xf32, #tpu.memory_space<hbm>>
    %dma_start3A_645 = arith.constant 0 : i32
    %dma_start3A_646 = arith.constant 0 : i32
    %dma_start3A_647 = tpu.memref_slice %arg4[%add3A_641, %dma_start3A_645, %dma_start3A_646] : memref<800x128x128xf32, #tpu.memory_space<hbm>> -> memref<3x128x128xf32, #tpu.memory_space<hbm>>
    tpu.enqueue_dma source(%arg8 : memref<3x128x128xf32, #tpu.memory_space<vmem>>) target(%dma_start3A_647 : memref<3x128x128xf32, #tpu.memory_space<hbm>>) target_semaphore(%arg12 : memref<!tpu.dma_semaphore, #tpu.memory_space<semaphore_mem>>)
    %dma_wait3A_648 = arith.constant 21 : i32
    %dma_wait3A_649 = arith.constant 0 : i32
    %dma_wait3A_650 = arith.constant 0 : i32
    %dma_wait3A_651 = arith.constant 0 : i32
    %dma_wait3A_652 = tpu.memref_slice %arg7[%dma_wait3A_649, %dma_wait3A_650, %dma_wait3A_651] : memref<4x128x128xf32, #tpu.memory_space<vmem>> -> memref<1x128x128xf32, #tpu.memory_space<vmem>>
    %dma_wait3A_653 = tpu.memref_squeeze %dma_wait3A_652 : memref<1x128x128xf32, #tpu.memory_space<vmem>> -> memref<128x128xf32, #tpu.memory_space<vmem>>
    %dma_wait3A_654 = arith.constant 0 : i32
    %dma_wait3A_655 = tpu.memref_slice %arg6[%dma_wait3A_648, %dma_wait3A_654] : memref<25x128xi32, #tpu.memory_space<vmem>> -> memref<1x128xi32, #tpu.memory_space<vmem>>
    %dma_wait3A_656 = tpu.memref_squeeze %dma_wait3A_655 : memref<1x128xi32, #tpu.memory_space<vmem>> -> memref<128xi32, #tpu.memory_space<vmem>>
    %dma_wait3A_657 = arith.constant 0 : i32
    %dma_wait3A_658 = arith.constant 0 : i32
    %dma_wait3A_659 = tpu.memref_slice %arg3[%dma_wait3A_657, %dma_wait3A_658] : memref<16384x128xf32, #tpu.memory_space<hbm>> -> memref<16384x128xf32, #tpu.memory_space<hbm>>
    tpu.wait_indirect_dma semaphore(%arg9 : memref<!tpu.dma_semaphore, #tpu.memory_space<semaphore_mem>>) src(%dma_wait3A_659 : memref<16384x128xf32, #tpu.memory_space<hbm>>) dst(%dma_wait3A_653 : memref<128x128xf32, #tpu.memory_space<vmem>>)
    %dma_wait3A_660 = arith.constant 22 : i32
    %dma_wait3A_661 = arith.constant 1 : i32
    %dma_wait3A_662 = arith.constant 0 : i32
    %dma_wait3A_663 = arith.constant 0 : i32
    %dma_wait3A_664 = tpu.memref_slice %arg7[%dma_wait3A_661, %dma_wait3A_662, %dma_wait3A_663] : memref<4x128x128xf32, #tpu.memory_space<vmem>> -> memref<1x128x128xf32, #tpu.memory_space<vmem>>
    %dma_wait3A_665 = tpu.memref_squeeze %dma_wait3A_664 : memref<1x128x128xf32, #tpu.memory_space<vmem>> -> memref<128x128xf32, #tpu.memory_space<vmem>>
    %dma_wait3A_666 = arith.constant 0 : i32
    %dma_wait3A_667 = tpu.memref_slice %arg6[%dma_wait3A_660, %dma_wait3A_666] : memref<25x128xi32, #tpu.memory_space<vmem>> -> memref<1x128xi32, #tpu.memory_space<vmem>>
    %dma_wait3A_668 = tpu.memref_squeeze %dma_wait3A_667 : memref<1x128xi32, #tpu.memory_space<vmem>> -> memref<128xi32, #tpu.memory_space<vmem>>
    %dma_wait3A_669 = arith.constant 0 : i32
    %dma_wait3A_670 = arith.constant 0 : i32
    %dma_wait3A_671 = tpu.memref_slice %arg3[%dma_wait3A_669, %dma_wait3A_670] : memref<16384x128xf32, #tpu.memory_space<hbm>> -> memref<16384x128xf32, #tpu.memory_space<hbm>>
    tpu.wait_indirect_dma semaphore(%arg9 : memref<!tpu.dma_semaphore, #tpu.memory_space<semaphore_mem>>) src(%dma_wait3A_671 : memref<16384x128xf32, #tpu.memory_space<hbm>>) dst(%dma_wait3A_665 : memref<128x128xf32, #tpu.memory_space<vmem>>)
    %dma_wait3A_672 = arith.constant 23 : i32
    %dma_wait3A_673 = arith.constant 2 : i32
    %dma_wait3A_674 = arith.constant 0 : i32
    %dma_wait3A_675 = arith.constant 0 : i32
    %dma_wait3A_676 = tpu.memref_slice %arg7[%dma_wait3A_673, %dma_wait3A_674, %dma_wait3A_675] : memref<4x128x128xf32, #tpu.memory_space<vmem>> -> memref<1x128x128xf32, #tpu.memory_space<vmem>>
    %dma_wait3A_677 = tpu.memref_squeeze %dma_wait3A_676 : memref<1x128x128xf32, #tpu.memory_space<vmem>> -> memref<128x128xf32, #tpu.memory_space<vmem>>
    %dma_wait3A_678 = arith.constant 0 : i32
    %dma_wait3A_679 = tpu.memref_slice %arg6[%dma_wait3A_672, %dma_wait3A_678] : memref<25x128xi32, #tpu.memory_space<vmem>> -> memref<1x128xi32, #tpu.memory_space<vmem>>
    %dma_wait3A_680 = tpu.memref_squeeze %dma_wait3A_679 : memref<1x128xi32, #tpu.memory_space<vmem>> -> memref<128xi32, #tpu.memory_space<vmem>>
    %dma_wait3A_681 = arith.constant 0 : i32
    %dma_wait3A_682 = arith.constant 0 : i32
    %dma_wait3A_683 = tpu.memref_slice %arg3[%dma_wait3A_681, %dma_wait3A_682] : memref<16384x128xf32, #tpu.memory_space<hbm>> -> memref<16384x128xf32, #tpu.memory_space<hbm>>
    tpu.wait_indirect_dma semaphore(%arg9 : memref<!tpu.dma_semaphore, #tpu.memory_space<semaphore_mem>>) src(%dma_wait3A_683 : memref<16384x128xf32, #tpu.memory_space<hbm>>) dst(%dma_wait3A_677 : memref<128x128xf32, #tpu.memory_space<vmem>>)
    %dma_wait3A_684 = arith.constant 24 : i32
    %dma_wait3A_685 = arith.constant 3 : i32
    %dma_wait3A_686 = arith.constant 0 : i32
    %dma_wait3A_687 = arith.constant 0 : i32
    %dma_wait3A_688 = tpu.memref_slice %arg7[%dma_wait3A_685, %dma_wait3A_686, %dma_wait3A_687] : memref<4x128x128xf32, #tpu.memory_space<vmem>> -> memref<1x128x128xf32, #tpu.memory_space<vmem>>
    %dma_wait3A_689 = tpu.memref_squeeze %dma_wait3A_688 : memref<1x128x128xf32, #tpu.memory_space<vmem>> -> memref<128x128xf32, #tpu.memory_space<vmem>>
    %dma_wait3A_690 = arith.constant 0 : i32
    %dma_wait3A_691 = tpu.memref_slice %arg6[%dma_wait3A_684, %dma_wait3A_690] : memref<25x128xi32, #tpu.memory_space<vmem>> -> memref<1x128xi32, #tpu.memory_space<vmem>>
    %dma_wait3A_692 = tpu.memref_squeeze %dma_wait3A_691 : memref<1x128xi32, #tpu.memory_space<vmem>> -> memref<128xi32, #tpu.memory_space<vmem>>
    %dma_wait3A_693 = arith.constant 0 : i32
    %dma_wait3A_694 = arith.constant 0 : i32
    %dma_wait3A_695 = tpu.memref_slice %arg3[%dma_wait3A_693, %dma_wait3A_694] : memref<16384x128xf32, #tpu.memory_space<hbm>> -> memref<16384x128xf32, #tpu.memory_space<hbm>>
    tpu.wait_indirect_dma semaphore(%arg9 : memref<!tpu.dma_semaphore, #tpu.memory_space<semaphore_mem>>) src(%dma_wait3A_695 : memref<16384x128xf32, #tpu.memory_space<hbm>>) dst(%dma_wait3A_689 : memref<128x128xf32, #tpu.memory_space<vmem>>)
    %add3A_696 = arith.constant 21 : i32
    %add3A_697 = arith.addi %mul3A_2, %add3A_696 : i32
    %dma_start3A_698 = arith.constant 0 : i32
    %dma_start3A_699 = arith.constant 0 : i32
    %dma_start3A_700 = tpu.memref_slice %arg4[%add3A_697, %dma_start3A_698, %dma_start3A_699] : memref<800x128x128xf32, #tpu.memory_space<hbm>> -> memref<4x128x128xf32, #tpu.memory_space<hbm>>
    %dma_start3A_701 = arith.constant 0 : i32
    %dma_start3A_702 = arith.constant 0 : i32
    %dma_start3A_703 = tpu.memref_slice %arg4[%add3A_697, %dma_start3A_701, %dma_start3A_702] : memref<800x128x128xf32, #tpu.memory_space<hbm>> -> memref<4x128x128xf32, #tpu.memory_space<hbm>>
    tpu.enqueue_dma source(%arg7 : memref<4x128x128xf32, #tpu.memory_space<vmem>>) target(%dma_start3A_703 : memref<4x128x128xf32, #tpu.memory_space<hbm>>) target_semaphore(%arg11 : memref<!tpu.dma_semaphore, #tpu.memory_space<semaphore_mem>>)
    %add3A_704 = arith.constant 18 : i32
    %add3A_705 = arith.addi %mul3A_2, %add3A_704 : i32
    %dma_wait3A_706 = arith.constant 0 : i32
    %dma_wait3A_707 = arith.constant 0 : i32
    %dma_wait3A_708 = tpu.memref_slice %arg4[%add3A_705, %dma_wait3A_706, %dma_wait3A_707] : memref<800x128x128xf32, #tpu.memory_space<hbm>> -> memref<3x128x128xf32, #tpu.memory_space<hbm>>
    %dma_wait3A_709 = arith.constant 0 : i32
    %dma_wait3A_710 = arith.constant 0 : i32
    %dma_wait3A_711 = tpu.memref_slice %arg4[%add3A_705, %dma_wait3A_709, %dma_wait3A_710] : memref<800x128x128xf32, #tpu.memory_space<hbm>> -> memref<3x128x128xf32, #tpu.memory_space<hbm>>
    tpu.wait_dma2 semaphore(%arg12 : memref<!tpu.dma_semaphore, #tpu.memory_space<semaphore_mem>>) src(%arg8 : memref<3x128x128xf32, #tpu.memory_space<vmem>>) dst(%dma_wait3A_711 : memref<3x128x128xf32, #tpu.memory_space<hbm>>)
    %add3A_712 = arith.constant 21 : i32
    %add3A_713 = arith.addi %mul3A_2, %add3A_712 : i32
    %dma_wait3A_714 = arith.constant 0 : i32
    %dma_wait3A_715 = arith.constant 0 : i32
    %dma_wait3A_716 = tpu.memref_slice %arg4[%add3A_713, %dma_wait3A_714, %dma_wait3A_715] : memref<800x128x128xf32, #tpu.memory_space<hbm>> -> memref<4x128x128xf32, #tpu.memory_space<hbm>>
    %dma_wait3A_717 = arith.constant 0 : i32
    %dma_wait3A_718 = arith.constant 0 : i32
    %dma_wait3A_719 = tpu.memref_slice %arg4[%add3A_713, %dma_wait3A_717, %dma_wait3A_718] : memref<800x128x128xf32, #tpu.memory_space<hbm>> -> memref<4x128x128xf32, #tpu.memory_space<hbm>>
    tpu.wait_dma2 semaphore(%arg11 : memref<!tpu.dma_semaphore, #tpu.memory_space<semaphore_mem>>) src(%arg7 : memref<4x128x128xf32, #tpu.memory_space<vmem>>) dst(%dma_wait3A_719 : memref<4x128x128xf32, #tpu.memory_space<hbm>>)
    return
  }
}

module attributes {stable_mosaic.version = 14 : i64} {
  func.func @body(%arg0: memref<128xi32, #tpu.memory_space<smem>>, %arg1: memref<128x1xi32, #tpu.memory_space<vmem>>, %arg2: memref<128x1xi32, #tpu.memory_space<vmem>>, %arg3: memref<128x1xi32, #tpu.memory_space<vmem>>, %arg4: memref<100000x64xf32, #tpu.memory_space<hbm>>, %arg5: memref<14x16xf32, #tpu.memory_space<vmem>>, %arg6: memref<7x8xf32, #tpu.memory_space<vmem>>, %arg7: memref<2x4xf32, #tpu.memory_space<vmem>>, %arg8: memref<256x92xf32, #tpu.memory_space<vmem>>, %arg9: memref<1x256xf32, #tpu.memory_space<vmem>>, %arg10: memref<64x256xf32, #tpu.memory_space<vmem>>, %arg11: memref<1x64xf32, #tpu.memory_space<vmem>>, %arg12: memref<128x128x128xf32, #tpu.memory_space<vmem>>, %arg13: memref<128x64xf32, #tpu.memory_space<vmem>>, %arg14: memref<!tpu.dma_semaphore, #tpu.memory_space<semaphore_mem>>) attributes {dimension_semantics = [], scalar_prefetch = 0 : i64, scratch_operands = 2 : i64, tpu.core_type = #tpu.core_type<tc>} {
    %get3A = arith.constant 0 : index
    %get3A_0 = memref.load %arg0[%get3A] : memref<128xi32, #tpu.memory_space<smem>>
    %dma_start3A = arith.constant 0 : i32
    %dma_start3A_1 = arith.constant 0 : i32
    %dma_start3A_2 = tpu.memref_slice %arg13[%dma_start3A, %dma_start3A_1] : memref<128x64xf32, #tpu.memory_space<vmem>> -> memref<1x64xf32, #tpu.memory_space<vmem>>
    %dma_start3A_3 = arith.constant 0 : i32
    %dma_start3A_4 = tpu.memref_slice %arg4[%get3A_0, %dma_start3A_3] : memref<100000x64xf32, #tpu.memory_space<hbm>> -> memref<1x64xf32, #tpu.memory_space<hbm>>
    tpu.enqueue_dma source(%dma_start3A_4 : memref<1x64xf32, #tpu.memory_space<hbm>>) target(%dma_start3A_2 : memref<1x64xf32, #tpu.memory_space<vmem>>) target_semaphore(%arg14 : memref<!tpu.dma_semaphore, #tpu.memory_space<semaphore_mem>>)
    %get3A_5 = arith.constant 1 : index
    %get3A_6 = memref.load %arg0[%get3A_5] : memref<128xi32, #tpu.memory_space<smem>>
    %dma_start3A_7 = arith.constant 1 : i32
    %dma_start3A_8 = arith.constant 0 : i32
    %dma_start3A_9 = tpu.memref_slice %arg13[%dma_start3A_7, %dma_start3A_8] : memref<128x64xf32, #tpu.memory_space<vmem>> -> memref<1x64xf32, #tpu.memory_space<vmem>>
    %dma_start3A_10 = arith.constant 0 : i32
    %dma_start3A_11 = tpu.memref_slice %arg4[%get3A_6, %dma_start3A_10] : memref<100000x64xf32, #tpu.memory_space<hbm>> -> memref<1x64xf32, #tpu.memory_space<hbm>>
    tpu.enqueue_dma source(%dma_start3A_11 : memref<1x64xf32, #tpu.memory_space<hbm>>) target(%dma_start3A_9 : memref<1x64xf32, #tpu.memory_space<vmem>>) target_semaphore(%arg14 : memref<!tpu.dma_semaphore, #tpu.memory_space<semaphore_mem>>)
    %get3A_12 = arith.constant 2 : index
    %get3A_13 = memref.load %arg0[%get3A_12] : memref<128xi32, #tpu.memory_space<smem>>
    %dma_start3A_14 = arith.constant 2 : i32
    %dma_start3A_15 = arith.constant 0 : i32
    %dma_start3A_16 = tpu.memref_slice %arg13[%dma_start3A_14, %dma_start3A_15] : memref<128x64xf32, #tpu.memory_space<vmem>> -> memref<1x64xf32, #tpu.memory_space<vmem>>
    %dma_start3A_17 = arith.constant 0 : i32
    %dma_start3A_18 = tpu.memref_slice %arg4[%get3A_13, %dma_start3A_17] : memref<100000x64xf32, #tpu.memory_space<hbm>> -> memref<1x64xf32, #tpu.memory_space<hbm>>
    tpu.enqueue_dma source(%dma_start3A_18 : memref<1x64xf32, #tpu.memory_space<hbm>>) target(%dma_start3A_16 : memref<1x64xf32, #tpu.memory_space<vmem>>) target_semaphore(%arg14 : memref<!tpu.dma_semaphore, #tpu.memory_space<semaphore_mem>>)
    %get3A_19 = arith.constant 3 : index
    %get3A_20 = memref.load %arg0[%get3A_19] : memref<128xi32, #tpu.memory_space<smem>>
    %dma_start3A_21 = arith.constant 3 : i32
    %dma_start3A_22 = arith.constant 0 : i32
    %dma_start3A_23 = tpu.memref_slice %arg13[%dma_start3A_21, %dma_start3A_22] : memref<128x64xf32, #tpu.memory_space<vmem>> -> memref<1x64xf32, #tpu.memory_space<vmem>>
    %dma_start3A_24 = arith.constant 0 : i32
    %dma_start3A_25 = tpu.memref_slice %arg4[%get3A_20, %dma_start3A_24] : memref<100000x64xf32, #tpu.memory_space<hbm>> -> memref<1x64xf32, #tpu.memory_space<hbm>>
    tpu.enqueue_dma source(%dma_start3A_25 : memref<1x64xf32, #tpu.memory_space<hbm>>) target(%dma_start3A_23 : memref<1x64xf32, #tpu.memory_space<vmem>>) target_semaphore(%arg14 : memref<!tpu.dma_semaphore, #tpu.memory_space<semaphore_mem>>)
    %get3A_26 = arith.constant 4 : index
    %get3A_27 = memref.load %arg0[%get3A_26] : memref<128xi32, #tpu.memory_space<smem>>
    %dma_start3A_28 = arith.constant 4 : i32
    %dma_start3A_29 = arith.constant 0 : i32
    %dma_start3A_30 = tpu.memref_slice %arg13[%dma_start3A_28, %dma_start3A_29] : memref<128x64xf32, #tpu.memory_space<vmem>> -> memref<1x64xf32, #tpu.memory_space<vmem>>
    %dma_start3A_31 = arith.constant 0 : i32
    %dma_start3A_32 = tpu.memref_slice %arg4[%get3A_27, %dma_start3A_31] : memref<100000x64xf32, #tpu.memory_space<hbm>> -> memref<1x64xf32, #tpu.memory_space<hbm>>
    tpu.enqueue_dma source(%dma_start3A_32 : memref<1x64xf32, #tpu.memory_space<hbm>>) target(%dma_start3A_30 : memref<1x64xf32, #tpu.memory_space<vmem>>) target_semaphore(%arg14 : memref<!tpu.dma_semaphore, #tpu.memory_space<semaphore_mem>>)
    %get3A_33 = arith.constant 5 : index
    %get3A_34 = memref.load %arg0[%get3A_33] : memref<128xi32, #tpu.memory_space<smem>>
    %dma_start3A_35 = arith.constant 5 : i32
    %dma_start3A_36 = arith.constant 0 : i32
    %dma_start3A_37 = tpu.memref_slice %arg13[%dma_start3A_35, %dma_start3A_36] : memref<128x64xf32, #tpu.memory_space<vmem>> -> memref<1x64xf32, #tpu.memory_space<vmem>>
    %dma_start3A_38 = arith.constant 0 : i32
    %dma_start3A_39 = tpu.memref_slice %arg4[%get3A_34, %dma_start3A_38] : memref<100000x64xf32, #tpu.memory_space<hbm>> -> memref<1x64xf32, #tpu.memory_space<hbm>>
    tpu.enqueue_dma source(%dma_start3A_39 : memref<1x64xf32, #tpu.memory_space<hbm>>) target(%dma_start3A_37 : memref<1x64xf32, #tpu.memory_space<vmem>>) target_semaphore(%arg14 : memref<!tpu.dma_semaphore, #tpu.memory_space<semaphore_mem>>)
    %get3A_40 = arith.constant 6 : index
    %get3A_41 = memref.load %arg0[%get3A_40] : memref<128xi32, #tpu.memory_space<smem>>
    %dma_start3A_42 = arith.constant 6 : i32
    %dma_start3A_43 = arith.constant 0 : i32
    %dma_start3A_44 = tpu.memref_slice %arg13[%dma_start3A_42, %dma_start3A_43] : memref<128x64xf32, #tpu.memory_space<vmem>> -> memref<1x64xf32, #tpu.memory_space<vmem>>
    %dma_start3A_45 = arith.constant 0 : i32
    %dma_start3A_46 = tpu.memref_slice %arg4[%get3A_41, %dma_start3A_45] : memref<100000x64xf32, #tpu.memory_space<hbm>> -> memref<1x64xf32, #tpu.memory_space<hbm>>
    tpu.enqueue_dma source(%dma_start3A_46 : memref<1x64xf32, #tpu.memory_space<hbm>>) target(%dma_start3A_44 : memref<1x64xf32, #tpu.memory_space<vmem>>) target_semaphore(%arg14 : memref<!tpu.dma_semaphore, #tpu.memory_space<semaphore_mem>>)
    %get3A_47 = arith.constant 7 : index
    %get3A_48 = memref.load %arg0[%get3A_47] : memref<128xi32, #tpu.memory_space<smem>>
    %dma_start3A_49 = arith.constant 7 : i32
    %dma_start3A_50 = arith.constant 0 : i32
    %dma_start3A_51 = tpu.memref_slice %arg13[%dma_start3A_49, %dma_start3A_50] : memref<128x64xf32, #tpu.memory_space<vmem>> -> memref<1x64xf32, #tpu.memory_space<vmem>>
    %dma_start3A_52 = arith.constant 0 : i32
    %dma_start3A_53 = tpu.memref_slice %arg4[%get3A_48, %dma_start3A_52] : memref<100000x64xf32, #tpu.memory_space<hbm>> -> memref<1x64xf32, #tpu.memory_space<hbm>>
    tpu.enqueue_dma source(%dma_start3A_53 : memref<1x64xf32, #tpu.memory_space<hbm>>) target(%dma_start3A_51 : memref<1x64xf32, #tpu.memory_space<vmem>>) target_semaphore(%arg14 : memref<!tpu.dma_semaphore, #tpu.memory_space<semaphore_mem>>)
    %get3A_54 = arith.constant 8 : index
    %get3A_55 = memref.load %arg0[%get3A_54] : memref<128xi32, #tpu.memory_space<smem>>
    %dma_start3A_56 = arith.constant 8 : i32
    %dma_start3A_57 = arith.constant 0 : i32
    %dma_start3A_58 = tpu.memref_slice %arg13[%dma_start3A_56, %dma_start3A_57] : memref<128x64xf32, #tpu.memory_space<vmem>> -> memref<1x64xf32, #tpu.memory_space<vmem>>
    %dma_start3A_59 = arith.constant 0 : i32
    %dma_start3A_60 = tpu.memref_slice %arg4[%get3A_55, %dma_start3A_59] : memref<100000x64xf32, #tpu.memory_space<hbm>> -> memref<1x64xf32, #tpu.memory_space<hbm>>
    tpu.enqueue_dma source(%dma_start3A_60 : memref<1x64xf32, #tpu.memory_space<hbm>>) target(%dma_start3A_58 : memref<1x64xf32, #tpu.memory_space<vmem>>) target_semaphore(%arg14 : memref<!tpu.dma_semaphore, #tpu.memory_space<semaphore_mem>>)
    %get3A_61 = arith.constant 9 : index
    %get3A_62 = memref.load %arg0[%get3A_61] : memref<128xi32, #tpu.memory_space<smem>>
    %dma_start3A_63 = arith.constant 9 : i32
    %dma_start3A_64 = arith.constant 0 : i32
    %dma_start3A_65 = tpu.memref_slice %arg13[%dma_start3A_63, %dma_start3A_64] : memref<128x64xf32, #tpu.memory_space<vmem>> -> memref<1x64xf32, #tpu.memory_space<vmem>>
    %dma_start3A_66 = arith.constant 0 : i32
    %dma_start3A_67 = tpu.memref_slice %arg4[%get3A_62, %dma_start3A_66] : memref<100000x64xf32, #tpu.memory_space<hbm>> -> memref<1x64xf32, #tpu.memory_space<hbm>>
    tpu.enqueue_dma source(%dma_start3A_67 : memref<1x64xf32, #tpu.memory_space<hbm>>) target(%dma_start3A_65 : memref<1x64xf32, #tpu.memory_space<vmem>>) target_semaphore(%arg14 : memref<!tpu.dma_semaphore, #tpu.memory_space<semaphore_mem>>)
    %get3A_68 = arith.constant 10 : index
    %get3A_69 = memref.load %arg0[%get3A_68] : memref<128xi32, #tpu.memory_space<smem>>
    %dma_start3A_70 = arith.constant 10 : i32
    %dma_start3A_71 = arith.constant 0 : i32
    %dma_start3A_72 = tpu.memref_slice %arg13[%dma_start3A_70, %dma_start3A_71] : memref<128x64xf32, #tpu.memory_space<vmem>> -> memref<1x64xf32, #tpu.memory_space<vmem>>
    %dma_start3A_73 = arith.constant 0 : i32
    %dma_start3A_74 = tpu.memref_slice %arg4[%get3A_69, %dma_start3A_73] : memref<100000x64xf32, #tpu.memory_space<hbm>> -> memref<1x64xf32, #tpu.memory_space<hbm>>
    tpu.enqueue_dma source(%dma_start3A_74 : memref<1x64xf32, #tpu.memory_space<hbm>>) target(%dma_start3A_72 : memref<1x64xf32, #tpu.memory_space<vmem>>) target_semaphore(%arg14 : memref<!tpu.dma_semaphore, #tpu.memory_space<semaphore_mem>>)
    %get3A_75 = arith.constant 11 : index
    %get3A_76 = memref.load %arg0[%get3A_75] : memref<128xi32, #tpu.memory_space<smem>>
    %dma_start3A_77 = arith.constant 11 : i32
    %dma_start3A_78 = arith.constant 0 : i32
    %dma_start3A_79 = tpu.memref_slice %arg13[%dma_start3A_77, %dma_start3A_78] : memref<128x64xf32, #tpu.memory_space<vmem>> -> memref<1x64xf32, #tpu.memory_space<vmem>>
    %dma_start3A_80 = arith.constant 0 : i32
    %dma_start3A_81 = tpu.memref_slice %arg4[%get3A_76, %dma_start3A_80] : memref<100000x64xf32, #tpu.memory_space<hbm>> -> memref<1x64xf32, #tpu.memory_space<hbm>>
    tpu.enqueue_dma source(%dma_start3A_81 : memref<1x64xf32, #tpu.memory_space<hbm>>) target(%dma_start3A_79 : memref<1x64xf32, #tpu.memory_space<vmem>>) target_semaphore(%arg14 : memref<!tpu.dma_semaphore, #tpu.memory_space<semaphore_mem>>)
    %get3A_82 = arith.constant 12 : index
    %get3A_83 = memref.load %arg0[%get3A_82] : memref<128xi32, #tpu.memory_space<smem>>
    %dma_start3A_84 = arith.constant 12 : i32
    %dma_start3A_85 = arith.constant 0 : i32
    %dma_start3A_86 = tpu.memref_slice %arg13[%dma_start3A_84, %dma_start3A_85] : memref<128x64xf32, #tpu.memory_space<vmem>> -> memref<1x64xf32, #tpu.memory_space<vmem>>
    %dma_start3A_87 = arith.constant 0 : i32
    %dma_start3A_88 = tpu.memref_slice %arg4[%get3A_83, %dma_start3A_87] : memref<100000x64xf32, #tpu.memory_space<hbm>> -> memref<1x64xf32, #tpu.memory_space<hbm>>
    tpu.enqueue_dma source(%dma_start3A_88 : memref<1x64xf32, #tpu.memory_space<hbm>>) target(%dma_start3A_86 : memref<1x64xf32, #tpu.memory_space<vmem>>) target_semaphore(%arg14 : memref<!tpu.dma_semaphore, #tpu.memory_space<semaphore_mem>>)
    %get3A_89 = arith.constant 13 : index
    %get3A_90 = memref.load %arg0[%get3A_89] : memref<128xi32, #tpu.memory_space<smem>>
    %dma_start3A_91 = arith.constant 13 : i32
    %dma_start3A_92 = arith.constant 0 : i32
    %dma_start3A_93 = tpu.memref_slice %arg13[%dma_start3A_91, %dma_start3A_92] : memref<128x64xf32, #tpu.memory_space<vmem>> -> memref<1x64xf32, #tpu.memory_space<vmem>>
    %dma_start3A_94 = arith.constant 0 : i32
    %dma_start3A_95 = tpu.memref_slice %arg4[%get3A_90, %dma_start3A_94] : memref<100000x64xf32, #tpu.memory_space<hbm>> -> memref<1x64xf32, #tpu.memory_space<hbm>>
    tpu.enqueue_dma source(%dma_start3A_95 : memref<1x64xf32, #tpu.memory_space<hbm>>) target(%dma_start3A_93 : memref<1x64xf32, #tpu.memory_space<vmem>>) target_semaphore(%arg14 : memref<!tpu.dma_semaphore, #tpu.memory_space<semaphore_mem>>)
    %get3A_96 = arith.constant 14 : index
    %get3A_97 = memref.load %arg0[%get3A_96] : memref<128xi32, #tpu.memory_space<smem>>
    %dma_start3A_98 = arith.constant 14 : i32
    %dma_start3A_99 = arith.constant 0 : i32
    %dma_start3A_100 = tpu.memref_slice %arg13[%dma_start3A_98, %dma_start3A_99] : memref<128x64xf32, #tpu.memory_space<vmem>> -> memref<1x64xf32, #tpu.memory_space<vmem>>
    %dma_start3A_101 = arith.constant 0 : i32
    %dma_start3A_102 = tpu.memref_slice %arg4[%get3A_97, %dma_start3A_101] : memref<100000x64xf32, #tpu.memory_space<hbm>> -> memref<1x64xf32, #tpu.memory_space<hbm>>
    tpu.enqueue_dma source(%dma_start3A_102 : memref<1x64xf32, #tpu.memory_space<hbm>>) target(%dma_start3A_100 : memref<1x64xf32, #tpu.memory_space<vmem>>) target_semaphore(%arg14 : memref<!tpu.dma_semaphore, #tpu.memory_space<semaphore_mem>>)
    %get3A_103 = arith.constant 15 : index
    %get3A_104 = memref.load %arg0[%get3A_103] : memref<128xi32, #tpu.memory_space<smem>>
    %dma_start3A_105 = arith.constant 15 : i32
    %dma_start3A_106 = arith.constant 0 : i32
    %dma_start3A_107 = tpu.memref_slice %arg13[%dma_start3A_105, %dma_start3A_106] : memref<128x64xf32, #tpu.memory_space<vmem>> -> memref<1x64xf32, #tpu.memory_space<vmem>>
    %dma_start3A_108 = arith.constant 0 : i32
    %dma_start3A_109 = tpu.memref_slice %arg4[%get3A_104, %dma_start3A_108] : memref<100000x64xf32, #tpu.memory_space<hbm>> -> memref<1x64xf32, #tpu.memory_space<hbm>>
    tpu.enqueue_dma source(%dma_start3A_109 : memref<1x64xf32, #tpu.memory_space<hbm>>) target(%dma_start3A_107 : memref<1x64xf32, #tpu.memory_space<vmem>>) target_semaphore(%arg14 : memref<!tpu.dma_semaphore, #tpu.memory_space<semaphore_mem>>)
    %get3A_110 = arith.constant 16 : index
    %get3A_111 = memref.load %arg0[%get3A_110] : memref<128xi32, #tpu.memory_space<smem>>
    %dma_start3A_112 = arith.constant 16 : i32
    %dma_start3A_113 = arith.constant 0 : i32
    %dma_start3A_114 = tpu.memref_slice %arg13[%dma_start3A_112, %dma_start3A_113] : memref<128x64xf32, #tpu.memory_space<vmem>> -> memref<1x64xf32, #tpu.memory_space<vmem>>
    %dma_start3A_115 = arith.constant 0 : i32
    %dma_start3A_116 = tpu.memref_slice %arg4[%get3A_111, %dma_start3A_115] : memref<100000x64xf32, #tpu.memory_space<hbm>> -> memref<1x64xf32, #tpu.memory_space<hbm>>
    tpu.enqueue_dma source(%dma_start3A_116 : memref<1x64xf32, #tpu.memory_space<hbm>>) target(%dma_start3A_114 : memref<1x64xf32, #tpu.memory_space<vmem>>) target_semaphore(%arg14 : memref<!tpu.dma_semaphore, #tpu.memory_space<semaphore_mem>>)
    %get3A_117 = arith.constant 17 : index
    %get3A_118 = memref.load %arg0[%get3A_117] : memref<128xi32, #tpu.memory_space<smem>>
    %dma_start3A_119 = arith.constant 17 : i32
    %dma_start3A_120 = arith.constant 0 : i32
    %dma_start3A_121 = tpu.memref_slice %arg13[%dma_start3A_119, %dma_start3A_120] : memref<128x64xf32, #tpu.memory_space<vmem>> -> memref<1x64xf32, #tpu.memory_space<vmem>>
    %dma_start3A_122 = arith.constant 0 : i32
    %dma_start3A_123 = tpu.memref_slice %arg4[%get3A_118, %dma_start3A_122] : memref<100000x64xf32, #tpu.memory_space<hbm>> -> memref<1x64xf32, #tpu.memory_space<hbm>>
    tpu.enqueue_dma source(%dma_start3A_123 : memref<1x64xf32, #tpu.memory_space<hbm>>) target(%dma_start3A_121 : memref<1x64xf32, #tpu.memory_space<vmem>>) target_semaphore(%arg14 : memref<!tpu.dma_semaphore, #tpu.memory_space<semaphore_mem>>)
    %get3A_124 = arith.constant 18 : index
    %get3A_125 = memref.load %arg0[%get3A_124] : memref<128xi32, #tpu.memory_space<smem>>
    %dma_start3A_126 = arith.constant 18 : i32
    %dma_start3A_127 = arith.constant 0 : i32
    %dma_start3A_128 = tpu.memref_slice %arg13[%dma_start3A_126, %dma_start3A_127] : memref<128x64xf32, #tpu.memory_space<vmem>> -> memref<1x64xf32, #tpu.memory_space<vmem>>
    %dma_start3A_129 = arith.constant 0 : i32
    %dma_start3A_130 = tpu.memref_slice %arg4[%get3A_125, %dma_start3A_129] : memref<100000x64xf32, #tpu.memory_space<hbm>> -> memref<1x64xf32, #tpu.memory_space<hbm>>
    tpu.enqueue_dma source(%dma_start3A_130 : memref<1x64xf32, #tpu.memory_space<hbm>>) target(%dma_start3A_128 : memref<1x64xf32, #tpu.memory_space<vmem>>) target_semaphore(%arg14 : memref<!tpu.dma_semaphore, #tpu.memory_space<semaphore_mem>>)
    %get3A_131 = arith.constant 19 : index
    %get3A_132 = memref.load %arg0[%get3A_131] : memref<128xi32, #tpu.memory_space<smem>>
    %dma_start3A_133 = arith.constant 19 : i32
    %dma_start3A_134 = arith.constant 0 : i32
    %dma_start3A_135 = tpu.memref_slice %arg13[%dma_start3A_133, %dma_start3A_134] : memref<128x64xf32, #tpu.memory_space<vmem>> -> memref<1x64xf32, #tpu.memory_space<vmem>>
    %dma_start3A_136 = arith.constant 0 : i32
    %dma_start3A_137 = tpu.memref_slice %arg4[%get3A_132, %dma_start3A_136] : memref<100000x64xf32, #tpu.memory_space<hbm>> -> memref<1x64xf32, #tpu.memory_space<hbm>>
    tpu.enqueue_dma source(%dma_start3A_137 : memref<1x64xf32, #tpu.memory_space<hbm>>) target(%dma_start3A_135 : memref<1x64xf32, #tpu.memory_space<vmem>>) target_semaphore(%arg14 : memref<!tpu.dma_semaphore, #tpu.memory_space<semaphore_mem>>)
    %get3A_138 = arith.constant 20 : index
    %get3A_139 = memref.load %arg0[%get3A_138] : memref<128xi32, #tpu.memory_space<smem>>
    %dma_start3A_140 = arith.constant 20 : i32
    %dma_start3A_141 = arith.constant 0 : i32
    %dma_start3A_142 = tpu.memref_slice %arg13[%dma_start3A_140, %dma_start3A_141] : memref<128x64xf32, #tpu.memory_space<vmem>> -> memref<1x64xf32, #tpu.memory_space<vmem>>
    %dma_start3A_143 = arith.constant 0 : i32
    %dma_start3A_144 = tpu.memref_slice %arg4[%get3A_139, %dma_start3A_143] : memref<100000x64xf32, #tpu.memory_space<hbm>> -> memref<1x64xf32, #tpu.memory_space<hbm>>
    tpu.enqueue_dma source(%dma_start3A_144 : memref<1x64xf32, #tpu.memory_space<hbm>>) target(%dma_start3A_142 : memref<1x64xf32, #tpu.memory_space<vmem>>) target_semaphore(%arg14 : memref<!tpu.dma_semaphore, #tpu.memory_space<semaphore_mem>>)
    %get3A_145 = arith.constant 21 : index
    %get3A_146 = memref.load %arg0[%get3A_145] : memref<128xi32, #tpu.memory_space<smem>>
    %dma_start3A_147 = arith.constant 21 : i32
    %dma_start3A_148 = arith.constant 0 : i32
    %dma_start3A_149 = tpu.memref_slice %arg13[%dma_start3A_147, %dma_start3A_148] : memref<128x64xf32, #tpu.memory_space<vmem>> -> memref<1x64xf32, #tpu.memory_space<vmem>>
    %dma_start3A_150 = arith.constant 0 : i32
    %dma_start3A_151 = tpu.memref_slice %arg4[%get3A_146, %dma_start3A_150] : memref<100000x64xf32, #tpu.memory_space<hbm>> -> memref<1x64xf32, #tpu.memory_space<hbm>>
    tpu.enqueue_dma source(%dma_start3A_151 : memref<1x64xf32, #tpu.memory_space<hbm>>) target(%dma_start3A_149 : memref<1x64xf32, #tpu.memory_space<vmem>>) target_semaphore(%arg14 : memref<!tpu.dma_semaphore, #tpu.memory_space<semaphore_mem>>)
    %get3A_152 = arith.constant 22 : index
    %get3A_153 = memref.load %arg0[%get3A_152] : memref<128xi32, #tpu.memory_space<smem>>
    %dma_start3A_154 = arith.constant 22 : i32
    %dma_start3A_155 = arith.constant 0 : i32
    %dma_start3A_156 = tpu.memref_slice %arg13[%dma_start3A_154, %dma_start3A_155] : memref<128x64xf32, #tpu.memory_space<vmem>> -> memref<1x64xf32, #tpu.memory_space<vmem>>
    %dma_start3A_157 = arith.constant 0 : i32
    %dma_start3A_158 = tpu.memref_slice %arg4[%get3A_153, %dma_start3A_157] : memref<100000x64xf32, #tpu.memory_space<hbm>> -> memref<1x64xf32, #tpu.memory_space<hbm>>
    tpu.enqueue_dma source(%dma_start3A_158 : memref<1x64xf32, #tpu.memory_space<hbm>>) target(%dma_start3A_156 : memref<1x64xf32, #tpu.memory_space<vmem>>) target_semaphore(%arg14 : memref<!tpu.dma_semaphore, #tpu.memory_space<semaphore_mem>>)
    %get3A_159 = arith.constant 23 : index
    %get3A_160 = memref.load %arg0[%get3A_159] : memref<128xi32, #tpu.memory_space<smem>>
    %dma_start3A_161 = arith.constant 23 : i32
    %dma_start3A_162 = arith.constant 0 : i32
    %dma_start3A_163 = tpu.memref_slice %arg13[%dma_start3A_161, %dma_start3A_162] : memref<128x64xf32, #tpu.memory_space<vmem>> -> memref<1x64xf32, #tpu.memory_space<vmem>>
    %dma_start3A_164 = arith.constant 0 : i32
    %dma_start3A_165 = tpu.memref_slice %arg4[%get3A_160, %dma_start3A_164] : memref<100000x64xf32, #tpu.memory_space<hbm>> -> memref<1x64xf32, #tpu.memory_space<hbm>>
    tpu.enqueue_dma source(%dma_start3A_165 : memref<1x64xf32, #tpu.memory_space<hbm>>) target(%dma_start3A_163 : memref<1x64xf32, #tpu.memory_space<vmem>>) target_semaphore(%arg14 : memref<!tpu.dma_semaphore, #tpu.memory_space<semaphore_mem>>)
    %get3A_166 = arith.constant 24 : index
    %get3A_167 = memref.load %arg0[%get3A_166] : memref<128xi32, #tpu.memory_space<smem>>
    %dma_start3A_168 = arith.constant 24 : i32
    %dma_start3A_169 = arith.constant 0 : i32
    %dma_start3A_170 = tpu.memref_slice %arg13[%dma_start3A_168, %dma_start3A_169] : memref<128x64xf32, #tpu.memory_space<vmem>> -> memref<1x64xf32, #tpu.memory_space<vmem>>
    %dma_start3A_171 = arith.constant 0 : i32
    %dma_start3A_172 = tpu.memref_slice %arg4[%get3A_167, %dma_start3A_171] : memref<100000x64xf32, #tpu.memory_space<hbm>> -> memref<1x64xf32, #tpu.memory_space<hbm>>
    tpu.enqueue_dma source(%dma_start3A_172 : memref<1x64xf32, #tpu.memory_space<hbm>>) target(%dma_start3A_170 : memref<1x64xf32, #tpu.memory_space<vmem>>) target_semaphore(%arg14 : memref<!tpu.dma_semaphore, #tpu.memory_space<semaphore_mem>>)
    %get3A_173 = arith.constant 25 : index
    %get3A_174 = memref.load %arg0[%get3A_173] : memref<128xi32, #tpu.memory_space<smem>>
    %dma_start3A_175 = arith.constant 25 : i32
    %dma_start3A_176 = arith.constant 0 : i32
    %dma_start3A_177 = tpu.memref_slice %arg13[%dma_start3A_175, %dma_start3A_176] : memref<128x64xf32, #tpu.memory_space<vmem>> -> memref<1x64xf32, #tpu.memory_space<vmem>>
    %dma_start3A_178 = arith.constant 0 : i32
    %dma_start3A_179 = tpu.memref_slice %arg4[%get3A_174, %dma_start3A_178] : memref<100000x64xf32, #tpu.memory_space<hbm>> -> memref<1x64xf32, #tpu.memory_space<hbm>>
    tpu.enqueue_dma source(%dma_start3A_179 : memref<1x64xf32, #tpu.memory_space<hbm>>) target(%dma_start3A_177 : memref<1x64xf32, #tpu.memory_space<vmem>>) target_semaphore(%arg14 : memref<!tpu.dma_semaphore, #tpu.memory_space<semaphore_mem>>)
    %get3A_180 = arith.constant 26 : index
    %get3A_181 = memref.load %arg0[%get3A_180] : memref<128xi32, #tpu.memory_space<smem>>
    %dma_start3A_182 = arith.constant 26 : i32
    %dma_start3A_183 = arith.constant 0 : i32
    %dma_start3A_184 = tpu.memref_slice %arg13[%dma_start3A_182, %dma_start3A_183] : memref<128x64xf32, #tpu.memory_space<vmem>> -> memref<1x64xf32, #tpu.memory_space<vmem>>
    %dma_start3A_185 = arith.constant 0 : i32
    %dma_start3A_186 = tpu.memref_slice %arg4[%get3A_181, %dma_start3A_185] : memref<100000x64xf32, #tpu.memory_space<hbm>> -> memref<1x64xf32, #tpu.memory_space<hbm>>
    tpu.enqueue_dma source(%dma_start3A_186 : memref<1x64xf32, #tpu.memory_space<hbm>>) target(%dma_start3A_184 : memref<1x64xf32, #tpu.memory_space<vmem>>) target_semaphore(%arg14 : memref<!tpu.dma_semaphore, #tpu.memory_space<semaphore_mem>>)
    %get3A_187 = arith.constant 27 : index
    %get3A_188 = memref.load %arg0[%get3A_187] : memref<128xi32, #tpu.memory_space<smem>>
    %dma_start3A_189 = arith.constant 27 : i32
    %dma_start3A_190 = arith.constant 0 : i32
    %dma_start3A_191 = tpu.memref_slice %arg13[%dma_start3A_189, %dma_start3A_190] : memref<128x64xf32, #tpu.memory_space<vmem>> -> memref<1x64xf32, #tpu.memory_space<vmem>>
    %dma_start3A_192 = arith.constant 0 : i32
    %dma_start3A_193 = tpu.memref_slice %arg4[%get3A_188, %dma_start3A_192] : memref<100000x64xf32, #tpu.memory_space<hbm>> -> memref<1x64xf32, #tpu.memory_space<hbm>>
    tpu.enqueue_dma source(%dma_start3A_193 : memref<1x64xf32, #tpu.memory_space<hbm>>) target(%dma_start3A_191 : memref<1x64xf32, #tpu.memory_space<vmem>>) target_semaphore(%arg14 : memref<!tpu.dma_semaphore, #tpu.memory_space<semaphore_mem>>)
    %get3A_194 = arith.constant 28 : index
    %get3A_195 = memref.load %arg0[%get3A_194] : memref<128xi32, #tpu.memory_space<smem>>
    %dma_start3A_196 = arith.constant 28 : i32
    %dma_start3A_197 = arith.constant 0 : i32
    %dma_start3A_198 = tpu.memref_slice %arg13[%dma_start3A_196, %dma_start3A_197] : memref<128x64xf32, #tpu.memory_space<vmem>> -> memref<1x64xf32, #tpu.memory_space<vmem>>
    %dma_start3A_199 = arith.constant 0 : i32
    %dma_start3A_200 = tpu.memref_slice %arg4[%get3A_195, %dma_start3A_199] : memref<100000x64xf32, #tpu.memory_space<hbm>> -> memref<1x64xf32, #tpu.memory_space<hbm>>
    tpu.enqueue_dma source(%dma_start3A_200 : memref<1x64xf32, #tpu.memory_space<hbm>>) target(%dma_start3A_198 : memref<1x64xf32, #tpu.memory_space<vmem>>) target_semaphore(%arg14 : memref<!tpu.dma_semaphore, #tpu.memory_space<semaphore_mem>>)
    %get3A_201 = arith.constant 29 : index
    %get3A_202 = memref.load %arg0[%get3A_201] : memref<128xi32, #tpu.memory_space<smem>>
    %dma_start3A_203 = arith.constant 29 : i32
    %dma_start3A_204 = arith.constant 0 : i32
    %dma_start3A_205 = tpu.memref_slice %arg13[%dma_start3A_203, %dma_start3A_204] : memref<128x64xf32, #tpu.memory_space<vmem>> -> memref<1x64xf32, #tpu.memory_space<vmem>>
    %dma_start3A_206 = arith.constant 0 : i32
    %dma_start3A_207 = tpu.memref_slice %arg4[%get3A_202, %dma_start3A_206] : memref<100000x64xf32, #tpu.memory_space<hbm>> -> memref<1x64xf32, #tpu.memory_space<hbm>>
    tpu.enqueue_dma source(%dma_start3A_207 : memref<1x64xf32, #tpu.memory_space<hbm>>) target(%dma_start3A_205 : memref<1x64xf32, #tpu.memory_space<vmem>>) target_semaphore(%arg14 : memref<!tpu.dma_semaphore, #tpu.memory_space<semaphore_mem>>)
    %get3A_208 = arith.constant 30 : index
    %get3A_209 = memref.load %arg0[%get3A_208] : memref<128xi32, #tpu.memory_space<smem>>
    %dma_start3A_210 = arith.constant 30 : i32
    %dma_start3A_211 = arith.constant 0 : i32
    %dma_start3A_212 = tpu.memref_slice %arg13[%dma_start3A_210, %dma_start3A_211] : memref<128x64xf32, #tpu.memory_space<vmem>> -> memref<1x64xf32, #tpu.memory_space<vmem>>
    %dma_start3A_213 = arith.constant 0 : i32
    %dma_start3A_214 = tpu.memref_slice %arg4[%get3A_209, %dma_start3A_213] : memref<100000x64xf32, #tpu.memory_space<hbm>> -> memref<1x64xf32, #tpu.memory_space<hbm>>
    tpu.enqueue_dma source(%dma_start3A_214 : memref<1x64xf32, #tpu.memory_space<hbm>>) target(%dma_start3A_212 : memref<1x64xf32, #tpu.memory_space<vmem>>) target_semaphore(%arg14 : memref<!tpu.dma_semaphore, #tpu.memory_space<semaphore_mem>>)
    %get3A_215 = arith.constant 31 : index
    %get3A_216 = memref.load %arg0[%get3A_215] : memref<128xi32, #tpu.memory_space<smem>>
    %dma_start3A_217 = arith.constant 31 : i32
    %dma_start3A_218 = arith.constant 0 : i32
    %dma_start3A_219 = tpu.memref_slice %arg13[%dma_start3A_217, %dma_start3A_218] : memref<128x64xf32, #tpu.memory_space<vmem>> -> memref<1x64xf32, #tpu.memory_space<vmem>>
    %dma_start3A_220 = arith.constant 0 : i32
    %dma_start3A_221 = tpu.memref_slice %arg4[%get3A_216, %dma_start3A_220] : memref<100000x64xf32, #tpu.memory_space<hbm>> -> memref<1x64xf32, #tpu.memory_space<hbm>>
    tpu.enqueue_dma source(%dma_start3A_221 : memref<1x64xf32, #tpu.memory_space<hbm>>) target(%dma_start3A_219 : memref<1x64xf32, #tpu.memory_space<vmem>>) target_semaphore(%arg14 : memref<!tpu.dma_semaphore, #tpu.memory_space<semaphore_mem>>)
    %get3A_222 = arith.constant 32 : index
    %get3A_223 = memref.load %arg0[%get3A_222] : memref<128xi32, #tpu.memory_space<smem>>
    %dma_start3A_224 = arith.constant 32 : i32
    %dma_start3A_225 = arith.constant 0 : i32
    %dma_start3A_226 = tpu.memref_slice %arg13[%dma_start3A_224, %dma_start3A_225] : memref<128x64xf32, #tpu.memory_space<vmem>> -> memref<1x64xf32, #tpu.memory_space<vmem>>
    %dma_start3A_227 = arith.constant 0 : i32
    %dma_start3A_228 = tpu.memref_slice %arg4[%get3A_223, %dma_start3A_227] : memref<100000x64xf32, #tpu.memory_space<hbm>> -> memref<1x64xf32, #tpu.memory_space<hbm>>
    tpu.enqueue_dma source(%dma_start3A_228 : memref<1x64xf32, #tpu.memory_space<hbm>>) target(%dma_start3A_226 : memref<1x64xf32, #tpu.memory_space<vmem>>) target_semaphore(%arg14 : memref<!tpu.dma_semaphore, #tpu.memory_space<semaphore_mem>>)
    %get3A_229 = arith.constant 33 : index
    %get3A_230 = memref.load %arg0[%get3A_229] : memref<128xi32, #tpu.memory_space<smem>>
    %dma_start3A_231 = arith.constant 33 : i32
    %dma_start3A_232 = arith.constant 0 : i32
    %dma_start3A_233 = tpu.memref_slice %arg13[%dma_start3A_231, %dma_start3A_232] : memref<128x64xf32, #tpu.memory_space<vmem>> -> memref<1x64xf32, #tpu.memory_space<vmem>>
    %dma_start3A_234 = arith.constant 0 : i32
    %dma_start3A_235 = tpu.memref_slice %arg4[%get3A_230, %dma_start3A_234] : memref<100000x64xf32, #tpu.memory_space<hbm>> -> memref<1x64xf32, #tpu.memory_space<hbm>>
    tpu.enqueue_dma source(%dma_start3A_235 : memref<1x64xf32, #tpu.memory_space<hbm>>) target(%dma_start3A_233 : memref<1x64xf32, #tpu.memory_space<vmem>>) target_semaphore(%arg14 : memref<!tpu.dma_semaphore, #tpu.memory_space<semaphore_mem>>)
    %get3A_236 = arith.constant 34 : index
    %get3A_237 = memref.load %arg0[%get3A_236] : memref<128xi32, #tpu.memory_space<smem>>
    %dma_start3A_238 = arith.constant 34 : i32
    %dma_start3A_239 = arith.constant 0 : i32
    %dma_start3A_240 = tpu.memref_slice %arg13[%dma_start3A_238, %dma_start3A_239] : memref<128x64xf32, #tpu.memory_space<vmem>> -> memref<1x64xf32, #tpu.memory_space<vmem>>
    %dma_start3A_241 = arith.constant 0 : i32
    %dma_start3A_242 = tpu.memref_slice %arg4[%get3A_237, %dma_start3A_241] : memref<100000x64xf32, #tpu.memory_space<hbm>> -> memref<1x64xf32, #tpu.memory_space<hbm>>
    tpu.enqueue_dma source(%dma_start3A_242 : memref<1x64xf32, #tpu.memory_space<hbm>>) target(%dma_start3A_240 : memref<1x64xf32, #tpu.memory_space<vmem>>) target_semaphore(%arg14 : memref<!tpu.dma_semaphore, #tpu.memory_space<semaphore_mem>>)
    %get3A_243 = arith.constant 35 : index
    %get3A_244 = memref.load %arg0[%get3A_243] : memref<128xi32, #tpu.memory_space<smem>>
    %dma_start3A_245 = arith.constant 35 : i32
    %dma_start3A_246 = arith.constant 0 : i32
    %dma_start3A_247 = tpu.memref_slice %arg13[%dma_start3A_245, %dma_start3A_246] : memref<128x64xf32, #tpu.memory_space<vmem>> -> memref<1x64xf32, #tpu.memory_space<vmem>>
    %dma_start3A_248 = arith.constant 0 : i32
    %dma_start3A_249 = tpu.memref_slice %arg4[%get3A_244, %dma_start3A_248] : memref<100000x64xf32, #tpu.memory_space<hbm>> -> memref<1x64xf32, #tpu.memory_space<hbm>>
    tpu.enqueue_dma source(%dma_start3A_249 : memref<1x64xf32, #tpu.memory_space<hbm>>) target(%dma_start3A_247 : memref<1x64xf32, #tpu.memory_space<vmem>>) target_semaphore(%arg14 : memref<!tpu.dma_semaphore, #tpu.memory_space<semaphore_mem>>)
    %get3A_250 = arith.constant 36 : index
    %get3A_251 = memref.load %arg0[%get3A_250] : memref<128xi32, #tpu.memory_space<smem>>
    %dma_start3A_252 = arith.constant 36 : i32
    %dma_start3A_253 = arith.constant 0 : i32
    %dma_start3A_254 = tpu.memref_slice %arg13[%dma_start3A_252, %dma_start3A_253] : memref<128x64xf32, #tpu.memory_space<vmem>> -> memref<1x64xf32, #tpu.memory_space<vmem>>
    %dma_start3A_255 = arith.constant 0 : i32
    %dma_start3A_256 = tpu.memref_slice %arg4[%get3A_251, %dma_start3A_255] : memref<100000x64xf32, #tpu.memory_space<hbm>> -> memref<1x64xf32, #tpu.memory_space<hbm>>
    tpu.enqueue_dma source(%dma_start3A_256 : memref<1x64xf32, #tpu.memory_space<hbm>>) target(%dma_start3A_254 : memref<1x64xf32, #tpu.memory_space<vmem>>) target_semaphore(%arg14 : memref<!tpu.dma_semaphore, #tpu.memory_space<semaphore_mem>>)
    %get3A_257 = arith.constant 37 : index
    %get3A_258 = memref.load %arg0[%get3A_257] : memref<128xi32, #tpu.memory_space<smem>>
    %dma_start3A_259 = arith.constant 37 : i32
    %dma_start3A_260 = arith.constant 0 : i32
    %dma_start3A_261 = tpu.memref_slice %arg13[%dma_start3A_259, %dma_start3A_260] : memref<128x64xf32, #tpu.memory_space<vmem>> -> memref<1x64xf32, #tpu.memory_space<vmem>>
    %dma_start3A_262 = arith.constant 0 : i32
    %dma_start3A_263 = tpu.memref_slice %arg4[%get3A_258, %dma_start3A_262] : memref<100000x64xf32, #tpu.memory_space<hbm>> -> memref<1x64xf32, #tpu.memory_space<hbm>>
    tpu.enqueue_dma source(%dma_start3A_263 : memref<1x64xf32, #tpu.memory_space<hbm>>) target(%dma_start3A_261 : memref<1x64xf32, #tpu.memory_space<vmem>>) target_semaphore(%arg14 : memref<!tpu.dma_semaphore, #tpu.memory_space<semaphore_mem>>)
    %get3A_264 = arith.constant 38 : index
    %get3A_265 = memref.load %arg0[%get3A_264] : memref<128xi32, #tpu.memory_space<smem>>
    %dma_start3A_266 = arith.constant 38 : i32
    %dma_start3A_267 = arith.constant 0 : i32
    %dma_start3A_268 = tpu.memref_slice %arg13[%dma_start3A_266, %dma_start3A_267] : memref<128x64xf32, #tpu.memory_space<vmem>> -> memref<1x64xf32, #tpu.memory_space<vmem>>
    %dma_start3A_269 = arith.constant 0 : i32
    %dma_start3A_270 = tpu.memref_slice %arg4[%get3A_265, %dma_start3A_269] : memref<100000x64xf32, #tpu.memory_space<hbm>> -> memref<1x64xf32, #tpu.memory_space<hbm>>
    tpu.enqueue_dma source(%dma_start3A_270 : memref<1x64xf32, #tpu.memory_space<hbm>>) target(%dma_start3A_268 : memref<1x64xf32, #tpu.memory_space<vmem>>) target_semaphore(%arg14 : memref<!tpu.dma_semaphore, #tpu.memory_space<semaphore_mem>>)
    %get3A_271 = arith.constant 39 : index
    %get3A_272 = memref.load %arg0[%get3A_271] : memref<128xi32, #tpu.memory_space<smem>>
    %dma_start3A_273 = arith.constant 39 : i32
    %dma_start3A_274 = arith.constant 0 : i32
    %dma_start3A_275 = tpu.memref_slice %arg13[%dma_start3A_273, %dma_start3A_274] : memref<128x64xf32, #tpu.memory_space<vmem>> -> memref<1x64xf32, #tpu.memory_space<vmem>>
    %dma_start3A_276 = arith.constant 0 : i32
    %dma_start3A_277 = tpu.memref_slice %arg4[%get3A_272, %dma_start3A_276] : memref<100000x64xf32, #tpu.memory_space<hbm>> -> memref<1x64xf32, #tpu.memory_space<hbm>>
    tpu.enqueue_dma source(%dma_start3A_277 : memref<1x64xf32, #tpu.memory_space<hbm>>) target(%dma_start3A_275 : memref<1x64xf32, #tpu.memory_space<vmem>>) target_semaphore(%arg14 : memref<!tpu.dma_semaphore, #tpu.memory_space<semaphore_mem>>)
    %get3A_278 = arith.constant 40 : index
    %get3A_279 = memref.load %arg0[%get3A_278] : memref<128xi32, #tpu.memory_space<smem>>
    %dma_start3A_280 = arith.constant 40 : i32
    %dma_start3A_281 = arith.constant 0 : i32
    %dma_start3A_282 = tpu.memref_slice %arg13[%dma_start3A_280, %dma_start3A_281] : memref<128x64xf32, #tpu.memory_space<vmem>> -> memref<1x64xf32, #tpu.memory_space<vmem>>
    %dma_start3A_283 = arith.constant 0 : i32
    %dma_start3A_284 = tpu.memref_slice %arg4[%get3A_279, %dma_start3A_283] : memref<100000x64xf32, #tpu.memory_space<hbm>> -> memref<1x64xf32, #tpu.memory_space<hbm>>
    tpu.enqueue_dma source(%dma_start3A_284 : memref<1x64xf32, #tpu.memory_space<hbm>>) target(%dma_start3A_282 : memref<1x64xf32, #tpu.memory_space<vmem>>) target_semaphore(%arg14 : memref<!tpu.dma_semaphore, #tpu.memory_space<semaphore_mem>>)
    %get3A_285 = arith.constant 41 : index
    %get3A_286 = memref.load %arg0[%get3A_285] : memref<128xi32, #tpu.memory_space<smem>>
    %dma_start3A_287 = arith.constant 41 : i32
    %dma_start3A_288 = arith.constant 0 : i32
    %dma_start3A_289 = tpu.memref_slice %arg13[%dma_start3A_287, %dma_start3A_288] : memref<128x64xf32, #tpu.memory_space<vmem>> -> memref<1x64xf32, #tpu.memory_space<vmem>>
    %dma_start3A_290 = arith.constant 0 : i32
    %dma_start3A_291 = tpu.memref_slice %arg4[%get3A_286, %dma_start3A_290] : memref<100000x64xf32, #tpu.memory_space<hbm>> -> memref<1x64xf32, #tpu.memory_space<hbm>>
    tpu.enqueue_dma source(%dma_start3A_291 : memref<1x64xf32, #tpu.memory_space<hbm>>) target(%dma_start3A_289 : memref<1x64xf32, #tpu.memory_space<vmem>>) target_semaphore(%arg14 : memref<!tpu.dma_semaphore, #tpu.memory_space<semaphore_mem>>)
    %get3A_292 = arith.constant 42 : index
    %get3A_293 = memref.load %arg0[%get3A_292] : memref<128xi32, #tpu.memory_space<smem>>
    %dma_start3A_294 = arith.constant 42 : i32
    %dma_start3A_295 = arith.constant 0 : i32
    %dma_start3A_296 = tpu.memref_slice %arg13[%dma_start3A_294, %dma_start3A_295] : memref<128x64xf32, #tpu.memory_space<vmem>> -> memref<1x64xf32, #tpu.memory_space<vmem>>
    %dma_start3A_297 = arith.constant 0 : i32
    %dma_start3A_298 = tpu.memref_slice %arg4[%get3A_293, %dma_start3A_297] : memref<100000x64xf32, #tpu.memory_space<hbm>> -> memref<1x64xf32, #tpu.memory_space<hbm>>
    tpu.enqueue_dma source(%dma_start3A_298 : memref<1x64xf32, #tpu.memory_space<hbm>>) target(%dma_start3A_296 : memref<1x64xf32, #tpu.memory_space<vmem>>) target_semaphore(%arg14 : memref<!tpu.dma_semaphore, #tpu.memory_space<semaphore_mem>>)
    %get3A_299 = arith.constant 43 : index
    %get3A_300 = memref.load %arg0[%get3A_299] : memref<128xi32, #tpu.memory_space<smem>>
    %dma_start3A_301 = arith.constant 43 : i32
    %dma_start3A_302 = arith.constant 0 : i32
    %dma_start3A_303 = tpu.memref_slice %arg13[%dma_start3A_301, %dma_start3A_302] : memref<128x64xf32, #tpu.memory_space<vmem>> -> memref<1x64xf32, #tpu.memory_space<vmem>>
    %dma_start3A_304 = arith.constant 0 : i32
    %dma_start3A_305 = tpu.memref_slice %arg4[%get3A_300, %dma_start3A_304] : memref<100000x64xf32, #tpu.memory_space<hbm>> -> memref<1x64xf32, #tpu.memory_space<hbm>>
    tpu.enqueue_dma source(%dma_start3A_305 : memref<1x64xf32, #tpu.memory_space<hbm>>) target(%dma_start3A_303 : memref<1x64xf32, #tpu.memory_space<vmem>>) target_semaphore(%arg14 : memref<!tpu.dma_semaphore, #tpu.memory_space<semaphore_mem>>)
    %get3A_306 = arith.constant 44 : index
    %get3A_307 = memref.load %arg0[%get3A_306] : memref<128xi32, #tpu.memory_space<smem>>
    %dma_start3A_308 = arith.constant 44 : i32
    %dma_start3A_309 = arith.constant 0 : i32
    %dma_start3A_310 = tpu.memref_slice %arg13[%dma_start3A_308, %dma_start3A_309] : memref<128x64xf32, #tpu.memory_space<vmem>> -> memref<1x64xf32, #tpu.memory_space<vmem>>
    %dma_start3A_311 = arith.constant 0 : i32
    %dma_start3A_312 = tpu.memref_slice %arg4[%get3A_307, %dma_start3A_311] : memref<100000x64xf32, #tpu.memory_space<hbm>> -> memref<1x64xf32, #tpu.memory_space<hbm>>
    tpu.enqueue_dma source(%dma_start3A_312 : memref<1x64xf32, #tpu.memory_space<hbm>>) target(%dma_start3A_310 : memref<1x64xf32, #tpu.memory_space<vmem>>) target_semaphore(%arg14 : memref<!tpu.dma_semaphore, #tpu.memory_space<semaphore_mem>>)
    %get3A_313 = arith.constant 45 : index
    %get3A_314 = memref.load %arg0[%get3A_313] : memref<128xi32, #tpu.memory_space<smem>>
    %dma_start3A_315 = arith.constant 45 : i32
    %dma_start3A_316 = arith.constant 0 : i32
    %dma_start3A_317 = tpu.memref_slice %arg13[%dma_start3A_315, %dma_start3A_316] : memref<128x64xf32, #tpu.memory_space<vmem>> -> memref<1x64xf32, #tpu.memory_space<vmem>>
    %dma_start3A_318 = arith.constant 0 : i32
    %dma_start3A_319 = tpu.memref_slice %arg4[%get3A_314, %dma_start3A_318] : memref<100000x64xf32, #tpu.memory_space<hbm>> -> memref<1x64xf32, #tpu.memory_space<hbm>>
    tpu.enqueue_dma source(%dma_start3A_319 : memref<1x64xf32, #tpu.memory_space<hbm>>) target(%dma_start3A_317 : memref<1x64xf32, #tpu.memory_space<vmem>>) target_semaphore(%arg14 : memref<!tpu.dma_semaphore, #tpu.memory_space<semaphore_mem>>)
    %get3A_320 = arith.constant 46 : index
    %get3A_321 = memref.load %arg0[%get3A_320] : memref<128xi32, #tpu.memory_space<smem>>
    %dma_start3A_322 = arith.constant 46 : i32
    %dma_start3A_323 = arith.constant 0 : i32
    %dma_start3A_324 = tpu.memref_slice %arg13[%dma_start3A_322, %dma_start3A_323] : memref<128x64xf32, #tpu.memory_space<vmem>> -> memref<1x64xf32, #tpu.memory_space<vmem>>
    %dma_start3A_325 = arith.constant 0 : i32
    %dma_start3A_326 = tpu.memref_slice %arg4[%get3A_321, %dma_start3A_325] : memref<100000x64xf32, #tpu.memory_space<hbm>> -> memref<1x64xf32, #tpu.memory_space<hbm>>
    tpu.enqueue_dma source(%dma_start3A_326 : memref<1x64xf32, #tpu.memory_space<hbm>>) target(%dma_start3A_324 : memref<1x64xf32, #tpu.memory_space<vmem>>) target_semaphore(%arg14 : memref<!tpu.dma_semaphore, #tpu.memory_space<semaphore_mem>>)
    %get3A_327 = arith.constant 47 : index
    %get3A_328 = memref.load %arg0[%get3A_327] : memref<128xi32, #tpu.memory_space<smem>>
    %dma_start3A_329 = arith.constant 47 : i32
    %dma_start3A_330 = arith.constant 0 : i32
    %dma_start3A_331 = tpu.memref_slice %arg13[%dma_start3A_329, %dma_start3A_330] : memref<128x64xf32, #tpu.memory_space<vmem>> -> memref<1x64xf32, #tpu.memory_space<vmem>>
    %dma_start3A_332 = arith.constant 0 : i32
    %dma_start3A_333 = tpu.memref_slice %arg4[%get3A_328, %dma_start3A_332] : memref<100000x64xf32, #tpu.memory_space<hbm>> -> memref<1x64xf32, #tpu.memory_space<hbm>>
    tpu.enqueue_dma source(%dma_start3A_333 : memref<1x64xf32, #tpu.memory_space<hbm>>) target(%dma_start3A_331 : memref<1x64xf32, #tpu.memory_space<vmem>>) target_semaphore(%arg14 : memref<!tpu.dma_semaphore, #tpu.memory_space<semaphore_mem>>)
    %get3A_334 = arith.constant 48 : index
    %get3A_335 = memref.load %arg0[%get3A_334] : memref<128xi32, #tpu.memory_space<smem>>
    %dma_start3A_336 = arith.constant 48 : i32
    %dma_start3A_337 = arith.constant 0 : i32
    %dma_start3A_338 = tpu.memref_slice %arg13[%dma_start3A_336, %dma_start3A_337] : memref<128x64xf32, #tpu.memory_space<vmem>> -> memref<1x64xf32, #tpu.memory_space<vmem>>
    %dma_start3A_339 = arith.constant 0 : i32
    %dma_start3A_340 = tpu.memref_slice %arg4[%get3A_335, %dma_start3A_339] : memref<100000x64xf32, #tpu.memory_space<hbm>> -> memref<1x64xf32, #tpu.memory_space<hbm>>
    tpu.enqueue_dma source(%dma_start3A_340 : memref<1x64xf32, #tpu.memory_space<hbm>>) target(%dma_start3A_338 : memref<1x64xf32, #tpu.memory_space<vmem>>) target_semaphore(%arg14 : memref<!tpu.dma_semaphore, #tpu.memory_space<semaphore_mem>>)
    %get3A_341 = arith.constant 49 : index
    %get3A_342 = memref.load %arg0[%get3A_341] : memref<128xi32, #tpu.memory_space<smem>>
    %dma_start3A_343 = arith.constant 49 : i32
    %dma_start3A_344 = arith.constant 0 : i32
    %dma_start3A_345 = tpu.memref_slice %arg13[%dma_start3A_343, %dma_start3A_344] : memref<128x64xf32, #tpu.memory_space<vmem>> -> memref<1x64xf32, #tpu.memory_space<vmem>>
    %dma_start3A_346 = arith.constant 0 : i32
    %dma_start3A_347 = tpu.memref_slice %arg4[%get3A_342, %dma_start3A_346] : memref<100000x64xf32, #tpu.memory_space<hbm>> -> memref<1x64xf32, #tpu.memory_space<hbm>>
    tpu.enqueue_dma source(%dma_start3A_347 : memref<1x64xf32, #tpu.memory_space<hbm>>) target(%dma_start3A_345 : memref<1x64xf32, #tpu.memory_space<vmem>>) target_semaphore(%arg14 : memref<!tpu.dma_semaphore, #tpu.memory_space<semaphore_mem>>)
    %get3A_348 = arith.constant 50 : index
    %get3A_349 = memref.load %arg0[%get3A_348] : memref<128xi32, #tpu.memory_space<smem>>
    %dma_start3A_350 = arith.constant 50 : i32
    %dma_start3A_351 = arith.constant 0 : i32
    %dma_start3A_352 = tpu.memref_slice %arg13[%dma_start3A_350, %dma_start3A_351] : memref<128x64xf32, #tpu.memory_space<vmem>> -> memref<1x64xf32, #tpu.memory_space<vmem>>
    %dma_start3A_353 = arith.constant 0 : i32
    %dma_start3A_354 = tpu.memref_slice %arg4[%get3A_349, %dma_start3A_353] : memref<100000x64xf32, #tpu.memory_space<hbm>> -> memref<1x64xf32, #tpu.memory_space<hbm>>
    tpu.enqueue_dma source(%dma_start3A_354 : memref<1x64xf32, #tpu.memory_space<hbm>>) target(%dma_start3A_352 : memref<1x64xf32, #tpu.memory_space<vmem>>) target_semaphore(%arg14 : memref<!tpu.dma_semaphore, #tpu.memory_space<semaphore_mem>>)
    %get3A_355 = arith.constant 51 : index
    %get3A_356 = memref.load %arg0[%get3A_355] : memref<128xi32, #tpu.memory_space<smem>>
    %dma_start3A_357 = arith.constant 51 : i32
    %dma_start3A_358 = arith.constant 0 : i32
    %dma_start3A_359 = tpu.memref_slice %arg13[%dma_start3A_357, %dma_start3A_358] : memref<128x64xf32, #tpu.memory_space<vmem>> -> memref<1x64xf32, #tpu.memory_space<vmem>>
    %dma_start3A_360 = arith.constant 0 : i32
    %dma_start3A_361 = tpu.memref_slice %arg4[%get3A_356, %dma_start3A_360] : memref<100000x64xf32, #tpu.memory_space<hbm>> -> memref<1x64xf32, #tpu.memory_space<hbm>>
    tpu.enqueue_dma source(%dma_start3A_361 : memref<1x64xf32, #tpu.memory_space<hbm>>) target(%dma_start3A_359 : memref<1x64xf32, #tpu.memory_space<vmem>>) target_semaphore(%arg14 : memref<!tpu.dma_semaphore, #tpu.memory_space<semaphore_mem>>)
    %get3A_362 = arith.constant 52 : index
    %get3A_363 = memref.load %arg0[%get3A_362] : memref<128xi32, #tpu.memory_space<smem>>
    %dma_start3A_364 = arith.constant 52 : i32
    %dma_start3A_365 = arith.constant 0 : i32
    %dma_start3A_366 = tpu.memref_slice %arg13[%dma_start3A_364, %dma_start3A_365] : memref<128x64xf32, #tpu.memory_space<vmem>> -> memref<1x64xf32, #tpu.memory_space<vmem>>
    %dma_start3A_367 = arith.constant 0 : i32
    %dma_start3A_368 = tpu.memref_slice %arg4[%get3A_363, %dma_start3A_367] : memref<100000x64xf32, #tpu.memory_space<hbm>> -> memref<1x64xf32, #tpu.memory_space<hbm>>
    tpu.enqueue_dma source(%dma_start3A_368 : memref<1x64xf32, #tpu.memory_space<hbm>>) target(%dma_start3A_366 : memref<1x64xf32, #tpu.memory_space<vmem>>) target_semaphore(%arg14 : memref<!tpu.dma_semaphore, #tpu.memory_space<semaphore_mem>>)
    %get3A_369 = arith.constant 53 : index
    %get3A_370 = memref.load %arg0[%get3A_369] : memref<128xi32, #tpu.memory_space<smem>>
    %dma_start3A_371 = arith.constant 53 : i32
    %dma_start3A_372 = arith.constant 0 : i32
    %dma_start3A_373 = tpu.memref_slice %arg13[%dma_start3A_371, %dma_start3A_372] : memref<128x64xf32, #tpu.memory_space<vmem>> -> memref<1x64xf32, #tpu.memory_space<vmem>>
    %dma_start3A_374 = arith.constant 0 : i32
    %dma_start3A_375 = tpu.memref_slice %arg4[%get3A_370, %dma_start3A_374] : memref<100000x64xf32, #tpu.memory_space<hbm>> -> memref<1x64xf32, #tpu.memory_space<hbm>>
    tpu.enqueue_dma source(%dma_start3A_375 : memref<1x64xf32, #tpu.memory_space<hbm>>) target(%dma_start3A_373 : memref<1x64xf32, #tpu.memory_space<vmem>>) target_semaphore(%arg14 : memref<!tpu.dma_semaphore, #tpu.memory_space<semaphore_mem>>)
    %get3A_376 = arith.constant 54 : index
    %get3A_377 = memref.load %arg0[%get3A_376] : memref<128xi32, #tpu.memory_space<smem>>
    %dma_start3A_378 = arith.constant 54 : i32
    %dma_start3A_379 = arith.constant 0 : i32
    %dma_start3A_380 = tpu.memref_slice %arg13[%dma_start3A_378, %dma_start3A_379] : memref<128x64xf32, #tpu.memory_space<vmem>> -> memref<1x64xf32, #tpu.memory_space<vmem>>
    %dma_start3A_381 = arith.constant 0 : i32
    %dma_start3A_382 = tpu.memref_slice %arg4[%get3A_377, %dma_start3A_381] : memref<100000x64xf32, #tpu.memory_space<hbm>> -> memref<1x64xf32, #tpu.memory_space<hbm>>
    tpu.enqueue_dma source(%dma_start3A_382 : memref<1x64xf32, #tpu.memory_space<hbm>>) target(%dma_start3A_380 : memref<1x64xf32, #tpu.memory_space<vmem>>) target_semaphore(%arg14 : memref<!tpu.dma_semaphore, #tpu.memory_space<semaphore_mem>>)
    %get3A_383 = arith.constant 55 : index
    %get3A_384 = memref.load %arg0[%get3A_383] : memref<128xi32, #tpu.memory_space<smem>>
    %dma_start3A_385 = arith.constant 55 : i32
    %dma_start3A_386 = arith.constant 0 : i32
    %dma_start3A_387 = tpu.memref_slice %arg13[%dma_start3A_385, %dma_start3A_386] : memref<128x64xf32, #tpu.memory_space<vmem>> -> memref<1x64xf32, #tpu.memory_space<vmem>>
    %dma_start3A_388 = arith.constant 0 : i32
    %dma_start3A_389 = tpu.memref_slice %arg4[%get3A_384, %dma_start3A_388] : memref<100000x64xf32, #tpu.memory_space<hbm>> -> memref<1x64xf32, #tpu.memory_space<hbm>>
    tpu.enqueue_dma source(%dma_start3A_389 : memref<1x64xf32, #tpu.memory_space<hbm>>) target(%dma_start3A_387 : memref<1x64xf32, #tpu.memory_space<vmem>>) target_semaphore(%arg14 : memref<!tpu.dma_semaphore, #tpu.memory_space<semaphore_mem>>)
    %get3A_390 = arith.constant 56 : index
    %get3A_391 = memref.load %arg0[%get3A_390] : memref<128xi32, #tpu.memory_space<smem>>
    %dma_start3A_392 = arith.constant 56 : i32
    %dma_start3A_393 = arith.constant 0 : i32
    %dma_start3A_394 = tpu.memref_slice %arg13[%dma_start3A_392, %dma_start3A_393] : memref<128x64xf32, #tpu.memory_space<vmem>> -> memref<1x64xf32, #tpu.memory_space<vmem>>
    %dma_start3A_395 = arith.constant 0 : i32
    %dma_start3A_396 = tpu.memref_slice %arg4[%get3A_391, %dma_start3A_395] : memref<100000x64xf32, #tpu.memory_space<hbm>> -> memref<1x64xf32, #tpu.memory_space<hbm>>
    tpu.enqueue_dma source(%dma_start3A_396 : memref<1x64xf32, #tpu.memory_space<hbm>>) target(%dma_start3A_394 : memref<1x64xf32, #tpu.memory_space<vmem>>) target_semaphore(%arg14 : memref<!tpu.dma_semaphore, #tpu.memory_space<semaphore_mem>>)
    %get3A_397 = arith.constant 57 : index
    %get3A_398 = memref.load %arg0[%get3A_397] : memref<128xi32, #tpu.memory_space<smem>>
    %dma_start3A_399 = arith.constant 57 : i32
    %dma_start3A_400 = arith.constant 0 : i32
    %dma_start3A_401 = tpu.memref_slice %arg13[%dma_start3A_399, %dma_start3A_400] : memref<128x64xf32, #tpu.memory_space<vmem>> -> memref<1x64xf32, #tpu.memory_space<vmem>>
    %dma_start3A_402 = arith.constant 0 : i32
    %dma_start3A_403 = tpu.memref_slice %arg4[%get3A_398, %dma_start3A_402] : memref<100000x64xf32, #tpu.memory_space<hbm>> -> memref<1x64xf32, #tpu.memory_space<hbm>>
    tpu.enqueue_dma source(%dma_start3A_403 : memref<1x64xf32, #tpu.memory_space<hbm>>) target(%dma_start3A_401 : memref<1x64xf32, #tpu.memory_space<vmem>>) target_semaphore(%arg14 : memref<!tpu.dma_semaphore, #tpu.memory_space<semaphore_mem>>)
    %get3A_404 = arith.constant 58 : index
    %get3A_405 = memref.load %arg0[%get3A_404] : memref<128xi32, #tpu.memory_space<smem>>
    %dma_start3A_406 = arith.constant 58 : i32
    %dma_start3A_407 = arith.constant 0 : i32
    %dma_start3A_408 = tpu.memref_slice %arg13[%dma_start3A_406, %dma_start3A_407] : memref<128x64xf32, #tpu.memory_space<vmem>> -> memref<1x64xf32, #tpu.memory_space<vmem>>
    %dma_start3A_409 = arith.constant 0 : i32
    %dma_start3A_410 = tpu.memref_slice %arg4[%get3A_405, %dma_start3A_409] : memref<100000x64xf32, #tpu.memory_space<hbm>> -> memref<1x64xf32, #tpu.memory_space<hbm>>
    tpu.enqueue_dma source(%dma_start3A_410 : memref<1x64xf32, #tpu.memory_space<hbm>>) target(%dma_start3A_408 : memref<1x64xf32, #tpu.memory_space<vmem>>) target_semaphore(%arg14 : memref<!tpu.dma_semaphore, #tpu.memory_space<semaphore_mem>>)
    %get3A_411 = arith.constant 59 : index
    %get3A_412 = memref.load %arg0[%get3A_411] : memref<128xi32, #tpu.memory_space<smem>>
    %dma_start3A_413 = arith.constant 59 : i32
    %dma_start3A_414 = arith.constant 0 : i32
    %dma_start3A_415 = tpu.memref_slice %arg13[%dma_start3A_413, %dma_start3A_414] : memref<128x64xf32, #tpu.memory_space<vmem>> -> memref<1x64xf32, #tpu.memory_space<vmem>>
    %dma_start3A_416 = arith.constant 0 : i32
    %dma_start3A_417 = tpu.memref_slice %arg4[%get3A_412, %dma_start3A_416] : memref<100000x64xf32, #tpu.memory_space<hbm>> -> memref<1x64xf32, #tpu.memory_space<hbm>>
    tpu.enqueue_dma source(%dma_start3A_417 : memref<1x64xf32, #tpu.memory_space<hbm>>) target(%dma_start3A_415 : memref<1x64xf32, #tpu.memory_space<vmem>>) target_semaphore(%arg14 : memref<!tpu.dma_semaphore, #tpu.memory_space<semaphore_mem>>)
    %get3A_418 = arith.constant 60 : index
    %get3A_419 = memref.load %arg0[%get3A_418] : memref<128xi32, #tpu.memory_space<smem>>
    %dma_start3A_420 = arith.constant 60 : i32
    %dma_start3A_421 = arith.constant 0 : i32
    %dma_start3A_422 = tpu.memref_slice %arg13[%dma_start3A_420, %dma_start3A_421] : memref<128x64xf32, #tpu.memory_space<vmem>> -> memref<1x64xf32, #tpu.memory_space<vmem>>
    %dma_start3A_423 = arith.constant 0 : i32
    %dma_start3A_424 = tpu.memref_slice %arg4[%get3A_419, %dma_start3A_423] : memref<100000x64xf32, #tpu.memory_space<hbm>> -> memref<1x64xf32, #tpu.memory_space<hbm>>
    tpu.enqueue_dma source(%dma_start3A_424 : memref<1x64xf32, #tpu.memory_space<hbm>>) target(%dma_start3A_422 : memref<1x64xf32, #tpu.memory_space<vmem>>) target_semaphore(%arg14 : memref<!tpu.dma_semaphore, #tpu.memory_space<semaphore_mem>>)
    %get3A_425 = arith.constant 61 : index
    %get3A_426 = memref.load %arg0[%get3A_425] : memref<128xi32, #tpu.memory_space<smem>>
    %dma_start3A_427 = arith.constant 61 : i32
    %dma_start3A_428 = arith.constant 0 : i32
    %dma_start3A_429 = tpu.memref_slice %arg13[%dma_start3A_427, %dma_start3A_428] : memref<128x64xf32, #tpu.memory_space<vmem>> -> memref<1x64xf32, #tpu.memory_space<vmem>>
    %dma_start3A_430 = arith.constant 0 : i32
    %dma_start3A_431 = tpu.memref_slice %arg4[%get3A_426, %dma_start3A_430] : memref<100000x64xf32, #tpu.memory_space<hbm>> -> memref<1x64xf32, #tpu.memory_space<hbm>>
    tpu.enqueue_dma source(%dma_start3A_431 : memref<1x64xf32, #tpu.memory_space<hbm>>) target(%dma_start3A_429 : memref<1x64xf32, #tpu.memory_space<vmem>>) target_semaphore(%arg14 : memref<!tpu.dma_semaphore, #tpu.memory_space<semaphore_mem>>)
    %get3A_432 = arith.constant 62 : index
    %get3A_433 = memref.load %arg0[%get3A_432] : memref<128xi32, #tpu.memory_space<smem>>
    %dma_start3A_434 = arith.constant 62 : i32
    %dma_start3A_435 = arith.constant 0 : i32
    %dma_start3A_436 = tpu.memref_slice %arg13[%dma_start3A_434, %dma_start3A_435] : memref<128x64xf32, #tpu.memory_space<vmem>> -> memref<1x64xf32, #tpu.memory_space<vmem>>
    %dma_start3A_437 = arith.constant 0 : i32
    %dma_start3A_438 = tpu.memref_slice %arg4[%get3A_433, %dma_start3A_437] : memref<100000x64xf32, #tpu.memory_space<hbm>> -> memref<1x64xf32, #tpu.memory_space<hbm>>
    tpu.enqueue_dma source(%dma_start3A_438 : memref<1x64xf32, #tpu.memory_space<hbm>>) target(%dma_start3A_436 : memref<1x64xf32, #tpu.memory_space<vmem>>) target_semaphore(%arg14 : memref<!tpu.dma_semaphore, #tpu.memory_space<semaphore_mem>>)
    %get3A_439 = arith.constant 63 : index
    %get3A_440 = memref.load %arg0[%get3A_439] : memref<128xi32, #tpu.memory_space<smem>>
    %dma_start3A_441 = arith.constant 63 : i32
    %dma_start3A_442 = arith.constant 0 : i32
    %dma_start3A_443 = tpu.memref_slice %arg13[%dma_start3A_441, %dma_start3A_442] : memref<128x64xf32, #tpu.memory_space<vmem>> -> memref<1x64xf32, #tpu.memory_space<vmem>>
    %dma_start3A_444 = arith.constant 0 : i32
    %dma_start3A_445 = tpu.memref_slice %arg4[%get3A_440, %dma_start3A_444] : memref<100000x64xf32, #tpu.memory_space<hbm>> -> memref<1x64xf32, #tpu.memory_space<hbm>>
    tpu.enqueue_dma source(%dma_start3A_445 : memref<1x64xf32, #tpu.memory_space<hbm>>) target(%dma_start3A_443 : memref<1x64xf32, #tpu.memory_space<vmem>>) target_semaphore(%arg14 : memref<!tpu.dma_semaphore, #tpu.memory_space<semaphore_mem>>)
    %get3A_446 = arith.constant 64 : index
    %get3A_447 = memref.load %arg0[%get3A_446] : memref<128xi32, #tpu.memory_space<smem>>
    %dma_start3A_448 = arith.constant 64 : i32
    %dma_start3A_449 = arith.constant 0 : i32
    %dma_start3A_450 = tpu.memref_slice %arg13[%dma_start3A_448, %dma_start3A_449] : memref<128x64xf32, #tpu.memory_space<vmem>> -> memref<1x64xf32, #tpu.memory_space<vmem>>
    %dma_start3A_451 = arith.constant 0 : i32
    %dma_start3A_452 = tpu.memref_slice %arg4[%get3A_447, %dma_start3A_451] : memref<100000x64xf32, #tpu.memory_space<hbm>> -> memref<1x64xf32, #tpu.memory_space<hbm>>
    tpu.enqueue_dma source(%dma_start3A_452 : memref<1x64xf32, #tpu.memory_space<hbm>>) target(%dma_start3A_450 : memref<1x64xf32, #tpu.memory_space<vmem>>) target_semaphore(%arg14 : memref<!tpu.dma_semaphore, #tpu.memory_space<semaphore_mem>>)
    %get3A_453 = arith.constant 65 : index
    %get3A_454 = memref.load %arg0[%get3A_453] : memref<128xi32, #tpu.memory_space<smem>>
    %dma_start3A_455 = arith.constant 65 : i32
    %dma_start3A_456 = arith.constant 0 : i32
    %dma_start3A_457 = tpu.memref_slice %arg13[%dma_start3A_455, %dma_start3A_456] : memref<128x64xf32, #tpu.memory_space<vmem>> -> memref<1x64xf32, #tpu.memory_space<vmem>>
    %dma_start3A_458 = arith.constant 0 : i32
    %dma_start3A_459 = tpu.memref_slice %arg4[%get3A_454, %dma_start3A_458] : memref<100000x64xf32, #tpu.memory_space<hbm>> -> memref<1x64xf32, #tpu.memory_space<hbm>>
    tpu.enqueue_dma source(%dma_start3A_459 : memref<1x64xf32, #tpu.memory_space<hbm>>) target(%dma_start3A_457 : memref<1x64xf32, #tpu.memory_space<vmem>>) target_semaphore(%arg14 : memref<!tpu.dma_semaphore, #tpu.memory_space<semaphore_mem>>)
    %get3A_460 = arith.constant 66 : index
    %get3A_461 = memref.load %arg0[%get3A_460] : memref<128xi32, #tpu.memory_space<smem>>
    %dma_start3A_462 = arith.constant 66 : i32
    %dma_start3A_463 = arith.constant 0 : i32
    %dma_start3A_464 = tpu.memref_slice %arg13[%dma_start3A_462, %dma_start3A_463] : memref<128x64xf32, #tpu.memory_space<vmem>> -> memref<1x64xf32, #tpu.memory_space<vmem>>
    %dma_start3A_465 = arith.constant 0 : i32
    %dma_start3A_466 = tpu.memref_slice %arg4[%get3A_461, %dma_start3A_465] : memref<100000x64xf32, #tpu.memory_space<hbm>> -> memref<1x64xf32, #tpu.memory_space<hbm>>
    tpu.enqueue_dma source(%dma_start3A_466 : memref<1x64xf32, #tpu.memory_space<hbm>>) target(%dma_start3A_464 : memref<1x64xf32, #tpu.memory_space<vmem>>) target_semaphore(%arg14 : memref<!tpu.dma_semaphore, #tpu.memory_space<semaphore_mem>>)
    %get3A_467 = arith.constant 67 : index
    %get3A_468 = memref.load %arg0[%get3A_467] : memref<128xi32, #tpu.memory_space<smem>>
    %dma_start3A_469 = arith.constant 67 : i32
    %dma_start3A_470 = arith.constant 0 : i32
    %dma_start3A_471 = tpu.memref_slice %arg13[%dma_start3A_469, %dma_start3A_470] : memref<128x64xf32, #tpu.memory_space<vmem>> -> memref<1x64xf32, #tpu.memory_space<vmem>>
    %dma_start3A_472 = arith.constant 0 : i32
    %dma_start3A_473 = tpu.memref_slice %arg4[%get3A_468, %dma_start3A_472] : memref<100000x64xf32, #tpu.memory_space<hbm>> -> memref<1x64xf32, #tpu.memory_space<hbm>>
    tpu.enqueue_dma source(%dma_start3A_473 : memref<1x64xf32, #tpu.memory_space<hbm>>) target(%dma_start3A_471 : memref<1x64xf32, #tpu.memory_space<vmem>>) target_semaphore(%arg14 : memref<!tpu.dma_semaphore, #tpu.memory_space<semaphore_mem>>)
    %get3A_474 = arith.constant 68 : index
    %get3A_475 = memref.load %arg0[%get3A_474] : memref<128xi32, #tpu.memory_space<smem>>
    %dma_start3A_476 = arith.constant 68 : i32
    %dma_start3A_477 = arith.constant 0 : i32
    %dma_start3A_478 = tpu.memref_slice %arg13[%dma_start3A_476, %dma_start3A_477] : memref<128x64xf32, #tpu.memory_space<vmem>> -> memref<1x64xf32, #tpu.memory_space<vmem>>
    %dma_start3A_479 = arith.constant 0 : i32
    %dma_start3A_480 = tpu.memref_slice %arg4[%get3A_475, %dma_start3A_479] : memref<100000x64xf32, #tpu.memory_space<hbm>> -> memref<1x64xf32, #tpu.memory_space<hbm>>
    tpu.enqueue_dma source(%dma_start3A_480 : memref<1x64xf32, #tpu.memory_space<hbm>>) target(%dma_start3A_478 : memref<1x64xf32, #tpu.memory_space<vmem>>) target_semaphore(%arg14 : memref<!tpu.dma_semaphore, #tpu.memory_space<semaphore_mem>>)
    %get3A_481 = arith.constant 69 : index
    %get3A_482 = memref.load %arg0[%get3A_481] : memref<128xi32, #tpu.memory_space<smem>>
    %dma_start3A_483 = arith.constant 69 : i32
    %dma_start3A_484 = arith.constant 0 : i32
    %dma_start3A_485 = tpu.memref_slice %arg13[%dma_start3A_483, %dma_start3A_484] : memref<128x64xf32, #tpu.memory_space<vmem>> -> memref<1x64xf32, #tpu.memory_space<vmem>>
    %dma_start3A_486 = arith.constant 0 : i32
    %dma_start3A_487 = tpu.memref_slice %arg4[%get3A_482, %dma_start3A_486] : memref<100000x64xf32, #tpu.memory_space<hbm>> -> memref<1x64xf32, #tpu.memory_space<hbm>>
    tpu.enqueue_dma source(%dma_start3A_487 : memref<1x64xf32, #tpu.memory_space<hbm>>) target(%dma_start3A_485 : memref<1x64xf32, #tpu.memory_space<vmem>>) target_semaphore(%arg14 : memref<!tpu.dma_semaphore, #tpu.memory_space<semaphore_mem>>)
    %get3A_488 = arith.constant 70 : index
    %get3A_489 = memref.load %arg0[%get3A_488] : memref<128xi32, #tpu.memory_space<smem>>
    %dma_start3A_490 = arith.constant 70 : i32
    %dma_start3A_491 = arith.constant 0 : i32
    %dma_start3A_492 = tpu.memref_slice %arg13[%dma_start3A_490, %dma_start3A_491] : memref<128x64xf32, #tpu.memory_space<vmem>> -> memref<1x64xf32, #tpu.memory_space<vmem>>
    %dma_start3A_493 = arith.constant 0 : i32
    %dma_start3A_494 = tpu.memref_slice %arg4[%get3A_489, %dma_start3A_493] : memref<100000x64xf32, #tpu.memory_space<hbm>> -> memref<1x64xf32, #tpu.memory_space<hbm>>
    tpu.enqueue_dma source(%dma_start3A_494 : memref<1x64xf32, #tpu.memory_space<hbm>>) target(%dma_start3A_492 : memref<1x64xf32, #tpu.memory_space<vmem>>) target_semaphore(%arg14 : memref<!tpu.dma_semaphore, #tpu.memory_space<semaphore_mem>>)
    %get3A_495 = arith.constant 71 : index
    %get3A_496 = memref.load %arg0[%get3A_495] : memref<128xi32, #tpu.memory_space<smem>>
    %dma_start3A_497 = arith.constant 71 : i32
    %dma_start3A_498 = arith.constant 0 : i32
    %dma_start3A_499 = tpu.memref_slice %arg13[%dma_start3A_497, %dma_start3A_498] : memref<128x64xf32, #tpu.memory_space<vmem>> -> memref<1x64xf32, #tpu.memory_space<vmem>>
    %dma_start3A_500 = arith.constant 0 : i32
    %dma_start3A_501 = tpu.memref_slice %arg4[%get3A_496, %dma_start3A_500] : memref<100000x64xf32, #tpu.memory_space<hbm>> -> memref<1x64xf32, #tpu.memory_space<hbm>>
    tpu.enqueue_dma source(%dma_start3A_501 : memref<1x64xf32, #tpu.memory_space<hbm>>) target(%dma_start3A_499 : memref<1x64xf32, #tpu.memory_space<vmem>>) target_semaphore(%arg14 : memref<!tpu.dma_semaphore, #tpu.memory_space<semaphore_mem>>)
    %get3A_502 = arith.constant 72 : index
    %get3A_503 = memref.load %arg0[%get3A_502] : memref<128xi32, #tpu.memory_space<smem>>
    %dma_start3A_504 = arith.constant 72 : i32
    %dma_start3A_505 = arith.constant 0 : i32
    %dma_start3A_506 = tpu.memref_slice %arg13[%dma_start3A_504, %dma_start3A_505] : memref<128x64xf32, #tpu.memory_space<vmem>> -> memref<1x64xf32, #tpu.memory_space<vmem>>
    %dma_start3A_507 = arith.constant 0 : i32
    %dma_start3A_508 = tpu.memref_slice %arg4[%get3A_503, %dma_start3A_507] : memref<100000x64xf32, #tpu.memory_space<hbm>> -> memref<1x64xf32, #tpu.memory_space<hbm>>
    tpu.enqueue_dma source(%dma_start3A_508 : memref<1x64xf32, #tpu.memory_space<hbm>>) target(%dma_start3A_506 : memref<1x64xf32, #tpu.memory_space<vmem>>) target_semaphore(%arg14 : memref<!tpu.dma_semaphore, #tpu.memory_space<semaphore_mem>>)
    %get3A_509 = arith.constant 73 : index
    %get3A_510 = memref.load %arg0[%get3A_509] : memref<128xi32, #tpu.memory_space<smem>>
    %dma_start3A_511 = arith.constant 73 : i32
    %dma_start3A_512 = arith.constant 0 : i32
    %dma_start3A_513 = tpu.memref_slice %arg13[%dma_start3A_511, %dma_start3A_512] : memref<128x64xf32, #tpu.memory_space<vmem>> -> memref<1x64xf32, #tpu.memory_space<vmem>>
    %dma_start3A_514 = arith.constant 0 : i32
    %dma_start3A_515 = tpu.memref_slice %arg4[%get3A_510, %dma_start3A_514] : memref<100000x64xf32, #tpu.memory_space<hbm>> -> memref<1x64xf32, #tpu.memory_space<hbm>>
    tpu.enqueue_dma source(%dma_start3A_515 : memref<1x64xf32, #tpu.memory_space<hbm>>) target(%dma_start3A_513 : memref<1x64xf32, #tpu.memory_space<vmem>>) target_semaphore(%arg14 : memref<!tpu.dma_semaphore, #tpu.memory_space<semaphore_mem>>)
    %get3A_516 = arith.constant 74 : index
    %get3A_517 = memref.load %arg0[%get3A_516] : memref<128xi32, #tpu.memory_space<smem>>
    %dma_start3A_518 = arith.constant 74 : i32
    %dma_start3A_519 = arith.constant 0 : i32
    %dma_start3A_520 = tpu.memref_slice %arg13[%dma_start3A_518, %dma_start3A_519] : memref<128x64xf32, #tpu.memory_space<vmem>> -> memref<1x64xf32, #tpu.memory_space<vmem>>
    %dma_start3A_521 = arith.constant 0 : i32
    %dma_start3A_522 = tpu.memref_slice %arg4[%get3A_517, %dma_start3A_521] : memref<100000x64xf32, #tpu.memory_space<hbm>> -> memref<1x64xf32, #tpu.memory_space<hbm>>
    tpu.enqueue_dma source(%dma_start3A_522 : memref<1x64xf32, #tpu.memory_space<hbm>>) target(%dma_start3A_520 : memref<1x64xf32, #tpu.memory_space<vmem>>) target_semaphore(%arg14 : memref<!tpu.dma_semaphore, #tpu.memory_space<semaphore_mem>>)
    %get3A_523 = arith.constant 75 : index
    %get3A_524 = memref.load %arg0[%get3A_523] : memref<128xi32, #tpu.memory_space<smem>>
    %dma_start3A_525 = arith.constant 75 : i32
    %dma_start3A_526 = arith.constant 0 : i32
    %dma_start3A_527 = tpu.memref_slice %arg13[%dma_start3A_525, %dma_start3A_526] : memref<128x64xf32, #tpu.memory_space<vmem>> -> memref<1x64xf32, #tpu.memory_space<vmem>>
    %dma_start3A_528 = arith.constant 0 : i32
    %dma_start3A_529 = tpu.memref_slice %arg4[%get3A_524, %dma_start3A_528] : memref<100000x64xf32, #tpu.memory_space<hbm>> -> memref<1x64xf32, #tpu.memory_space<hbm>>
    tpu.enqueue_dma source(%dma_start3A_529 : memref<1x64xf32, #tpu.memory_space<hbm>>) target(%dma_start3A_527 : memref<1x64xf32, #tpu.memory_space<vmem>>) target_semaphore(%arg14 : memref<!tpu.dma_semaphore, #tpu.memory_space<semaphore_mem>>)
    %get3A_530 = arith.constant 76 : index
    %get3A_531 = memref.load %arg0[%get3A_530] : memref<128xi32, #tpu.memory_space<smem>>
    %dma_start3A_532 = arith.constant 76 : i32
    %dma_start3A_533 = arith.constant 0 : i32
    %dma_start3A_534 = tpu.memref_slice %arg13[%dma_start3A_532, %dma_start3A_533] : memref<128x64xf32, #tpu.memory_space<vmem>> -> memref<1x64xf32, #tpu.memory_space<vmem>>
    %dma_start3A_535 = arith.constant 0 : i32
    %dma_start3A_536 = tpu.memref_slice %arg4[%get3A_531, %dma_start3A_535] : memref<100000x64xf32, #tpu.memory_space<hbm>> -> memref<1x64xf32, #tpu.memory_space<hbm>>
    tpu.enqueue_dma source(%dma_start3A_536 : memref<1x64xf32, #tpu.memory_space<hbm>>) target(%dma_start3A_534 : memref<1x64xf32, #tpu.memory_space<vmem>>) target_semaphore(%arg14 : memref<!tpu.dma_semaphore, #tpu.memory_space<semaphore_mem>>)
    %get3A_537 = arith.constant 77 : index
    %get3A_538 = memref.load %arg0[%get3A_537] : memref<128xi32, #tpu.memory_space<smem>>
    %dma_start3A_539 = arith.constant 77 : i32
    %dma_start3A_540 = arith.constant 0 : i32
    %dma_start3A_541 = tpu.memref_slice %arg13[%dma_start3A_539, %dma_start3A_540] : memref<128x64xf32, #tpu.memory_space<vmem>> -> memref<1x64xf32, #tpu.memory_space<vmem>>
    %dma_start3A_542 = arith.constant 0 : i32
    %dma_start3A_543 = tpu.memref_slice %arg4[%get3A_538, %dma_start3A_542] : memref<100000x64xf32, #tpu.memory_space<hbm>> -> memref<1x64xf32, #tpu.memory_space<hbm>>
    tpu.enqueue_dma source(%dma_start3A_543 : memref<1x64xf32, #tpu.memory_space<hbm>>) target(%dma_start3A_541 : memref<1x64xf32, #tpu.memory_space<vmem>>) target_semaphore(%arg14 : memref<!tpu.dma_semaphore, #tpu.memory_space<semaphore_mem>>)
    %get3A_544 = arith.constant 78 : index
    %get3A_545 = memref.load %arg0[%get3A_544] : memref<128xi32, #tpu.memory_space<smem>>
    %dma_start3A_546 = arith.constant 78 : i32
    %dma_start3A_547 = arith.constant 0 : i32
    %dma_start3A_548 = tpu.memref_slice %arg13[%dma_start3A_546, %dma_start3A_547] : memref<128x64xf32, #tpu.memory_space<vmem>> -> memref<1x64xf32, #tpu.memory_space<vmem>>
    %dma_start3A_549 = arith.constant 0 : i32
    %dma_start3A_550 = tpu.memref_slice %arg4[%get3A_545, %dma_start3A_549] : memref<100000x64xf32, #tpu.memory_space<hbm>> -> memref<1x64xf32, #tpu.memory_space<hbm>>
    tpu.enqueue_dma source(%dma_start3A_550 : memref<1x64xf32, #tpu.memory_space<hbm>>) target(%dma_start3A_548 : memref<1x64xf32, #tpu.memory_space<vmem>>) target_semaphore(%arg14 : memref<!tpu.dma_semaphore, #tpu.memory_space<semaphore_mem>>)
    %get3A_551 = arith.constant 79 : index
    %get3A_552 = memref.load %arg0[%get3A_551] : memref<128xi32, #tpu.memory_space<smem>>
    %dma_start3A_553 = arith.constant 79 : i32
    %dma_start3A_554 = arith.constant 0 : i32
    %dma_start3A_555 = tpu.memref_slice %arg13[%dma_start3A_553, %dma_start3A_554] : memref<128x64xf32, #tpu.memory_space<vmem>> -> memref<1x64xf32, #tpu.memory_space<vmem>>
    %dma_start3A_556 = arith.constant 0 : i32
    %dma_start3A_557 = tpu.memref_slice %arg4[%get3A_552, %dma_start3A_556] : memref<100000x64xf32, #tpu.memory_space<hbm>> -> memref<1x64xf32, #tpu.memory_space<hbm>>
    tpu.enqueue_dma source(%dma_start3A_557 : memref<1x64xf32, #tpu.memory_space<hbm>>) target(%dma_start3A_555 : memref<1x64xf32, #tpu.memory_space<vmem>>) target_semaphore(%arg14 : memref<!tpu.dma_semaphore, #tpu.memory_space<semaphore_mem>>)
    %get3A_558 = arith.constant 80 : index
    %get3A_559 = memref.load %arg0[%get3A_558] : memref<128xi32, #tpu.memory_space<smem>>
    %dma_start3A_560 = arith.constant 80 : i32
    %dma_start3A_561 = arith.constant 0 : i32
    %dma_start3A_562 = tpu.memref_slice %arg13[%dma_start3A_560, %dma_start3A_561] : memref<128x64xf32, #tpu.memory_space<vmem>> -> memref<1x64xf32, #tpu.memory_space<vmem>>
    %dma_start3A_563 = arith.constant 0 : i32
    %dma_start3A_564 = tpu.memref_slice %arg4[%get3A_559, %dma_start3A_563] : memref<100000x64xf32, #tpu.memory_space<hbm>> -> memref<1x64xf32, #tpu.memory_space<hbm>>
    tpu.enqueue_dma source(%dma_start3A_564 : memref<1x64xf32, #tpu.memory_space<hbm>>) target(%dma_start3A_562 : memref<1x64xf32, #tpu.memory_space<vmem>>) target_semaphore(%arg14 : memref<!tpu.dma_semaphore, #tpu.memory_space<semaphore_mem>>)
    %get3A_565 = arith.constant 81 : index
    %get3A_566 = memref.load %arg0[%get3A_565] : memref<128xi32, #tpu.memory_space<smem>>
    %dma_start3A_567 = arith.constant 81 : i32
    %dma_start3A_568 = arith.constant 0 : i32
    %dma_start3A_569 = tpu.memref_slice %arg13[%dma_start3A_567, %dma_start3A_568] : memref<128x64xf32, #tpu.memory_space<vmem>> -> memref<1x64xf32, #tpu.memory_space<vmem>>
    %dma_start3A_570 = arith.constant 0 : i32
    %dma_start3A_571 = tpu.memref_slice %arg4[%get3A_566, %dma_start3A_570] : memref<100000x64xf32, #tpu.memory_space<hbm>> -> memref<1x64xf32, #tpu.memory_space<hbm>>
    tpu.enqueue_dma source(%dma_start3A_571 : memref<1x64xf32, #tpu.memory_space<hbm>>) target(%dma_start3A_569 : memref<1x64xf32, #tpu.memory_space<vmem>>) target_semaphore(%arg14 : memref<!tpu.dma_semaphore, #tpu.memory_space<semaphore_mem>>)
    %get3A_572 = arith.constant 82 : index
    %get3A_573 = memref.load %arg0[%get3A_572] : memref<128xi32, #tpu.memory_space<smem>>
    %dma_start3A_574 = arith.constant 82 : i32
    %dma_start3A_575 = arith.constant 0 : i32
    %dma_start3A_576 = tpu.memref_slice %arg13[%dma_start3A_574, %dma_start3A_575] : memref<128x64xf32, #tpu.memory_space<vmem>> -> memref<1x64xf32, #tpu.memory_space<vmem>>
    %dma_start3A_577 = arith.constant 0 : i32
    %dma_start3A_578 = tpu.memref_slice %arg4[%get3A_573, %dma_start3A_577] : memref<100000x64xf32, #tpu.memory_space<hbm>> -> memref<1x64xf32, #tpu.memory_space<hbm>>
    tpu.enqueue_dma source(%dma_start3A_578 : memref<1x64xf32, #tpu.memory_space<hbm>>) target(%dma_start3A_576 : memref<1x64xf32, #tpu.memory_space<vmem>>) target_semaphore(%arg14 : memref<!tpu.dma_semaphore, #tpu.memory_space<semaphore_mem>>)
    %get3A_579 = arith.constant 83 : index
    %get3A_580 = memref.load %arg0[%get3A_579] : memref<128xi32, #tpu.memory_space<smem>>
    %dma_start3A_581 = arith.constant 83 : i32
    %dma_start3A_582 = arith.constant 0 : i32
    %dma_start3A_583 = tpu.memref_slice %arg13[%dma_start3A_581, %dma_start3A_582] : memref<128x64xf32, #tpu.memory_space<vmem>> -> memref<1x64xf32, #tpu.memory_space<vmem>>
    %dma_start3A_584 = arith.constant 0 : i32
    %dma_start3A_585 = tpu.memref_slice %arg4[%get3A_580, %dma_start3A_584] : memref<100000x64xf32, #tpu.memory_space<hbm>> -> memref<1x64xf32, #tpu.memory_space<hbm>>
    tpu.enqueue_dma source(%dma_start3A_585 : memref<1x64xf32, #tpu.memory_space<hbm>>) target(%dma_start3A_583 : memref<1x64xf32, #tpu.memory_space<vmem>>) target_semaphore(%arg14 : memref<!tpu.dma_semaphore, #tpu.memory_space<semaphore_mem>>)
    %get3A_586 = arith.constant 84 : index
    %get3A_587 = memref.load %arg0[%get3A_586] : memref<128xi32, #tpu.memory_space<smem>>
    %dma_start3A_588 = arith.constant 84 : i32
    %dma_start3A_589 = arith.constant 0 : i32
    %dma_start3A_590 = tpu.memref_slice %arg13[%dma_start3A_588, %dma_start3A_589] : memref<128x64xf32, #tpu.memory_space<vmem>> -> memref<1x64xf32, #tpu.memory_space<vmem>>
    %dma_start3A_591 = arith.constant 0 : i32
    %dma_start3A_592 = tpu.memref_slice %arg4[%get3A_587, %dma_start3A_591] : memref<100000x64xf32, #tpu.memory_space<hbm>> -> memref<1x64xf32, #tpu.memory_space<hbm>>
    tpu.enqueue_dma source(%dma_start3A_592 : memref<1x64xf32, #tpu.memory_space<hbm>>) target(%dma_start3A_590 : memref<1x64xf32, #tpu.memory_space<vmem>>) target_semaphore(%arg14 : memref<!tpu.dma_semaphore, #tpu.memory_space<semaphore_mem>>)
    %get3A_593 = arith.constant 85 : index
    %get3A_594 = memref.load %arg0[%get3A_593] : memref<128xi32, #tpu.memory_space<smem>>
    %dma_start3A_595 = arith.constant 85 : i32
    %dma_start3A_596 = arith.constant 0 : i32
    %dma_start3A_597 = tpu.memref_slice %arg13[%dma_start3A_595, %dma_start3A_596] : memref<128x64xf32, #tpu.memory_space<vmem>> -> memref<1x64xf32, #tpu.memory_space<vmem>>
    %dma_start3A_598 = arith.constant 0 : i32
    %dma_start3A_599 = tpu.memref_slice %arg4[%get3A_594, %dma_start3A_598] : memref<100000x64xf32, #tpu.memory_space<hbm>> -> memref<1x64xf32, #tpu.memory_space<hbm>>
    tpu.enqueue_dma source(%dma_start3A_599 : memref<1x64xf32, #tpu.memory_space<hbm>>) target(%dma_start3A_597 : memref<1x64xf32, #tpu.memory_space<vmem>>) target_semaphore(%arg14 : memref<!tpu.dma_semaphore, #tpu.memory_space<semaphore_mem>>)
    %get3A_600 = arith.constant 86 : index
    %get3A_601 = memref.load %arg0[%get3A_600] : memref<128xi32, #tpu.memory_space<smem>>
    %dma_start3A_602 = arith.constant 86 : i32
    %dma_start3A_603 = arith.constant 0 : i32
    %dma_start3A_604 = tpu.memref_slice %arg13[%dma_start3A_602, %dma_start3A_603] : memref<128x64xf32, #tpu.memory_space<vmem>> -> memref<1x64xf32, #tpu.memory_space<vmem>>
    %dma_start3A_605 = arith.constant 0 : i32
    %dma_start3A_606 = tpu.memref_slice %arg4[%get3A_601, %dma_start3A_605] : memref<100000x64xf32, #tpu.memory_space<hbm>> -> memref<1x64xf32, #tpu.memory_space<hbm>>
    tpu.enqueue_dma source(%dma_start3A_606 : memref<1x64xf32, #tpu.memory_space<hbm>>) target(%dma_start3A_604 : memref<1x64xf32, #tpu.memory_space<vmem>>) target_semaphore(%arg14 : memref<!tpu.dma_semaphore, #tpu.memory_space<semaphore_mem>>)
    %get3A_607 = arith.constant 87 : index
    %get3A_608 = memref.load %arg0[%get3A_607] : memref<128xi32, #tpu.memory_space<smem>>
    %dma_start3A_609 = arith.constant 87 : i32
    %dma_start3A_610 = arith.constant 0 : i32
    %dma_start3A_611 = tpu.memref_slice %arg13[%dma_start3A_609, %dma_start3A_610] : memref<128x64xf32, #tpu.memory_space<vmem>> -> memref<1x64xf32, #tpu.memory_space<vmem>>
    %dma_start3A_612 = arith.constant 0 : i32
    %dma_start3A_613 = tpu.memref_slice %arg4[%get3A_608, %dma_start3A_612] : memref<100000x64xf32, #tpu.memory_space<hbm>> -> memref<1x64xf32, #tpu.memory_space<hbm>>
    tpu.enqueue_dma source(%dma_start3A_613 : memref<1x64xf32, #tpu.memory_space<hbm>>) target(%dma_start3A_611 : memref<1x64xf32, #tpu.memory_space<vmem>>) target_semaphore(%arg14 : memref<!tpu.dma_semaphore, #tpu.memory_space<semaphore_mem>>)
    %get3A_614 = arith.constant 88 : index
    %get3A_615 = memref.load %arg0[%get3A_614] : memref<128xi32, #tpu.memory_space<smem>>
    %dma_start3A_616 = arith.constant 88 : i32
    %dma_start3A_617 = arith.constant 0 : i32
    %dma_start3A_618 = tpu.memref_slice %arg13[%dma_start3A_616, %dma_start3A_617] : memref<128x64xf32, #tpu.memory_space<vmem>> -> memref<1x64xf32, #tpu.memory_space<vmem>>
    %dma_start3A_619 = arith.constant 0 : i32
    %dma_start3A_620 = tpu.memref_slice %arg4[%get3A_615, %dma_start3A_619] : memref<100000x64xf32, #tpu.memory_space<hbm>> -> memref<1x64xf32, #tpu.memory_space<hbm>>
    tpu.enqueue_dma source(%dma_start3A_620 : memref<1x64xf32, #tpu.memory_space<hbm>>) target(%dma_start3A_618 : memref<1x64xf32, #tpu.memory_space<vmem>>) target_semaphore(%arg14 : memref<!tpu.dma_semaphore, #tpu.memory_space<semaphore_mem>>)
    %get3A_621 = arith.constant 89 : index
    %get3A_622 = memref.load %arg0[%get3A_621] : memref<128xi32, #tpu.memory_space<smem>>
    %dma_start3A_623 = arith.constant 89 : i32
    %dma_start3A_624 = arith.constant 0 : i32
    %dma_start3A_625 = tpu.memref_slice %arg13[%dma_start3A_623, %dma_start3A_624] : memref<128x64xf32, #tpu.memory_space<vmem>> -> memref<1x64xf32, #tpu.memory_space<vmem>>
    %dma_start3A_626 = arith.constant 0 : i32
    %dma_start3A_627 = tpu.memref_slice %arg4[%get3A_622, %dma_start3A_626] : memref<100000x64xf32, #tpu.memory_space<hbm>> -> memref<1x64xf32, #tpu.memory_space<hbm>>
    tpu.enqueue_dma source(%dma_start3A_627 : memref<1x64xf32, #tpu.memory_space<hbm>>) target(%dma_start3A_625 : memref<1x64xf32, #tpu.memory_space<vmem>>) target_semaphore(%arg14 : memref<!tpu.dma_semaphore, #tpu.memory_space<semaphore_mem>>)
    %get3A_628 = arith.constant 90 : index
    %get3A_629 = memref.load %arg0[%get3A_628] : memref<128xi32, #tpu.memory_space<smem>>
    %dma_start3A_630 = arith.constant 90 : i32
    %dma_start3A_631 = arith.constant 0 : i32
    %dma_start3A_632 = tpu.memref_slice %arg13[%dma_start3A_630, %dma_start3A_631] : memref<128x64xf32, #tpu.memory_space<vmem>> -> memref<1x64xf32, #tpu.memory_space<vmem>>
    %dma_start3A_633 = arith.constant 0 : i32
    %dma_start3A_634 = tpu.memref_slice %arg4[%get3A_629, %dma_start3A_633] : memref<100000x64xf32, #tpu.memory_space<hbm>> -> memref<1x64xf32, #tpu.memory_space<hbm>>
    tpu.enqueue_dma source(%dma_start3A_634 : memref<1x64xf32, #tpu.memory_space<hbm>>) target(%dma_start3A_632 : memref<1x64xf32, #tpu.memory_space<vmem>>) target_semaphore(%arg14 : memref<!tpu.dma_semaphore, #tpu.memory_space<semaphore_mem>>)
    %get3A_635 = arith.constant 91 : index
    %get3A_636 = memref.load %arg0[%get3A_635] : memref<128xi32, #tpu.memory_space<smem>>
    %dma_start3A_637 = arith.constant 91 : i32
    %dma_start3A_638 = arith.constant 0 : i32
    %dma_start3A_639 = tpu.memref_slice %arg13[%dma_start3A_637, %dma_start3A_638] : memref<128x64xf32, #tpu.memory_space<vmem>> -> memref<1x64xf32, #tpu.memory_space<vmem>>
    %dma_start3A_640 = arith.constant 0 : i32
    %dma_start3A_641 = tpu.memref_slice %arg4[%get3A_636, %dma_start3A_640] : memref<100000x64xf32, #tpu.memory_space<hbm>> -> memref<1x64xf32, #tpu.memory_space<hbm>>
    tpu.enqueue_dma source(%dma_start3A_641 : memref<1x64xf32, #tpu.memory_space<hbm>>) target(%dma_start3A_639 : memref<1x64xf32, #tpu.memory_space<vmem>>) target_semaphore(%arg14 : memref<!tpu.dma_semaphore, #tpu.memory_space<semaphore_mem>>)
    %get3A_642 = arith.constant 92 : index
    %get3A_643 = memref.load %arg0[%get3A_642] : memref<128xi32, #tpu.memory_space<smem>>
    %dma_start3A_644 = arith.constant 92 : i32
    %dma_start3A_645 = arith.constant 0 : i32
    %dma_start3A_646 = tpu.memref_slice %arg13[%dma_start3A_644, %dma_start3A_645] : memref<128x64xf32, #tpu.memory_space<vmem>> -> memref<1x64xf32, #tpu.memory_space<vmem>>
    %dma_start3A_647 = arith.constant 0 : i32
    %dma_start3A_648 = tpu.memref_slice %arg4[%get3A_643, %dma_start3A_647] : memref<100000x64xf32, #tpu.memory_space<hbm>> -> memref<1x64xf32, #tpu.memory_space<hbm>>
    tpu.enqueue_dma source(%dma_start3A_648 : memref<1x64xf32, #tpu.memory_space<hbm>>) target(%dma_start3A_646 : memref<1x64xf32, #tpu.memory_space<vmem>>) target_semaphore(%arg14 : memref<!tpu.dma_semaphore, #tpu.memory_space<semaphore_mem>>)
    %get3A_649 = arith.constant 93 : index
    %get3A_650 = memref.load %arg0[%get3A_649] : memref<128xi32, #tpu.memory_space<smem>>
    %dma_start3A_651 = arith.constant 93 : i32
    %dma_start3A_652 = arith.constant 0 : i32
    %dma_start3A_653 = tpu.memref_slice %arg13[%dma_start3A_651, %dma_start3A_652] : memref<128x64xf32, #tpu.memory_space<vmem>> -> memref<1x64xf32, #tpu.memory_space<vmem>>
    %dma_start3A_654 = arith.constant 0 : i32
    %dma_start3A_655 = tpu.memref_slice %arg4[%get3A_650, %dma_start3A_654] : memref<100000x64xf32, #tpu.memory_space<hbm>> -> memref<1x64xf32, #tpu.memory_space<hbm>>
    tpu.enqueue_dma source(%dma_start3A_655 : memref<1x64xf32, #tpu.memory_space<hbm>>) target(%dma_start3A_653 : memref<1x64xf32, #tpu.memory_space<vmem>>) target_semaphore(%arg14 : memref<!tpu.dma_semaphore, #tpu.memory_space<semaphore_mem>>)
    %get3A_656 = arith.constant 94 : index
    %get3A_657 = memref.load %arg0[%get3A_656] : memref<128xi32, #tpu.memory_space<smem>>
    %dma_start3A_658 = arith.constant 94 : i32
    %dma_start3A_659 = arith.constant 0 : i32
    %dma_start3A_660 = tpu.memref_slice %arg13[%dma_start3A_658, %dma_start3A_659] : memref<128x64xf32, #tpu.memory_space<vmem>> -> memref<1x64xf32, #tpu.memory_space<vmem>>
    %dma_start3A_661 = arith.constant 0 : i32
    %dma_start3A_662 = tpu.memref_slice %arg4[%get3A_657, %dma_start3A_661] : memref<100000x64xf32, #tpu.memory_space<hbm>> -> memref<1x64xf32, #tpu.memory_space<hbm>>
    tpu.enqueue_dma source(%dma_start3A_662 : memref<1x64xf32, #tpu.memory_space<hbm>>) target(%dma_start3A_660 : memref<1x64xf32, #tpu.memory_space<vmem>>) target_semaphore(%arg14 : memref<!tpu.dma_semaphore, #tpu.memory_space<semaphore_mem>>)
    %get3A_663 = arith.constant 95 : index
    %get3A_664 = memref.load %arg0[%get3A_663] : memref<128xi32, #tpu.memory_space<smem>>
    %dma_start3A_665 = arith.constant 95 : i32
    %dma_start3A_666 = arith.constant 0 : i32
    %dma_start3A_667 = tpu.memref_slice %arg13[%dma_start3A_665, %dma_start3A_666] : memref<128x64xf32, #tpu.memory_space<vmem>> -> memref<1x64xf32, #tpu.memory_space<vmem>>
    %dma_start3A_668 = arith.constant 0 : i32
    %dma_start3A_669 = tpu.memref_slice %arg4[%get3A_664, %dma_start3A_668] : memref<100000x64xf32, #tpu.memory_space<hbm>> -> memref<1x64xf32, #tpu.memory_space<hbm>>
    tpu.enqueue_dma source(%dma_start3A_669 : memref<1x64xf32, #tpu.memory_space<hbm>>) target(%dma_start3A_667 : memref<1x64xf32, #tpu.memory_space<vmem>>) target_semaphore(%arg14 : memref<!tpu.dma_semaphore, #tpu.memory_space<semaphore_mem>>)
    %get3A_670 = arith.constant 96 : index
    %get3A_671 = memref.load %arg0[%get3A_670] : memref<128xi32, #tpu.memory_space<smem>>
    %dma_start3A_672 = arith.constant 96 : i32
    %dma_start3A_673 = arith.constant 0 : i32
    %dma_start3A_674 = tpu.memref_slice %arg13[%dma_start3A_672, %dma_start3A_673] : memref<128x64xf32, #tpu.memory_space<vmem>> -> memref<1x64xf32, #tpu.memory_space<vmem>>
    %dma_start3A_675 = arith.constant 0 : i32
    %dma_start3A_676 = tpu.memref_slice %arg4[%get3A_671, %dma_start3A_675] : memref<100000x64xf32, #tpu.memory_space<hbm>> -> memref<1x64xf32, #tpu.memory_space<hbm>>
    tpu.enqueue_dma source(%dma_start3A_676 : memref<1x64xf32, #tpu.memory_space<hbm>>) target(%dma_start3A_674 : memref<1x64xf32, #tpu.memory_space<vmem>>) target_semaphore(%arg14 : memref<!tpu.dma_semaphore, #tpu.memory_space<semaphore_mem>>)
    %get3A_677 = arith.constant 97 : index
    %get3A_678 = memref.load %arg0[%get3A_677] : memref<128xi32, #tpu.memory_space<smem>>
    %dma_start3A_679 = arith.constant 97 : i32
    %dma_start3A_680 = arith.constant 0 : i32
    %dma_start3A_681 = tpu.memref_slice %arg13[%dma_start3A_679, %dma_start3A_680] : memref<128x64xf32, #tpu.memory_space<vmem>> -> memref<1x64xf32, #tpu.memory_space<vmem>>
    %dma_start3A_682 = arith.constant 0 : i32
    %dma_start3A_683 = tpu.memref_slice %arg4[%get3A_678, %dma_start3A_682] : memref<100000x64xf32, #tpu.memory_space<hbm>> -> memref<1x64xf32, #tpu.memory_space<hbm>>
    tpu.enqueue_dma source(%dma_start3A_683 : memref<1x64xf32, #tpu.memory_space<hbm>>) target(%dma_start3A_681 : memref<1x64xf32, #tpu.memory_space<vmem>>) target_semaphore(%arg14 : memref<!tpu.dma_semaphore, #tpu.memory_space<semaphore_mem>>)
    %get3A_684 = arith.constant 98 : index
    %get3A_685 = memref.load %arg0[%get3A_684] : memref<128xi32, #tpu.memory_space<smem>>
    %dma_start3A_686 = arith.constant 98 : i32
    %dma_start3A_687 = arith.constant 0 : i32
    %dma_start3A_688 = tpu.memref_slice %arg13[%dma_start3A_686, %dma_start3A_687] : memref<128x64xf32, #tpu.memory_space<vmem>> -> memref<1x64xf32, #tpu.memory_space<vmem>>
    %dma_start3A_689 = arith.constant 0 : i32
    %dma_start3A_690 = tpu.memref_slice %arg4[%get3A_685, %dma_start3A_689] : memref<100000x64xf32, #tpu.memory_space<hbm>> -> memref<1x64xf32, #tpu.memory_space<hbm>>
    tpu.enqueue_dma source(%dma_start3A_690 : memref<1x64xf32, #tpu.memory_space<hbm>>) target(%dma_start3A_688 : memref<1x64xf32, #tpu.memory_space<vmem>>) target_semaphore(%arg14 : memref<!tpu.dma_semaphore, #tpu.memory_space<semaphore_mem>>)
    %get3A_691 = arith.constant 99 : index
    %get3A_692 = memref.load %arg0[%get3A_691] : memref<128xi32, #tpu.memory_space<smem>>
    %dma_start3A_693 = arith.constant 99 : i32
    %dma_start3A_694 = arith.constant 0 : i32
    %dma_start3A_695 = tpu.memref_slice %arg13[%dma_start3A_693, %dma_start3A_694] : memref<128x64xf32, #tpu.memory_space<vmem>> -> memref<1x64xf32, #tpu.memory_space<vmem>>
    %dma_start3A_696 = arith.constant 0 : i32
    %dma_start3A_697 = tpu.memref_slice %arg4[%get3A_692, %dma_start3A_696] : memref<100000x64xf32, #tpu.memory_space<hbm>> -> memref<1x64xf32, #tpu.memory_space<hbm>>
    tpu.enqueue_dma source(%dma_start3A_697 : memref<1x64xf32, #tpu.memory_space<hbm>>) target(%dma_start3A_695 : memref<1x64xf32, #tpu.memory_space<vmem>>) target_semaphore(%arg14 : memref<!tpu.dma_semaphore, #tpu.memory_space<semaphore_mem>>)
    %get3A_698 = arith.constant 100 : index
    %get3A_699 = memref.load %arg0[%get3A_698] : memref<128xi32, #tpu.memory_space<smem>>
    %dma_start3A_700 = arith.constant 100 : i32
    %dma_start3A_701 = arith.constant 0 : i32
    %dma_start3A_702 = tpu.memref_slice %arg13[%dma_start3A_700, %dma_start3A_701] : memref<128x64xf32, #tpu.memory_space<vmem>> -> memref<1x64xf32, #tpu.memory_space<vmem>>
    %dma_start3A_703 = arith.constant 0 : i32
    %dma_start3A_704 = tpu.memref_slice %arg4[%get3A_699, %dma_start3A_703] : memref<100000x64xf32, #tpu.memory_space<hbm>> -> memref<1x64xf32, #tpu.memory_space<hbm>>
    tpu.enqueue_dma source(%dma_start3A_704 : memref<1x64xf32, #tpu.memory_space<hbm>>) target(%dma_start3A_702 : memref<1x64xf32, #tpu.memory_space<vmem>>) target_semaphore(%arg14 : memref<!tpu.dma_semaphore, #tpu.memory_space<semaphore_mem>>)
    %get3A_705 = arith.constant 101 : index
    %get3A_706 = memref.load %arg0[%get3A_705] : memref<128xi32, #tpu.memory_space<smem>>
    %dma_start3A_707 = arith.constant 101 : i32
    %dma_start3A_708 = arith.constant 0 : i32
    %dma_start3A_709 = tpu.memref_slice %arg13[%dma_start3A_707, %dma_start3A_708] : memref<128x64xf32, #tpu.memory_space<vmem>> -> memref<1x64xf32, #tpu.memory_space<vmem>>
    %dma_start3A_710 = arith.constant 0 : i32
    %dma_start3A_711 = tpu.memref_slice %arg4[%get3A_706, %dma_start3A_710] : memref<100000x64xf32, #tpu.memory_space<hbm>> -> memref<1x64xf32, #tpu.memory_space<hbm>>
    tpu.enqueue_dma source(%dma_start3A_711 : memref<1x64xf32, #tpu.memory_space<hbm>>) target(%dma_start3A_709 : memref<1x64xf32, #tpu.memory_space<vmem>>) target_semaphore(%arg14 : memref<!tpu.dma_semaphore, #tpu.memory_space<semaphore_mem>>)
    %get3A_712 = arith.constant 102 : index
    %get3A_713 = memref.load %arg0[%get3A_712] : memref<128xi32, #tpu.memory_space<smem>>
    %dma_start3A_714 = arith.constant 102 : i32
    %dma_start3A_715 = arith.constant 0 : i32
    %dma_start3A_716 = tpu.memref_slice %arg13[%dma_start3A_714, %dma_start3A_715] : memref<128x64xf32, #tpu.memory_space<vmem>> -> memref<1x64xf32, #tpu.memory_space<vmem>>
    %dma_start3A_717 = arith.constant 0 : i32
    %dma_start3A_718 = tpu.memref_slice %arg4[%get3A_713, %dma_start3A_717] : memref<100000x64xf32, #tpu.memory_space<hbm>> -> memref<1x64xf32, #tpu.memory_space<hbm>>
    tpu.enqueue_dma source(%dma_start3A_718 : memref<1x64xf32, #tpu.memory_space<hbm>>) target(%dma_start3A_716 : memref<1x64xf32, #tpu.memory_space<vmem>>) target_semaphore(%arg14 : memref<!tpu.dma_semaphore, #tpu.memory_space<semaphore_mem>>)
    %get3A_719 = arith.constant 103 : index
    %get3A_720 = memref.load %arg0[%get3A_719] : memref<128xi32, #tpu.memory_space<smem>>
    %dma_start3A_721 = arith.constant 103 : i32
    %dma_start3A_722 = arith.constant 0 : i32
    %dma_start3A_723 = tpu.memref_slice %arg13[%dma_start3A_721, %dma_start3A_722] : memref<128x64xf32, #tpu.memory_space<vmem>> -> memref<1x64xf32, #tpu.memory_space<vmem>>
    %dma_start3A_724 = arith.constant 0 : i32
    %dma_start3A_725 = tpu.memref_slice %arg4[%get3A_720, %dma_start3A_724] : memref<100000x64xf32, #tpu.memory_space<hbm>> -> memref<1x64xf32, #tpu.memory_space<hbm>>
    tpu.enqueue_dma source(%dma_start3A_725 : memref<1x64xf32, #tpu.memory_space<hbm>>) target(%dma_start3A_723 : memref<1x64xf32, #tpu.memory_space<vmem>>) target_semaphore(%arg14 : memref<!tpu.dma_semaphore, #tpu.memory_space<semaphore_mem>>)
    %get3A_726 = arith.constant 104 : index
    %get3A_727 = memref.load %arg0[%get3A_726] : memref<128xi32, #tpu.memory_space<smem>>
    %dma_start3A_728 = arith.constant 104 : i32
    %dma_start3A_729 = arith.constant 0 : i32
    %dma_start3A_730 = tpu.memref_slice %arg13[%dma_start3A_728, %dma_start3A_729] : memref<128x64xf32, #tpu.memory_space<vmem>> -> memref<1x64xf32, #tpu.memory_space<vmem>>
    %dma_start3A_731 = arith.constant 0 : i32
    %dma_start3A_732 = tpu.memref_slice %arg4[%get3A_727, %dma_start3A_731] : memref<100000x64xf32, #tpu.memory_space<hbm>> -> memref<1x64xf32, #tpu.memory_space<hbm>>
    tpu.enqueue_dma source(%dma_start3A_732 : memref<1x64xf32, #tpu.memory_space<hbm>>) target(%dma_start3A_730 : memref<1x64xf32, #tpu.memory_space<vmem>>) target_semaphore(%arg14 : memref<!tpu.dma_semaphore, #tpu.memory_space<semaphore_mem>>)
    %get3A_733 = arith.constant 105 : index
    %get3A_734 = memref.load %arg0[%get3A_733] : memref<128xi32, #tpu.memory_space<smem>>
    %dma_start3A_735 = arith.constant 105 : i32
    %dma_start3A_736 = arith.constant 0 : i32
    %dma_start3A_737 = tpu.memref_slice %arg13[%dma_start3A_735, %dma_start3A_736] : memref<128x64xf32, #tpu.memory_space<vmem>> -> memref<1x64xf32, #tpu.memory_space<vmem>>
    %dma_start3A_738 = arith.constant 0 : i32
    %dma_start3A_739 = tpu.memref_slice %arg4[%get3A_734, %dma_start3A_738] : memref<100000x64xf32, #tpu.memory_space<hbm>> -> memref<1x64xf32, #tpu.memory_space<hbm>>
    tpu.enqueue_dma source(%dma_start3A_739 : memref<1x64xf32, #tpu.memory_space<hbm>>) target(%dma_start3A_737 : memref<1x64xf32, #tpu.memory_space<vmem>>) target_semaphore(%arg14 : memref<!tpu.dma_semaphore, #tpu.memory_space<semaphore_mem>>)
    %get3A_740 = arith.constant 106 : index
    %get3A_741 = memref.load %arg0[%get3A_740] : memref<128xi32, #tpu.memory_space<smem>>
    %dma_start3A_742 = arith.constant 106 : i32
    %dma_start3A_743 = arith.constant 0 : i32
    %dma_start3A_744 = tpu.memref_slice %arg13[%dma_start3A_742, %dma_start3A_743] : memref<128x64xf32, #tpu.memory_space<vmem>> -> memref<1x64xf32, #tpu.memory_space<vmem>>
    %dma_start3A_745 = arith.constant 0 : i32
    %dma_start3A_746 = tpu.memref_slice %arg4[%get3A_741, %dma_start3A_745] : memref<100000x64xf32, #tpu.memory_space<hbm>> -> memref<1x64xf32, #tpu.memory_space<hbm>>
    tpu.enqueue_dma source(%dma_start3A_746 : memref<1x64xf32, #tpu.memory_space<hbm>>) target(%dma_start3A_744 : memref<1x64xf32, #tpu.memory_space<vmem>>) target_semaphore(%arg14 : memref<!tpu.dma_semaphore, #tpu.memory_space<semaphore_mem>>)
    %get3A_747 = arith.constant 107 : index
    %get3A_748 = memref.load %arg0[%get3A_747] : memref<128xi32, #tpu.memory_space<smem>>
    %dma_start3A_749 = arith.constant 107 : i32
    %dma_start3A_750 = arith.constant 0 : i32
    %dma_start3A_751 = tpu.memref_slice %arg13[%dma_start3A_749, %dma_start3A_750] : memref<128x64xf32, #tpu.memory_space<vmem>> -> memref<1x64xf32, #tpu.memory_space<vmem>>
    %dma_start3A_752 = arith.constant 0 : i32
    %dma_start3A_753 = tpu.memref_slice %arg4[%get3A_748, %dma_start3A_752] : memref<100000x64xf32, #tpu.memory_space<hbm>> -> memref<1x64xf32, #tpu.memory_space<hbm>>
    tpu.enqueue_dma source(%dma_start3A_753 : memref<1x64xf32, #tpu.memory_space<hbm>>) target(%dma_start3A_751 : memref<1x64xf32, #tpu.memory_space<vmem>>) target_semaphore(%arg14 : memref<!tpu.dma_semaphore, #tpu.memory_space<semaphore_mem>>)
    %get3A_754 = arith.constant 108 : index
    %get3A_755 = memref.load %arg0[%get3A_754] : memref<128xi32, #tpu.memory_space<smem>>
    %dma_start3A_756 = arith.constant 108 : i32
    %dma_start3A_757 = arith.constant 0 : i32
    %dma_start3A_758 = tpu.memref_slice %arg13[%dma_start3A_756, %dma_start3A_757] : memref<128x64xf32, #tpu.memory_space<vmem>> -> memref<1x64xf32, #tpu.memory_space<vmem>>
    %dma_start3A_759 = arith.constant 0 : i32
    %dma_start3A_760 = tpu.memref_slice %arg4[%get3A_755, %dma_start3A_759] : memref<100000x64xf32, #tpu.memory_space<hbm>> -> memref<1x64xf32, #tpu.memory_space<hbm>>
    tpu.enqueue_dma source(%dma_start3A_760 : memref<1x64xf32, #tpu.memory_space<hbm>>) target(%dma_start3A_758 : memref<1x64xf32, #tpu.memory_space<vmem>>) target_semaphore(%arg14 : memref<!tpu.dma_semaphore, #tpu.memory_space<semaphore_mem>>)
    %get3A_761 = arith.constant 109 : index
    %get3A_762 = memref.load %arg0[%get3A_761] : memref<128xi32, #tpu.memory_space<smem>>
    %dma_start3A_763 = arith.constant 109 : i32
    %dma_start3A_764 = arith.constant 0 : i32
    %dma_start3A_765 = tpu.memref_slice %arg13[%dma_start3A_763, %dma_start3A_764] : memref<128x64xf32, #tpu.memory_space<vmem>> -> memref<1x64xf32, #tpu.memory_space<vmem>>
    %dma_start3A_766 = arith.constant 0 : i32
    %dma_start3A_767 = tpu.memref_slice %arg4[%get3A_762, %dma_start3A_766] : memref<100000x64xf32, #tpu.memory_space<hbm>> -> memref<1x64xf32, #tpu.memory_space<hbm>>
    tpu.enqueue_dma source(%dma_start3A_767 : memref<1x64xf32, #tpu.memory_space<hbm>>) target(%dma_start3A_765 : memref<1x64xf32, #tpu.memory_space<vmem>>) target_semaphore(%arg14 : memref<!tpu.dma_semaphore, #tpu.memory_space<semaphore_mem>>)
    %get3A_768 = arith.constant 110 : index
    %get3A_769 = memref.load %arg0[%get3A_768] : memref<128xi32, #tpu.memory_space<smem>>
    %dma_start3A_770 = arith.constant 110 : i32
    %dma_start3A_771 = arith.constant 0 : i32
    %dma_start3A_772 = tpu.memref_slice %arg13[%dma_start3A_770, %dma_start3A_771] : memref<128x64xf32, #tpu.memory_space<vmem>> -> memref<1x64xf32, #tpu.memory_space<vmem>>
    %dma_start3A_773 = arith.constant 0 : i32
    %dma_start3A_774 = tpu.memref_slice %arg4[%get3A_769, %dma_start3A_773] : memref<100000x64xf32, #tpu.memory_space<hbm>> -> memref<1x64xf32, #tpu.memory_space<hbm>>
    tpu.enqueue_dma source(%dma_start3A_774 : memref<1x64xf32, #tpu.memory_space<hbm>>) target(%dma_start3A_772 : memref<1x64xf32, #tpu.memory_space<vmem>>) target_semaphore(%arg14 : memref<!tpu.dma_semaphore, #tpu.memory_space<semaphore_mem>>)
    %get3A_775 = arith.constant 111 : index
    %get3A_776 = memref.load %arg0[%get3A_775] : memref<128xi32, #tpu.memory_space<smem>>
    %dma_start3A_777 = arith.constant 111 : i32
    %dma_start3A_778 = arith.constant 0 : i32
    %dma_start3A_779 = tpu.memref_slice %arg13[%dma_start3A_777, %dma_start3A_778] : memref<128x64xf32, #tpu.memory_space<vmem>> -> memref<1x64xf32, #tpu.memory_space<vmem>>
    %dma_start3A_780 = arith.constant 0 : i32
    %dma_start3A_781 = tpu.memref_slice %arg4[%get3A_776, %dma_start3A_780] : memref<100000x64xf32, #tpu.memory_space<hbm>> -> memref<1x64xf32, #tpu.memory_space<hbm>>
    tpu.enqueue_dma source(%dma_start3A_781 : memref<1x64xf32, #tpu.memory_space<hbm>>) target(%dma_start3A_779 : memref<1x64xf32, #tpu.memory_space<vmem>>) target_semaphore(%arg14 : memref<!tpu.dma_semaphore, #tpu.memory_space<semaphore_mem>>)
    %get3A_782 = arith.constant 112 : index
    %get3A_783 = memref.load %arg0[%get3A_782] : memref<128xi32, #tpu.memory_space<smem>>
    %dma_start3A_784 = arith.constant 112 : i32
    %dma_start3A_785 = arith.constant 0 : i32
    %dma_start3A_786 = tpu.memref_slice %arg13[%dma_start3A_784, %dma_start3A_785] : memref<128x64xf32, #tpu.memory_space<vmem>> -> memref<1x64xf32, #tpu.memory_space<vmem>>
    %dma_start3A_787 = arith.constant 0 : i32
    %dma_start3A_788 = tpu.memref_slice %arg4[%get3A_783, %dma_start3A_787] : memref<100000x64xf32, #tpu.memory_space<hbm>> -> memref<1x64xf32, #tpu.memory_space<hbm>>
    tpu.enqueue_dma source(%dma_start3A_788 : memref<1x64xf32, #tpu.memory_space<hbm>>) target(%dma_start3A_786 : memref<1x64xf32, #tpu.memory_space<vmem>>) target_semaphore(%arg14 : memref<!tpu.dma_semaphore, #tpu.memory_space<semaphore_mem>>)
    %get3A_789 = arith.constant 113 : index
    %get3A_790 = memref.load %arg0[%get3A_789] : memref<128xi32, #tpu.memory_space<smem>>
    %dma_start3A_791 = arith.constant 113 : i32
    %dma_start3A_792 = arith.constant 0 : i32
    %dma_start3A_793 = tpu.memref_slice %arg13[%dma_start3A_791, %dma_start3A_792] : memref<128x64xf32, #tpu.memory_space<vmem>> -> memref<1x64xf32, #tpu.memory_space<vmem>>
    %dma_start3A_794 = arith.constant 0 : i32
    %dma_start3A_795 = tpu.memref_slice %arg4[%get3A_790, %dma_start3A_794] : memref<100000x64xf32, #tpu.memory_space<hbm>> -> memref<1x64xf32, #tpu.memory_space<hbm>>
    tpu.enqueue_dma source(%dma_start3A_795 : memref<1x64xf32, #tpu.memory_space<hbm>>) target(%dma_start3A_793 : memref<1x64xf32, #tpu.memory_space<vmem>>) target_semaphore(%arg14 : memref<!tpu.dma_semaphore, #tpu.memory_space<semaphore_mem>>)
    %get3A_796 = arith.constant 114 : index
    %get3A_797 = memref.load %arg0[%get3A_796] : memref<128xi32, #tpu.memory_space<smem>>
    %dma_start3A_798 = arith.constant 114 : i32
    %dma_start3A_799 = arith.constant 0 : i32
    %dma_start3A_800 = tpu.memref_slice %arg13[%dma_start3A_798, %dma_start3A_799] : memref<128x64xf32, #tpu.memory_space<vmem>> -> memref<1x64xf32, #tpu.memory_space<vmem>>
    %dma_start3A_801 = arith.constant 0 : i32
    %dma_start3A_802 = tpu.memref_slice %arg4[%get3A_797, %dma_start3A_801] : memref<100000x64xf32, #tpu.memory_space<hbm>> -> memref<1x64xf32, #tpu.memory_space<hbm>>
    tpu.enqueue_dma source(%dma_start3A_802 : memref<1x64xf32, #tpu.memory_space<hbm>>) target(%dma_start3A_800 : memref<1x64xf32, #tpu.memory_space<vmem>>) target_semaphore(%arg14 : memref<!tpu.dma_semaphore, #tpu.memory_space<semaphore_mem>>)
    %get3A_803 = arith.constant 115 : index
    %get3A_804 = memref.load %arg0[%get3A_803] : memref<128xi32, #tpu.memory_space<smem>>
    %dma_start3A_805 = arith.constant 115 : i32
    %dma_start3A_806 = arith.constant 0 : i32
    %dma_start3A_807 = tpu.memref_slice %arg13[%dma_start3A_805, %dma_start3A_806] : memref<128x64xf32, #tpu.memory_space<vmem>> -> memref<1x64xf32, #tpu.memory_space<vmem>>
    %dma_start3A_808 = arith.constant 0 : i32
    %dma_start3A_809 = tpu.memref_slice %arg4[%get3A_804, %dma_start3A_808] : memref<100000x64xf32, #tpu.memory_space<hbm>> -> memref<1x64xf32, #tpu.memory_space<hbm>>
    tpu.enqueue_dma source(%dma_start3A_809 : memref<1x64xf32, #tpu.memory_space<hbm>>) target(%dma_start3A_807 : memref<1x64xf32, #tpu.memory_space<vmem>>) target_semaphore(%arg14 : memref<!tpu.dma_semaphore, #tpu.memory_space<semaphore_mem>>)
    %get3A_810 = arith.constant 116 : index
    %get3A_811 = memref.load %arg0[%get3A_810] : memref<128xi32, #tpu.memory_space<smem>>
    %dma_start3A_812 = arith.constant 116 : i32
    %dma_start3A_813 = arith.constant 0 : i32
    %dma_start3A_814 = tpu.memref_slice %arg13[%dma_start3A_812, %dma_start3A_813] : memref<128x64xf32, #tpu.memory_space<vmem>> -> memref<1x64xf32, #tpu.memory_space<vmem>>
    %dma_start3A_815 = arith.constant 0 : i32
    %dma_start3A_816 = tpu.memref_slice %arg4[%get3A_811, %dma_start3A_815] : memref<100000x64xf32, #tpu.memory_space<hbm>> -> memref<1x64xf32, #tpu.memory_space<hbm>>
    tpu.enqueue_dma source(%dma_start3A_816 : memref<1x64xf32, #tpu.memory_space<hbm>>) target(%dma_start3A_814 : memref<1x64xf32, #tpu.memory_space<vmem>>) target_semaphore(%arg14 : memref<!tpu.dma_semaphore, #tpu.memory_space<semaphore_mem>>)
    %get3A_817 = arith.constant 117 : index
    %get3A_818 = memref.load %arg0[%get3A_817] : memref<128xi32, #tpu.memory_space<smem>>
    %dma_start3A_819 = arith.constant 117 : i32
    %dma_start3A_820 = arith.constant 0 : i32
    %dma_start3A_821 = tpu.memref_slice %arg13[%dma_start3A_819, %dma_start3A_820] : memref<128x64xf32, #tpu.memory_space<vmem>> -> memref<1x64xf32, #tpu.memory_space<vmem>>
    %dma_start3A_822 = arith.constant 0 : i32
    %dma_start3A_823 = tpu.memref_slice %arg4[%get3A_818, %dma_start3A_822] : memref<100000x64xf32, #tpu.memory_space<hbm>> -> memref<1x64xf32, #tpu.memory_space<hbm>>
    tpu.enqueue_dma source(%dma_start3A_823 : memref<1x64xf32, #tpu.memory_space<hbm>>) target(%dma_start3A_821 : memref<1x64xf32, #tpu.memory_space<vmem>>) target_semaphore(%arg14 : memref<!tpu.dma_semaphore, #tpu.memory_space<semaphore_mem>>)
    %get3A_824 = arith.constant 118 : index
    %get3A_825 = memref.load %arg0[%get3A_824] : memref<128xi32, #tpu.memory_space<smem>>
    %dma_start3A_826 = arith.constant 118 : i32
    %dma_start3A_827 = arith.constant 0 : i32
    %dma_start3A_828 = tpu.memref_slice %arg13[%dma_start3A_826, %dma_start3A_827] : memref<128x64xf32, #tpu.memory_space<vmem>> -> memref<1x64xf32, #tpu.memory_space<vmem>>
    %dma_start3A_829 = arith.constant 0 : i32
    %dma_start3A_830 = tpu.memref_slice %arg4[%get3A_825, %dma_start3A_829] : memref<100000x64xf32, #tpu.memory_space<hbm>> -> memref<1x64xf32, #tpu.memory_space<hbm>>
    tpu.enqueue_dma source(%dma_start3A_830 : memref<1x64xf32, #tpu.memory_space<hbm>>) target(%dma_start3A_828 : memref<1x64xf32, #tpu.memory_space<vmem>>) target_semaphore(%arg14 : memref<!tpu.dma_semaphore, #tpu.memory_space<semaphore_mem>>)
    %get3A_831 = arith.constant 119 : index
    %get3A_832 = memref.load %arg0[%get3A_831] : memref<128xi32, #tpu.memory_space<smem>>
    %dma_start3A_833 = arith.constant 119 : i32
    %dma_start3A_834 = arith.constant 0 : i32
    %dma_start3A_835 = tpu.memref_slice %arg13[%dma_start3A_833, %dma_start3A_834] : memref<128x64xf32, #tpu.memory_space<vmem>> -> memref<1x64xf32, #tpu.memory_space<vmem>>
    %dma_start3A_836 = arith.constant 0 : i32
    %dma_start3A_837 = tpu.memref_slice %arg4[%get3A_832, %dma_start3A_836] : memref<100000x64xf32, #tpu.memory_space<hbm>> -> memref<1x64xf32, #tpu.memory_space<hbm>>
    tpu.enqueue_dma source(%dma_start3A_837 : memref<1x64xf32, #tpu.memory_space<hbm>>) target(%dma_start3A_835 : memref<1x64xf32, #tpu.memory_space<vmem>>) target_semaphore(%arg14 : memref<!tpu.dma_semaphore, #tpu.memory_space<semaphore_mem>>)
    %get3A_838 = arith.constant 120 : index
    %get3A_839 = memref.load %arg0[%get3A_838] : memref<128xi32, #tpu.memory_space<smem>>
    %dma_start3A_840 = arith.constant 120 : i32
    %dma_start3A_841 = arith.constant 0 : i32
    %dma_start3A_842 = tpu.memref_slice %arg13[%dma_start3A_840, %dma_start3A_841] : memref<128x64xf32, #tpu.memory_space<vmem>> -> memref<1x64xf32, #tpu.memory_space<vmem>>
    %dma_start3A_843 = arith.constant 0 : i32
    %dma_start3A_844 = tpu.memref_slice %arg4[%get3A_839, %dma_start3A_843] : memref<100000x64xf32, #tpu.memory_space<hbm>> -> memref<1x64xf32, #tpu.memory_space<hbm>>
    tpu.enqueue_dma source(%dma_start3A_844 : memref<1x64xf32, #tpu.memory_space<hbm>>) target(%dma_start3A_842 : memref<1x64xf32, #tpu.memory_space<vmem>>) target_semaphore(%arg14 : memref<!tpu.dma_semaphore, #tpu.memory_space<semaphore_mem>>)
    %get3A_845 = arith.constant 121 : index
    %get3A_846 = memref.load %arg0[%get3A_845] : memref<128xi32, #tpu.memory_space<smem>>
    %dma_start3A_847 = arith.constant 121 : i32
    %dma_start3A_848 = arith.constant 0 : i32
    %dma_start3A_849 = tpu.memref_slice %arg13[%dma_start3A_847, %dma_start3A_848] : memref<128x64xf32, #tpu.memory_space<vmem>> -> memref<1x64xf32, #tpu.memory_space<vmem>>
    %dma_start3A_850 = arith.constant 0 : i32
    %dma_start3A_851 = tpu.memref_slice %arg4[%get3A_846, %dma_start3A_850] : memref<100000x64xf32, #tpu.memory_space<hbm>> -> memref<1x64xf32, #tpu.memory_space<hbm>>
    tpu.enqueue_dma source(%dma_start3A_851 : memref<1x64xf32, #tpu.memory_space<hbm>>) target(%dma_start3A_849 : memref<1x64xf32, #tpu.memory_space<vmem>>) target_semaphore(%arg14 : memref<!tpu.dma_semaphore, #tpu.memory_space<semaphore_mem>>)
    %get3A_852 = arith.constant 122 : index
    %get3A_853 = memref.load %arg0[%get3A_852] : memref<128xi32, #tpu.memory_space<smem>>
    %dma_start3A_854 = arith.constant 122 : i32
    %dma_start3A_855 = arith.constant 0 : i32
    %dma_start3A_856 = tpu.memref_slice %arg13[%dma_start3A_854, %dma_start3A_855] : memref<128x64xf32, #tpu.memory_space<vmem>> -> memref<1x64xf32, #tpu.memory_space<vmem>>
    %dma_start3A_857 = arith.constant 0 : i32
    %dma_start3A_858 = tpu.memref_slice %arg4[%get3A_853, %dma_start3A_857] : memref<100000x64xf32, #tpu.memory_space<hbm>> -> memref<1x64xf32, #tpu.memory_space<hbm>>
    tpu.enqueue_dma source(%dma_start3A_858 : memref<1x64xf32, #tpu.memory_space<hbm>>) target(%dma_start3A_856 : memref<1x64xf32, #tpu.memory_space<vmem>>) target_semaphore(%arg14 : memref<!tpu.dma_semaphore, #tpu.memory_space<semaphore_mem>>)
    %get3A_859 = arith.constant 123 : index
    %get3A_860 = memref.load %arg0[%get3A_859] : memref<128xi32, #tpu.memory_space<smem>>
    %dma_start3A_861 = arith.constant 123 : i32
    %dma_start3A_862 = arith.constant 0 : i32
    %dma_start3A_863 = tpu.memref_slice %arg13[%dma_start3A_861, %dma_start3A_862] : memref<128x64xf32, #tpu.memory_space<vmem>> -> memref<1x64xf32, #tpu.memory_space<vmem>>
    %dma_start3A_864 = arith.constant 0 : i32
    %dma_start3A_865 = tpu.memref_slice %arg4[%get3A_860, %dma_start3A_864] : memref<100000x64xf32, #tpu.memory_space<hbm>> -> memref<1x64xf32, #tpu.memory_space<hbm>>
    tpu.enqueue_dma source(%dma_start3A_865 : memref<1x64xf32, #tpu.memory_space<hbm>>) target(%dma_start3A_863 : memref<1x64xf32, #tpu.memory_space<vmem>>) target_semaphore(%arg14 : memref<!tpu.dma_semaphore, #tpu.memory_space<semaphore_mem>>)
    %get3A_866 = arith.constant 124 : index
    %get3A_867 = memref.load %arg0[%get3A_866] : memref<128xi32, #tpu.memory_space<smem>>
    %dma_start3A_868 = arith.constant 124 : i32
    %dma_start3A_869 = arith.constant 0 : i32
    %dma_start3A_870 = tpu.memref_slice %arg13[%dma_start3A_868, %dma_start3A_869] : memref<128x64xf32, #tpu.memory_space<vmem>> -> memref<1x64xf32, #tpu.memory_space<vmem>>
    %dma_start3A_871 = arith.constant 0 : i32
    %dma_start3A_872 = tpu.memref_slice %arg4[%get3A_867, %dma_start3A_871] : memref<100000x64xf32, #tpu.memory_space<hbm>> -> memref<1x64xf32, #tpu.memory_space<hbm>>
    tpu.enqueue_dma source(%dma_start3A_872 : memref<1x64xf32, #tpu.memory_space<hbm>>) target(%dma_start3A_870 : memref<1x64xf32, #tpu.memory_space<vmem>>) target_semaphore(%arg14 : memref<!tpu.dma_semaphore, #tpu.memory_space<semaphore_mem>>)
    %get3A_873 = arith.constant 125 : index
    %get3A_874 = memref.load %arg0[%get3A_873] : memref<128xi32, #tpu.memory_space<smem>>
    %dma_start3A_875 = arith.constant 125 : i32
    %dma_start3A_876 = arith.constant 0 : i32
    %dma_start3A_877 = tpu.memref_slice %arg13[%dma_start3A_875, %dma_start3A_876] : memref<128x64xf32, #tpu.memory_space<vmem>> -> memref<1x64xf32, #tpu.memory_space<vmem>>
    %dma_start3A_878 = arith.constant 0 : i32
    %dma_start3A_879 = tpu.memref_slice %arg4[%get3A_874, %dma_start3A_878] : memref<100000x64xf32, #tpu.memory_space<hbm>> -> memref<1x64xf32, #tpu.memory_space<hbm>>
    tpu.enqueue_dma source(%dma_start3A_879 : memref<1x64xf32, #tpu.memory_space<hbm>>) target(%dma_start3A_877 : memref<1x64xf32, #tpu.memory_space<vmem>>) target_semaphore(%arg14 : memref<!tpu.dma_semaphore, #tpu.memory_space<semaphore_mem>>)
    %get3A_880 = arith.constant 126 : index
    %get3A_881 = memref.load %arg0[%get3A_880] : memref<128xi32, #tpu.memory_space<smem>>
    %dma_start3A_882 = arith.constant 126 : i32
    %dma_start3A_883 = arith.constant 0 : i32
    %dma_start3A_884 = tpu.memref_slice %arg13[%dma_start3A_882, %dma_start3A_883] : memref<128x64xf32, #tpu.memory_space<vmem>> -> memref<1x64xf32, #tpu.memory_space<vmem>>
    %dma_start3A_885 = arith.constant 0 : i32
    %dma_start3A_886 = tpu.memref_slice %arg4[%get3A_881, %dma_start3A_885] : memref<100000x64xf32, #tpu.memory_space<hbm>> -> memref<1x64xf32, #tpu.memory_space<hbm>>
    tpu.enqueue_dma source(%dma_start3A_886 : memref<1x64xf32, #tpu.memory_space<hbm>>) target(%dma_start3A_884 : memref<1x64xf32, #tpu.memory_space<vmem>>) target_semaphore(%arg14 : memref<!tpu.dma_semaphore, #tpu.memory_space<semaphore_mem>>)
    %get3A_887 = arith.constant 127 : index
    %get3A_888 = memref.load %arg0[%get3A_887] : memref<128xi32, #tpu.memory_space<smem>>
    %dma_start3A_889 = arith.constant 127 : i32
    %dma_start3A_890 = arith.constant 0 : i32
    %dma_start3A_891 = tpu.memref_slice %arg13[%dma_start3A_889, %dma_start3A_890] : memref<128x64xf32, #tpu.memory_space<vmem>> -> memref<1x64xf32, #tpu.memory_space<vmem>>
    %dma_start3A_892 = arith.constant 0 : i32
    %dma_start3A_893 = tpu.memref_slice %arg4[%get3A_888, %dma_start3A_892] : memref<100000x64xf32, #tpu.memory_space<hbm>> -> memref<1x64xf32, #tpu.memory_space<hbm>>
    tpu.enqueue_dma source(%dma_start3A_893 : memref<1x64xf32, #tpu.memory_space<hbm>>) target(%dma_start3A_891 : memref<1x64xf32, #tpu.memory_space<vmem>>) target_semaphore(%arg14 : memref<!tpu.dma_semaphore, #tpu.memory_space<semaphore_mem>>)
    %dma_wait3A = arith.constant 0 : i32
    %dma_wait3A_894 = arith.constant 0 : i32
    %dma_wait3A_895 = tpu.memref_slice %arg13[%dma_wait3A, %dma_wait3A_894] : memref<128x64xf32, #tpu.memory_space<vmem>> -> memref<1x64xf32, #tpu.memory_space<vmem>>
    %dma_wait3A_896 = arith.constant 0 : i32
    %dma_wait3A_897 = arith.constant 0 : i32
    %dma_wait3A_898 = tpu.memref_slice %arg4[%dma_wait3A_896, %dma_wait3A_897] : memref<100000x64xf32, #tpu.memory_space<hbm>> -> memref<1x64xf32, #tpu.memory_space<hbm>>
    tpu.wait_dma2 semaphore(%arg14 : memref<!tpu.dma_semaphore, #tpu.memory_space<semaphore_mem>>) src(%dma_wait3A_898 : memref<1x64xf32, #tpu.memory_space<hbm>>) dst(%dma_wait3A_895 : memref<1x64xf32, #tpu.memory_space<vmem>>)
    %dma_wait3A_899 = arith.constant 0 : i32
    %dma_wait3A_900 = arith.constant 0 : i32
    %dma_wait3A_901 = tpu.memref_slice %arg13[%dma_wait3A_899, %dma_wait3A_900] : memref<128x64xf32, #tpu.memory_space<vmem>> -> memref<1x64xf32, #tpu.memory_space<vmem>>
    %dma_wait3A_902 = arith.constant 0 : i32
    %dma_wait3A_903 = arith.constant 0 : i32
    %dma_wait3A_904 = tpu.memref_slice %arg4[%dma_wait3A_902, %dma_wait3A_903] : memref<100000x64xf32, #tpu.memory_space<hbm>> -> memref<1x64xf32, #tpu.memory_space<hbm>>
    tpu.wait_dma2 semaphore(%arg14 : memref<!tpu.dma_semaphore, #tpu.memory_space<semaphore_mem>>) src(%dma_wait3A_904 : memref<1x64xf32, #tpu.memory_space<hbm>>) dst(%dma_wait3A_901 : memref<1x64xf32, #tpu.memory_space<vmem>>)
    %dma_wait3A_905 = arith.constant 0 : i32
    %dma_wait3A_906 = arith.constant 0 : i32
    %dma_wait3A_907 = tpu.memref_slice %arg13[%dma_wait3A_905, %dma_wait3A_906] : memref<128x64xf32, #tpu.memory_space<vmem>> -> memref<1x64xf32, #tpu.memory_space<vmem>>
    %dma_wait3A_908 = arith.constant 0 : i32
    %dma_wait3A_909 = arith.constant 0 : i32
    %dma_wait3A_910 = tpu.memref_slice %arg4[%dma_wait3A_908, %dma_wait3A_909] : memref<100000x64xf32, #tpu.memory_space<hbm>> -> memref<1x64xf32, #tpu.memory_space<hbm>>
    tpu.wait_dma2 semaphore(%arg14 : memref<!tpu.dma_semaphore, #tpu.memory_space<semaphore_mem>>) src(%dma_wait3A_910 : memref<1x64xf32, #tpu.memory_space<hbm>>) dst(%dma_wait3A_907 : memref<1x64xf32, #tpu.memory_space<vmem>>)
    %dma_wait3A_911 = arith.constant 0 : i32
    %dma_wait3A_912 = arith.constant 0 : i32
    %dma_wait3A_913 = tpu.memref_slice %arg13[%dma_wait3A_911, %dma_wait3A_912] : memref<128x64xf32, #tpu.memory_space<vmem>> -> memref<1x64xf32, #tpu.memory_space<vmem>>
    %dma_wait3A_914 = arith.constant 0 : i32
    %dma_wait3A_915 = arith.constant 0 : i32
    %dma_wait3A_916 = tpu.memref_slice %arg4[%dma_wait3A_914, %dma_wait3A_915] : memref<100000x64xf32, #tpu.memory_space<hbm>> -> memref<1x64xf32, #tpu.memory_space<hbm>>
    tpu.wait_dma2 semaphore(%arg14 : memref<!tpu.dma_semaphore, #tpu.memory_space<semaphore_mem>>) src(%dma_wait3A_916 : memref<1x64xf32, #tpu.memory_space<hbm>>) dst(%dma_wait3A_913 : memref<1x64xf32, #tpu.memory_space<vmem>>)
    %dma_wait3A_917 = arith.constant 0 : i32
    %dma_wait3A_918 = arith.constant 0 : i32
    %dma_wait3A_919 = tpu.memref_slice %arg13[%dma_wait3A_917, %dma_wait3A_918] : memref<128x64xf32, #tpu.memory_space<vmem>> -> memref<1x64xf32, #tpu.memory_space<vmem>>
    %dma_wait3A_920 = arith.constant 0 : i32
    %dma_wait3A_921 = arith.constant 0 : i32
    %dma_wait3A_922 = tpu.memref_slice %arg4[%dma_wait3A_920, %dma_wait3A_921] : memref<100000x64xf32, #tpu.memory_space<hbm>> -> memref<1x64xf32, #tpu.memory_space<hbm>>
    tpu.wait_dma2 semaphore(%arg14 : memref<!tpu.dma_semaphore, #tpu.memory_space<semaphore_mem>>) src(%dma_wait3A_922 : memref<1x64xf32, #tpu.memory_space<hbm>>) dst(%dma_wait3A_919 : memref<1x64xf32, #tpu.memory_space<vmem>>)
    %dma_wait3A_923 = arith.constant 0 : i32
    %dma_wait3A_924 = arith.constant 0 : i32
    %dma_wait3A_925 = tpu.memref_slice %arg13[%dma_wait3A_923, %dma_wait3A_924] : memref<128x64xf32, #tpu.memory_space<vmem>> -> memref<1x64xf32, #tpu.memory_space<vmem>>
    %dma_wait3A_926 = arith.constant 0 : i32
    %dma_wait3A_927 = arith.constant 0 : i32
    %dma_wait3A_928 = tpu.memref_slice %arg4[%dma_wait3A_926, %dma_wait3A_927] : memref<100000x64xf32, #tpu.memory_space<hbm>> -> memref<1x64xf32, #tpu.memory_space<hbm>>
    tpu.wait_dma2 semaphore(%arg14 : memref<!tpu.dma_semaphore, #tpu.memory_space<semaphore_mem>>) src(%dma_wait3A_928 : memref<1x64xf32, #tpu.memory_space<hbm>>) dst(%dma_wait3A_925 : memref<1x64xf32, #tpu.memory_space<vmem>>)
    %dma_wait3A_929 = arith.constant 0 : i32
    %dma_wait3A_930 = arith.constant 0 : i32
    %dma_wait3A_931 = tpu.memref_slice %arg13[%dma_wait3A_929, %dma_wait3A_930] : memref<128x64xf32, #tpu.memory_space<vmem>> -> memref<1x64xf32, #tpu.memory_space<vmem>>
    %dma_wait3A_932 = arith.constant 0 : i32
    %dma_wait3A_933 = arith.constant 0 : i32
    %dma_wait3A_934 = tpu.memref_slice %arg4[%dma_wait3A_932, %dma_wait3A_933] : memref<100000x64xf32, #tpu.memory_space<hbm>> -> memref<1x64xf32, #tpu.memory_space<hbm>>
    tpu.wait_dma2 semaphore(%arg14 : memref<!tpu.dma_semaphore, #tpu.memory_space<semaphore_mem>>) src(%dma_wait3A_934 : memref<1x64xf32, #tpu.memory_space<hbm>>) dst(%dma_wait3A_931 : memref<1x64xf32, #tpu.memory_space<vmem>>)
    %dma_wait3A_935 = arith.constant 0 : i32
    %dma_wait3A_936 = arith.constant 0 : i32
    %dma_wait3A_937 = tpu.memref_slice %arg13[%dma_wait3A_935, %dma_wait3A_936] : memref<128x64xf32, #tpu.memory_space<vmem>> -> memref<1x64xf32, #tpu.memory_space<vmem>>
    %dma_wait3A_938 = arith.constant 0 : i32
    %dma_wait3A_939 = arith.constant 0 : i32
    %dma_wait3A_940 = tpu.memref_slice %arg4[%dma_wait3A_938, %dma_wait3A_939] : memref<100000x64xf32, #tpu.memory_space<hbm>> -> memref<1x64xf32, #tpu.memory_space<hbm>>
    tpu.wait_dma2 semaphore(%arg14 : memref<!tpu.dma_semaphore, #tpu.memory_space<semaphore_mem>>) src(%dma_wait3A_940 : memref<1x64xf32, #tpu.memory_space<hbm>>) dst(%dma_wait3A_937 : memref<1x64xf32, #tpu.memory_space<vmem>>)
    %dma_wait3A_941 = arith.constant 0 : i32
    %dma_wait3A_942 = arith.constant 0 : i32
    %dma_wait3A_943 = tpu.memref_slice %arg13[%dma_wait3A_941, %dma_wait3A_942] : memref<128x64xf32, #tpu.memory_space<vmem>> -> memref<1x64xf32, #tpu.memory_space<vmem>>
    %dma_wait3A_944 = arith.constant 0 : i32
    %dma_wait3A_945 = arith.constant 0 : i32
    %dma_wait3A_946 = tpu.memref_slice %arg4[%dma_wait3A_944, %dma_wait3A_945] : memref<100000x64xf32, #tpu.memory_space<hbm>> -> memref<1x64xf32, #tpu.memory_space<hbm>>
    tpu.wait_dma2 semaphore(%arg14 : memref<!tpu.dma_semaphore, #tpu.memory_space<semaphore_mem>>) src(%dma_wait3A_946 : memref<1x64xf32, #tpu.memory_space<hbm>>) dst(%dma_wait3A_943 : memref<1x64xf32, #tpu.memory_space<vmem>>)
    %dma_wait3A_947 = arith.constant 0 : i32
    %dma_wait3A_948 = arith.constant 0 : i32
    %dma_wait3A_949 = tpu.memref_slice %arg13[%dma_wait3A_947, %dma_wait3A_948] : memref<128x64xf32, #tpu.memory_space<vmem>> -> memref<1x64xf32, #tpu.memory_space<vmem>>
    %dma_wait3A_950 = arith.constant 0 : i32
    %dma_wait3A_951 = arith.constant 0 : i32
    %dma_wait3A_952 = tpu.memref_slice %arg4[%dma_wait3A_950, %dma_wait3A_951] : memref<100000x64xf32, #tpu.memory_space<hbm>> -> memref<1x64xf32, #tpu.memory_space<hbm>>
    tpu.wait_dma2 semaphore(%arg14 : memref<!tpu.dma_semaphore, #tpu.memory_space<semaphore_mem>>) src(%dma_wait3A_952 : memref<1x64xf32, #tpu.memory_space<hbm>>) dst(%dma_wait3A_949 : memref<1x64xf32, #tpu.memory_space<vmem>>)
    %dma_wait3A_953 = arith.constant 0 : i32
    %dma_wait3A_954 = arith.constant 0 : i32
    %dma_wait3A_955 = tpu.memref_slice %arg13[%dma_wait3A_953, %dma_wait3A_954] : memref<128x64xf32, #tpu.memory_space<vmem>> -> memref<1x64xf32, #tpu.memory_space<vmem>>
    %dma_wait3A_956 = arith.constant 0 : i32
    %dma_wait3A_957 = arith.constant 0 : i32
    %dma_wait3A_958 = tpu.memref_slice %arg4[%dma_wait3A_956, %dma_wait3A_957] : memref<100000x64xf32, #tpu.memory_space<hbm>> -> memref<1x64xf32, #tpu.memory_space<hbm>>
    tpu.wait_dma2 semaphore(%arg14 : memref<!tpu.dma_semaphore, #tpu.memory_space<semaphore_mem>>) src(%dma_wait3A_958 : memref<1x64xf32, #tpu.memory_space<hbm>>) dst(%dma_wait3A_955 : memref<1x64xf32, #tpu.memory_space<vmem>>)
    %dma_wait3A_959 = arith.constant 0 : i32
    %dma_wait3A_960 = arith.constant 0 : i32
    %dma_wait3A_961 = tpu.memref_slice %arg13[%dma_wait3A_959, %dma_wait3A_960] : memref<128x64xf32, #tpu.memory_space<vmem>> -> memref<1x64xf32, #tpu.memory_space<vmem>>
    %dma_wait3A_962 = arith.constant 0 : i32
    %dma_wait3A_963 = arith.constant 0 : i32
    %dma_wait3A_964 = tpu.memref_slice %arg4[%dma_wait3A_962, %dma_wait3A_963] : memref<100000x64xf32, #tpu.memory_space<hbm>> -> memref<1x64xf32, #tpu.memory_space<hbm>>
    tpu.wait_dma2 semaphore(%arg14 : memref<!tpu.dma_semaphore, #tpu.memory_space<semaphore_mem>>) src(%dma_wait3A_964 : memref<1x64xf32, #tpu.memory_space<hbm>>) dst(%dma_wait3A_961 : memref<1x64xf32, #tpu.memory_space<vmem>>)
    %dma_wait3A_965 = arith.constant 0 : i32
    %dma_wait3A_966 = arith.constant 0 : i32
    %dma_wait3A_967 = tpu.memref_slice %arg13[%dma_wait3A_965, %dma_wait3A_966] : memref<128x64xf32, #tpu.memory_space<vmem>> -> memref<1x64xf32, #tpu.memory_space<vmem>>
    %dma_wait3A_968 = arith.constant 0 : i32
    %dma_wait3A_969 = arith.constant 0 : i32
    %dma_wait3A_970 = tpu.memref_slice %arg4[%dma_wait3A_968, %dma_wait3A_969] : memref<100000x64xf32, #tpu.memory_space<hbm>> -> memref<1x64xf32, #tpu.memory_space<hbm>>
    tpu.wait_dma2 semaphore(%arg14 : memref<!tpu.dma_semaphore, #tpu.memory_space<semaphore_mem>>) src(%dma_wait3A_970 : memref<1x64xf32, #tpu.memory_space<hbm>>) dst(%dma_wait3A_967 : memref<1x64xf32, #tpu.memory_space<vmem>>)
    %dma_wait3A_971 = arith.constant 0 : i32
    %dma_wait3A_972 = arith.constant 0 : i32
    %dma_wait3A_973 = tpu.memref_slice %arg13[%dma_wait3A_971, %dma_wait3A_972] : memref<128x64xf32, #tpu.memory_space<vmem>> -> memref<1x64xf32, #tpu.memory_space<vmem>>
    %dma_wait3A_974 = arith.constant 0 : i32
    %dma_wait3A_975 = arith.constant 0 : i32
    %dma_wait3A_976 = tpu.memref_slice %arg4[%dma_wait3A_974, %dma_wait3A_975] : memref<100000x64xf32, #tpu.memory_space<hbm>> -> memref<1x64xf32, #tpu.memory_space<hbm>>
    tpu.wait_dma2 semaphore(%arg14 : memref<!tpu.dma_semaphore, #tpu.memory_space<semaphore_mem>>) src(%dma_wait3A_976 : memref<1x64xf32, #tpu.memory_space<hbm>>) dst(%dma_wait3A_973 : memref<1x64xf32, #tpu.memory_space<vmem>>)
    %dma_wait3A_977 = arith.constant 0 : i32
    %dma_wait3A_978 = arith.constant 0 : i32
    %dma_wait3A_979 = tpu.memref_slice %arg13[%dma_wait3A_977, %dma_wait3A_978] : memref<128x64xf32, #tpu.memory_space<vmem>> -> memref<1x64xf32, #tpu.memory_space<vmem>>
    %dma_wait3A_980 = arith.constant 0 : i32
    %dma_wait3A_981 = arith.constant 0 : i32
    %dma_wait3A_982 = tpu.memref_slice %arg4[%dma_wait3A_980, %dma_wait3A_981] : memref<100000x64xf32, #tpu.memory_space<hbm>> -> memref<1x64xf32, #tpu.memory_space<hbm>>
    tpu.wait_dma2 semaphore(%arg14 : memref<!tpu.dma_semaphore, #tpu.memory_space<semaphore_mem>>) src(%dma_wait3A_982 : memref<1x64xf32, #tpu.memory_space<hbm>>) dst(%dma_wait3A_979 : memref<1x64xf32, #tpu.memory_space<vmem>>)
    %dma_wait3A_983 = arith.constant 0 : i32
    %dma_wait3A_984 = arith.constant 0 : i32
    %dma_wait3A_985 = tpu.memref_slice %arg13[%dma_wait3A_983, %dma_wait3A_984] : memref<128x64xf32, #tpu.memory_space<vmem>> -> memref<1x64xf32, #tpu.memory_space<vmem>>
    %dma_wait3A_986 = arith.constant 0 : i32
    %dma_wait3A_987 = arith.constant 0 : i32
    %dma_wait3A_988 = tpu.memref_slice %arg4[%dma_wait3A_986, %dma_wait3A_987] : memref<100000x64xf32, #tpu.memory_space<hbm>> -> memref<1x64xf32, #tpu.memory_space<hbm>>
    tpu.wait_dma2 semaphore(%arg14 : memref<!tpu.dma_semaphore, #tpu.memory_space<semaphore_mem>>) src(%dma_wait3A_988 : memref<1x64xf32, #tpu.memory_space<hbm>>) dst(%dma_wait3A_985 : memref<1x64xf32, #tpu.memory_space<vmem>>)
    %dma_wait3A_989 = arith.constant 0 : i32
    %dma_wait3A_990 = arith.constant 0 : i32
    %dma_wait3A_991 = tpu.memref_slice %arg13[%dma_wait3A_989, %dma_wait3A_990] : memref<128x64xf32, #tpu.memory_space<vmem>> -> memref<1x64xf32, #tpu.memory_space<vmem>>
    %dma_wait3A_992 = arith.constant 0 : i32
    %dma_wait3A_993 = arith.constant 0 : i32
    %dma_wait3A_994 = tpu.memref_slice %arg4[%dma_wait3A_992, %dma_wait3A_993] : memref<100000x64xf32, #tpu.memory_space<hbm>> -> memref<1x64xf32, #tpu.memory_space<hbm>>
    tpu.wait_dma2 semaphore(%arg14 : memref<!tpu.dma_semaphore, #tpu.memory_space<semaphore_mem>>) src(%dma_wait3A_994 : memref<1x64xf32, #tpu.memory_space<hbm>>) dst(%dma_wait3A_991 : memref<1x64xf32, #tpu.memory_space<vmem>>)
    %dma_wait3A_995 = arith.constant 0 : i32
    %dma_wait3A_996 = arith.constant 0 : i32
    %dma_wait3A_997 = tpu.memref_slice %arg13[%dma_wait3A_995, %dma_wait3A_996] : memref<128x64xf32, #tpu.memory_space<vmem>> -> memref<1x64xf32, #tpu.memory_space<vmem>>
    %dma_wait3A_998 = arith.constant 0 : i32
    %dma_wait3A_999 = arith.constant 0 : i32
    %dma_wait3A_1000 = tpu.memref_slice %arg4[%dma_wait3A_998, %dma_wait3A_999] : memref<100000x64xf32, #tpu.memory_space<hbm>> -> memref<1x64xf32, #tpu.memory_space<hbm>>
    tpu.wait_dma2 semaphore(%arg14 : memref<!tpu.dma_semaphore, #tpu.memory_space<semaphore_mem>>) src(%dma_wait3A_1000 : memref<1x64xf32, #tpu.memory_space<hbm>>) dst(%dma_wait3A_997 : memref<1x64xf32, #tpu.memory_space<vmem>>)
    %dma_wait3A_1001 = arith.constant 0 : i32
    %dma_wait3A_1002 = arith.constant 0 : i32
    %dma_wait3A_1003 = tpu.memref_slice %arg13[%dma_wait3A_1001, %dma_wait3A_1002] : memref<128x64xf32, #tpu.memory_space<vmem>> -> memref<1x64xf32, #tpu.memory_space<vmem>>
    %dma_wait3A_1004 = arith.constant 0 : i32
    %dma_wait3A_1005 = arith.constant 0 : i32
    %dma_wait3A_1006 = tpu.memref_slice %arg4[%dma_wait3A_1004, %dma_wait3A_1005] : memref<100000x64xf32, #tpu.memory_space<hbm>> -> memref<1x64xf32, #tpu.memory_space<hbm>>
    tpu.wait_dma2 semaphore(%arg14 : memref<!tpu.dma_semaphore, #tpu.memory_space<semaphore_mem>>) src(%dma_wait3A_1006 : memref<1x64xf32, #tpu.memory_space<hbm>>) dst(%dma_wait3A_1003 : memref<1x64xf32, #tpu.memory_space<vmem>>)
    %dma_wait3A_1007 = arith.constant 0 : i32
    %dma_wait3A_1008 = arith.constant 0 : i32
    %dma_wait3A_1009 = tpu.memref_slice %arg13[%dma_wait3A_1007, %dma_wait3A_1008] : memref<128x64xf32, #tpu.memory_space<vmem>> -> memref<1x64xf32, #tpu.memory_space<vmem>>
    %dma_wait3A_1010 = arith.constant 0 : i32
    %dma_wait3A_1011 = arith.constant 0 : i32
    %dma_wait3A_1012 = tpu.memref_slice %arg4[%dma_wait3A_1010, %dma_wait3A_1011] : memref<100000x64xf32, #tpu.memory_space<hbm>> -> memref<1x64xf32, #tpu.memory_space<hbm>>
    tpu.wait_dma2 semaphore(%arg14 : memref<!tpu.dma_semaphore, #tpu.memory_space<semaphore_mem>>) src(%dma_wait3A_1012 : memref<1x64xf32, #tpu.memory_space<hbm>>) dst(%dma_wait3A_1009 : memref<1x64xf32, #tpu.memory_space<vmem>>)
    %dma_wait3A_1013 = arith.constant 0 : i32
    %dma_wait3A_1014 = arith.constant 0 : i32
    %dma_wait3A_1015 = tpu.memref_slice %arg13[%dma_wait3A_1013, %dma_wait3A_1014] : memref<128x64xf32, #tpu.memory_space<vmem>> -> memref<1x64xf32, #tpu.memory_space<vmem>>
    %dma_wait3A_1016 = arith.constant 0 : i32
    %dma_wait3A_1017 = arith.constant 0 : i32
    %dma_wait3A_1018 = tpu.memref_slice %arg4[%dma_wait3A_1016, %dma_wait3A_1017] : memref<100000x64xf32, #tpu.memory_space<hbm>> -> memref<1x64xf32, #tpu.memory_space<hbm>>
    tpu.wait_dma2 semaphore(%arg14 : memref<!tpu.dma_semaphore, #tpu.memory_space<semaphore_mem>>) src(%dma_wait3A_1018 : memref<1x64xf32, #tpu.memory_space<hbm>>) dst(%dma_wait3A_1015 : memref<1x64xf32, #tpu.memory_space<vmem>>)
    %dma_wait3A_1019 = arith.constant 0 : i32
    %dma_wait3A_1020 = arith.constant 0 : i32
    %dma_wait3A_1021 = tpu.memref_slice %arg13[%dma_wait3A_1019, %dma_wait3A_1020] : memref<128x64xf32, #tpu.memory_space<vmem>> -> memref<1x64xf32, #tpu.memory_space<vmem>>
    %dma_wait3A_1022 = arith.constant 0 : i32
    %dma_wait3A_1023 = arith.constant 0 : i32
    %dma_wait3A_1024 = tpu.memref_slice %arg4[%dma_wait3A_1022, %dma_wait3A_1023] : memref<100000x64xf32, #tpu.memory_space<hbm>> -> memref<1x64xf32, #tpu.memory_space<hbm>>
    tpu.wait_dma2 semaphore(%arg14 : memref<!tpu.dma_semaphore, #tpu.memory_space<semaphore_mem>>) src(%dma_wait3A_1024 : memref<1x64xf32, #tpu.memory_space<hbm>>) dst(%dma_wait3A_1021 : memref<1x64xf32, #tpu.memory_space<vmem>>)
    %dma_wait3A_1025 = arith.constant 0 : i32
    %dma_wait3A_1026 = arith.constant 0 : i32
    %dma_wait3A_1027 = tpu.memref_slice %arg13[%dma_wait3A_1025, %dma_wait3A_1026] : memref<128x64xf32, #tpu.memory_space<vmem>> -> memref<1x64xf32, #tpu.memory_space<vmem>>
    %dma_wait3A_1028 = arith.constant 0 : i32
    %dma_wait3A_1029 = arith.constant 0 : i32
    %dma_wait3A_1030 = tpu.memref_slice %arg4[%dma_wait3A_1028, %dma_wait3A_1029] : memref<100000x64xf32, #tpu.memory_space<hbm>> -> memref<1x64xf32, #tpu.memory_space<hbm>>
    tpu.wait_dma2 semaphore(%arg14 : memref<!tpu.dma_semaphore, #tpu.memory_space<semaphore_mem>>) src(%dma_wait3A_1030 : memref<1x64xf32, #tpu.memory_space<hbm>>) dst(%dma_wait3A_1027 : memref<1x64xf32, #tpu.memory_space<vmem>>)
    %dma_wait3A_1031 = arith.constant 0 : i32
    %dma_wait3A_1032 = arith.constant 0 : i32
    %dma_wait3A_1033 = tpu.memref_slice %arg13[%dma_wait3A_1031, %dma_wait3A_1032] : memref<128x64xf32, #tpu.memory_space<vmem>> -> memref<1x64xf32, #tpu.memory_space<vmem>>
    %dma_wait3A_1034 = arith.constant 0 : i32
    %dma_wait3A_1035 = arith.constant 0 : i32
    %dma_wait3A_1036 = tpu.memref_slice %arg4[%dma_wait3A_1034, %dma_wait3A_1035] : memref<100000x64xf32, #tpu.memory_space<hbm>> -> memref<1x64xf32, #tpu.memory_space<hbm>>
    tpu.wait_dma2 semaphore(%arg14 : memref<!tpu.dma_semaphore, #tpu.memory_space<semaphore_mem>>) src(%dma_wait3A_1036 : memref<1x64xf32, #tpu.memory_space<hbm>>) dst(%dma_wait3A_1033 : memref<1x64xf32, #tpu.memory_space<vmem>>)
    %dma_wait3A_1037 = arith.constant 0 : i32
    %dma_wait3A_1038 = arith.constant 0 : i32
    %dma_wait3A_1039 = tpu.memref_slice %arg13[%dma_wait3A_1037, %dma_wait3A_1038] : memref<128x64xf32, #tpu.memory_space<vmem>> -> memref<1x64xf32, #tpu.memory_space<vmem>>
    %dma_wait3A_1040 = arith.constant 0 : i32
    %dma_wait3A_1041 = arith.constant 0 : i32
    %dma_wait3A_1042 = tpu.memref_slice %arg4[%dma_wait3A_1040, %dma_wait3A_1041] : memref<100000x64xf32, #tpu.memory_space<hbm>> -> memref<1x64xf32, #tpu.memory_space<hbm>>
    tpu.wait_dma2 semaphore(%arg14 : memref<!tpu.dma_semaphore, #tpu.memory_space<semaphore_mem>>) src(%dma_wait3A_1042 : memref<1x64xf32, #tpu.memory_space<hbm>>) dst(%dma_wait3A_1039 : memref<1x64xf32, #tpu.memory_space<vmem>>)
    %dma_wait3A_1043 = arith.constant 0 : i32
    %dma_wait3A_1044 = arith.constant 0 : i32
    %dma_wait3A_1045 = tpu.memref_slice %arg13[%dma_wait3A_1043, %dma_wait3A_1044] : memref<128x64xf32, #tpu.memory_space<vmem>> -> memref<1x64xf32, #tpu.memory_space<vmem>>
    %dma_wait3A_1046 = arith.constant 0 : i32
    %dma_wait3A_1047 = arith.constant 0 : i32
    %dma_wait3A_1048 = tpu.memref_slice %arg4[%dma_wait3A_1046, %dma_wait3A_1047] : memref<100000x64xf32, #tpu.memory_space<hbm>> -> memref<1x64xf32, #tpu.memory_space<hbm>>
    tpu.wait_dma2 semaphore(%arg14 : memref<!tpu.dma_semaphore, #tpu.memory_space<semaphore_mem>>) src(%dma_wait3A_1048 : memref<1x64xf32, #tpu.memory_space<hbm>>) dst(%dma_wait3A_1045 : memref<1x64xf32, #tpu.memory_space<vmem>>)
    %dma_wait3A_1049 = arith.constant 0 : i32
    %dma_wait3A_1050 = arith.constant 0 : i32
    %dma_wait3A_1051 = tpu.memref_slice %arg13[%dma_wait3A_1049, %dma_wait3A_1050] : memref<128x64xf32, #tpu.memory_space<vmem>> -> memref<1x64xf32, #tpu.memory_space<vmem>>
    %dma_wait3A_1052 = arith.constant 0 : i32
    %dma_wait3A_1053 = arith.constant 0 : i32
    %dma_wait3A_1054 = tpu.memref_slice %arg4[%dma_wait3A_1052, %dma_wait3A_1053] : memref<100000x64xf32, #tpu.memory_space<hbm>> -> memref<1x64xf32, #tpu.memory_space<hbm>>
    tpu.wait_dma2 semaphore(%arg14 : memref<!tpu.dma_semaphore, #tpu.memory_space<semaphore_mem>>) src(%dma_wait3A_1054 : memref<1x64xf32, #tpu.memory_space<hbm>>) dst(%dma_wait3A_1051 : memref<1x64xf32, #tpu.memory_space<vmem>>)
    %dma_wait3A_1055 = arith.constant 0 : i32
    %dma_wait3A_1056 = arith.constant 0 : i32
    %dma_wait3A_1057 = tpu.memref_slice %arg13[%dma_wait3A_1055, %dma_wait3A_1056] : memref<128x64xf32, #tpu.memory_space<vmem>> -> memref<1x64xf32, #tpu.memory_space<vmem>>
    %dma_wait3A_1058 = arith.constant 0 : i32
    %dma_wait3A_1059 = arith.constant 0 : i32
    %dma_wait3A_1060 = tpu.memref_slice %arg4[%dma_wait3A_1058, %dma_wait3A_1059] : memref<100000x64xf32, #tpu.memory_space<hbm>> -> memref<1x64xf32, #tpu.memory_space<hbm>>
    tpu.wait_dma2 semaphore(%arg14 : memref<!tpu.dma_semaphore, #tpu.memory_space<semaphore_mem>>) src(%dma_wait3A_1060 : memref<1x64xf32, #tpu.memory_space<hbm>>) dst(%dma_wait3A_1057 : memref<1x64xf32, #tpu.memory_space<vmem>>)
    %dma_wait3A_1061 = arith.constant 0 : i32
    %dma_wait3A_1062 = arith.constant 0 : i32
    %dma_wait3A_1063 = tpu.memref_slice %arg13[%dma_wait3A_1061, %dma_wait3A_1062] : memref<128x64xf32, #tpu.memory_space<vmem>> -> memref<1x64xf32, #tpu.memory_space<vmem>>
    %dma_wait3A_1064 = arith.constant 0 : i32
    %dma_wait3A_1065 = arith.constant 0 : i32
    %dma_wait3A_1066 = tpu.memref_slice %arg4[%dma_wait3A_1064, %dma_wait3A_1065] : memref<100000x64xf32, #tpu.memory_space<hbm>> -> memref<1x64xf32, #tpu.memory_space<hbm>>
    tpu.wait_dma2 semaphore(%arg14 : memref<!tpu.dma_semaphore, #tpu.memory_space<semaphore_mem>>) src(%dma_wait3A_1066 : memref<1x64xf32, #tpu.memory_space<hbm>>) dst(%dma_wait3A_1063 : memref<1x64xf32, #tpu.memory_space<vmem>>)
    %dma_wait3A_1067 = arith.constant 0 : i32
    %dma_wait3A_1068 = arith.constant 0 : i32
    %dma_wait3A_1069 = tpu.memref_slice %arg13[%dma_wait3A_1067, %dma_wait3A_1068] : memref<128x64xf32, #tpu.memory_space<vmem>> -> memref<1x64xf32, #tpu.memory_space<vmem>>
    %dma_wait3A_1070 = arith.constant 0 : i32
    %dma_wait3A_1071 = arith.constant 0 : i32
    %dma_wait3A_1072 = tpu.memref_slice %arg4[%dma_wait3A_1070, %dma_wait3A_1071] : memref<100000x64xf32, #tpu.memory_space<hbm>> -> memref<1x64xf32, #tpu.memory_space<hbm>>
    tpu.wait_dma2 semaphore(%arg14 : memref<!tpu.dma_semaphore, #tpu.memory_space<semaphore_mem>>) src(%dma_wait3A_1072 : memref<1x64xf32, #tpu.memory_space<hbm>>) dst(%dma_wait3A_1069 : memref<1x64xf32, #tpu.memory_space<vmem>>)
    %dma_wait3A_1073 = arith.constant 0 : i32
    %dma_wait3A_1074 = arith.constant 0 : i32
    %dma_wait3A_1075 = tpu.memref_slice %arg13[%dma_wait3A_1073, %dma_wait3A_1074] : memref<128x64xf32, #tpu.memory_space<vmem>> -> memref<1x64xf32, #tpu.memory_space<vmem>>
    %dma_wait3A_1076 = arith.constant 0 : i32
    %dma_wait3A_1077 = arith.constant 0 : i32
    %dma_wait3A_1078 = tpu.memref_slice %arg4[%dma_wait3A_1076, %dma_wait3A_1077] : memref<100000x64xf32, #tpu.memory_space<hbm>> -> memref<1x64xf32, #tpu.memory_space<hbm>>
    tpu.wait_dma2 semaphore(%arg14 : memref<!tpu.dma_semaphore, #tpu.memory_space<semaphore_mem>>) src(%dma_wait3A_1078 : memref<1x64xf32, #tpu.memory_space<hbm>>) dst(%dma_wait3A_1075 : memref<1x64xf32, #tpu.memory_space<vmem>>)
    %dma_wait3A_1079 = arith.constant 0 : i32
    %dma_wait3A_1080 = arith.constant 0 : i32
    %dma_wait3A_1081 = tpu.memref_slice %arg13[%dma_wait3A_1079, %dma_wait3A_1080] : memref<128x64xf32, #tpu.memory_space<vmem>> -> memref<1x64xf32, #tpu.memory_space<vmem>>
    %dma_wait3A_1082 = arith.constant 0 : i32
    %dma_wait3A_1083 = arith.constant 0 : i32
    %dma_wait3A_1084 = tpu.memref_slice %arg4[%dma_wait3A_1082, %dma_wait3A_1083] : memref<100000x64xf32, #tpu.memory_space<hbm>> -> memref<1x64xf32, #tpu.memory_space<hbm>>
    tpu.wait_dma2 semaphore(%arg14 : memref<!tpu.dma_semaphore, #tpu.memory_space<semaphore_mem>>) src(%dma_wait3A_1084 : memref<1x64xf32, #tpu.memory_space<hbm>>) dst(%dma_wait3A_1081 : memref<1x64xf32, #tpu.memory_space<vmem>>)
    %dma_wait3A_1085 = arith.constant 0 : i32
    %dma_wait3A_1086 = arith.constant 0 : i32
    %dma_wait3A_1087 = tpu.memref_slice %arg13[%dma_wait3A_1085, %dma_wait3A_1086] : memref<128x64xf32, #tpu.memory_space<vmem>> -> memref<1x64xf32, #tpu.memory_space<vmem>>
    %dma_wait3A_1088 = arith.constant 0 : i32
    %dma_wait3A_1089 = arith.constant 0 : i32
    %dma_wait3A_1090 = tpu.memref_slice %arg4[%dma_wait3A_1088, %dma_wait3A_1089] : memref<100000x64xf32, #tpu.memory_space<hbm>> -> memref<1x64xf32, #tpu.memory_space<hbm>>
    tpu.wait_dma2 semaphore(%arg14 : memref<!tpu.dma_semaphore, #tpu.memory_space<semaphore_mem>>) src(%dma_wait3A_1090 : memref<1x64xf32, #tpu.memory_space<hbm>>) dst(%dma_wait3A_1087 : memref<1x64xf32, #tpu.memory_space<vmem>>)
    %dma_wait3A_1091 = arith.constant 0 : i32
    %dma_wait3A_1092 = arith.constant 0 : i32
    %dma_wait3A_1093 = tpu.memref_slice %arg13[%dma_wait3A_1091, %dma_wait3A_1092] : memref<128x64xf32, #tpu.memory_space<vmem>> -> memref<1x64xf32, #tpu.memory_space<vmem>>
    %dma_wait3A_1094 = arith.constant 0 : i32
    %dma_wait3A_1095 = arith.constant 0 : i32
    %dma_wait3A_1096 = tpu.memref_slice %arg4[%dma_wait3A_1094, %dma_wait3A_1095] : memref<100000x64xf32, #tpu.memory_space<hbm>> -> memref<1x64xf32, #tpu.memory_space<hbm>>
    tpu.wait_dma2 semaphore(%arg14 : memref<!tpu.dma_semaphore, #tpu.memory_space<semaphore_mem>>) src(%dma_wait3A_1096 : memref<1x64xf32, #tpu.memory_space<hbm>>) dst(%dma_wait3A_1093 : memref<1x64xf32, #tpu.memory_space<vmem>>)
    %dma_wait3A_1097 = arith.constant 0 : i32
    %dma_wait3A_1098 = arith.constant 0 : i32
    %dma_wait3A_1099 = tpu.memref_slice %arg13[%dma_wait3A_1097, %dma_wait3A_1098] : memref<128x64xf32, #tpu.memory_space<vmem>> -> memref<1x64xf32, #tpu.memory_space<vmem>>
    %dma_wait3A_1100 = arith.constant 0 : i32
    %dma_wait3A_1101 = arith.constant 0 : i32
    %dma_wait3A_1102 = tpu.memref_slice %arg4[%dma_wait3A_1100, %dma_wait3A_1101] : memref<100000x64xf32, #tpu.memory_space<hbm>> -> memref<1x64xf32, #tpu.memory_space<hbm>>
    tpu.wait_dma2 semaphore(%arg14 : memref<!tpu.dma_semaphore, #tpu.memory_space<semaphore_mem>>) src(%dma_wait3A_1102 : memref<1x64xf32, #tpu.memory_space<hbm>>) dst(%dma_wait3A_1099 : memref<1x64xf32, #tpu.memory_space<vmem>>)
    %dma_wait3A_1103 = arith.constant 0 : i32
    %dma_wait3A_1104 = arith.constant 0 : i32
    %dma_wait3A_1105 = tpu.memref_slice %arg13[%dma_wait3A_1103, %dma_wait3A_1104] : memref<128x64xf32, #tpu.memory_space<vmem>> -> memref<1x64xf32, #tpu.memory_space<vmem>>
    %dma_wait3A_1106 = arith.constant 0 : i32
    %dma_wait3A_1107 = arith.constant 0 : i32
    %dma_wait3A_1108 = tpu.memref_slice %arg4[%dma_wait3A_1106, %dma_wait3A_1107] : memref<100000x64xf32, #tpu.memory_space<hbm>> -> memref<1x64xf32, #tpu.memory_space<hbm>>
    tpu.wait_dma2 semaphore(%arg14 : memref<!tpu.dma_semaphore, #tpu.memory_space<semaphore_mem>>) src(%dma_wait3A_1108 : memref<1x64xf32, #tpu.memory_space<hbm>>) dst(%dma_wait3A_1105 : memref<1x64xf32, #tpu.memory_space<vmem>>)
    %dma_wait3A_1109 = arith.constant 0 : i32
    %dma_wait3A_1110 = arith.constant 0 : i32
    %dma_wait3A_1111 = tpu.memref_slice %arg13[%dma_wait3A_1109, %dma_wait3A_1110] : memref<128x64xf32, #tpu.memory_space<vmem>> -> memref<1x64xf32, #tpu.memory_space<vmem>>
    %dma_wait3A_1112 = arith.constant 0 : i32
    %dma_wait3A_1113 = arith.constant 0 : i32
    %dma_wait3A_1114 = tpu.memref_slice %arg4[%dma_wait3A_1112, %dma_wait3A_1113] : memref<100000x64xf32, #tpu.memory_space<hbm>> -> memref<1x64xf32, #tpu.memory_space<hbm>>
    tpu.wait_dma2 semaphore(%arg14 : memref<!tpu.dma_semaphore, #tpu.memory_space<semaphore_mem>>) src(%dma_wait3A_1114 : memref<1x64xf32, #tpu.memory_space<hbm>>) dst(%dma_wait3A_1111 : memref<1x64xf32, #tpu.memory_space<vmem>>)
    %dma_wait3A_1115 = arith.constant 0 : i32
    %dma_wait3A_1116 = arith.constant 0 : i32
    %dma_wait3A_1117 = tpu.memref_slice %arg13[%dma_wait3A_1115, %dma_wait3A_1116] : memref<128x64xf32, #tpu.memory_space<vmem>> -> memref<1x64xf32, #tpu.memory_space<vmem>>
    %dma_wait3A_1118 = arith.constant 0 : i32
    %dma_wait3A_1119 = arith.constant 0 : i32
    %dma_wait3A_1120 = tpu.memref_slice %arg4[%dma_wait3A_1118, %dma_wait3A_1119] : memref<100000x64xf32, #tpu.memory_space<hbm>> -> memref<1x64xf32, #tpu.memory_space<hbm>>
    tpu.wait_dma2 semaphore(%arg14 : memref<!tpu.dma_semaphore, #tpu.memory_space<semaphore_mem>>) src(%dma_wait3A_1120 : memref<1x64xf32, #tpu.memory_space<hbm>>) dst(%dma_wait3A_1117 : memref<1x64xf32, #tpu.memory_space<vmem>>)
    %dma_wait3A_1121 = arith.constant 0 : i32
    %dma_wait3A_1122 = arith.constant 0 : i32
    %dma_wait3A_1123 = tpu.memref_slice %arg13[%dma_wait3A_1121, %dma_wait3A_1122] : memref<128x64xf32, #tpu.memory_space<vmem>> -> memref<1x64xf32, #tpu.memory_space<vmem>>
    %dma_wait3A_1124 = arith.constant 0 : i32
    %dma_wait3A_1125 = arith.constant 0 : i32
    %dma_wait3A_1126 = tpu.memref_slice %arg4[%dma_wait3A_1124, %dma_wait3A_1125] : memref<100000x64xf32, #tpu.memory_space<hbm>> -> memref<1x64xf32, #tpu.memory_space<hbm>>
    tpu.wait_dma2 semaphore(%arg14 : memref<!tpu.dma_semaphore, #tpu.memory_space<semaphore_mem>>) src(%dma_wait3A_1126 : memref<1x64xf32, #tpu.memory_space<hbm>>) dst(%dma_wait3A_1123 : memref<1x64xf32, #tpu.memory_space<vmem>>)
    %dma_wait3A_1127 = arith.constant 0 : i32
    %dma_wait3A_1128 = arith.constant 0 : i32
    %dma_wait3A_1129 = tpu.memref_slice %arg13[%dma_wait3A_1127, %dma_wait3A_1128] : memref<128x64xf32, #tpu.memory_space<vmem>> -> memref<1x64xf32, #tpu.memory_space<vmem>>
    %dma_wait3A_1130 = arith.constant 0 : i32
    %dma_wait3A_1131 = arith.constant 0 : i32
    %dma_wait3A_1132 = tpu.memref_slice %arg4[%dma_wait3A_1130, %dma_wait3A_1131] : memref<100000x64xf32, #tpu.memory_space<hbm>> -> memref<1x64xf32, #tpu.memory_space<hbm>>
    tpu.wait_dma2 semaphore(%arg14 : memref<!tpu.dma_semaphore, #tpu.memory_space<semaphore_mem>>) src(%dma_wait3A_1132 : memref<1x64xf32, #tpu.memory_space<hbm>>) dst(%dma_wait3A_1129 : memref<1x64xf32, #tpu.memory_space<vmem>>)
    %dma_wait3A_1133 = arith.constant 0 : i32
    %dma_wait3A_1134 = arith.constant 0 : i32
    %dma_wait3A_1135 = tpu.memref_slice %arg13[%dma_wait3A_1133, %dma_wait3A_1134] : memref<128x64xf32, #tpu.memory_space<vmem>> -> memref<1x64xf32, #tpu.memory_space<vmem>>
    %dma_wait3A_1136 = arith.constant 0 : i32
    %dma_wait3A_1137 = arith.constant 0 : i32
    %dma_wait3A_1138 = tpu.memref_slice %arg4[%dma_wait3A_1136, %dma_wait3A_1137] : memref<100000x64xf32, #tpu.memory_space<hbm>> -> memref<1x64xf32, #tpu.memory_space<hbm>>
    tpu.wait_dma2 semaphore(%arg14 : memref<!tpu.dma_semaphore, #tpu.memory_space<semaphore_mem>>) src(%dma_wait3A_1138 : memref<1x64xf32, #tpu.memory_space<hbm>>) dst(%dma_wait3A_1135 : memref<1x64xf32, #tpu.memory_space<vmem>>)
    %dma_wait3A_1139 = arith.constant 0 : i32
    %dma_wait3A_1140 = arith.constant 0 : i32
    %dma_wait3A_1141 = tpu.memref_slice %arg13[%dma_wait3A_1139, %dma_wait3A_1140] : memref<128x64xf32, #tpu.memory_space<vmem>> -> memref<1x64xf32, #tpu.memory_space<vmem>>
    %dma_wait3A_1142 = arith.constant 0 : i32
    %dma_wait3A_1143 = arith.constant 0 : i32
    %dma_wait3A_1144 = tpu.memref_slice %arg4[%dma_wait3A_1142, %dma_wait3A_1143] : memref<100000x64xf32, #tpu.memory_space<hbm>> -> memref<1x64xf32, #tpu.memory_space<hbm>>
    tpu.wait_dma2 semaphore(%arg14 : memref<!tpu.dma_semaphore, #tpu.memory_space<semaphore_mem>>) src(%dma_wait3A_1144 : memref<1x64xf32, #tpu.memory_space<hbm>>) dst(%dma_wait3A_1141 : memref<1x64xf32, #tpu.memory_space<vmem>>)
    %dma_wait3A_1145 = arith.constant 0 : i32
    %dma_wait3A_1146 = arith.constant 0 : i32
    %dma_wait3A_1147 = tpu.memref_slice %arg13[%dma_wait3A_1145, %dma_wait3A_1146] : memref<128x64xf32, #tpu.memory_space<vmem>> -> memref<1x64xf32, #tpu.memory_space<vmem>>
    %dma_wait3A_1148 = arith.constant 0 : i32
    %dma_wait3A_1149 = arith.constant 0 : i32
    %dma_wait3A_1150 = tpu.memref_slice %arg4[%dma_wait3A_1148, %dma_wait3A_1149] : memref<100000x64xf32, #tpu.memory_space<hbm>> -> memref<1x64xf32, #tpu.memory_space<hbm>>
    tpu.wait_dma2 semaphore(%arg14 : memref<!tpu.dma_semaphore, #tpu.memory_space<semaphore_mem>>) src(%dma_wait3A_1150 : memref<1x64xf32, #tpu.memory_space<hbm>>) dst(%dma_wait3A_1147 : memref<1x64xf32, #tpu.memory_space<vmem>>)
    %dma_wait3A_1151 = arith.constant 0 : i32
    %dma_wait3A_1152 = arith.constant 0 : i32
    %dma_wait3A_1153 = tpu.memref_slice %arg13[%dma_wait3A_1151, %dma_wait3A_1152] : memref<128x64xf32, #tpu.memory_space<vmem>> -> memref<1x64xf32, #tpu.memory_space<vmem>>
    %dma_wait3A_1154 = arith.constant 0 : i32
    %dma_wait3A_1155 = arith.constant 0 : i32
    %dma_wait3A_1156 = tpu.memref_slice %arg4[%dma_wait3A_1154, %dma_wait3A_1155] : memref<100000x64xf32, #tpu.memory_space<hbm>> -> memref<1x64xf32, #tpu.memory_space<hbm>>
    tpu.wait_dma2 semaphore(%arg14 : memref<!tpu.dma_semaphore, #tpu.memory_space<semaphore_mem>>) src(%dma_wait3A_1156 : memref<1x64xf32, #tpu.memory_space<hbm>>) dst(%dma_wait3A_1153 : memref<1x64xf32, #tpu.memory_space<vmem>>)
    %dma_wait3A_1157 = arith.constant 0 : i32
    %dma_wait3A_1158 = arith.constant 0 : i32
    %dma_wait3A_1159 = tpu.memref_slice %arg13[%dma_wait3A_1157, %dma_wait3A_1158] : memref<128x64xf32, #tpu.memory_space<vmem>> -> memref<1x64xf32, #tpu.memory_space<vmem>>
    %dma_wait3A_1160 = arith.constant 0 : i32
    %dma_wait3A_1161 = arith.constant 0 : i32
    %dma_wait3A_1162 = tpu.memref_slice %arg4[%dma_wait3A_1160, %dma_wait3A_1161] : memref<100000x64xf32, #tpu.memory_space<hbm>> -> memref<1x64xf32, #tpu.memory_space<hbm>>
    tpu.wait_dma2 semaphore(%arg14 : memref<!tpu.dma_semaphore, #tpu.memory_space<semaphore_mem>>) src(%dma_wait3A_1162 : memref<1x64xf32, #tpu.memory_space<hbm>>) dst(%dma_wait3A_1159 : memref<1x64xf32, #tpu.memory_space<vmem>>)
    %dma_wait3A_1163 = arith.constant 0 : i32
    %dma_wait3A_1164 = arith.constant 0 : i32
    %dma_wait3A_1165 = tpu.memref_slice %arg13[%dma_wait3A_1163, %dma_wait3A_1164] : memref<128x64xf32, #tpu.memory_space<vmem>> -> memref<1x64xf32, #tpu.memory_space<vmem>>
    %dma_wait3A_1166 = arith.constant 0 : i32
    %dma_wait3A_1167 = arith.constant 0 : i32
    %dma_wait3A_1168 = tpu.memref_slice %arg4[%dma_wait3A_1166, %dma_wait3A_1167] : memref<100000x64xf32, #tpu.memory_space<hbm>> -> memref<1x64xf32, #tpu.memory_space<hbm>>
    tpu.wait_dma2 semaphore(%arg14 : memref<!tpu.dma_semaphore, #tpu.memory_space<semaphore_mem>>) src(%dma_wait3A_1168 : memref<1x64xf32, #tpu.memory_space<hbm>>) dst(%dma_wait3A_1165 : memref<1x64xf32, #tpu.memory_space<vmem>>)
    %dma_wait3A_1169 = arith.constant 0 : i32
    %dma_wait3A_1170 = arith.constant 0 : i32
    %dma_wait3A_1171 = tpu.memref_slice %arg13[%dma_wait3A_1169, %dma_wait3A_1170] : memref<128x64xf32, #tpu.memory_space<vmem>> -> memref<1x64xf32, #tpu.memory_space<vmem>>
    %dma_wait3A_1172 = arith.constant 0 : i32
    %dma_wait3A_1173 = arith.constant 0 : i32
    %dma_wait3A_1174 = tpu.memref_slice %arg4[%dma_wait3A_1172, %dma_wait3A_1173] : memref<100000x64xf32, #tpu.memory_space<hbm>> -> memref<1x64xf32, #tpu.memory_space<hbm>>
    tpu.wait_dma2 semaphore(%arg14 : memref<!tpu.dma_semaphore, #tpu.memory_space<semaphore_mem>>) src(%dma_wait3A_1174 : memref<1x64xf32, #tpu.memory_space<hbm>>) dst(%dma_wait3A_1171 : memref<1x64xf32, #tpu.memory_space<vmem>>)
    %dma_wait3A_1175 = arith.constant 0 : i32
    %dma_wait3A_1176 = arith.constant 0 : i32
    %dma_wait3A_1177 = tpu.memref_slice %arg13[%dma_wait3A_1175, %dma_wait3A_1176] : memref<128x64xf32, #tpu.memory_space<vmem>> -> memref<1x64xf32, #tpu.memory_space<vmem>>
    %dma_wait3A_1178 = arith.constant 0 : i32
    %dma_wait3A_1179 = arith.constant 0 : i32
    %dma_wait3A_1180 = tpu.memref_slice %arg4[%dma_wait3A_1178, %dma_wait3A_1179] : memref<100000x64xf32, #tpu.memory_space<hbm>> -> memref<1x64xf32, #tpu.memory_space<hbm>>
    tpu.wait_dma2 semaphore(%arg14 : memref<!tpu.dma_semaphore, #tpu.memory_space<semaphore_mem>>) src(%dma_wait3A_1180 : memref<1x64xf32, #tpu.memory_space<hbm>>) dst(%dma_wait3A_1177 : memref<1x64xf32, #tpu.memory_space<vmem>>)
    %dma_wait3A_1181 = arith.constant 0 : i32
    %dma_wait3A_1182 = arith.constant 0 : i32
    %dma_wait3A_1183 = tpu.memref_slice %arg13[%dma_wait3A_1181, %dma_wait3A_1182] : memref<128x64xf32, #tpu.memory_space<vmem>> -> memref<1x64xf32, #tpu.memory_space<vmem>>
    %dma_wait3A_1184 = arith.constant 0 : i32
    %dma_wait3A_1185 = arith.constant 0 : i32
    %dma_wait3A_1186 = tpu.memref_slice %arg4[%dma_wait3A_1184, %dma_wait3A_1185] : memref<100000x64xf32, #tpu.memory_space<hbm>> -> memref<1x64xf32, #tpu.memory_space<hbm>>
    tpu.wait_dma2 semaphore(%arg14 : memref<!tpu.dma_semaphore, #tpu.memory_space<semaphore_mem>>) src(%dma_wait3A_1186 : memref<1x64xf32, #tpu.memory_space<hbm>>) dst(%dma_wait3A_1183 : memref<1x64xf32, #tpu.memory_space<vmem>>)
    %dma_wait3A_1187 = arith.constant 0 : i32
    %dma_wait3A_1188 = arith.constant 0 : i32
    %dma_wait3A_1189 = tpu.memref_slice %arg13[%dma_wait3A_1187, %dma_wait3A_1188] : memref<128x64xf32, #tpu.memory_space<vmem>> -> memref<1x64xf32, #tpu.memory_space<vmem>>
    %dma_wait3A_1190 = arith.constant 0 : i32
    %dma_wait3A_1191 = arith.constant 0 : i32
    %dma_wait3A_1192 = tpu.memref_slice %arg4[%dma_wait3A_1190, %dma_wait3A_1191] : memref<100000x64xf32, #tpu.memory_space<hbm>> -> memref<1x64xf32, #tpu.memory_space<hbm>>
    tpu.wait_dma2 semaphore(%arg14 : memref<!tpu.dma_semaphore, #tpu.memory_space<semaphore_mem>>) src(%dma_wait3A_1192 : memref<1x64xf32, #tpu.memory_space<hbm>>) dst(%dma_wait3A_1189 : memref<1x64xf32, #tpu.memory_space<vmem>>)
    %dma_wait3A_1193 = arith.constant 0 : i32
    %dma_wait3A_1194 = arith.constant 0 : i32
    %dma_wait3A_1195 = tpu.memref_slice %arg13[%dma_wait3A_1193, %dma_wait3A_1194] : memref<128x64xf32, #tpu.memory_space<vmem>> -> memref<1x64xf32, #tpu.memory_space<vmem>>
    %dma_wait3A_1196 = arith.constant 0 : i32
    %dma_wait3A_1197 = arith.constant 0 : i32
    %dma_wait3A_1198 = tpu.memref_slice %arg4[%dma_wait3A_1196, %dma_wait3A_1197] : memref<100000x64xf32, #tpu.memory_space<hbm>> -> memref<1x64xf32, #tpu.memory_space<hbm>>
    tpu.wait_dma2 semaphore(%arg14 : memref<!tpu.dma_semaphore, #tpu.memory_space<semaphore_mem>>) src(%dma_wait3A_1198 : memref<1x64xf32, #tpu.memory_space<hbm>>) dst(%dma_wait3A_1195 : memref<1x64xf32, #tpu.memory_space<vmem>>)
    %dma_wait3A_1199 = arith.constant 0 : i32
    %dma_wait3A_1200 = arith.constant 0 : i32
    %dma_wait3A_1201 = tpu.memref_slice %arg13[%dma_wait3A_1199, %dma_wait3A_1200] : memref<128x64xf32, #tpu.memory_space<vmem>> -> memref<1x64xf32, #tpu.memory_space<vmem>>
    %dma_wait3A_1202 = arith.constant 0 : i32
    %dma_wait3A_1203 = arith.constant 0 : i32
    %dma_wait3A_1204 = tpu.memref_slice %arg4[%dma_wait3A_1202, %dma_wait3A_1203] : memref<100000x64xf32, #tpu.memory_space<hbm>> -> memref<1x64xf32, #tpu.memory_space<hbm>>
    tpu.wait_dma2 semaphore(%arg14 : memref<!tpu.dma_semaphore, #tpu.memory_space<semaphore_mem>>) src(%dma_wait3A_1204 : memref<1x64xf32, #tpu.memory_space<hbm>>) dst(%dma_wait3A_1201 : memref<1x64xf32, #tpu.memory_space<vmem>>)
    %dma_wait3A_1205 = arith.constant 0 : i32
    %dma_wait3A_1206 = arith.constant 0 : i32
    %dma_wait3A_1207 = tpu.memref_slice %arg13[%dma_wait3A_1205, %dma_wait3A_1206] : memref<128x64xf32, #tpu.memory_space<vmem>> -> memref<1x64xf32, #tpu.memory_space<vmem>>
    %dma_wait3A_1208 = arith.constant 0 : i32
    %dma_wait3A_1209 = arith.constant 0 : i32
    %dma_wait3A_1210 = tpu.memref_slice %arg4[%dma_wait3A_1208, %dma_wait3A_1209] : memref<100000x64xf32, #tpu.memory_space<hbm>> -> memref<1x64xf32, #tpu.memory_space<hbm>>
    tpu.wait_dma2 semaphore(%arg14 : memref<!tpu.dma_semaphore, #tpu.memory_space<semaphore_mem>>) src(%dma_wait3A_1210 : memref<1x64xf32, #tpu.memory_space<hbm>>) dst(%dma_wait3A_1207 : memref<1x64xf32, #tpu.memory_space<vmem>>)
    %dma_wait3A_1211 = arith.constant 0 : i32
    %dma_wait3A_1212 = arith.constant 0 : i32
    %dma_wait3A_1213 = tpu.memref_slice %arg13[%dma_wait3A_1211, %dma_wait3A_1212] : memref<128x64xf32, #tpu.memory_space<vmem>> -> memref<1x64xf32, #tpu.memory_space<vmem>>
    %dma_wait3A_1214 = arith.constant 0 : i32
    %dma_wait3A_1215 = arith.constant 0 : i32
    %dma_wait3A_1216 = tpu.memref_slice %arg4[%dma_wait3A_1214, %dma_wait3A_1215] : memref<100000x64xf32, #tpu.memory_space<hbm>> -> memref<1x64xf32, #tpu.memory_space<hbm>>
    tpu.wait_dma2 semaphore(%arg14 : memref<!tpu.dma_semaphore, #tpu.memory_space<semaphore_mem>>) src(%dma_wait3A_1216 : memref<1x64xf32, #tpu.memory_space<hbm>>) dst(%dma_wait3A_1213 : memref<1x64xf32, #tpu.memory_space<vmem>>)
    %dma_wait3A_1217 = arith.constant 0 : i32
    %dma_wait3A_1218 = arith.constant 0 : i32
    %dma_wait3A_1219 = tpu.memref_slice %arg13[%dma_wait3A_1217, %dma_wait3A_1218] : memref<128x64xf32, #tpu.memory_space<vmem>> -> memref<1x64xf32, #tpu.memory_space<vmem>>
    %dma_wait3A_1220 = arith.constant 0 : i32
    %dma_wait3A_1221 = arith.constant 0 : i32
    %dma_wait3A_1222 = tpu.memref_slice %arg4[%dma_wait3A_1220, %dma_wait3A_1221] : memref<100000x64xf32, #tpu.memory_space<hbm>> -> memref<1x64xf32, #tpu.memory_space<hbm>>
    tpu.wait_dma2 semaphore(%arg14 : memref<!tpu.dma_semaphore, #tpu.memory_space<semaphore_mem>>) src(%dma_wait3A_1222 : memref<1x64xf32, #tpu.memory_space<hbm>>) dst(%dma_wait3A_1219 : memref<1x64xf32, #tpu.memory_space<vmem>>)
    %dma_wait3A_1223 = arith.constant 0 : i32
    %dma_wait3A_1224 = arith.constant 0 : i32
    %dma_wait3A_1225 = tpu.memref_slice %arg13[%dma_wait3A_1223, %dma_wait3A_1224] : memref<128x64xf32, #tpu.memory_space<vmem>> -> memref<1x64xf32, #tpu.memory_space<vmem>>
    %dma_wait3A_1226 = arith.constant 0 : i32
    %dma_wait3A_1227 = arith.constant 0 : i32
    %dma_wait3A_1228 = tpu.memref_slice %arg4[%dma_wait3A_1226, %dma_wait3A_1227] : memref<100000x64xf32, #tpu.memory_space<hbm>> -> memref<1x64xf32, #tpu.memory_space<hbm>>
    tpu.wait_dma2 semaphore(%arg14 : memref<!tpu.dma_semaphore, #tpu.memory_space<semaphore_mem>>) src(%dma_wait3A_1228 : memref<1x64xf32, #tpu.memory_space<hbm>>) dst(%dma_wait3A_1225 : memref<1x64xf32, #tpu.memory_space<vmem>>)
    %dma_wait3A_1229 = arith.constant 0 : i32
    %dma_wait3A_1230 = arith.constant 0 : i32
    %dma_wait3A_1231 = tpu.memref_slice %arg13[%dma_wait3A_1229, %dma_wait3A_1230] : memref<128x64xf32, #tpu.memory_space<vmem>> -> memref<1x64xf32, #tpu.memory_space<vmem>>
    %dma_wait3A_1232 = arith.constant 0 : i32
    %dma_wait3A_1233 = arith.constant 0 : i32
    %dma_wait3A_1234 = tpu.memref_slice %arg4[%dma_wait3A_1232, %dma_wait3A_1233] : memref<100000x64xf32, #tpu.memory_space<hbm>> -> memref<1x64xf32, #tpu.memory_space<hbm>>
    tpu.wait_dma2 semaphore(%arg14 : memref<!tpu.dma_semaphore, #tpu.memory_space<semaphore_mem>>) src(%dma_wait3A_1234 : memref<1x64xf32, #tpu.memory_space<hbm>>) dst(%dma_wait3A_1231 : memref<1x64xf32, #tpu.memory_space<vmem>>)
    %dma_wait3A_1235 = arith.constant 0 : i32
    %dma_wait3A_1236 = arith.constant 0 : i32
    %dma_wait3A_1237 = tpu.memref_slice %arg13[%dma_wait3A_1235, %dma_wait3A_1236] : memref<128x64xf32, #tpu.memory_space<vmem>> -> memref<1x64xf32, #tpu.memory_space<vmem>>
    %dma_wait3A_1238 = arith.constant 0 : i32
    %dma_wait3A_1239 = arith.constant 0 : i32
    %dma_wait3A_1240 = tpu.memref_slice %arg4[%dma_wait3A_1238, %dma_wait3A_1239] : memref<100000x64xf32, #tpu.memory_space<hbm>> -> memref<1x64xf32, #tpu.memory_space<hbm>>
    tpu.wait_dma2 semaphore(%arg14 : memref<!tpu.dma_semaphore, #tpu.memory_space<semaphore_mem>>) src(%dma_wait3A_1240 : memref<1x64xf32, #tpu.memory_space<hbm>>) dst(%dma_wait3A_1237 : memref<1x64xf32, #tpu.memory_space<vmem>>)
    %dma_wait3A_1241 = arith.constant 0 : i32
    %dma_wait3A_1242 = arith.constant 0 : i32
    %dma_wait3A_1243 = tpu.memref_slice %arg13[%dma_wait3A_1241, %dma_wait3A_1242] : memref<128x64xf32, #tpu.memory_space<vmem>> -> memref<1x64xf32, #tpu.memory_space<vmem>>
    %dma_wait3A_1244 = arith.constant 0 : i32
    %dma_wait3A_1245 = arith.constant 0 : i32
    %dma_wait3A_1246 = tpu.memref_slice %arg4[%dma_wait3A_1244, %dma_wait3A_1245] : memref<100000x64xf32, #tpu.memory_space<hbm>> -> memref<1x64xf32, #tpu.memory_space<hbm>>
    tpu.wait_dma2 semaphore(%arg14 : memref<!tpu.dma_semaphore, #tpu.memory_space<semaphore_mem>>) src(%dma_wait3A_1246 : memref<1x64xf32, #tpu.memory_space<hbm>>) dst(%dma_wait3A_1243 : memref<1x64xf32, #tpu.memory_space<vmem>>)
    %dma_wait3A_1247 = arith.constant 0 : i32
    %dma_wait3A_1248 = arith.constant 0 : i32
    %dma_wait3A_1249 = tpu.memref_slice %arg13[%dma_wait3A_1247, %dma_wait3A_1248] : memref<128x64xf32, #tpu.memory_space<vmem>> -> memref<1x64xf32, #tpu.memory_space<vmem>>
    %dma_wait3A_1250 = arith.constant 0 : i32
    %dma_wait3A_1251 = arith.constant 0 : i32
    %dma_wait3A_1252 = tpu.memref_slice %arg4[%dma_wait3A_1250, %dma_wait3A_1251] : memref<100000x64xf32, #tpu.memory_space<hbm>> -> memref<1x64xf32, #tpu.memory_space<hbm>>
    tpu.wait_dma2 semaphore(%arg14 : memref<!tpu.dma_semaphore, #tpu.memory_space<semaphore_mem>>) src(%dma_wait3A_1252 : memref<1x64xf32, #tpu.memory_space<hbm>>) dst(%dma_wait3A_1249 : memref<1x64xf32, #tpu.memory_space<vmem>>)
    %dma_wait3A_1253 = arith.constant 0 : i32
    %dma_wait3A_1254 = arith.constant 0 : i32
    %dma_wait3A_1255 = tpu.memref_slice %arg13[%dma_wait3A_1253, %dma_wait3A_1254] : memref<128x64xf32, #tpu.memory_space<vmem>> -> memref<1x64xf32, #tpu.memory_space<vmem>>
    %dma_wait3A_1256 = arith.constant 0 : i32
    %dma_wait3A_1257 = arith.constant 0 : i32
    %dma_wait3A_1258 = tpu.memref_slice %arg4[%dma_wait3A_1256, %dma_wait3A_1257] : memref<100000x64xf32, #tpu.memory_space<hbm>> -> memref<1x64xf32, #tpu.memory_space<hbm>>
    tpu.wait_dma2 semaphore(%arg14 : memref<!tpu.dma_semaphore, #tpu.memory_space<semaphore_mem>>) src(%dma_wait3A_1258 : memref<1x64xf32, #tpu.memory_space<hbm>>) dst(%dma_wait3A_1255 : memref<1x64xf32, #tpu.memory_space<vmem>>)
    %dma_wait3A_1259 = arith.constant 0 : i32
    %dma_wait3A_1260 = arith.constant 0 : i32
    %dma_wait3A_1261 = tpu.memref_slice %arg13[%dma_wait3A_1259, %dma_wait3A_1260] : memref<128x64xf32, #tpu.memory_space<vmem>> -> memref<1x64xf32, #tpu.memory_space<vmem>>
    %dma_wait3A_1262 = arith.constant 0 : i32
    %dma_wait3A_1263 = arith.constant 0 : i32
    %dma_wait3A_1264 = tpu.memref_slice %arg4[%dma_wait3A_1262, %dma_wait3A_1263] : memref<100000x64xf32, #tpu.memory_space<hbm>> -> memref<1x64xf32, #tpu.memory_space<hbm>>
    tpu.wait_dma2 semaphore(%arg14 : memref<!tpu.dma_semaphore, #tpu.memory_space<semaphore_mem>>) src(%dma_wait3A_1264 : memref<1x64xf32, #tpu.memory_space<hbm>>) dst(%dma_wait3A_1261 : memref<1x64xf32, #tpu.memory_space<vmem>>)
    %dma_wait3A_1265 = arith.constant 0 : i32
    %dma_wait3A_1266 = arith.constant 0 : i32
    %dma_wait3A_1267 = tpu.memref_slice %arg13[%dma_wait3A_1265, %dma_wait3A_1266] : memref<128x64xf32, #tpu.memory_space<vmem>> -> memref<1x64xf32, #tpu.memory_space<vmem>>
    %dma_wait3A_1268 = arith.constant 0 : i32
    %dma_wait3A_1269 = arith.constant 0 : i32
    %dma_wait3A_1270 = tpu.memref_slice %arg4[%dma_wait3A_1268, %dma_wait3A_1269] : memref<100000x64xf32, #tpu.memory_space<hbm>> -> memref<1x64xf32, #tpu.memory_space<hbm>>
    tpu.wait_dma2 semaphore(%arg14 : memref<!tpu.dma_semaphore, #tpu.memory_space<semaphore_mem>>) src(%dma_wait3A_1270 : memref<1x64xf32, #tpu.memory_space<hbm>>) dst(%dma_wait3A_1267 : memref<1x64xf32, #tpu.memory_space<vmem>>)
    %dma_wait3A_1271 = arith.constant 0 : i32
    %dma_wait3A_1272 = arith.constant 0 : i32
    %dma_wait3A_1273 = tpu.memref_slice %arg13[%dma_wait3A_1271, %dma_wait3A_1272] : memref<128x64xf32, #tpu.memory_space<vmem>> -> memref<1x64xf32, #tpu.memory_space<vmem>>
    %dma_wait3A_1274 = arith.constant 0 : i32
    %dma_wait3A_1275 = arith.constant 0 : i32
    %dma_wait3A_1276 = tpu.memref_slice %arg4[%dma_wait3A_1274, %dma_wait3A_1275] : memref<100000x64xf32, #tpu.memory_space<hbm>> -> memref<1x64xf32, #tpu.memory_space<hbm>>
    tpu.wait_dma2 semaphore(%arg14 : memref<!tpu.dma_semaphore, #tpu.memory_space<semaphore_mem>>) src(%dma_wait3A_1276 : memref<1x64xf32, #tpu.memory_space<hbm>>) dst(%dma_wait3A_1273 : memref<1x64xf32, #tpu.memory_space<vmem>>)
    %dma_wait3A_1277 = arith.constant 0 : i32
    %dma_wait3A_1278 = arith.constant 0 : i32
    %dma_wait3A_1279 = tpu.memref_slice %arg13[%dma_wait3A_1277, %dma_wait3A_1278] : memref<128x64xf32, #tpu.memory_space<vmem>> -> memref<1x64xf32, #tpu.memory_space<vmem>>
    %dma_wait3A_1280 = arith.constant 0 : i32
    %dma_wait3A_1281 = arith.constant 0 : i32
    %dma_wait3A_1282 = tpu.memref_slice %arg4[%dma_wait3A_1280, %dma_wait3A_1281] : memref<100000x64xf32, #tpu.memory_space<hbm>> -> memref<1x64xf32, #tpu.memory_space<hbm>>
    tpu.wait_dma2 semaphore(%arg14 : memref<!tpu.dma_semaphore, #tpu.memory_space<semaphore_mem>>) src(%dma_wait3A_1282 : memref<1x64xf32, #tpu.memory_space<hbm>>) dst(%dma_wait3A_1279 : memref<1x64xf32, #tpu.memory_space<vmem>>)
    %dma_wait3A_1283 = arith.constant 0 : i32
    %dma_wait3A_1284 = arith.constant 0 : i32
    %dma_wait3A_1285 = tpu.memref_slice %arg13[%dma_wait3A_1283, %dma_wait3A_1284] : memref<128x64xf32, #tpu.memory_space<vmem>> -> memref<1x64xf32, #tpu.memory_space<vmem>>
    %dma_wait3A_1286 = arith.constant 0 : i32
    %dma_wait3A_1287 = arith.constant 0 : i32
    %dma_wait3A_1288 = tpu.memref_slice %arg4[%dma_wait3A_1286, %dma_wait3A_1287] : memref<100000x64xf32, #tpu.memory_space<hbm>> -> memref<1x64xf32, #tpu.memory_space<hbm>>
    tpu.wait_dma2 semaphore(%arg14 : memref<!tpu.dma_semaphore, #tpu.memory_space<semaphore_mem>>) src(%dma_wait3A_1288 : memref<1x64xf32, #tpu.memory_space<hbm>>) dst(%dma_wait3A_1285 : memref<1x64xf32, #tpu.memory_space<vmem>>)
    %dma_wait3A_1289 = arith.constant 0 : i32
    %dma_wait3A_1290 = arith.constant 0 : i32
    %dma_wait3A_1291 = tpu.memref_slice %arg13[%dma_wait3A_1289, %dma_wait3A_1290] : memref<128x64xf32, #tpu.memory_space<vmem>> -> memref<1x64xf32, #tpu.memory_space<vmem>>
    %dma_wait3A_1292 = arith.constant 0 : i32
    %dma_wait3A_1293 = arith.constant 0 : i32
    %dma_wait3A_1294 = tpu.memref_slice %arg4[%dma_wait3A_1292, %dma_wait3A_1293] : memref<100000x64xf32, #tpu.memory_space<hbm>> -> memref<1x64xf32, #tpu.memory_space<hbm>>
    tpu.wait_dma2 semaphore(%arg14 : memref<!tpu.dma_semaphore, #tpu.memory_space<semaphore_mem>>) src(%dma_wait3A_1294 : memref<1x64xf32, #tpu.memory_space<hbm>>) dst(%dma_wait3A_1291 : memref<1x64xf32, #tpu.memory_space<vmem>>)
    %dma_wait3A_1295 = arith.constant 0 : i32
    %dma_wait3A_1296 = arith.constant 0 : i32
    %dma_wait3A_1297 = tpu.memref_slice %arg13[%dma_wait3A_1295, %dma_wait3A_1296] : memref<128x64xf32, #tpu.memory_space<vmem>> -> memref<1x64xf32, #tpu.memory_space<vmem>>
    %dma_wait3A_1298 = arith.constant 0 : i32
    %dma_wait3A_1299 = arith.constant 0 : i32
    %dma_wait3A_1300 = tpu.memref_slice %arg4[%dma_wait3A_1298, %dma_wait3A_1299] : memref<100000x64xf32, #tpu.memory_space<hbm>> -> memref<1x64xf32, #tpu.memory_space<hbm>>
    tpu.wait_dma2 semaphore(%arg14 : memref<!tpu.dma_semaphore, #tpu.memory_space<semaphore_mem>>) src(%dma_wait3A_1300 : memref<1x64xf32, #tpu.memory_space<hbm>>) dst(%dma_wait3A_1297 : memref<1x64xf32, #tpu.memory_space<vmem>>)
    %dma_wait3A_1301 = arith.constant 0 : i32
    %dma_wait3A_1302 = arith.constant 0 : i32
    %dma_wait3A_1303 = tpu.memref_slice %arg13[%dma_wait3A_1301, %dma_wait3A_1302] : memref<128x64xf32, #tpu.memory_space<vmem>> -> memref<1x64xf32, #tpu.memory_space<vmem>>
    %dma_wait3A_1304 = arith.constant 0 : i32
    %dma_wait3A_1305 = arith.constant 0 : i32
    %dma_wait3A_1306 = tpu.memref_slice %arg4[%dma_wait3A_1304, %dma_wait3A_1305] : memref<100000x64xf32, #tpu.memory_space<hbm>> -> memref<1x64xf32, #tpu.memory_space<hbm>>
    tpu.wait_dma2 semaphore(%arg14 : memref<!tpu.dma_semaphore, #tpu.memory_space<semaphore_mem>>) src(%dma_wait3A_1306 : memref<1x64xf32, #tpu.memory_space<hbm>>) dst(%dma_wait3A_1303 : memref<1x64xf32, #tpu.memory_space<vmem>>)
    %dma_wait3A_1307 = arith.constant 0 : i32
    %dma_wait3A_1308 = arith.constant 0 : i32
    %dma_wait3A_1309 = tpu.memref_slice %arg13[%dma_wait3A_1307, %dma_wait3A_1308] : memref<128x64xf32, #tpu.memory_space<vmem>> -> memref<1x64xf32, #tpu.memory_space<vmem>>
    %dma_wait3A_1310 = arith.constant 0 : i32
    %dma_wait3A_1311 = arith.constant 0 : i32
    %dma_wait3A_1312 = tpu.memref_slice %arg4[%dma_wait3A_1310, %dma_wait3A_1311] : memref<100000x64xf32, #tpu.memory_space<hbm>> -> memref<1x64xf32, #tpu.memory_space<hbm>>
    tpu.wait_dma2 semaphore(%arg14 : memref<!tpu.dma_semaphore, #tpu.memory_space<semaphore_mem>>) src(%dma_wait3A_1312 : memref<1x64xf32, #tpu.memory_space<hbm>>) dst(%dma_wait3A_1309 : memref<1x64xf32, #tpu.memory_space<vmem>>)
    %dma_wait3A_1313 = arith.constant 0 : i32
    %dma_wait3A_1314 = arith.constant 0 : i32
    %dma_wait3A_1315 = tpu.memref_slice %arg13[%dma_wait3A_1313, %dma_wait3A_1314] : memref<128x64xf32, #tpu.memory_space<vmem>> -> memref<1x64xf32, #tpu.memory_space<vmem>>
    %dma_wait3A_1316 = arith.constant 0 : i32
    %dma_wait3A_1317 = arith.constant 0 : i32
    %dma_wait3A_1318 = tpu.memref_slice %arg4[%dma_wait3A_1316, %dma_wait3A_1317] : memref<100000x64xf32, #tpu.memory_space<hbm>> -> memref<1x64xf32, #tpu.memory_space<hbm>>
    tpu.wait_dma2 semaphore(%arg14 : memref<!tpu.dma_semaphore, #tpu.memory_space<semaphore_mem>>) src(%dma_wait3A_1318 : memref<1x64xf32, #tpu.memory_space<hbm>>) dst(%dma_wait3A_1315 : memref<1x64xf32, #tpu.memory_space<vmem>>)
    %dma_wait3A_1319 = arith.constant 0 : i32
    %dma_wait3A_1320 = arith.constant 0 : i32
    %dma_wait3A_1321 = tpu.memref_slice %arg13[%dma_wait3A_1319, %dma_wait3A_1320] : memref<128x64xf32, #tpu.memory_space<vmem>> -> memref<1x64xf32, #tpu.memory_space<vmem>>
    %dma_wait3A_1322 = arith.constant 0 : i32
    %dma_wait3A_1323 = arith.constant 0 : i32
    %dma_wait3A_1324 = tpu.memref_slice %arg4[%dma_wait3A_1322, %dma_wait3A_1323] : memref<100000x64xf32, #tpu.memory_space<hbm>> -> memref<1x64xf32, #tpu.memory_space<hbm>>
    tpu.wait_dma2 semaphore(%arg14 : memref<!tpu.dma_semaphore, #tpu.memory_space<semaphore_mem>>) src(%dma_wait3A_1324 : memref<1x64xf32, #tpu.memory_space<hbm>>) dst(%dma_wait3A_1321 : memref<1x64xf32, #tpu.memory_space<vmem>>)
    %dma_wait3A_1325 = arith.constant 0 : i32
    %dma_wait3A_1326 = arith.constant 0 : i32
    %dma_wait3A_1327 = tpu.memref_slice %arg13[%dma_wait3A_1325, %dma_wait3A_1326] : memref<128x64xf32, #tpu.memory_space<vmem>> -> memref<1x64xf32, #tpu.memory_space<vmem>>
    %dma_wait3A_1328 = arith.constant 0 : i32
    %dma_wait3A_1329 = arith.constant 0 : i32
    %dma_wait3A_1330 = tpu.memref_slice %arg4[%dma_wait3A_1328, %dma_wait3A_1329] : memref<100000x64xf32, #tpu.memory_space<hbm>> -> memref<1x64xf32, #tpu.memory_space<hbm>>
    tpu.wait_dma2 semaphore(%arg14 : memref<!tpu.dma_semaphore, #tpu.memory_space<semaphore_mem>>) src(%dma_wait3A_1330 : memref<1x64xf32, #tpu.memory_space<hbm>>) dst(%dma_wait3A_1327 : memref<1x64xf32, #tpu.memory_space<vmem>>)
    %dma_wait3A_1331 = arith.constant 0 : i32
    %dma_wait3A_1332 = arith.constant 0 : i32
    %dma_wait3A_1333 = tpu.memref_slice %arg13[%dma_wait3A_1331, %dma_wait3A_1332] : memref<128x64xf32, #tpu.memory_space<vmem>> -> memref<1x64xf32, #tpu.memory_space<vmem>>
    %dma_wait3A_1334 = arith.constant 0 : i32
    %dma_wait3A_1335 = arith.constant 0 : i32
    %dma_wait3A_1336 = tpu.memref_slice %arg4[%dma_wait3A_1334, %dma_wait3A_1335] : memref<100000x64xf32, #tpu.memory_space<hbm>> -> memref<1x64xf32, #tpu.memory_space<hbm>>
    tpu.wait_dma2 semaphore(%arg14 : memref<!tpu.dma_semaphore, #tpu.memory_space<semaphore_mem>>) src(%dma_wait3A_1336 : memref<1x64xf32, #tpu.memory_space<hbm>>) dst(%dma_wait3A_1333 : memref<1x64xf32, #tpu.memory_space<vmem>>)
    %dma_wait3A_1337 = arith.constant 0 : i32
    %dma_wait3A_1338 = arith.constant 0 : i32
    %dma_wait3A_1339 = tpu.memref_slice %arg13[%dma_wait3A_1337, %dma_wait3A_1338] : memref<128x64xf32, #tpu.memory_space<vmem>> -> memref<1x64xf32, #tpu.memory_space<vmem>>
    %dma_wait3A_1340 = arith.constant 0 : i32
    %dma_wait3A_1341 = arith.constant 0 : i32
    %dma_wait3A_1342 = tpu.memref_slice %arg4[%dma_wait3A_1340, %dma_wait3A_1341] : memref<100000x64xf32, #tpu.memory_space<hbm>> -> memref<1x64xf32, #tpu.memory_space<hbm>>
    tpu.wait_dma2 semaphore(%arg14 : memref<!tpu.dma_semaphore, #tpu.memory_space<semaphore_mem>>) src(%dma_wait3A_1342 : memref<1x64xf32, #tpu.memory_space<hbm>>) dst(%dma_wait3A_1339 : memref<1x64xf32, #tpu.memory_space<vmem>>)
    %dma_wait3A_1343 = arith.constant 0 : i32
    %dma_wait3A_1344 = arith.constant 0 : i32
    %dma_wait3A_1345 = tpu.memref_slice %arg13[%dma_wait3A_1343, %dma_wait3A_1344] : memref<128x64xf32, #tpu.memory_space<vmem>> -> memref<1x64xf32, #tpu.memory_space<vmem>>
    %dma_wait3A_1346 = arith.constant 0 : i32
    %dma_wait3A_1347 = arith.constant 0 : i32
    %dma_wait3A_1348 = tpu.memref_slice %arg4[%dma_wait3A_1346, %dma_wait3A_1347] : memref<100000x64xf32, #tpu.memory_space<hbm>> -> memref<1x64xf32, #tpu.memory_space<hbm>>
    tpu.wait_dma2 semaphore(%arg14 : memref<!tpu.dma_semaphore, #tpu.memory_space<semaphore_mem>>) src(%dma_wait3A_1348 : memref<1x64xf32, #tpu.memory_space<hbm>>) dst(%dma_wait3A_1345 : memref<1x64xf32, #tpu.memory_space<vmem>>)
    %dma_wait3A_1349 = arith.constant 0 : i32
    %dma_wait3A_1350 = arith.constant 0 : i32
    %dma_wait3A_1351 = tpu.memref_slice %arg13[%dma_wait3A_1349, %dma_wait3A_1350] : memref<128x64xf32, #tpu.memory_space<vmem>> -> memref<1x64xf32, #tpu.memory_space<vmem>>
    %dma_wait3A_1352 = arith.constant 0 : i32
    %dma_wait3A_1353 = arith.constant 0 : i32
    %dma_wait3A_1354 = tpu.memref_slice %arg4[%dma_wait3A_1352, %dma_wait3A_1353] : memref<100000x64xf32, #tpu.memory_space<hbm>> -> memref<1x64xf32, #tpu.memory_space<hbm>>
    tpu.wait_dma2 semaphore(%arg14 : memref<!tpu.dma_semaphore, #tpu.memory_space<semaphore_mem>>) src(%dma_wait3A_1354 : memref<1x64xf32, #tpu.memory_space<hbm>>) dst(%dma_wait3A_1351 : memref<1x64xf32, #tpu.memory_space<vmem>>)
    %dma_wait3A_1355 = arith.constant 0 : i32
    %dma_wait3A_1356 = arith.constant 0 : i32
    %dma_wait3A_1357 = tpu.memref_slice %arg13[%dma_wait3A_1355, %dma_wait3A_1356] : memref<128x64xf32, #tpu.memory_space<vmem>> -> memref<1x64xf32, #tpu.memory_space<vmem>>
    %dma_wait3A_1358 = arith.constant 0 : i32
    %dma_wait3A_1359 = arith.constant 0 : i32
    %dma_wait3A_1360 = tpu.memref_slice %arg4[%dma_wait3A_1358, %dma_wait3A_1359] : memref<100000x64xf32, #tpu.memory_space<hbm>> -> memref<1x64xf32, #tpu.memory_space<hbm>>
    tpu.wait_dma2 semaphore(%arg14 : memref<!tpu.dma_semaphore, #tpu.memory_space<semaphore_mem>>) src(%dma_wait3A_1360 : memref<1x64xf32, #tpu.memory_space<hbm>>) dst(%dma_wait3A_1357 : memref<1x64xf32, #tpu.memory_space<vmem>>)
    %dma_wait3A_1361 = arith.constant 0 : i32
    %dma_wait3A_1362 = arith.constant 0 : i32
    %dma_wait3A_1363 = tpu.memref_slice %arg13[%dma_wait3A_1361, %dma_wait3A_1362] : memref<128x64xf32, #tpu.memory_space<vmem>> -> memref<1x64xf32, #tpu.memory_space<vmem>>
    %dma_wait3A_1364 = arith.constant 0 : i32
    %dma_wait3A_1365 = arith.constant 0 : i32
    %dma_wait3A_1366 = tpu.memref_slice %arg4[%dma_wait3A_1364, %dma_wait3A_1365] : memref<100000x64xf32, #tpu.memory_space<hbm>> -> memref<1x64xf32, #tpu.memory_space<hbm>>
    tpu.wait_dma2 semaphore(%arg14 : memref<!tpu.dma_semaphore, #tpu.memory_space<semaphore_mem>>) src(%dma_wait3A_1366 : memref<1x64xf32, #tpu.memory_space<hbm>>) dst(%dma_wait3A_1363 : memref<1x64xf32, #tpu.memory_space<vmem>>)
    %dma_wait3A_1367 = arith.constant 0 : i32
    %dma_wait3A_1368 = arith.constant 0 : i32
    %dma_wait3A_1369 = tpu.memref_slice %arg13[%dma_wait3A_1367, %dma_wait3A_1368] : memref<128x64xf32, #tpu.memory_space<vmem>> -> memref<1x64xf32, #tpu.memory_space<vmem>>
    %dma_wait3A_1370 = arith.constant 0 : i32
    %dma_wait3A_1371 = arith.constant 0 : i32
    %dma_wait3A_1372 = tpu.memref_slice %arg4[%dma_wait3A_1370, %dma_wait3A_1371] : memref<100000x64xf32, #tpu.memory_space<hbm>> -> memref<1x64xf32, #tpu.memory_space<hbm>>
    tpu.wait_dma2 semaphore(%arg14 : memref<!tpu.dma_semaphore, #tpu.memory_space<semaphore_mem>>) src(%dma_wait3A_1372 : memref<1x64xf32, #tpu.memory_space<hbm>>) dst(%dma_wait3A_1369 : memref<1x64xf32, #tpu.memory_space<vmem>>)
    %dma_wait3A_1373 = arith.constant 0 : i32
    %dma_wait3A_1374 = arith.constant 0 : i32
    %dma_wait3A_1375 = tpu.memref_slice %arg13[%dma_wait3A_1373, %dma_wait3A_1374] : memref<128x64xf32, #tpu.memory_space<vmem>> -> memref<1x64xf32, #tpu.memory_space<vmem>>
    %dma_wait3A_1376 = arith.constant 0 : i32
    %dma_wait3A_1377 = arith.constant 0 : i32
    %dma_wait3A_1378 = tpu.memref_slice %arg4[%dma_wait3A_1376, %dma_wait3A_1377] : memref<100000x64xf32, #tpu.memory_space<hbm>> -> memref<1x64xf32, #tpu.memory_space<hbm>>
    tpu.wait_dma2 semaphore(%arg14 : memref<!tpu.dma_semaphore, #tpu.memory_space<semaphore_mem>>) src(%dma_wait3A_1378 : memref<1x64xf32, #tpu.memory_space<hbm>>) dst(%dma_wait3A_1375 : memref<1x64xf32, #tpu.memory_space<vmem>>)
    %dma_wait3A_1379 = arith.constant 0 : i32
    %dma_wait3A_1380 = arith.constant 0 : i32
    %dma_wait3A_1381 = tpu.memref_slice %arg13[%dma_wait3A_1379, %dma_wait3A_1380] : memref<128x64xf32, #tpu.memory_space<vmem>> -> memref<1x64xf32, #tpu.memory_space<vmem>>
    %dma_wait3A_1382 = arith.constant 0 : i32
    %dma_wait3A_1383 = arith.constant 0 : i32
    %dma_wait3A_1384 = tpu.memref_slice %arg4[%dma_wait3A_1382, %dma_wait3A_1383] : memref<100000x64xf32, #tpu.memory_space<hbm>> -> memref<1x64xf32, #tpu.memory_space<hbm>>
    tpu.wait_dma2 semaphore(%arg14 : memref<!tpu.dma_semaphore, #tpu.memory_space<semaphore_mem>>) src(%dma_wait3A_1384 : memref<1x64xf32, #tpu.memory_space<hbm>>) dst(%dma_wait3A_1381 : memref<1x64xf32, #tpu.memory_space<vmem>>)
    %dma_wait3A_1385 = arith.constant 0 : i32
    %dma_wait3A_1386 = arith.constant 0 : i32
    %dma_wait3A_1387 = tpu.memref_slice %arg13[%dma_wait3A_1385, %dma_wait3A_1386] : memref<128x64xf32, #tpu.memory_space<vmem>> -> memref<1x64xf32, #tpu.memory_space<vmem>>
    %dma_wait3A_1388 = arith.constant 0 : i32
    %dma_wait3A_1389 = arith.constant 0 : i32
    %dma_wait3A_1390 = tpu.memref_slice %arg4[%dma_wait3A_1388, %dma_wait3A_1389] : memref<100000x64xf32, #tpu.memory_space<hbm>> -> memref<1x64xf32, #tpu.memory_space<hbm>>
    tpu.wait_dma2 semaphore(%arg14 : memref<!tpu.dma_semaphore, #tpu.memory_space<semaphore_mem>>) src(%dma_wait3A_1390 : memref<1x64xf32, #tpu.memory_space<hbm>>) dst(%dma_wait3A_1387 : memref<1x64xf32, #tpu.memory_space<vmem>>)
    %dma_wait3A_1391 = arith.constant 0 : i32
    %dma_wait3A_1392 = arith.constant 0 : i32
    %dma_wait3A_1393 = tpu.memref_slice %arg13[%dma_wait3A_1391, %dma_wait3A_1392] : memref<128x64xf32, #tpu.memory_space<vmem>> -> memref<1x64xf32, #tpu.memory_space<vmem>>
    %dma_wait3A_1394 = arith.constant 0 : i32
    %dma_wait3A_1395 = arith.constant 0 : i32
    %dma_wait3A_1396 = tpu.memref_slice %arg4[%dma_wait3A_1394, %dma_wait3A_1395] : memref<100000x64xf32, #tpu.memory_space<hbm>> -> memref<1x64xf32, #tpu.memory_space<hbm>>
    tpu.wait_dma2 semaphore(%arg14 : memref<!tpu.dma_semaphore, #tpu.memory_space<semaphore_mem>>) src(%dma_wait3A_1396 : memref<1x64xf32, #tpu.memory_space<hbm>>) dst(%dma_wait3A_1393 : memref<1x64xf32, #tpu.memory_space<vmem>>)
    %dma_wait3A_1397 = arith.constant 0 : i32
    %dma_wait3A_1398 = arith.constant 0 : i32
    %dma_wait3A_1399 = tpu.memref_slice %arg13[%dma_wait3A_1397, %dma_wait3A_1398] : memref<128x64xf32, #tpu.memory_space<vmem>> -> memref<1x64xf32, #tpu.memory_space<vmem>>
    %dma_wait3A_1400 = arith.constant 0 : i32
    %dma_wait3A_1401 = arith.constant 0 : i32
    %dma_wait3A_1402 = tpu.memref_slice %arg4[%dma_wait3A_1400, %dma_wait3A_1401] : memref<100000x64xf32, #tpu.memory_space<hbm>> -> memref<1x64xf32, #tpu.memory_space<hbm>>
    tpu.wait_dma2 semaphore(%arg14 : memref<!tpu.dma_semaphore, #tpu.memory_space<semaphore_mem>>) src(%dma_wait3A_1402 : memref<1x64xf32, #tpu.memory_space<hbm>>) dst(%dma_wait3A_1399 : memref<1x64xf32, #tpu.memory_space<vmem>>)
    %dma_wait3A_1403 = arith.constant 0 : i32
    %dma_wait3A_1404 = arith.constant 0 : i32
    %dma_wait3A_1405 = tpu.memref_slice %arg13[%dma_wait3A_1403, %dma_wait3A_1404] : memref<128x64xf32, #tpu.memory_space<vmem>> -> memref<1x64xf32, #tpu.memory_space<vmem>>
    %dma_wait3A_1406 = arith.constant 0 : i32
    %dma_wait3A_1407 = arith.constant 0 : i32
    %dma_wait3A_1408 = tpu.memref_slice %arg4[%dma_wait3A_1406, %dma_wait3A_1407] : memref<100000x64xf32, #tpu.memory_space<hbm>> -> memref<1x64xf32, #tpu.memory_space<hbm>>
    tpu.wait_dma2 semaphore(%arg14 : memref<!tpu.dma_semaphore, #tpu.memory_space<semaphore_mem>>) src(%dma_wait3A_1408 : memref<1x64xf32, #tpu.memory_space<hbm>>) dst(%dma_wait3A_1405 : memref<1x64xf32, #tpu.memory_space<vmem>>)
    %dma_wait3A_1409 = arith.constant 0 : i32
    %dma_wait3A_1410 = arith.constant 0 : i32
    %dma_wait3A_1411 = tpu.memref_slice %arg13[%dma_wait3A_1409, %dma_wait3A_1410] : memref<128x64xf32, #tpu.memory_space<vmem>> -> memref<1x64xf32, #tpu.memory_space<vmem>>
    %dma_wait3A_1412 = arith.constant 0 : i32
    %dma_wait3A_1413 = arith.constant 0 : i32
    %dma_wait3A_1414 = tpu.memref_slice %arg4[%dma_wait3A_1412, %dma_wait3A_1413] : memref<100000x64xf32, #tpu.memory_space<hbm>> -> memref<1x64xf32, #tpu.memory_space<hbm>>
    tpu.wait_dma2 semaphore(%arg14 : memref<!tpu.dma_semaphore, #tpu.memory_space<semaphore_mem>>) src(%dma_wait3A_1414 : memref<1x64xf32, #tpu.memory_space<hbm>>) dst(%dma_wait3A_1411 : memref<1x64xf32, #tpu.memory_space<vmem>>)
    %dma_wait3A_1415 = arith.constant 0 : i32
    %dma_wait3A_1416 = arith.constant 0 : i32
    %dma_wait3A_1417 = tpu.memref_slice %arg13[%dma_wait3A_1415, %dma_wait3A_1416] : memref<128x64xf32, #tpu.memory_space<vmem>> -> memref<1x64xf32, #tpu.memory_space<vmem>>
    %dma_wait3A_1418 = arith.constant 0 : i32
    %dma_wait3A_1419 = arith.constant 0 : i32
    %dma_wait3A_1420 = tpu.memref_slice %arg4[%dma_wait3A_1418, %dma_wait3A_1419] : memref<100000x64xf32, #tpu.memory_space<hbm>> -> memref<1x64xf32, #tpu.memory_space<hbm>>
    tpu.wait_dma2 semaphore(%arg14 : memref<!tpu.dma_semaphore, #tpu.memory_space<semaphore_mem>>) src(%dma_wait3A_1420 : memref<1x64xf32, #tpu.memory_space<hbm>>) dst(%dma_wait3A_1417 : memref<1x64xf32, #tpu.memory_space<vmem>>)
    %dma_wait3A_1421 = arith.constant 0 : i32
    %dma_wait3A_1422 = arith.constant 0 : i32
    %dma_wait3A_1423 = tpu.memref_slice %arg13[%dma_wait3A_1421, %dma_wait3A_1422] : memref<128x64xf32, #tpu.memory_space<vmem>> -> memref<1x64xf32, #tpu.memory_space<vmem>>
    %dma_wait3A_1424 = arith.constant 0 : i32
    %dma_wait3A_1425 = arith.constant 0 : i32
    %dma_wait3A_1426 = tpu.memref_slice %arg4[%dma_wait3A_1424, %dma_wait3A_1425] : memref<100000x64xf32, #tpu.memory_space<hbm>> -> memref<1x64xf32, #tpu.memory_space<hbm>>
    tpu.wait_dma2 semaphore(%arg14 : memref<!tpu.dma_semaphore, #tpu.memory_space<semaphore_mem>>) src(%dma_wait3A_1426 : memref<1x64xf32, #tpu.memory_space<hbm>>) dst(%dma_wait3A_1423 : memref<1x64xf32, #tpu.memory_space<vmem>>)
    %dma_wait3A_1427 = arith.constant 0 : i32
    %dma_wait3A_1428 = arith.constant 0 : i32
    %dma_wait3A_1429 = tpu.memref_slice %arg13[%dma_wait3A_1427, %dma_wait3A_1428] : memref<128x64xf32, #tpu.memory_space<vmem>> -> memref<1x64xf32, #tpu.memory_space<vmem>>
    %dma_wait3A_1430 = arith.constant 0 : i32
    %dma_wait3A_1431 = arith.constant 0 : i32
    %dma_wait3A_1432 = tpu.memref_slice %arg4[%dma_wait3A_1430, %dma_wait3A_1431] : memref<100000x64xf32, #tpu.memory_space<hbm>> -> memref<1x64xf32, #tpu.memory_space<hbm>>
    tpu.wait_dma2 semaphore(%arg14 : memref<!tpu.dma_semaphore, #tpu.memory_space<semaphore_mem>>) src(%dma_wait3A_1432 : memref<1x64xf32, #tpu.memory_space<hbm>>) dst(%dma_wait3A_1429 : memref<1x64xf32, #tpu.memory_space<vmem>>)
    %dma_wait3A_1433 = arith.constant 0 : i32
    %dma_wait3A_1434 = arith.constant 0 : i32
    %dma_wait3A_1435 = tpu.memref_slice %arg13[%dma_wait3A_1433, %dma_wait3A_1434] : memref<128x64xf32, #tpu.memory_space<vmem>> -> memref<1x64xf32, #tpu.memory_space<vmem>>
    %dma_wait3A_1436 = arith.constant 0 : i32
    %dma_wait3A_1437 = arith.constant 0 : i32
    %dma_wait3A_1438 = tpu.memref_slice %arg4[%dma_wait3A_1436, %dma_wait3A_1437] : memref<100000x64xf32, #tpu.memory_space<hbm>> -> memref<1x64xf32, #tpu.memory_space<hbm>>
    tpu.wait_dma2 semaphore(%arg14 : memref<!tpu.dma_semaphore, #tpu.memory_space<semaphore_mem>>) src(%dma_wait3A_1438 : memref<1x64xf32, #tpu.memory_space<hbm>>) dst(%dma_wait3A_1435 : memref<1x64xf32, #tpu.memory_space<vmem>>)
    %dma_wait3A_1439 = arith.constant 0 : i32
    %dma_wait3A_1440 = arith.constant 0 : i32
    %dma_wait3A_1441 = tpu.memref_slice %arg13[%dma_wait3A_1439, %dma_wait3A_1440] : memref<128x64xf32, #tpu.memory_space<vmem>> -> memref<1x64xf32, #tpu.memory_space<vmem>>
    %dma_wait3A_1442 = arith.constant 0 : i32
    %dma_wait3A_1443 = arith.constant 0 : i32
    %dma_wait3A_1444 = tpu.memref_slice %arg4[%dma_wait3A_1442, %dma_wait3A_1443] : memref<100000x64xf32, #tpu.memory_space<hbm>> -> memref<1x64xf32, #tpu.memory_space<hbm>>
    tpu.wait_dma2 semaphore(%arg14 : memref<!tpu.dma_semaphore, #tpu.memory_space<semaphore_mem>>) src(%dma_wait3A_1444 : memref<1x64xf32, #tpu.memory_space<hbm>>) dst(%dma_wait3A_1441 : memref<1x64xf32, #tpu.memory_space<vmem>>)
    %dma_wait3A_1445 = arith.constant 0 : i32
    %dma_wait3A_1446 = arith.constant 0 : i32
    %dma_wait3A_1447 = tpu.memref_slice %arg13[%dma_wait3A_1445, %dma_wait3A_1446] : memref<128x64xf32, #tpu.memory_space<vmem>> -> memref<1x64xf32, #tpu.memory_space<vmem>>
    %dma_wait3A_1448 = arith.constant 0 : i32
    %dma_wait3A_1449 = arith.constant 0 : i32
    %dma_wait3A_1450 = tpu.memref_slice %arg4[%dma_wait3A_1448, %dma_wait3A_1449] : memref<100000x64xf32, #tpu.memory_space<hbm>> -> memref<1x64xf32, #tpu.memory_space<hbm>>
    tpu.wait_dma2 semaphore(%arg14 : memref<!tpu.dma_semaphore, #tpu.memory_space<semaphore_mem>>) src(%dma_wait3A_1450 : memref<1x64xf32, #tpu.memory_space<hbm>>) dst(%dma_wait3A_1447 : memref<1x64xf32, #tpu.memory_space<vmem>>)
    %dma_wait3A_1451 = arith.constant 0 : i32
    %dma_wait3A_1452 = arith.constant 0 : i32
    %dma_wait3A_1453 = tpu.memref_slice %arg13[%dma_wait3A_1451, %dma_wait3A_1452] : memref<128x64xf32, #tpu.memory_space<vmem>> -> memref<1x64xf32, #tpu.memory_space<vmem>>
    %dma_wait3A_1454 = arith.constant 0 : i32
    %dma_wait3A_1455 = arith.constant 0 : i32
    %dma_wait3A_1456 = tpu.memref_slice %arg4[%dma_wait3A_1454, %dma_wait3A_1455] : memref<100000x64xf32, #tpu.memory_space<hbm>> -> memref<1x64xf32, #tpu.memory_space<hbm>>
    tpu.wait_dma2 semaphore(%arg14 : memref<!tpu.dma_semaphore, #tpu.memory_space<semaphore_mem>>) src(%dma_wait3A_1456 : memref<1x64xf32, #tpu.memory_space<hbm>>) dst(%dma_wait3A_1453 : memref<1x64xf32, #tpu.memory_space<vmem>>)
    %dma_wait3A_1457 = arith.constant 0 : i32
    %dma_wait3A_1458 = arith.constant 0 : i32
    %dma_wait3A_1459 = tpu.memref_slice %arg13[%dma_wait3A_1457, %dma_wait3A_1458] : memref<128x64xf32, #tpu.memory_space<vmem>> -> memref<1x64xf32, #tpu.memory_space<vmem>>
    %dma_wait3A_1460 = arith.constant 0 : i32
    %dma_wait3A_1461 = arith.constant 0 : i32
    %dma_wait3A_1462 = tpu.memref_slice %arg4[%dma_wait3A_1460, %dma_wait3A_1461] : memref<100000x64xf32, #tpu.memory_space<hbm>> -> memref<1x64xf32, #tpu.memory_space<hbm>>
    tpu.wait_dma2 semaphore(%arg14 : memref<!tpu.dma_semaphore, #tpu.memory_space<semaphore_mem>>) src(%dma_wait3A_1462 : memref<1x64xf32, #tpu.memory_space<hbm>>) dst(%dma_wait3A_1459 : memref<1x64xf32, #tpu.memory_space<vmem>>)
    %dma_wait3A_1463 = arith.constant 0 : i32
    %dma_wait3A_1464 = arith.constant 0 : i32
    %dma_wait3A_1465 = tpu.memref_slice %arg13[%dma_wait3A_1463, %dma_wait3A_1464] : memref<128x64xf32, #tpu.memory_space<vmem>> -> memref<1x64xf32, #tpu.memory_space<vmem>>
    %dma_wait3A_1466 = arith.constant 0 : i32
    %dma_wait3A_1467 = arith.constant 0 : i32
    %dma_wait3A_1468 = tpu.memref_slice %arg4[%dma_wait3A_1466, %dma_wait3A_1467] : memref<100000x64xf32, #tpu.memory_space<hbm>> -> memref<1x64xf32, #tpu.memory_space<hbm>>
    tpu.wait_dma2 semaphore(%arg14 : memref<!tpu.dma_semaphore, #tpu.memory_space<semaphore_mem>>) src(%dma_wait3A_1468 : memref<1x64xf32, #tpu.memory_space<hbm>>) dst(%dma_wait3A_1465 : memref<1x64xf32, #tpu.memory_space<vmem>>)
    %dma_wait3A_1469 = arith.constant 0 : i32
    %dma_wait3A_1470 = arith.constant 0 : i32
    %dma_wait3A_1471 = tpu.memref_slice %arg13[%dma_wait3A_1469, %dma_wait3A_1470] : memref<128x64xf32, #tpu.memory_space<vmem>> -> memref<1x64xf32, #tpu.memory_space<vmem>>
    %dma_wait3A_1472 = arith.constant 0 : i32
    %dma_wait3A_1473 = arith.constant 0 : i32
    %dma_wait3A_1474 = tpu.memref_slice %arg4[%dma_wait3A_1472, %dma_wait3A_1473] : memref<100000x64xf32, #tpu.memory_space<hbm>> -> memref<1x64xf32, #tpu.memory_space<hbm>>
    tpu.wait_dma2 semaphore(%arg14 : memref<!tpu.dma_semaphore, #tpu.memory_space<semaphore_mem>>) src(%dma_wait3A_1474 : memref<1x64xf32, #tpu.memory_space<hbm>>) dst(%dma_wait3A_1471 : memref<1x64xf32, #tpu.memory_space<vmem>>)
    %dma_wait3A_1475 = arith.constant 0 : i32
    %dma_wait3A_1476 = arith.constant 0 : i32
    %dma_wait3A_1477 = tpu.memref_slice %arg13[%dma_wait3A_1475, %dma_wait3A_1476] : memref<128x64xf32, #tpu.memory_space<vmem>> -> memref<1x64xf32, #tpu.memory_space<vmem>>
    %dma_wait3A_1478 = arith.constant 0 : i32
    %dma_wait3A_1479 = arith.constant 0 : i32
    %dma_wait3A_1480 = tpu.memref_slice %arg4[%dma_wait3A_1478, %dma_wait3A_1479] : memref<100000x64xf32, #tpu.memory_space<hbm>> -> memref<1x64xf32, #tpu.memory_space<hbm>>
    tpu.wait_dma2 semaphore(%arg14 : memref<!tpu.dma_semaphore, #tpu.memory_space<semaphore_mem>>) src(%dma_wait3A_1480 : memref<1x64xf32, #tpu.memory_space<hbm>>) dst(%dma_wait3A_1477 : memref<1x64xf32, #tpu.memory_space<vmem>>)
    %dma_wait3A_1481 = arith.constant 0 : i32
    %dma_wait3A_1482 = arith.constant 0 : i32
    %dma_wait3A_1483 = tpu.memref_slice %arg13[%dma_wait3A_1481, %dma_wait3A_1482] : memref<128x64xf32, #tpu.memory_space<vmem>> -> memref<1x64xf32, #tpu.memory_space<vmem>>
    %dma_wait3A_1484 = arith.constant 0 : i32
    %dma_wait3A_1485 = arith.constant 0 : i32
    %dma_wait3A_1486 = tpu.memref_slice %arg4[%dma_wait3A_1484, %dma_wait3A_1485] : memref<100000x64xf32, #tpu.memory_space<hbm>> -> memref<1x64xf32, #tpu.memory_space<hbm>>
    tpu.wait_dma2 semaphore(%arg14 : memref<!tpu.dma_semaphore, #tpu.memory_space<semaphore_mem>>) src(%dma_wait3A_1486 : memref<1x64xf32, #tpu.memory_space<hbm>>) dst(%dma_wait3A_1483 : memref<1x64xf32, #tpu.memory_space<vmem>>)
    %dma_wait3A_1487 = arith.constant 0 : i32
    %dma_wait3A_1488 = arith.constant 0 : i32
    %dma_wait3A_1489 = tpu.memref_slice %arg13[%dma_wait3A_1487, %dma_wait3A_1488] : memref<128x64xf32, #tpu.memory_space<vmem>> -> memref<1x64xf32, #tpu.memory_space<vmem>>
    %dma_wait3A_1490 = arith.constant 0 : i32
    %dma_wait3A_1491 = arith.constant 0 : i32
    %dma_wait3A_1492 = tpu.memref_slice %arg4[%dma_wait3A_1490, %dma_wait3A_1491] : memref<100000x64xf32, #tpu.memory_space<hbm>> -> memref<1x64xf32, #tpu.memory_space<hbm>>
    tpu.wait_dma2 semaphore(%arg14 : memref<!tpu.dma_semaphore, #tpu.memory_space<semaphore_mem>>) src(%dma_wait3A_1492 : memref<1x64xf32, #tpu.memory_space<hbm>>) dst(%dma_wait3A_1489 : memref<1x64xf32, #tpu.memory_space<vmem>>)
    %dma_wait3A_1493 = arith.constant 0 : i32
    %dma_wait3A_1494 = arith.constant 0 : i32
    %dma_wait3A_1495 = tpu.memref_slice %arg13[%dma_wait3A_1493, %dma_wait3A_1494] : memref<128x64xf32, #tpu.memory_space<vmem>> -> memref<1x64xf32, #tpu.memory_space<vmem>>
    %dma_wait3A_1496 = arith.constant 0 : i32
    %dma_wait3A_1497 = arith.constant 0 : i32
    %dma_wait3A_1498 = tpu.memref_slice %arg4[%dma_wait3A_1496, %dma_wait3A_1497] : memref<100000x64xf32, #tpu.memory_space<hbm>> -> memref<1x64xf32, #tpu.memory_space<hbm>>
    tpu.wait_dma2 semaphore(%arg14 : memref<!tpu.dma_semaphore, #tpu.memory_space<semaphore_mem>>) src(%dma_wait3A_1498 : memref<1x64xf32, #tpu.memory_space<hbm>>) dst(%dma_wait3A_1495 : memref<1x64xf32, #tpu.memory_space<vmem>>)
    %dma_wait3A_1499 = arith.constant 0 : i32
    %dma_wait3A_1500 = arith.constant 0 : i32
    %dma_wait3A_1501 = tpu.memref_slice %arg13[%dma_wait3A_1499, %dma_wait3A_1500] : memref<128x64xf32, #tpu.memory_space<vmem>> -> memref<1x64xf32, #tpu.memory_space<vmem>>
    %dma_wait3A_1502 = arith.constant 0 : i32
    %dma_wait3A_1503 = arith.constant 0 : i32
    %dma_wait3A_1504 = tpu.memref_slice %arg4[%dma_wait3A_1502, %dma_wait3A_1503] : memref<100000x64xf32, #tpu.memory_space<hbm>> -> memref<1x64xf32, #tpu.memory_space<hbm>>
    tpu.wait_dma2 semaphore(%arg14 : memref<!tpu.dma_semaphore, #tpu.memory_space<semaphore_mem>>) src(%dma_wait3A_1504 : memref<1x64xf32, #tpu.memory_space<hbm>>) dst(%dma_wait3A_1501 : memref<1x64xf32, #tpu.memory_space<vmem>>)
    %dma_wait3A_1505 = arith.constant 0 : i32
    %dma_wait3A_1506 = arith.constant 0 : i32
    %dma_wait3A_1507 = tpu.memref_slice %arg13[%dma_wait3A_1505, %dma_wait3A_1506] : memref<128x64xf32, #tpu.memory_space<vmem>> -> memref<1x64xf32, #tpu.memory_space<vmem>>
    %dma_wait3A_1508 = arith.constant 0 : i32
    %dma_wait3A_1509 = arith.constant 0 : i32
    %dma_wait3A_1510 = tpu.memref_slice %arg4[%dma_wait3A_1508, %dma_wait3A_1509] : memref<100000x64xf32, #tpu.memory_space<hbm>> -> memref<1x64xf32, #tpu.memory_space<hbm>>
    tpu.wait_dma2 semaphore(%arg14 : memref<!tpu.dma_semaphore, #tpu.memory_space<semaphore_mem>>) src(%dma_wait3A_1510 : memref<1x64xf32, #tpu.memory_space<hbm>>) dst(%dma_wait3A_1507 : memref<1x64xf32, #tpu.memory_space<vmem>>)
    %dma_wait3A_1511 = arith.constant 0 : i32
    %dma_wait3A_1512 = arith.constant 0 : i32
    %dma_wait3A_1513 = tpu.memref_slice %arg13[%dma_wait3A_1511, %dma_wait3A_1512] : memref<128x64xf32, #tpu.memory_space<vmem>> -> memref<1x64xf32, #tpu.memory_space<vmem>>
    %dma_wait3A_1514 = arith.constant 0 : i32
    %dma_wait3A_1515 = arith.constant 0 : i32
    %dma_wait3A_1516 = tpu.memref_slice %arg4[%dma_wait3A_1514, %dma_wait3A_1515] : memref<100000x64xf32, #tpu.memory_space<hbm>> -> memref<1x64xf32, #tpu.memory_space<hbm>>
    tpu.wait_dma2 semaphore(%arg14 : memref<!tpu.dma_semaphore, #tpu.memory_space<semaphore_mem>>) src(%dma_wait3A_1516 : memref<1x64xf32, #tpu.memory_space<hbm>>) dst(%dma_wait3A_1513 : memref<1x64xf32, #tpu.memory_space<vmem>>)
    %dma_wait3A_1517 = arith.constant 0 : i32
    %dma_wait3A_1518 = arith.constant 0 : i32
    %dma_wait3A_1519 = tpu.memref_slice %arg13[%dma_wait3A_1517, %dma_wait3A_1518] : memref<128x64xf32, #tpu.memory_space<vmem>> -> memref<1x64xf32, #tpu.memory_space<vmem>>
    %dma_wait3A_1520 = arith.constant 0 : i32
    %dma_wait3A_1521 = arith.constant 0 : i32
    %dma_wait3A_1522 = tpu.memref_slice %arg4[%dma_wait3A_1520, %dma_wait3A_1521] : memref<100000x64xf32, #tpu.memory_space<hbm>> -> memref<1x64xf32, #tpu.memory_space<hbm>>
    tpu.wait_dma2 semaphore(%arg14 : memref<!tpu.dma_semaphore, #tpu.memory_space<semaphore_mem>>) src(%dma_wait3A_1522 : memref<1x64xf32, #tpu.memory_space<hbm>>) dst(%dma_wait3A_1519 : memref<1x64xf32, #tpu.memory_space<vmem>>)
    %dma_wait3A_1523 = arith.constant 0 : i32
    %dma_wait3A_1524 = arith.constant 0 : i32
    %dma_wait3A_1525 = tpu.memref_slice %arg13[%dma_wait3A_1523, %dma_wait3A_1524] : memref<128x64xf32, #tpu.memory_space<vmem>> -> memref<1x64xf32, #tpu.memory_space<vmem>>
    %dma_wait3A_1526 = arith.constant 0 : i32
    %dma_wait3A_1527 = arith.constant 0 : i32
    %dma_wait3A_1528 = tpu.memref_slice %arg4[%dma_wait3A_1526, %dma_wait3A_1527] : memref<100000x64xf32, #tpu.memory_space<hbm>> -> memref<1x64xf32, #tpu.memory_space<hbm>>
    tpu.wait_dma2 semaphore(%arg14 : memref<!tpu.dma_semaphore, #tpu.memory_space<semaphore_mem>>) src(%dma_wait3A_1528 : memref<1x64xf32, #tpu.memory_space<hbm>>) dst(%dma_wait3A_1525 : memref<1x64xf32, #tpu.memory_space<vmem>>)
    %dma_wait3A_1529 = arith.constant 0 : i32
    %dma_wait3A_1530 = arith.constant 0 : i32
    %dma_wait3A_1531 = tpu.memref_slice %arg13[%dma_wait3A_1529, %dma_wait3A_1530] : memref<128x64xf32, #tpu.memory_space<vmem>> -> memref<1x64xf32, #tpu.memory_space<vmem>>
    %dma_wait3A_1532 = arith.constant 0 : i32
    %dma_wait3A_1533 = arith.constant 0 : i32
    %dma_wait3A_1534 = tpu.memref_slice %arg4[%dma_wait3A_1532, %dma_wait3A_1533] : memref<100000x64xf32, #tpu.memory_space<hbm>> -> memref<1x64xf32, #tpu.memory_space<hbm>>
    tpu.wait_dma2 semaphore(%arg14 : memref<!tpu.dma_semaphore, #tpu.memory_space<semaphore_mem>>) src(%dma_wait3A_1534 : memref<1x64xf32, #tpu.memory_space<hbm>>) dst(%dma_wait3A_1531 : memref<1x64xf32, #tpu.memory_space<vmem>>)
    %dma_wait3A_1535 = arith.constant 0 : i32
    %dma_wait3A_1536 = arith.constant 0 : i32
    %dma_wait3A_1537 = tpu.memref_slice %arg13[%dma_wait3A_1535, %dma_wait3A_1536] : memref<128x64xf32, #tpu.memory_space<vmem>> -> memref<1x64xf32, #tpu.memory_space<vmem>>
    %dma_wait3A_1538 = arith.constant 0 : i32
    %dma_wait3A_1539 = arith.constant 0 : i32
    %dma_wait3A_1540 = tpu.memref_slice %arg4[%dma_wait3A_1538, %dma_wait3A_1539] : memref<100000x64xf32, #tpu.memory_space<hbm>> -> memref<1x64xf32, #tpu.memory_space<hbm>>
    tpu.wait_dma2 semaphore(%arg14 : memref<!tpu.dma_semaphore, #tpu.memory_space<semaphore_mem>>) src(%dma_wait3A_1540 : memref<1x64xf32, #tpu.memory_space<hbm>>) dst(%dma_wait3A_1537 : memref<1x64xf32, #tpu.memory_space<vmem>>)
    %dma_wait3A_1541 = arith.constant 0 : i32
    %dma_wait3A_1542 = arith.constant 0 : i32
    %dma_wait3A_1543 = tpu.memref_slice %arg13[%dma_wait3A_1541, %dma_wait3A_1542] : memref<128x64xf32, #tpu.memory_space<vmem>> -> memref<1x64xf32, #tpu.memory_space<vmem>>
    %dma_wait3A_1544 = arith.constant 0 : i32
    %dma_wait3A_1545 = arith.constant 0 : i32
    %dma_wait3A_1546 = tpu.memref_slice %arg4[%dma_wait3A_1544, %dma_wait3A_1545] : memref<100000x64xf32, #tpu.memory_space<hbm>> -> memref<1x64xf32, #tpu.memory_space<hbm>>
    tpu.wait_dma2 semaphore(%arg14 : memref<!tpu.dma_semaphore, #tpu.memory_space<semaphore_mem>>) src(%dma_wait3A_1546 : memref<1x64xf32, #tpu.memory_space<hbm>>) dst(%dma_wait3A_1543 : memref<1x64xf32, #tpu.memory_space<vmem>>)
    %dma_wait3A_1547 = arith.constant 0 : i32
    %dma_wait3A_1548 = arith.constant 0 : i32
    %dma_wait3A_1549 = tpu.memref_slice %arg13[%dma_wait3A_1547, %dma_wait3A_1548] : memref<128x64xf32, #tpu.memory_space<vmem>> -> memref<1x64xf32, #tpu.memory_space<vmem>>
    %dma_wait3A_1550 = arith.constant 0 : i32
    %dma_wait3A_1551 = arith.constant 0 : i32
    %dma_wait3A_1552 = tpu.memref_slice %arg4[%dma_wait3A_1550, %dma_wait3A_1551] : memref<100000x64xf32, #tpu.memory_space<hbm>> -> memref<1x64xf32, #tpu.memory_space<hbm>>
    tpu.wait_dma2 semaphore(%arg14 : memref<!tpu.dma_semaphore, #tpu.memory_space<semaphore_mem>>) src(%dma_wait3A_1552 : memref<1x64xf32, #tpu.memory_space<hbm>>) dst(%dma_wait3A_1549 : memref<1x64xf32, #tpu.memory_space<vmem>>)
    %dma_wait3A_1553 = arith.constant 0 : i32
    %dma_wait3A_1554 = arith.constant 0 : i32
    %dma_wait3A_1555 = tpu.memref_slice %arg13[%dma_wait3A_1553, %dma_wait3A_1554] : memref<128x64xf32, #tpu.memory_space<vmem>> -> memref<1x64xf32, #tpu.memory_space<vmem>>
    %dma_wait3A_1556 = arith.constant 0 : i32
    %dma_wait3A_1557 = arith.constant 0 : i32
    %dma_wait3A_1558 = tpu.memref_slice %arg4[%dma_wait3A_1556, %dma_wait3A_1557] : memref<100000x64xf32, #tpu.memory_space<hbm>> -> memref<1x64xf32, #tpu.memory_space<hbm>>
    tpu.wait_dma2 semaphore(%arg14 : memref<!tpu.dma_semaphore, #tpu.memory_space<semaphore_mem>>) src(%dma_wait3A_1558 : memref<1x64xf32, #tpu.memory_space<hbm>>) dst(%dma_wait3A_1555 : memref<1x64xf32, #tpu.memory_space<vmem>>)
    %dma_wait3A_1559 = arith.constant 0 : i32
    %dma_wait3A_1560 = arith.constant 0 : i32
    %dma_wait3A_1561 = tpu.memref_slice %arg13[%dma_wait3A_1559, %dma_wait3A_1560] : memref<128x64xf32, #tpu.memory_space<vmem>> -> memref<1x64xf32, #tpu.memory_space<vmem>>
    %dma_wait3A_1562 = arith.constant 0 : i32
    %dma_wait3A_1563 = arith.constant 0 : i32
    %dma_wait3A_1564 = tpu.memref_slice %arg4[%dma_wait3A_1562, %dma_wait3A_1563] : memref<100000x64xf32, #tpu.memory_space<hbm>> -> memref<1x64xf32, #tpu.memory_space<hbm>>
    tpu.wait_dma2 semaphore(%arg14 : memref<!tpu.dma_semaphore, #tpu.memory_space<semaphore_mem>>) src(%dma_wait3A_1564 : memref<1x64xf32, #tpu.memory_space<hbm>>) dst(%dma_wait3A_1561 : memref<1x64xf32, #tpu.memory_space<vmem>>)
    %dma_wait3A_1565 = arith.constant 0 : i32
    %dma_wait3A_1566 = arith.constant 0 : i32
    %dma_wait3A_1567 = tpu.memref_slice %arg13[%dma_wait3A_1565, %dma_wait3A_1566] : memref<128x64xf32, #tpu.memory_space<vmem>> -> memref<1x64xf32, #tpu.memory_space<vmem>>
    %dma_wait3A_1568 = arith.constant 0 : i32
    %dma_wait3A_1569 = arith.constant 0 : i32
    %dma_wait3A_1570 = tpu.memref_slice %arg4[%dma_wait3A_1568, %dma_wait3A_1569] : memref<100000x64xf32, #tpu.memory_space<hbm>> -> memref<1x64xf32, #tpu.memory_space<hbm>>
    tpu.wait_dma2 semaphore(%arg14 : memref<!tpu.dma_semaphore, #tpu.memory_space<semaphore_mem>>) src(%dma_wait3A_1570 : memref<1x64xf32, #tpu.memory_space<hbm>>) dst(%dma_wait3A_1567 : memref<1x64xf32, #tpu.memory_space<vmem>>)
    %dma_wait3A_1571 = arith.constant 0 : i32
    %dma_wait3A_1572 = arith.constant 0 : i32
    %dma_wait3A_1573 = tpu.memref_slice %arg13[%dma_wait3A_1571, %dma_wait3A_1572] : memref<128x64xf32, #tpu.memory_space<vmem>> -> memref<1x64xf32, #tpu.memory_space<vmem>>
    %dma_wait3A_1574 = arith.constant 0 : i32
    %dma_wait3A_1575 = arith.constant 0 : i32
    %dma_wait3A_1576 = tpu.memref_slice %arg4[%dma_wait3A_1574, %dma_wait3A_1575] : memref<100000x64xf32, #tpu.memory_space<hbm>> -> memref<1x64xf32, #tpu.memory_space<hbm>>
    tpu.wait_dma2 semaphore(%arg14 : memref<!tpu.dma_semaphore, #tpu.memory_space<semaphore_mem>>) src(%dma_wait3A_1576 : memref<1x64xf32, #tpu.memory_space<hbm>>) dst(%dma_wait3A_1573 : memref<1x64xf32, #tpu.memory_space<vmem>>)
    %dma_wait3A_1577 = arith.constant 0 : i32
    %dma_wait3A_1578 = arith.constant 0 : i32
    %dma_wait3A_1579 = tpu.memref_slice %arg13[%dma_wait3A_1577, %dma_wait3A_1578] : memref<128x64xf32, #tpu.memory_space<vmem>> -> memref<1x64xf32, #tpu.memory_space<vmem>>
    %dma_wait3A_1580 = arith.constant 0 : i32
    %dma_wait3A_1581 = arith.constant 0 : i32
    %dma_wait3A_1582 = tpu.memref_slice %arg4[%dma_wait3A_1580, %dma_wait3A_1581] : memref<100000x64xf32, #tpu.memory_space<hbm>> -> memref<1x64xf32, #tpu.memory_space<hbm>>
    tpu.wait_dma2 semaphore(%arg14 : memref<!tpu.dma_semaphore, #tpu.memory_space<semaphore_mem>>) src(%dma_wait3A_1582 : memref<1x64xf32, #tpu.memory_space<hbm>>) dst(%dma_wait3A_1579 : memref<1x64xf32, #tpu.memory_space<vmem>>)
    %dma_wait3A_1583 = arith.constant 0 : i32
    %dma_wait3A_1584 = arith.constant 0 : i32
    %dma_wait3A_1585 = tpu.memref_slice %arg13[%dma_wait3A_1583, %dma_wait3A_1584] : memref<128x64xf32, #tpu.memory_space<vmem>> -> memref<1x64xf32, #tpu.memory_space<vmem>>
    %dma_wait3A_1586 = arith.constant 0 : i32
    %dma_wait3A_1587 = arith.constant 0 : i32
    %dma_wait3A_1588 = tpu.memref_slice %arg4[%dma_wait3A_1586, %dma_wait3A_1587] : memref<100000x64xf32, #tpu.memory_space<hbm>> -> memref<1x64xf32, #tpu.memory_space<hbm>>
    tpu.wait_dma2 semaphore(%arg14 : memref<!tpu.dma_semaphore, #tpu.memory_space<semaphore_mem>>) src(%dma_wait3A_1588 : memref<1x64xf32, #tpu.memory_space<hbm>>) dst(%dma_wait3A_1585 : memref<1x64xf32, #tpu.memory_space<vmem>>)
    %dma_wait3A_1589 = arith.constant 0 : i32
    %dma_wait3A_1590 = arith.constant 0 : i32
    %dma_wait3A_1591 = tpu.memref_slice %arg13[%dma_wait3A_1589, %dma_wait3A_1590] : memref<128x64xf32, #tpu.memory_space<vmem>> -> memref<1x64xf32, #tpu.memory_space<vmem>>
    %dma_wait3A_1592 = arith.constant 0 : i32
    %dma_wait3A_1593 = arith.constant 0 : i32
    %dma_wait3A_1594 = tpu.memref_slice %arg4[%dma_wait3A_1592, %dma_wait3A_1593] : memref<100000x64xf32, #tpu.memory_space<hbm>> -> memref<1x64xf32, #tpu.memory_space<hbm>>
    tpu.wait_dma2 semaphore(%arg14 : memref<!tpu.dma_semaphore, #tpu.memory_space<semaphore_mem>>) src(%dma_wait3A_1594 : memref<1x64xf32, #tpu.memory_space<hbm>>) dst(%dma_wait3A_1591 : memref<1x64xf32, #tpu.memory_space<vmem>>)
    %dma_wait3A_1595 = arith.constant 0 : i32
    %dma_wait3A_1596 = arith.constant 0 : i32
    %dma_wait3A_1597 = tpu.memref_slice %arg13[%dma_wait3A_1595, %dma_wait3A_1596] : memref<128x64xf32, #tpu.memory_space<vmem>> -> memref<1x64xf32, #tpu.memory_space<vmem>>
    %dma_wait3A_1598 = arith.constant 0 : i32
    %dma_wait3A_1599 = arith.constant 0 : i32
    %dma_wait3A_1600 = tpu.memref_slice %arg4[%dma_wait3A_1598, %dma_wait3A_1599] : memref<100000x64xf32, #tpu.memory_space<hbm>> -> memref<1x64xf32, #tpu.memory_space<hbm>>
    tpu.wait_dma2 semaphore(%arg14 : memref<!tpu.dma_semaphore, #tpu.memory_space<semaphore_mem>>) src(%dma_wait3A_1600 : memref<1x64xf32, #tpu.memory_space<hbm>>) dst(%dma_wait3A_1597 : memref<1x64xf32, #tpu.memory_space<vmem>>)
    %dma_wait3A_1601 = arith.constant 0 : i32
    %dma_wait3A_1602 = arith.constant 0 : i32
    %dma_wait3A_1603 = tpu.memref_slice %arg13[%dma_wait3A_1601, %dma_wait3A_1602] : memref<128x64xf32, #tpu.memory_space<vmem>> -> memref<1x64xf32, #tpu.memory_space<vmem>>
    %dma_wait3A_1604 = arith.constant 0 : i32
    %dma_wait3A_1605 = arith.constant 0 : i32
    %dma_wait3A_1606 = tpu.memref_slice %arg4[%dma_wait3A_1604, %dma_wait3A_1605] : memref<100000x64xf32, #tpu.memory_space<hbm>> -> memref<1x64xf32, #tpu.memory_space<hbm>>
    tpu.wait_dma2 semaphore(%arg14 : memref<!tpu.dma_semaphore, #tpu.memory_space<semaphore_mem>>) src(%dma_wait3A_1606 : memref<1x64xf32, #tpu.memory_space<hbm>>) dst(%dma_wait3A_1603 : memref<1x64xf32, #tpu.memory_space<vmem>>)
    %dma_wait3A_1607 = arith.constant 0 : i32
    %dma_wait3A_1608 = arith.constant 0 : i32
    %dma_wait3A_1609 = tpu.memref_slice %arg13[%dma_wait3A_1607, %dma_wait3A_1608] : memref<128x64xf32, #tpu.memory_space<vmem>> -> memref<1x64xf32, #tpu.memory_space<vmem>>
    %dma_wait3A_1610 = arith.constant 0 : i32
    %dma_wait3A_1611 = arith.constant 0 : i32
    %dma_wait3A_1612 = tpu.memref_slice %arg4[%dma_wait3A_1610, %dma_wait3A_1611] : memref<100000x64xf32, #tpu.memory_space<hbm>> -> memref<1x64xf32, #tpu.memory_space<hbm>>
    tpu.wait_dma2 semaphore(%arg14 : memref<!tpu.dma_semaphore, #tpu.memory_space<semaphore_mem>>) src(%dma_wait3A_1612 : memref<1x64xf32, #tpu.memory_space<hbm>>) dst(%dma_wait3A_1609 : memref<1x64xf32, #tpu.memory_space<vmem>>)
    %dma_wait3A_1613 = arith.constant 0 : i32
    %dma_wait3A_1614 = arith.constant 0 : i32
    %dma_wait3A_1615 = tpu.memref_slice %arg13[%dma_wait3A_1613, %dma_wait3A_1614] : memref<128x64xf32, #tpu.memory_space<vmem>> -> memref<1x64xf32, #tpu.memory_space<vmem>>
    %dma_wait3A_1616 = arith.constant 0 : i32
    %dma_wait3A_1617 = arith.constant 0 : i32
    %dma_wait3A_1618 = tpu.memref_slice %arg4[%dma_wait3A_1616, %dma_wait3A_1617] : memref<100000x64xf32, #tpu.memory_space<hbm>> -> memref<1x64xf32, #tpu.memory_space<hbm>>
    tpu.wait_dma2 semaphore(%arg14 : memref<!tpu.dma_semaphore, #tpu.memory_space<semaphore_mem>>) src(%dma_wait3A_1618 : memref<1x64xf32, #tpu.memory_space<hbm>>) dst(%dma_wait3A_1615 : memref<1x64xf32, #tpu.memory_space<vmem>>)
    %dma_wait3A_1619 = arith.constant 0 : i32
    %dma_wait3A_1620 = arith.constant 0 : i32
    %dma_wait3A_1621 = tpu.memref_slice %arg13[%dma_wait3A_1619, %dma_wait3A_1620] : memref<128x64xf32, #tpu.memory_space<vmem>> -> memref<1x64xf32, #tpu.memory_space<vmem>>
    %dma_wait3A_1622 = arith.constant 0 : i32
    %dma_wait3A_1623 = arith.constant 0 : i32
    %dma_wait3A_1624 = tpu.memref_slice %arg4[%dma_wait3A_1622, %dma_wait3A_1623] : memref<100000x64xf32, #tpu.memory_space<hbm>> -> memref<1x64xf32, #tpu.memory_space<hbm>>
    tpu.wait_dma2 semaphore(%arg14 : memref<!tpu.dma_semaphore, #tpu.memory_space<semaphore_mem>>) src(%dma_wait3A_1624 : memref<1x64xf32, #tpu.memory_space<hbm>>) dst(%dma_wait3A_1621 : memref<1x64xf32, #tpu.memory_space<vmem>>)
    %dma_wait3A_1625 = arith.constant 0 : i32
    %dma_wait3A_1626 = arith.constant 0 : i32
    %dma_wait3A_1627 = tpu.memref_slice %arg13[%dma_wait3A_1625, %dma_wait3A_1626] : memref<128x64xf32, #tpu.memory_space<vmem>> -> memref<1x64xf32, #tpu.memory_space<vmem>>
    %dma_wait3A_1628 = arith.constant 0 : i32
    %dma_wait3A_1629 = arith.constant 0 : i32
    %dma_wait3A_1630 = tpu.memref_slice %arg4[%dma_wait3A_1628, %dma_wait3A_1629] : memref<100000x64xf32, #tpu.memory_space<hbm>> -> memref<1x64xf32, #tpu.memory_space<hbm>>
    tpu.wait_dma2 semaphore(%arg14 : memref<!tpu.dma_semaphore, #tpu.memory_space<semaphore_mem>>) src(%dma_wait3A_1630 : memref<1x64xf32, #tpu.memory_space<hbm>>) dst(%dma_wait3A_1627 : memref<1x64xf32, #tpu.memory_space<vmem>>)
    %dma_wait3A_1631 = arith.constant 0 : i32
    %dma_wait3A_1632 = arith.constant 0 : i32
    %dma_wait3A_1633 = tpu.memref_slice %arg13[%dma_wait3A_1631, %dma_wait3A_1632] : memref<128x64xf32, #tpu.memory_space<vmem>> -> memref<1x64xf32, #tpu.memory_space<vmem>>
    %dma_wait3A_1634 = arith.constant 0 : i32
    %dma_wait3A_1635 = arith.constant 0 : i32
    %dma_wait3A_1636 = tpu.memref_slice %arg4[%dma_wait3A_1634, %dma_wait3A_1635] : memref<100000x64xf32, #tpu.memory_space<hbm>> -> memref<1x64xf32, #tpu.memory_space<hbm>>
    tpu.wait_dma2 semaphore(%arg14 : memref<!tpu.dma_semaphore, #tpu.memory_space<semaphore_mem>>) src(%dma_wait3A_1636 : memref<1x64xf32, #tpu.memory_space<hbm>>) dst(%dma_wait3A_1633 : memref<1x64xf32, #tpu.memory_space<vmem>>)
    %dma_wait3A_1637 = arith.constant 0 : i32
    %dma_wait3A_1638 = arith.constant 0 : i32
    %dma_wait3A_1639 = tpu.memref_slice %arg13[%dma_wait3A_1637, %dma_wait3A_1638] : memref<128x64xf32, #tpu.memory_space<vmem>> -> memref<1x64xf32, #tpu.memory_space<vmem>>
    %dma_wait3A_1640 = arith.constant 0 : i32
    %dma_wait3A_1641 = arith.constant 0 : i32
    %dma_wait3A_1642 = tpu.memref_slice %arg4[%dma_wait3A_1640, %dma_wait3A_1641] : memref<100000x64xf32, #tpu.memory_space<hbm>> -> memref<1x64xf32, #tpu.memory_space<hbm>>
    tpu.wait_dma2 semaphore(%arg14 : memref<!tpu.dma_semaphore, #tpu.memory_space<semaphore_mem>>) src(%dma_wait3A_1642 : memref<1x64xf32, #tpu.memory_space<hbm>>) dst(%dma_wait3A_1639 : memref<1x64xf32, #tpu.memory_space<vmem>>)
    %dma_wait3A_1643 = arith.constant 0 : i32
    %dma_wait3A_1644 = arith.constant 0 : i32
    %dma_wait3A_1645 = tpu.memref_slice %arg13[%dma_wait3A_1643, %dma_wait3A_1644] : memref<128x64xf32, #tpu.memory_space<vmem>> -> memref<1x64xf32, #tpu.memory_space<vmem>>
    %dma_wait3A_1646 = arith.constant 0 : i32
    %dma_wait3A_1647 = arith.constant 0 : i32
    %dma_wait3A_1648 = tpu.memref_slice %arg4[%dma_wait3A_1646, %dma_wait3A_1647] : memref<100000x64xf32, #tpu.memory_space<hbm>> -> memref<1x64xf32, #tpu.memory_space<hbm>>
    tpu.wait_dma2 semaphore(%arg14 : memref<!tpu.dma_semaphore, #tpu.memory_space<semaphore_mem>>) src(%dma_wait3A_1648 : memref<1x64xf32, #tpu.memory_space<hbm>>) dst(%dma_wait3A_1645 : memref<1x64xf32, #tpu.memory_space<vmem>>)
    %dma_wait3A_1649 = arith.constant 0 : i32
    %dma_wait3A_1650 = arith.constant 0 : i32
    %dma_wait3A_1651 = tpu.memref_slice %arg13[%dma_wait3A_1649, %dma_wait3A_1650] : memref<128x64xf32, #tpu.memory_space<vmem>> -> memref<1x64xf32, #tpu.memory_space<vmem>>
    %dma_wait3A_1652 = arith.constant 0 : i32
    %dma_wait3A_1653 = arith.constant 0 : i32
    %dma_wait3A_1654 = tpu.memref_slice %arg4[%dma_wait3A_1652, %dma_wait3A_1653] : memref<100000x64xf32, #tpu.memory_space<hbm>> -> memref<1x64xf32, #tpu.memory_space<hbm>>
    tpu.wait_dma2 semaphore(%arg14 : memref<!tpu.dma_semaphore, #tpu.memory_space<semaphore_mem>>) src(%dma_wait3A_1654 : memref<1x64xf32, #tpu.memory_space<hbm>>) dst(%dma_wait3A_1651 : memref<1x64xf32, #tpu.memory_space<vmem>>)
    %dma_wait3A_1655 = arith.constant 0 : i32
    %dma_wait3A_1656 = arith.constant 0 : i32
    %dma_wait3A_1657 = tpu.memref_slice %arg13[%dma_wait3A_1655, %dma_wait3A_1656] : memref<128x64xf32, #tpu.memory_space<vmem>> -> memref<1x64xf32, #tpu.memory_space<vmem>>
    %dma_wait3A_1658 = arith.constant 0 : i32
    %dma_wait3A_1659 = arith.constant 0 : i32
    %dma_wait3A_1660 = tpu.memref_slice %arg4[%dma_wait3A_1658, %dma_wait3A_1659] : memref<100000x64xf32, #tpu.memory_space<hbm>> -> memref<1x64xf32, #tpu.memory_space<hbm>>
    tpu.wait_dma2 semaphore(%arg14 : memref<!tpu.dma_semaphore, #tpu.memory_space<semaphore_mem>>) src(%dma_wait3A_1660 : memref<1x64xf32, #tpu.memory_space<hbm>>) dst(%dma_wait3A_1657 : memref<1x64xf32, #tpu.memory_space<vmem>>)
    %get3A_1661 = arith.constant 0 : index
    %get3A_1662 = arith.constant 0 : index
    %get3A_1663 = vector.load %arg8[%get3A_1661, %get3A_1662] : memref<256x92xf32, #tpu.memory_space<vmem>>, vector<256x92xf32>
    %get3A_1664 = arith.constant 0 : index
    %get3A_1665 = arith.constant 0 : index
    %get3A_1666 = vector.load %arg1[%get3A_1664, %get3A_1665] : memref<128x1xi32, #tpu.memory_space<vmem>>, vector<128x1xi32>
    %iota3A = tpu.iota {dimensions = array<i32: 1>} : vector<128x14xi32>
    %eq3A = vector.broadcast %get3A_1666 : vector<128x1xi32> to vector<128x14xi32>
    %eq3A_1667 = arith.cmpi eq, %eq3A, %iota3A : vector<128x14xi32>
    %convert_element_type3A = arith.extui %eq3A_1667 : vector<128x14xi1> to vector<128x14xi32>
    %convert_element_type3A_1668 = arith.sitofp %convert_element_type3A : vector<128x14xi32> to vector<128x14xf32>
    %get3A_1669 = arith.constant 0 : index
    %get3A_1670 = arith.constant 0 : index
    %get3A_1671 = vector.load %arg5[%get3A_1669, %get3A_1670] : memref<14x16xf32, #tpu.memory_space<vmem>>, vector<14x16xf32>
    %dot_general3A = arith.constant dense<0.000000e+00> : vector<128x16xf32>
    %dot_general3A_1672 = tpu.matmul %convert_element_type3A_1668, %get3A_1671, %dot_general3A {dimension_numbers = #tpu.dot_dimension_numbers<[1], [0], [0], [1], [0, 0, 1, 1], [], []>, precision = #tpu.contract_precision<fp32>, transpose_lhs_hint = false} : vector<128x14xf32>, vector<14x16xf32>, vector<128x16xf32> -> vector<128x16xf32>
    %get3A_1673 = arith.constant 0 : index
    %get3A_1674 = arith.constant 0 : index
    %get3A_1675 = vector.load %arg2[%get3A_1673, %get3A_1674] : memref<128x1xi32, #tpu.memory_space<vmem>>, vector<128x1xi32>
    %iota3A_1676 = tpu.iota {dimensions = array<i32: 1>} : vector<128x7xi32>
    %eq3A_1677 = vector.broadcast %get3A_1675 : vector<128x1xi32> to vector<128x7xi32>
    %eq3A_1678 = arith.cmpi eq, %eq3A_1677, %iota3A_1676 : vector<128x7xi32>
    %convert_element_type3A_1679 = arith.extui %eq3A_1678 : vector<128x7xi1> to vector<128x7xi32>
    %convert_element_type3A_1680 = arith.sitofp %convert_element_type3A_1679 : vector<128x7xi32> to vector<128x7xf32>
    %get3A_1681 = arith.constant 0 : index
    %get3A_1682 = arith.constant 0 : index
    %get3A_1683 = vector.load %arg6[%get3A_1681, %get3A_1682] : memref<7x8xf32, #tpu.memory_space<vmem>>, vector<7x8xf32>
    %dot_general3A_1684 = arith.constant dense<0.000000e+00> : vector<128x8xf32>
    %dot_general3A_1685 = tpu.matmul %convert_element_type3A_1680, %get3A_1683, %dot_general3A_1684 {dimension_numbers = #tpu.dot_dimension_numbers<[1], [0], [0], [1], [0, 0, 1, 1], [], []>, precision = #tpu.contract_precision<fp32>, transpose_lhs_hint = false} : vector<128x7xf32>, vector<7x8xf32>, vector<128x8xf32> -> vector<128x8xf32>
    %get3A_1686 = arith.constant 0 : index
    %get3A_1687 = arith.constant 0 : index
    %get3A_1688 = vector.load %arg3[%get3A_1686, %get3A_1687] : memref<128x1xi32, #tpu.memory_space<vmem>>, vector<128x1xi32>
    %iota3A_1689 = tpu.iota {dimensions = array<i32: 1>} : vector<128x2xi32>
    %eq3A_1690 = vector.broadcast %get3A_1688 : vector<128x1xi32> to vector<128x2xi32>
    %eq3A_1691 = arith.cmpi eq, %eq3A_1690, %iota3A_1689 : vector<128x2xi32>
    %convert_element_type3A_1692 = arith.extui %eq3A_1691 : vector<128x2xi1> to vector<128x2xi32>
    %convert_element_type3A_1693 = arith.sitofp %convert_element_type3A_1692 : vector<128x2xi32> to vector<128x2xf32>
    %get3A_1694 = arith.constant 0 : index
    %get3A_1695 = arith.constant 0 : index
    %get3A_1696 = vector.load %arg7[%get3A_1694, %get3A_1695] : memref<2x4xf32, #tpu.memory_space<vmem>>, vector<2x4xf32>
    %dot_general3A_1697 = arith.constant dense<0.000000e+00> : vector<128x4xf32>
    %dot_general3A_1698 = tpu.matmul %convert_element_type3A_1693, %get3A_1696, %dot_general3A_1697 {dimension_numbers = #tpu.dot_dimension_numbers<[1], [0], [0], [1], [0, 0, 1, 1], [], []>, precision = #tpu.contract_precision<fp32>, transpose_lhs_hint = false} : vector<128x2xf32>, vector<2x4xf32>, vector<128x4xf32> -> vector<128x4xf32>
    %get3A_1699 = arith.constant 0 : index
    %get3A_1700 = arith.constant 0 : index
    %get3A_1701 = vector.load %arg13[%get3A_1699, %get3A_1700] : memref<128x64xf32, #tpu.memory_space<vmem>>, vector<128x64xf32>
    %slice3A = vector.extract_strided_slice %get3A_1663 {offsets = [0, 0], sizes = [256, 64], strides = [1, 1]} : vector<256x92xf32> to vector<256x64xf32>
    %dot_general3A_1702 = arith.constant dense<0.000000e+00> : vector<128x256xf32>
    %dot_general3A_1703 = tpu.matmul %get3A_1701, %slice3A, %dot_general3A_1702 {dimension_numbers = #tpu.dot_dimension_numbers<[1], [1], [0], [0], [0, 0, 1, 0], [], []>, precision = #tpu.contract_precision<fp32>, transpose_lhs_hint = false} : vector<128x64xf32>, vector<256x64xf32>, vector<128x256xf32> -> vector<128x256xf32>
    %slice3A_1704 = vector.extract_strided_slice %get3A_1663 {offsets = [0, 64], sizes = [256, 16], strides = [1, 1]} : vector<256x92xf32> to vector<256x16xf32>
    %dot_general3A_1705 = arith.constant dense<0.000000e+00> : vector<128x256xf32>
    %dot_general3A_1706 = tpu.matmul %dot_general3A_1672, %slice3A_1704, %dot_general3A_1705 {dimension_numbers = #tpu.dot_dimension_numbers<[1], [1], [0], [0], [0, 0, 1, 0], [], []>, precision = #tpu.contract_precision<fp32>, transpose_lhs_hint = false} : vector<128x16xf32>, vector<256x16xf32>, vector<128x256xf32> -> vector<128x256xf32>
    %add3A = arith.addf %dot_general3A_1703, %dot_general3A_1706 : vector<128x256xf32>
    %slice3A_1707 = vector.extract_strided_slice %get3A_1663 {offsets = [0, 80], sizes = [256, 8], strides = [1, 1]} : vector<256x92xf32> to vector<256x8xf32>
    %dot_general3A_1708 = arith.constant dense<0.000000e+00> : vector<128x256xf32>
    %dot_general3A_1709 = tpu.matmul %dot_general3A_1685, %slice3A_1707, %dot_general3A_1708 {dimension_numbers = #tpu.dot_dimension_numbers<[1], [1], [0], [0], [0, 0, 1, 0], [], []>, precision = #tpu.contract_precision<fp32>, transpose_lhs_hint = false} : vector<128x8xf32>, vector<256x8xf32>, vector<128x256xf32> -> vector<128x256xf32>
    %add3A_1710 = arith.addf %add3A, %dot_general3A_1709 : vector<128x256xf32>
    %slice3A_1711 = vector.extract_strided_slice %get3A_1663 {offsets = [0, 88], sizes = [256, 4], strides = [1, 1]} : vector<256x92xf32> to vector<256x4xf32>
    %dot_general3A_1712 = arith.constant dense<0.000000e+00> : vector<128x256xf32>
    %dot_general3A_1713 = tpu.matmul %dot_general3A_1698, %slice3A_1711, %dot_general3A_1712 {dimension_numbers = #tpu.dot_dimension_numbers<[1], [1], [0], [0], [0, 0, 1, 0], [], []>, precision = #tpu.contract_precision<fp32>, transpose_lhs_hint = false} : vector<128x4xf32>, vector<256x4xf32>, vector<128x256xf32> -> vector<128x256xf32>
    %add3A_1714 = arith.addf %add3A_1710, %dot_general3A_1713 : vector<128x256xf32>
    %get3A_1715 = arith.constant 0 : index
    %get3A_1716 = arith.constant 0 : index
    %get3A_1717 = vector.load %arg9[%get3A_1715, %get3A_1716] : memref<1x256xf32, #tpu.memory_space<vmem>>, vector<1x256xf32>
    %add3A_1718 = vector.broadcast %get3A_1717 : vector<1x256xf32> to vector<128x256xf32>
    %add3A_1719 = arith.addf %add3A_1714, %add3A_1718 : vector<128x256xf32>
    %max3A = arith.constant 0.000000e+00 : f32
    %max3A_1720 = vector.broadcast %max3A : f32 to vector<128x256xf32>
    %max3A_1721 = arith.maximumf %add3A_1719, %max3A_1720 : vector<128x256xf32>
    %get3A_1722 = arith.constant 0 : index
    %get3A_1723 = arith.constant 0 : index
    %get3A_1724 = vector.load %arg10[%get3A_1722, %get3A_1723] : memref<64x256xf32, #tpu.memory_space<vmem>>, vector<64x256xf32>
    %dot_general3A_1725 = arith.constant dense<0.000000e+00> : vector<128x64xf32>
    %dot_general3A_1726 = tpu.matmul %max3A_1721, %get3A_1724, %dot_general3A_1725 {dimension_numbers = #tpu.dot_dimension_numbers<[1], [1], [0], [0], [0, 0, 1, 0], [], []>, precision = #tpu.contract_precision<fp32>, transpose_lhs_hint = false} : vector<128x256xf32>, vector<64x256xf32>, vector<128x64xf32> -> vector<128x64xf32>
    %get3A_1727 = arith.constant 0 : index
    %get3A_1728 = arith.constant 0 : index
    %get3A_1729 = vector.load %arg11[%get3A_1727, %get3A_1728] : memref<1x64xf32, #tpu.memory_space<vmem>>, vector<1x64xf32>
    %add3A_1730 = vector.broadcast %get3A_1729 : vector<1x64xf32> to vector<128x64xf32>
    %add3A_1731 = arith.addf %dot_general3A_1726, %add3A_1730 : vector<128x64xf32>
    %broadcast_in_dim3A = vector.shape_cast %add3A_1731 : vector<128x64xf32> to vector<128x1x64xf32>
    %broadcast_in_dim3A_1732 = vector.shape_cast %broadcast_in_dim3A : vector<128x1x64xf32> to vector<128x1x64xf32>
    %broadcast_in_dim3A_1733 = vector.broadcast %broadcast_in_dim3A_1732 : vector<128x1x64xf32> to vector<128x128x64xf32>
    %broadcast_in_dim3A_1734 = vector.shape_cast %add3A_1731 : vector<128x64xf32> to vector<1x128x64xf32>
    %broadcast_in_dim3A_1735 = vector.shape_cast %broadcast_in_dim3A_1734 : vector<1x128x64xf32> to vector<1x128x64xf32>
    %broadcast_in_dim3A_1736 = vector.broadcast %broadcast_in_dim3A_1735 : vector<1x128x64xf32> to vector<128x128x64xf32>
    %concatenate3A = tpu.concatenate %broadcast_in_dim3A_1733, %broadcast_in_dim3A_1736 in 2 : vector<128x128x64xf32>, vector<128x128x64xf32> -> vector<128x128x128xf32>
    %swap3A = arith.constant 0 : index
    %swap3A_1737 = arith.constant 0 : index
    %swap3A_1738 = arith.constant 0 : index
    %swap3A_1739 = vector.load %arg12[%swap3A, %swap3A_1737, %swap3A_1738] : memref<128x128x128xf32, #tpu.memory_space<vmem>>, vector<128x128x128xf32>
    tpu.vector_store %arg12[%swap3A, %swap3A_1737, %swap3A_1738], %concatenate3A {strides = array<i32>} : memref<128x128x128xf32, #tpu.memory_space<vmem>>, vector<128x128x128xf32>,
    return
  }
}

</mosaic_0001>

<sc_bundles>
// kernel: kernel.4.cloned.1.call-start
scs
__scs_entry_jumppad:
0x0: {  	(pc) =	sbr.rel $0x88, $3  }
0x1: {  	(tag) =	ssettag $0x0;
	lr =	simm.s32 $0x1  }
0x2: {  	[smem:$0x3F94] =	sst lr;
	_ =	strace $0xD0000000  }
0x3: {  	_ = 	snop  }
0x4: {  	_ = 	snop  }
0x5: {  	_ = 	snop  }
0x6: {  	_ = 	snop  }
0x7: {  	_ = 	snop  }
__scs_overlays_trampoline_lowered:
0x8: {  	[smem:$0x3FA3] =	sst s0  }
0x9: {  	[smem:$0x3FA4] =	sst s1  }
0xa: {  	[smem:$0x3FA5] =	sst s2  }
0xb: {  	[smem:$0x3FA6] =	sst s3  }
0xc: {  	[smem:$0x3FA7] =	sst s4  }
0xd: {  	[smem:$0x3FA8] =	sst s5  }
0xe: {  	[smem:$0x3FA9] =	sst s6  }
0xf: {  	[smem:$0x3FAA] =	sst s7  }
0x10: {  	[smem:$0x3FAB] =	sst s8  }
0x11: {  	[smem:$0x3FAC] =	sst s9;
	s0 =	simm.s32 @!p0 $0x0  }
0x12: {  	s1 =	sld [smem:$0x3F92];
	s0 =	simm.s32 @p0 $0x1  }
0x13: {  	[smem:$0x3FAD] =	sst s0;
	s0 =	simm.s32 @!p1 $0x0  }
0x14: {  	s2 =	sld [smem:$0x3F91];
	s0 =	simm.s32 @p1 $0x1  }
0x15: {  	[smem:$0x3FAE] =	sst s0;
	s0 =	simm.s32 @!p2 $0x0  }
0x16: {  	s3 =	sld [smem:$0x3FDB];
	s0 =	simm.s32 @p2 $0x1  }
0x17: {  	s4 =	simm.s32 $0x1BF5;
	[smem:$0x3FB0] =	sst s0  }
0x18: {  	s0 =	sld [smem:$0x3F93];
	_ =	swait.ge [sflag:s4], $0x0  }
0x19: {  	s7 =	sld [smem:$0x3F94]  }
0x1a: {  	s8 =	sadd.s32 $0xFFFFE003, lr  }
0x1b: {  	s9 =	sadd.s32 $0xFFFFFEF7, lr;
	s5 =	simm.s32 $0xFFFFFFFF;
	p2 =	slt.u32 s8, $0xFFFFF086  }
0x1c: {  	p1 =	slt.u32 s9, $0xF7A;
	s5 =	simm.s32 @!p2 $0x0  }
0x1d: {  	s5 =	simm.s32 @p1 $0x1;
	p0 =	seq.s32 s7, s2  }
0x1e: {  	s7 =	smul.u32 @!p0 $0xF7A, s2;
	p2 =	seq.s32 @!p0 s5, $0x0  }
0x1f: {  	s9 =	smul.u32 $0xF7A, s1;
	s8 =	simm.s32 @!p0 $0x1BF5;
	p2 =	por !p2, p0  }
0x20: {  	[sflag:s8] =	ssyncset.s32 @!p0 $0xFFFFF086;
	s6 =	sadd.s32 @!p0 s3, s7;
	s7 =	simm.s32 @!p0 $0x108  }
0x21: {  	s3 =	sadd.s32 s3, s9;
	s6 =	sadd.s32 @!p0 $0x88, s6;
	s7 =	simm.s32 @p2 $0x1082  }
0x22: {  	[simem:s7], [sflag:s8] =	dma.local @!p0 [hbm:s6], $0xF7A  }
0x23: {  	s9 =	sor.u32 $0xD0000000, s2;
	s6 =	simm.s32 $0x108;
	_ =	swait.ge @!p0 [sflag:s8], $0x0  }
0x24: {  	s3 =	sadd.s32 $0x88, s3;
	s6 =	simm.s32 @!p1 $0x1082;
	[sflag:s4] =	ssyncset.s32 $0xFFFFF086  }
0x25: {  	[simem:s6], [sflag:s4] =	dma.local [hbm:s3], $0xF7A  }
0x26: {  	[smem:$0x3F94] =	sst s1;
	(tag) =	ssettag s2;
	_ =	strace s9  }
0x27: {  	s1 =	sld [smem:$0x3FA4]  }
0x28: {  	s2 =	sld [smem:$0x3FA5]  }
0x29: {  	s4 =	sld [smem:$0x3FA7]  }
0x2a: {  	p0 =	seq.s32 s5, $0x0;
	s5 =	sld [smem:$0x3FA8]  }
0x2b: {  	s6 =	sld [smem:$0x3FA9]  }
0x2c: {  	s7 =	sld [smem:$0x3FAA]  }
0x2d: {  	s3 =	simm.s32 $0x108;
	s8 =	sld [smem:$0x3FAB]  }
0x2e: {  	s3 =	simm.s32 @!p0 $0x1082;
	s9 =	sld [smem:$0x3FAC]  }
0x2f: {  	lr =	sadd.s32 s0, s3;
	s0 =	sld [smem:$0x3FA3]  }
0x30: {  	s3 =	sld [smem:$0x3FA6]  }
0x31: {  	[smem:$0x3FAF] =	sst s10  }
0x32: {  	s10 =	sld [smem:$0x3FAD];
	_ =	sdelay $0x3  }
0x33: {  	p0 =	seq.s32 s10, $0x1;
	s10 =	sld [smem:$0x3FAF];
	_ =	sdelay $0x3  }
0x34: {  	[smem:$0x3FAF] =	sst s10  }
0x35: {  	s10 =	sld [smem:$0x3FAE];
	_ =	sdelay $0x3  }
0x36: {  	p1 =	seq.s32 s10, $0x1;
	s10 =	sld [smem:$0x3FAF];
	_ =	sdelay $0x3  }
0x37: {  	[smem:$0x3FAF] =	sst s10  }
0x38: {  	s10 =	sld [smem:$0x3FB0]  }
0x39: {  	_ = 	snop;
	(pc) =	sbr.ind lr, $3  }
0x3a: {  	_ = 	snop  }
0x3b: {  	_ = 	snop  }
0x3c: {  	p2 =	seq.s32 s10, $0x1;
	s10 =	sld [smem:$0x3FAF]  }
0x3d: {  	_ =	shalt  }
0x3e: {  	_ =	shalt  }
0x3f: {  	_ =	shalt  }
0x40: {  	_ =	shalt  }
0x41: {  	_ =	shalt  }
0x42: {  	_ =	shalt  }
0x43: {  	_ =	shalt  }
0x44: {  	_ =	shalt  }
0x45: {  	_ =	shalt  }
0x46: {  	_ =	shalt  }
0x47: {  	_ =	shalt  }
0x48: {  	_ =	shalt  }
0x49: {  	_ =	shalt  }
0x4a: {  	_ =	shalt  }
0x4b: {  	_ =	shalt  }
0x4c: {  	_ =	shalt  }
0x4d: {  	_ =	shalt  }
0x4e: {  	_ =	shalt  }
0x4f: {  	_ =	shalt  }
0x50: {  	_ =	shalt  }
0x51: {  	_ =	shalt  }
0x52: {  	_ =	shalt  }
0x53: {  	_ =	shalt  }
0x54: {  	_ =	shalt  }
0x55: {  	_ =	shalt  }
0x56: {  	_ =	shalt  }
0x57: {  	_ =	shalt  }
0x58: {  	_ =	shalt  }
0x59: {  	_ =	shalt  }
0x5a: {  	_ =	shalt  }
0x5b: {  	_ =	shalt  }
0x5c: {  	_ =	shalt  }
0x5d: {  	_ =	shalt  }
0x5e: {  	_ =	shalt  }
0x5f: {  	_ =	shalt  }
0x60: {  	_ =	shalt  }
0x61: {  	_ =	shalt  }
0x62: {  	_ =	shalt  }
0x63: {  	_ =	shalt  }
0x64: {  	_ =	shalt  }
0x65: {  	_ =	shalt  }
0x66: {  	_ =	shalt  }
0x67: {  	_ =	shalt  }
0x68: {  	_ =	shalt  }
0x69: {  	_ =	shalt  }
0x6a: {  	_ =	shalt  }
0x6b: {  	_ =	shalt  }
0x6c: {  	_ =	shalt  }
0x6d: {  	_ =	shalt  }
0x6e: {  	_ =	shalt  }
0x6f: {  	_ =	shalt  }
0x70: {  	_ =	shalt  }
0x71: {  	_ =	shalt  }
0x72: {  	_ =	shalt  }
0x73: {  	_ =	shalt  }
0x74: {  	_ =	shalt  }
0x75: {  	_ =	shalt  }
0x76: {  	_ =	shalt  }
0x77: {  	_ =	shalt  }
0x78: {  	_ =	shalt  }
0x79: {  	_ =	shalt  }
0x7a: {  	_ =	shalt  }
0x7b: {  	_ =	shalt  }
0x7c: {  	_ =	shalt  }
0x7d: {  	_ =	shalt  }
0x7e: {  	_ =	shalt  }
0x7f: {  	_ =	shalt  }
0x80: {  	_ =	shalt  }
0x81: {  	_ =	shalt  }
0x82: {  	_ =	shalt  }
0x83: {  	_ =	shalt  }
0x84: {  	_ =	shalt  }
0x85: {  	_ =	shalt  }
0x86: {  	_ =	shalt  }
0x87: {  	_ =	shalt  }
.Lfunc_end0:
.L_simem_size_0:
called_computation.1_lowered:
.L_overlay_start_0:
0x88: {  	s2 =	sld [smem:$0x3FD9]  }
0x89: {  	s3 =	sld [smem:$0x3FFE];
	_ =	sdelay $0x1  }
0x8a: {  	s1 =	srdreg.scid  }
0x8b: {  	s0 =	sand.u32 $0x1, s1  }
0x8c: {  	s17 =	sshll.u32 s0, $0xA;
	s2 =	sadd.s32 s3, s2  }
0x8d: {  	s2 =	sadd.s32 s2, s17  }
0x8e: {  	[smem:$0x3FBB] =	sst s2  }
0x8f: {  	_ = 	snop  }
0x90: {  	s2 =	sld [smem:$0x3FD0];
	(tm) =	ssettm $0x1  }
0x91: {  	s18 =	sld [smem:$0x3FFB];
	_ =	sdelay $0x3  }
0x92: {  	_ =	strace s18  }
0x93: {  	s3 =	sld [smem:$0x3FFC];
	_ =	sdelay $0x3  }
0x94: {  	_ =	strace s3  }
0x95: {  	s3 =	sld [smem:$0x3FFD];
	_ =	sdelay $0x3  }
0x96: {  	_ =	strace s3  }
0x97: {  	_ =	strace $0x8FFFFFFF  }
0x98: {  	s19 =	sld [smem:$0x3FDB];
	_ =	sdelay $0x1  }
0x99: {  	s4 =	simm.s32 $_scs_section_size  }
0x9a: {  	s5 =	simm.s32 $_size__tile_overlayer_lowered;
	s6 =	simm.s32 $_tile_overlayer_lowered  }
0x9b: {  	s22 =	simm.s32 $0x1BFF;
	s21 =	sshll.u32 s6, $0x1;
	s3 =	sadd.s32 s4, s19  }
0x9c: {  	s7 =	simm.s32 $0x0;
	s20 =	sshll.u32 s5, $0x1;
	s5 =	sadd.s32 s21, s3  }
0x9d: {  	[timem:s7], [sflag:s22] =	dma.local [hbm:s5], s20  }
0x9e: {  	_ =	swait.ge [sflag:s22], s20  }
0x9f: {  	s4 =	ssub.s32 $0x0, s20;
	[sflag:s22] =	ssyncset.done $0x0  }
0xa0: {  	[sflag:s22] =	ssyncadd.s32 s4;
	_ =	sdelay $0x1  }
0xa1: {  	s23 =	simm.s32 $0x1B8B  }
0xa2: {  	_ =	swait.ge [sflag:s23], $0x1  }
0xa3: {  	[sflag:s23] =	ssyncset.done $0x0  }
0xa4: {  	s25 =	simm.s32 $0x1B8E;
	s24 =	sld [smem:$0x3FFE];
	[sflag:s23] =	ssyncadd.s32 $0xFFFFFFFF  }
0xa5: {  	s26 =	simm.s32 $execute0_lowered;
	[smem:$0x3FD2] =	sst s25  }
0xa6: {  	s5 =	sshll.u32 s26, $0x1;
	_ =	strace $0x80000046;
	[dreg:$0x1] =	wrdreg $0xFFFFFFFF  }
0xa7: {  	s28 =	simm.s32 $_size_execute0_lowered;
	s3 =	sadd.s32 s3, s5;
	[dreg:$0x0] =	wrdreg $0x0  }
0xa8: {  	s5 =	sshll.u32 s28, $0x1;
	[dreg:$0x2] =	wrdreg s3  }
0xa9: {  	[dreg:$0x3] =	wrdreg s5  }
0xaa: {  	[dreg:$0x4] =	wrdreg $0xC0  }
0xab: {  	_ =	task [dreg:s7], $0x5FFFF  }
0xac: {  	[dreg:$0x1] =	wrdreg $0xFFFFFFFF  }
0xad: {  	[dreg:$0x0] =	wrdreg $0x60  }
0xae: {  	[dreg:$0x2] =	wrdreg s24  }
0xaf: {  	[dreg:$0x3] =	wrdreg s2  }
0xb0: {  	[dreg:$0x4] =	wrdreg $0x9  }
0xb1: {  	_ =	task.clear_ibuf [dreg:s7], $0x5FFFF;
	_ =	strace $0x90000046  }
0xb2: {  	s29 =	simm.s32 $0x9;
	_ =	strace $0x80000048  }
0xb3: {  	_ =	swait.ge [sflag:s29], $0x1  }
0xb4: {  	[sflag:s29] =	ssyncadd.s32 $0xFFFFFFFF  }
0xb5: {  	_ =	strace $0x90000048  }
0xb6: {  	_ =	sfence  }
0xb7: {  	s30 =	sld [smem:$0x0];
	_ =	sdelay $0x2  }
0xb8: {  	s31 =	sshll.u32 s1, $0xD;
	s1 =	sshrl.u32 s1, $0x2  }
0xb9: {  	s3 =	sand.u32 $0x4000, s31;
	s1 =	sadd.s32 s1, s30  }
0xba: {  	s0 =	sor.u32 s3, s0;
	s1 =	sshll.u32 s1, $0x11  }
0xbb: {  	s0 =	sor.u32 s1, s0  }
0xbc: {  	s0 =	sadd.s32 $0x8F2B, s0  }
0xbd: {  	[sflag:s0] =	ssyncadd.remote.s32 $0x1  }
0xbe: {  	_ =	sfence.sel $0xFFFF  }
0xbf: {  	[dreg:$0x0] =	wrdreg $0xFFFFFFFF;
	(pc) =	sbr.abs _section_cstart, $3  }
0xc0: {  	[dreg:$0x1] =	wrdreg $0xFFFFFFFF  }
0xc1: {  	_ =	task.clear_ibuf [dreg:s7], $0x2FFFF;
	_ =	strace $0x9FFFFFFF  }
0xc2: {  	(tm) =	ssettm $0x7FFFFFFF  }
0xc3: {  	_ =	shalt  }
tec
execute0_lowered:
.L_overlay_start_1:
0x0: {  	(tag) =	ssettag $0x1  }
0x1: {  	s0 =	srdreg.scid;
	s1 =	rddreg [dreg:$0x0]  }
0x2: {  	s2 =	stileid.u32;
	s5 =	rddreg [dreg:$0x1]  }
0x3: {  	s13 =	simm.s32 $0x5;
	s14 =	simm.s32 $0x80;
	s16 =	simm.s32 $0x2580  }
0x4: {  	s18 =	simm.s32 $0x6580;
	s20 =	simm.s32 $0xA580;
	s22 =	simm.s32 $0xE580  }
0x5: {  	s24 =	simm.s32 $0x12580;
	s26 =	simm.s32 $0x16580;
	s29 =	simm.s32 $0x1A580  }
0x6: {  	s30 =	simm.s32 $0x1;
	s0 =	sand.u32 $0x1, s0;
	s2 =	sshll.u32 s2, $0x1  }
0x7: {  	s31 =	simm.s32 $0x3;
	s19 =	simm.s32 $0x2;
	s3 =	sor.u32 s0, s2  }
0x8: {  	s21 =	simm.s32 $0x4;
	s23 =	simm.s32 $0x0;
	s4 =	smul.u32 $0x320, s3  }
0x9: {  	s2 =	simm.s32 $0x0;
	s0 =	ssub.s32 $0x2, s0;
	s6 =	smul.u32 $0x64000, s3  }
0xa: {  	[smem:$0x7FF] =	sst s2;
	s7 =	sshrl.u32 s0, $0x1;
	s8 =	smul.u32 $0xC800, s3  }
0xb: {  	s3 =	sadd.s32 $0x7C00, s1;
	_ =	strace $0x80000047;
	s0 =	ssub.s32 s0, s7  }
0xc: {  	v0 =	vlaneseq.u32;
	s4 =	sadd.s32 s4, s1;
	s6 =	sshrl.u32 s6, $0x3;
	s12 =	smax.u32 s0, $0x1  }
0xd: {  	v0 =	vmul.u32 $0x2, v0;
	s28 =	sadd.s32 s5, s6;
	s4 =	sadd.s32 $0x1800, s4;
	s5 =	sadd.s32 s5, s8  }
0xe: {  	s6 =	sadd.s32 $0x2000, s28;
	s7 =	sadd.s32 $0x3800, s28;
	s8 =	sadd.s32 $0x5800, s28  }
0xf: {  	v1 =	vor.u32 $0x1, v0;
	s9 =	sadd.s32 $0x7000, s28;
	s10 =	sadd.s32 $0x9000, s28;
	s11 =	sadd.s32 $0xA800, s28  }
.LBB2_1:
0x10: {  	s0 =	simm.s32 $0x0  }
0x11: {  	s1 =	sand.u32 $0x60, s2;
	s0 =	sand.u32 $0xFFFFFF80, s0  }
0x12: {  	s0 =	sor.u32 s1, s0  }
0x13: {  	v2 =	vor.u32 s0, v0  }
0x14: {  	[tilespmem:s2], [sflag:$0x5] =	stream.linear.gather [hbm4b:s4+s2], $0x1900, $0x38;
	v3 =	vor.u32 s0, v1;
	[tilespmem:$0x1E580] =	vst v63  }
0x15: {  	_ =	swait.ge [sflag:s13], $0x1900  }
0x16: {  	[sflag:s13] =	ssyncset.done $0x0  }
0x17: {  	[sflag:s13] =	ssyncadd.s32 $0xFFFFE700  }
0x18: {  	s25 =	simm.s32 $0x20;
	s15 =	simm.s32 $0x20;
	v2 =	vld.idx.msk [tilespmem:v2+s2+$0x0], $0xffff  }
0x19: {  	s1 =	sand.u32 $0x60, s15;
	s0 =	sand.u32 $0xFFFFFF80, s25;
	v3 =	vld.idx.msk [tilespmem:v3+s2+$0x0], $0xffff  }
0x1a: {  	s0 =	sor.u32 s1, s0  }
0x1b: {  	v4 =	vor.u32 s0, v0  }
0x1c: {  	s17 =	sand.u32 $0x3E00, s2;
	v5 =	vor.u32 s0, v1  }
0x1d: {  	s25 =	sand.u32 $0x70, s2;
	s0 =	sshrl.u32 s17, $0x2;
	v2 =	vshll.u32 v2, $0x7  }
0x1e: {  	s0 =	sor.u32 s25, s0;
	v2 =	vadd.s32 v3, v2  }
0x1f: {  	[tilespmem:s0+$0x1900] =	vst v2  }
0x20: {  	s28 =	simm.s32 $0x0;
	s15 =	simm.s32 $0x40;
	v3 =	vld.idx.msk [tilespmem:v4+s2+$0x0], $0xffff  }
0x21: {  	s1 =	simm.s32 $0x3;
	s25 =	simm.s32 $0x0;
	s0 =	simm.s32 $0x40;
	v2 =	vld.idx.msk [tilespmem:v5+s2+$0x0], $0xffff  }
.LBB2_2:
0x22: {  	p0 =	sne.s32 s1, $0xC7;
	s17 =	sand.u32 $0x60, s0;
	s15 =	sand.u32 $0xFFFFFF80, s15  }
0x23: {  	s15 =	sor.u32 s17, s15  }
0x24: {  	s28 =	sadd.s32 $0x40, s28;
	v4 =	vor.u32 s15, v0  }
0x25: {  	s25 =	sadd.s32 $0x10, s25;
	v5 =	vor.u32 s15, v1;
	s15 =	sand.u32 $0x3E00, s28  }
.Ltmp0:
0x26: {  	s17 =	sand.u32 $0x70, s25;
	v3 =	vshll.u32 v3, $0x7;
	s15 =	sshrl.u32 s15, $0x2;
	(pc) =	sbr.rel @p0 .LBB2_2-.Ltmp0, $4  }
0x27: {  	v2 =	vadd.s32 v2, v3;
	s15 =	sor.u32 s17, s15  }
0x28: {  	[tilespmem:s15+$0x1900] =	vst v2  }
0x29: {  	v3 =	vld.idx.msk [tilespmem:v4+s2+$0x0], $0xffff  }
0x2a: {  	s0 =	sadd.s32 $0x20, s0;
	s15 =	sshll.u32 s1, $0x5;
	s1 =	sadd.s32 $0x1, s1;
	v2 =	vld.idx.msk [tilespmem:v5+s2+$0x0], $0xffff  }
0x2b: {  	s0 =	sand.u32 $0x60, s0;
	s1 =	sand.u32 $0xFFFFFF80, s15  }
0x2c: {  	s0 =	sor.u32 s0, s1  }
0x2d: {  	s1 =	sadd.s32 $0x40, s28;
	v4 =	vor.u32 s0, v0  }
0x2e: {  	s28 =	sadd.s32 $0x10, s25;
	v5 =	vor.u32 s0, v1;
	s15 =	sand.u32 $0x3E00, s1  }
0x2f: {  	s17 =	sand.u32 $0x70, s28;
	v3 =	vshll.u32 v3, $0x7;
	s0 =	sshrl.u32 s15, $0x2  }
0x30: {  	s0 =	sor.u32 s17, s0;
	v2 =	vadd.s32 v2, v3  }
0x31: {  	[tilespmem:s0+$0x1900] =	vst v2  }
0x32: {  	v2 =	vld.idx.msk [tilespmem:v4+s2+$0x0], $0xffff  }
0x33: {  	v3 =	vld.idx.msk [tilespmem:v5+s2+$0x0], $0xffff;
	_ =	sdelay $0x1  }
0x34: {  	s25 =	sadd.s32 $0x40, s1  }
0x35: {  	s28 =	sadd.s32 $0x10, s28;
	s0 =	sand.u32 $0x3E00, s25  }
0x36: {  	s1 =	sand.u32 $0x70, s28;
	s0 =	sshrl.u32 s0, $0x2;
	v2 =	vshll.u32 v2, $0x7  }
0x37: {  	s0 =	sor.u32 s1, s0;
	v2 =	vadd.s32 v3, v2  }
0x38: {  	s1 =	simm.s32 $0x1900;
	[tilespmem:s0+$0x1900] =	vst v2  }
0x39: {  	[tilespmem:s16], [sflag:$0x1] =	stream.indirect.gather [hbm4b:s3+s14], $0x80, s1, s14, $0xb8;
	[tilespmem:$0x1E580] =	vst v63  }
0x3a: {  	s15 =	simm.s32 $0x1980  }
0x3b: {  	[tilespmem:s18], [sflag:$0x1] =	stream.indirect.gather [hbm4b:s3+s14], $0x80, s15, s14, $0xb8;
	[tilespmem:$0x1E580] =	vst v63  }
0x3c: {  	s17 =	simm.s32 $0x1A00  }
0x3d: {  	[tilespmem:s20], [sflag:$0x1] =	stream.indirect.gather [hbm4b:s3+s14], $0x80, s17, s14, $0xb8;
	[tilespmem:$0x1E580] =	vst v63  }
0x3e: {  	s25 =	simm.s32 $0x1A80  }
0x3f: {  	[tilespmem:s22], [sflag:$0x1] =	stream.indirect.gather [hbm4b:s3+s14], $0x80, s25, s14, $0xb8;
	[tilespmem:$0x1E580] =	vst v63  }
0x40: {  	s28 =	simm.s32 $0x1B00  }
0x41: {  	[tilespmem:s24], [sflag:$0x2] =	stream.indirect.gather [hbm4b:s3+s14], $0x80, s28, s14, $0xb8;
	[tilespmem:$0x1E580] =	vst v63  }
0x42: {  	s1 =	simm.s32 $0x1B80  }
0x43: {  	[tilespmem:s26], [sflag:$0x2] =	stream.indirect.gather [hbm4b:s3+s14], $0x80, s1, s14, $0xb8;
	[tilespmem:$0x1E580] =	vst v63  }
0x44: {  	s15 =	simm.s32 $0x1C00  }
0x45: {  	[tilespmem:s29], [sflag:$0x2] =	stream.indirect.gather [hbm4b:s3+s14], $0x80, s15, s14, $0xb8;
	[tilespmem:$0x1E580] =	vst v63  }
0x46: {  	_ =	swait.ge [sflag:s30], $0x4000  }
0x47: {  	[sflag:s30] =	ssyncset.done $0x0  }
0x48: {  	[sflag:s30] =	ssyncadd.s32 $0xFFFFC000  }
0x49: {  	_ =	swait.ge [sflag:s30], $0x4000  }
0x4a: {  	[sflag:s30] =	ssyncset.done $0x0  }
0x4b: {  	[sflag:s30] =	ssyncadd.s32 $0xFFFFC000  }
0x4c: {  	_ =	swait.ge [sflag:s30], $0x4000  }
0x4d: {  	[sflag:s30] =	ssyncset.done $0x0  }
0x4e: {  	[sflag:s30] =	ssyncadd.s32 $0xFFFFC000  }
0x4f: {  	_ =	swait.ge [sflag:s30], $0x4000  }
0x50: {  	[sflag:s30] =	ssyncset.done $0x0  }
0x51: {  	[sflag:s30] =	ssyncadd.s32 $0xFFFFC000  }
0x52: {  	[hbm4b:s5+s2] =	stream.linear.scatter [tilespmem:s16], [sflag:$0x3], $0x10000, $0x38;
	[tilespmem:$0x1E580] =	vst v63  }
0x53: {  	_ =	swait.ge [sflag:s31], $0x10000  }
0x54: {  	[sflag:s31] =	ssyncset.done $0x0  }
0x55: {  	s17 =	simm.s32 $0x1C80;
	[sflag:s31] =	ssyncadd.s32 $0xFFFF0000  }
0x56: {  	[tilespmem:s16], [sflag:$0x1] =	stream.indirect.gather [hbm4b:s3+s14], $0x80, s17, s14, $0xb8;
	[tilespmem:$0x1E580] =	vst v63  }
0x57: {  	s25 =	simm.s32 $0x1D00  }
0x58: {  	[tilespmem:s18], [sflag:$0x1] =	stream.indirect.gather [hbm4b:s3+s14], $0x80, s25, s14, $0xb8;
	[tilespmem:$0x1E580] =	vst v63  }
0x59: {  	s28 =	simm.s32 $0x1D80  }
0x5a: {  	[tilespmem:s20], [sflag:$0x1] =	stream.indirect.gather [hbm4b:s3+s14], $0x80, s28, s14, $0xb8;
	[tilespmem:$0x1E580] =	vst v63  }
0x5b: {  	s1 =	simm.s32 $0x1E00  }
0x5c: {  	[tilespmem:s22], [sflag:$0x1] =	stream.indirect.gather [hbm4b:s3+s14], $0x80, s1, s14, $0xb8;
	[tilespmem:$0x1E580] =	vst v63  }
0x5d: {  	_ =	swait.ge [sflag:s19], $0x4000  }
0x5e: {  	[sflag:s19] =	ssyncset.done $0x0  }
0x5f: {  	[sflag:s19] =	ssyncadd.s32 $0xFFFFC000  }
0x60: {  	_ =	swait.ge [sflag:s19], $0x4000  }
0x61: {  	[sflag:s19] =	ssyncset.done $0x0  }
0x62: {  	[sflag:s19] =	ssyncadd.s32 $0xFFFFC000  }
0x63: {  	_ =	swait.ge [sflag:s19], $0x4000  }
0x64: {  	[sflag:s19] =	ssyncset.done $0x0  }
0x65: {  	[sflag:s19] =	ssyncadd.s32 $0xFFFFC000  }
0x66: {  	[hbm4b:s6+s2] =	stream.linear.scatter [tilespmem:s24], [sflag:$0x4], $0xC000, $0x38;
	[tilespmem:$0x1E580] =	vst v63  }
0x67: {  	_ =	swait.ge [sflag:s21], $0xC000  }
0x68: {  	[sflag:s21] =	ssyncset.done $0x0  }
0x69: {  	s15 =	simm.s32 $0x1E80;
	[sflag:s21] =	ssyncadd.s32 $0xFFFF4000  }
0x6a: {  	[tilespmem:s24], [sflag:$0x2] =	stream.indirect.gather [hbm4b:s3+s14], $0x80, s15, s14, $0xb8;
	[tilespmem:$0x1E580] =	vst v63  }
0x6b: {  	s17 =	simm.s32 $0x1F00  }
0x6c: {  	[tilespmem:s26], [sflag:$0x2] =	stream.indirect.gather [hbm4b:s3+s14], $0x80, s17, s14, $0xb8;
	[tilespmem:$0x1E580] =	vst v63  }
0x6d: {  	s25 =	simm.s32 $0x1F80  }
0x6e: {  	[tilespmem:s29], [sflag:$0x2] =	stream.indirect.gather [hbm4b:s3+s14], $0x80, s25, s14, $0xb8;
	[tilespmem:$0x1E580] =	vst v63  }
0x6f: {  	_ =	swait.ge [sflag:s30], $0x4000  }
0x70: {  	[sflag:s30] =	ssyncset.done $0x0  }
0x71: {  	[sflag:s30] =	ssyncadd.s32 $0xFFFFC000  }
0x72: {  	_ =	swait.ge [sflag:s30], $0x4000  }
0x73: {  	[sflag:s30] =	ssyncset.done $0x0  }
0x74: {  	[sflag:s30] =	ssyncadd.s32 $0xFFFFC000  }
0x75: {  	_ =	swait.ge [sflag:s30], $0x4000  }
0x76: {  	[sflag:s30] =	ssyncset.done $0x0  }
0x77: {  	[sflag:s30] =	ssyncadd.s32 $0xFFFFC000  }
0x78: {  	_ =	swait.ge [sflag:s30], $0x4000  }
0x79: {  	[sflag:s30] =	ssyncset.done $0x0  }
0x7a: {  	[sflag:s30] =	ssyncadd.s32 $0xFFFFC000  }
0x7b: {  	[hbm4b:s7+s2] =	stream.linear.scatter [tilespmem:s16], [sflag:$0x3], $0x10000, $0x38;
	[tilespmem:$0x1E580] =	vst v63  }
0x7c: {  	_ =	swait.ge [sflag:s31], $0x10000  }
0x7d: {  	[sflag:s31] =	ssyncset.done $0x0  }
0x7e: {  	s28 =	simm.s32 $0x2000;
	[sflag:s31] =	ssyncadd.s32 $0xFFFF0000  }
0x7f: {  	[tilespmem:s16], [sflag:$0x1] =	stream.indirect.gather [hbm4b:s3+s14], $0x80, s28, s14, $0xb8;
	[tilespmem:$0x1E580] =	vst v63  }
0x80: {  	s1 =	simm.s32 $0x2080  }
0x81: {  	[tilespmem:s18], [sflag:$0x1] =	stream.indirect.gather [hbm4b:s3+s14], $0x80, s1, s14, $0xb8;
	[tilespmem:$0x1E580] =	vst v63  }
0x82: {  	s15 =	simm.s32 $0x2100  }
0x83: {  	[tilespmem:s20], [sflag:$0x1] =	stream.indirect.gather [hbm4b:s3+s14], $0x80, s15, s14, $0xb8;
	[tilespmem:$0x1E580] =	vst v63  }
0x84: {  	s17 =	simm.s32 $0x2180  }
0x85: {  	[tilespmem:s22], [sflag:$0x1] =	stream.indirect.gather [hbm4b:s3+s14], $0x80, s17, s14, $0xb8;
	[tilespmem:$0x1E580] =	vst v63  }
0x86: {  	_ =	swait.ge [sflag:s19], $0x4000  }
0x87: {  	[sflag:s19] =	ssyncset.done $0x0  }
0x88: {  	[sflag:s19] =	ssyncadd.s32 $0xFFFFC000  }
0x89: {  	_ =	swait.ge [sflag:s19], $0x4000  }
0x8a: {  	[sflag:s19] =	ssyncset.done $0x0  }
0x8b: {  	[sflag:s19] =	ssyncadd.s32 $0xFFFFC000  }
0x8c: {  	_ =	swait.ge [sflag:s19], $0x4000  }
0x8d: {  	[sflag:s19] =	ssyncset.done $0x0  }
0x8e: {  	[sflag:s19] =	ssyncadd.s32 $0xFFFFC000  }
0x8f: {  	[hbm4b:s8+s2] =	stream.linear.scatter [tilespmem:s24], [sflag:$0x4], $0xC000, $0x38;
	[tilespmem:$0x1E580] =	vst v63  }
0x90: {  	_ =	swait.ge [sflag:s21], $0xC000  }
0x91: {  	[sflag:s21] =	ssyncset.done $0x0  }
0x92: {  	s25 =	simm.s32 $0x2200;
	[sflag:s21] =	ssyncadd.s32 $0xFFFF4000  }
0x93: {  	[tilespmem:s24], [sflag:$0x2] =	stream.indirect.gather [hbm4b:s3+s14], $0x80, s25, s14, $0xb8;
	[tilespmem:$0x1E580] =	vst v63  }
0x94: {  	s28 =	simm.s32 $0x2280  }
0x95: {  	[tilespmem:s26], [sflag:$0x2] =	stream.indirect.gather [hbm4b:s3+s14], $0x80, s28, s14, $0xb8;
	[tilespmem:$0x1E580] =	vst v63  }
0x96: {  	s1 =	simm.s32 $0x2300  }
0x97: {  	[tilespmem:s29], [sflag:$0x2] =	stream.indirect.gather [hbm4b:s3+s14], $0x80, s1, s14, $0xb8;
	[tilespmem:$0x1E580] =	vst v63  }
0x98: {  	_ =	swait.ge [sflag:s30], $0x4000  }
0x99: {  	[sflag:s30] =	ssyncset.done $0x0  }
0x9a: {  	[sflag:s30] =	ssyncadd.s32 $0xFFFFC000  }
0x9b: {  	_ =	swait.ge [sflag:s30], $0x4000  }
0x9c: {  	[sflag:s30] =	ssyncset.done $0x0  }
0x9d: {  	[sflag:s30] =	ssyncadd.s32 $0xFFFFC000  }
0x9e: {  	_ =	swait.ge [sflag:s30], $0x4000  }
0x9f: {  	[sflag:s30] =	ssyncset.done $0x0  }
0xa0: {  	[sflag:s30] =	ssyncadd.s32 $0xFFFFC000  }
0xa1: {  	_ =	swait.ge [sflag:s30], $0x4000  }
0xa2: {  	[sflag:s30] =	ssyncset.done $0x0  }
0xa3: {  	[sflag:s30] =	ssyncadd.s32 $0xFFFFC000  }
0xa4: {  	[hbm4b:s9+s2] =	stream.linear.scatter [tilespmem:s16], [sflag:$0x3], $0x10000, $0x38;
	[tilespmem:$0x1E580] =	vst v63  }
0xa5: {  	_ =	swait.ge [sflag:s31], $0x10000  }
0xa6: {  	[sflag:s31] =	ssyncset.done $0x0  }
0xa7: {  	s15 =	simm.s32 $0x2380;
	[sflag:s31] =	ssyncadd.s32 $0xFFFF0000  }
0xa8: {  	[tilespmem:s16], [sflag:$0x1] =	stream.indirect.gather [hbm4b:s3+s14], $0x80, s15, s14, $0xb8;
	[tilespmem:$0x1E580] =	vst v63  }
0xa9: {  	s17 =	simm.s32 $0x2400  }
0xaa: {  	[tilespmem:s18], [sflag:$0x1] =	stream.indirect.gather [hbm4b:s3+s14], $0x80, s17, s14, $0xb8;
	[tilespmem:$0x1E580] =	vst v63  }
0xab: {  	s25 =	simm.s32 $0x2480  }
0xac: {  	[tilespmem:s20], [sflag:$0x1] =	stream.indirect.gather [hbm4b:s3+s14], $0x80, s25, s14, $0xb8;
	[tilespmem:$0x1E580] =	vst v63  }
0xad: {  	s28 =	simm.s32 $0x2500  }
0xae: {  	[tilespmem:s22], [sflag:$0x1] =	stream.indirect.gather [hbm4b:s3+s14], $0x80, s28, s14, $0xb8;
	[tilespmem:$0x1E580] =	vst v63  }
0xaf: {  	_ =	swait.ge [sflag:s19], $0x4000  }
0xb0: {  	[sflag:s19] =	ssyncset.done $0x0  }
0xb1: {  	[sflag:s19] =	ssyncadd.s32 $0xFFFFC000  }
0xb2: {  	_ =	swait.ge [sflag:s19], $0x4000  }
0xb3: {  	[sflag:s19] =	ssyncset.done $0x0  }
0xb4: {  	[sflag:s19] =	ssyncadd.s32 $0xFFFFC000  }
0xb5: {  	_ =	swait.ge [sflag:s19], $0x4000  }
0xb6: {  	[sflag:s19] =	ssyncset.done $0x0  }
0xb7: {  	[sflag:s19] =	ssyncadd.s32 $0xFFFFC000  }
0xb8: {  	[hbm4b:s10+s2] =	stream.linear.scatter [tilespmem:s24], [sflag:$0x4], $0xC000, $0x38;
	[tilespmem:$0x1E580] =	vst v63  }
0xb9: {  	_ =	swait.ge [sflag:s30], $0x4000  }
0xba: {  	[sflag:s30] =	ssyncset.done $0x0  }
0xbb: {  	[sflag:s30] =	ssyncadd.s32 $0xFFFFC000  }
0xbc: {  	_ =	swait.ge [sflag:s30], $0x4000  }
0xbd: {  	[sflag:s30] =	ssyncset.done $0x0  }
0xbe: {  	[sflag:s30] =	ssyncadd.s32 $0xFFFFC000  }
0xbf: {  	_ =	swait.ge [sflag:s30], $0x4000  }
0xc0: {  	[sflag:s30] =	ssyncset.done $0x0  }
0xc1: {  	[sflag:s30] =	ssyncadd.s32 $0xFFFFC000  }
0xc2: {  	_ =	swait.ge [sflag:s30], $0x4000  }
0xc3: {  	[sflag:s30] =	ssyncset.done $0x0  }
0xc4: {  	s23 =	sadd.s32 $0x1, s23;
	[sflag:s30] =	ssyncadd.s32 $0xFFFFC000  }
0xc5: {  	[hbm4b:s11+s2] =	stream.linear.scatter [tilespmem:s16], [sflag:$0x3], $0x10000, $0x38;
	[tilespmem:$0x1E580] =	vst v63  }
0xc6: {  	p0 =	sne.s32 s23, s12;
	_ =	swait.ge [sflag:s21], $0xC000  }
.Ltmp1:
0xc7: {  	[sflag:s21] =	ssyncset.done $0x0;
	(pc) =	sbr.rel @p0 .LBB2_1-.Ltmp1, $4  }
0xc8: {  	[sflag:s21] =	ssyncadd.s32 $0xFFFF4000  }
0xc9: {  	_ =	swait.ge [sflag:s31], $0x10000  }
0xca: {  	[sflag:s31] =	ssyncset.done $0x0  }
0xcb: {  	[sflag:s31] =	ssyncadd.s32 $0xFFFF0000  }
0xcc: {  	_ =	sfence.sel $0x180000  }
0xcd: {  	[bflag:$0x0] =	sbarrier.arrive $0xFFFF  }
0xce: {  	_ =	strace $0x90000047  }
0xcf: {  	s0 =	stileid.u32;
	[bflag:$0x2] =	sbarrier.arrive $0xFFFF  }
0xd0: {  	p0 =	sne.s32 s0, $0x0;
	s0 =	rddreg [dreg:$0x2]  }
0xd1: {  	s0 =	sadd.s32 @!p0 $0x100000, s0  }
0xd2: {  	[sflag:s0] =	ssyncadd.tile.s32 @!p0 $0x1;
	_ =	shalt  }
.Lfunc_end2:
_tile_overlayer_lowered:
.L_overlay_start_2:
0xd3: {  	(tag) =	ssettag $0x2  }
0xd4: {  	s0 =	rddreg [dreg:$0x0];
	s2 =	stileid.u32  }
0xd5: {  	s1 =	rddreg [dreg:$0x1];
	p0 =	sne.s32 s2, $0x0  }
0xd6: {  	s3 =	rddreg [dreg:$0x2];
	[bflag:$0x3] =	sbarrier.arrive $0xFFFF;
	s2 =	simm.s32 @!p0 $0x1C05  }
0xd7: {  	[timem:s3], [sflag:s2] =	dma.local @!p0 [hbm:s0], s1  }
0xd8: {  	s0 =	simm.s32 @!p0 $0x5  }
0xd9: {  	_ =	swait.ge @!p0 [sflag:s0], s1  }
0xda: {  	s1 =	ssub.s32 @!p0 $0x0, s1;
	[sflag:s0] =	ssyncset.done @!p0 $0x0  }
0xdb: {  	[sflag:s0] =	ssyncadd.s32 @!p0 s1  }
0xdc: {  	[bflag:$0x3] =	sbarrier.arrive $0xFFFF  }
0xdd: {  	_ =	shalt  }

// kernel: sparse-core-data-format-call.cloned.1.call-start
scs
called_computation_lowered:
.L_overlay_start_0:
0x0: {  	s2 =	sld [smem:$0x3FD9]  }
0x1: {  	s3 =	sld [smem:$0x3FFE];
	_ =	sdelay $0x1  }
0x2: {  	s1 =	srdreg.scid  }
0x3: {  	s0 =	sand.u32 $0x1, s1  }
0x4: {  	s18 =	sshll.u32 s0, $0xA;
	s2 =	sadd.s32 s3, s2  }
0x5: {  	s2 =	sadd.s32 s2, s18  }
0x6: {  	[smem:$0x3FBB] =	sst s2  }
0x7: {  	_ = 	snop  }
0x8: {  	s2 =	sld [smem:$0x3FD0];
	(tm) =	ssettm $0x1  }
0x9: {  	s19 =	sld [smem:$0x3FFB];
	_ =	sdelay $0x3  }
0xa: {  	_ =	strace s19  }
0xb: {  	s3 =	sld [smem:$0x3FFC];
	_ =	sdelay $0x3  }
0xc: {  	_ =	strace s3  }
0xd: {  	s3 =	sld [smem:$0x3FFD];
	_ =	sdelay $0x3  }
0xe: {  	_ =	strace s3  }
0xf: {  	_ =	strace $0x8FFFFFFF  }
0x10: {  	s20 =	sld [smem:$0x3FDB];
	_ =	sdelay $0x1  }
0x11: {  	s4 =	simm.s32 $_scs_section_size  }
0x12: {  	s5 =	simm.s32 $_size__tile_overlayer_lowered;
	s6 =	simm.s32 $_tile_overlayer_lowered  }
0x13: {  	s23 =	simm.s32 $0x1BFF;
	s22 =	sshll.u32 s6, $0x1;
	s3 =	sadd.s32 s4, s20  }
0x14: {  	s7 =	simm.s32 $0x0;
	s21 =	sshll.u32 s5, $0x1;
	s5 =	sadd.s32 s22, s3  }
0x15: {  	[timem:s7], [sflag:s23] =	dma.local [hbm:s5], s21  }
0x16: {  	_ =	swait.ge [sflag:s23], s21  }
0x17: {  	s4 =	ssub.s32 $0x0, s21;
	[sflag:s23] =	ssyncset.done $0x0  }
0x18: {  	[sflag:s23] =	ssyncadd.s32 s4;
	_ =	sdelay $0x1  }
0x19: {  	s24 =	simm.s32 $0x1B8B  }
0x1a: {  	_ =	swait.ge [sflag:s24], $0x1  }
0x1b: {  	[sflag:s24] =	ssyncset.done $0x0  }
0x1c: {  	s26 =	simm.s32 $0x1B8E;
	s25 =	sld [smem:$0x3FFE];
	[sflag:s24] =	ssyncadd.s32 $0xFFFFFFFF  }
0x1d: {  	s27 =	simm.s32 $execute0_lowered;
	[smem:$0x3FD2] =	sst s26  }
0x1e: {  	s5 =	sshll.u32 s27, $0x1;
	_ =	strace $0x80000049;
	[dreg:$0x1] =	wrdreg $0xFFFFFFFF  }
0x1f: {  	s28 =	simm.s32 $_size_execute0_lowered;
	s3 =	sadd.s32 s3, s5;
	[dreg:$0x0] =	wrdreg $0x0  }
0x20: {  	s5 =	sshll.u32 s28, $0x1;
	[dreg:$0x2] =	wrdreg s3  }
0x21: {  	[dreg:$0x3] =	wrdreg s5  }
0x22: {  	[dreg:$0x4] =	wrdreg $0xC0  }
0x23: {  	_ =	task [dreg:s7], $0x5FFFF  }
0x24: {  	[dreg:$0x1] =	wrdreg $0xFFFFFFFF  }
0x25: {  	[dreg:$0x0] =	wrdreg $0x60  }
0x26: {  	[dreg:$0x2] =	wrdreg s25  }
0x27: {  	[dreg:$0x3] =	wrdreg s2  }
0x28: {  	[dreg:$0x4] =	wrdreg $0x9  }
0x29: {  	_ =	task.clear_ibuf [dreg:s7], $0x5FFFF;
	_ =	strace $0x90000049  }
0x2a: {  	s29 =	simm.s32 $0x9;
	_ =	strace $0x8000004B  }
0x2b: {  	_ =	swait.ge [sflag:s29], $0x1  }
0x2c: {  	[sflag:s29] =	ssyncadd.s32 $0xFFFFFFFF  }
0x2d: {  	_ =	strace $0x9000004B  }
0x2e: {  	_ =	sfence  }
0x2f: {  	s30 =	sld [smem:$0x0];
	_ =	sdelay $0x2  }
0x30: {  	s31 =	sshll.u32 s1, $0xD;
	s1 =	sshrl.u32 s1, $0x2  }
0x31: {  	s3 =	sand.u32 $0x4000, s31;
	s1 =	sadd.s32 s1, s30  }
0x32: {  	s0 =	sor.u32 s3, s0;
	s1 =	sshll.u32 s1, $0x11  }
0x33: {  	s0 =	sor.u32 s1, s0  }
0x34: {  	s0 =	sadd.s32 $0x8F2B, s0  }
0x35: {  	[sflag:s0] =	ssyncadd.remote.s32 $0x1  }
0x36: {  	_ =	sfence.sel $0xFFFF  }
0x37: {  	[dreg:$0x0] =	wrdreg $0xFFFFFFFF;
	(pc) =	sbr.abs _section_cstart, $3  }
0x38: {  	[dreg:$0x1] =	wrdreg $0xFFFFFFFF  }
0x39: {  	_ =	task.clear_ibuf [dreg:s7], $0x2FFFF;
	_ =	strace $0x9FFFFFFF  }
0x3a: {  	(tm) =	ssettm $0x7FFFFFFF  }
0x3b: {  	_ =	shalt  }
tec
execute0_lowered:
.L_overlay_start_1:
0x0: {  	(tag) =	ssettag $0x1  }
0x1: {  	s0 =	srdreg.scid  }
0x2: {  	s1 =	sshll.u32 s0, $0x4  }
0x3: {  	s0 =	stileid.u32;
	s1 =	sand.u32 $0x10, s1  }
0x4: {  	s1 =	sor.u32 s0, s1  }
0x5: {  	s6 =	rddreg [dreg:$0x0];
	s4 =	simm.s32 $0x1;
	s2 =	sshll.u32 s1, $0x7  }
0x6: {  	s7 =	simm.s32 $0x2;
	s12 =	simm.s32 $0x0;
	s1 =	ssub.s32 $0x1000, s2  }
0x7: {  	s8 =	simm.s32 $0x8000;
	s13 =	simm.s32 $0x0;
	s3 =	sand.u32 $0xF80, s1  }
0x8: {  	s9 =	simm.s32 $0x0;
	s5 =	sshrl.u32 s1, $0xC;
	p0 =	sne.s32 s3, $0x0  }
.Ltmp0:
0x9: {  	s1 =	rddreg [dreg:$0x2];
	s4 =	simm.s32 @!p0 $0x0;
	(pc) =	sbr.rel .LBB1_1-.Ltmp0, $4  }
0xa: {  	s11 =	simm.s32 $0x0;
	s3 =	rddreg [dreg:$0x1];
	s5 =	sadd.s32 s4, s5  }
0xb: {  	_ =	strace $0x8000004A;
	s4 =	simm.s32 $0x1;
	s5 =	smul.u32 $0x32, s5  }
0xc: {  	s6 =	sadd.s32 $0x1800, s6;
	s10 =	smov.u32 s2;
	[sflag:s4] =	ssyncpa.u1 $0x0  }
0xd: {  	p0 =	por $0x0, $0x0;
	[sflag:s7] =	ssyncpa.u1 $0x0;
	s7 =	sor.u32 $0x1, s5  }
.LBB1_4:
0xe: {  	s16 =	sshll.u32 s13, $0x3;
	s17 =	sand.u32 $0x78, s13  }
0xf: {  	s30 =	sand.u32 $0x7E00, s13;
	s12 =	sshll.u32 s12, $0xF;
	s16 =	sand.u32 $0xC00, s16  }
0x10: {  	[tilespmem:s15+$0x810 ss:$0x81] =	vst.msk $0xffff, v2;
	s31 =	sand.u32 $0x7, s13;
	s16 =	sor.u32 s17, s16;
	s17 =	sadd.s32 s3, s30  }
0x11: {  	[tilespmem:s15+$0x1020 ss:$0x81] =	vst.msk $0xffff, v0;
	s13 =	sshll.u32 s31, $0x12;
	s12 =	sadd.s32 s12, s17;
	s16 =	sshrl.u32 s16, $0x3  }
0x12: {  	[tilespmem:s15+$0x0 ss:$0x81] =	vst.msk $0xffff, v1;
	s13 =	sor.u32 $0x400, s13;
	s12 =	sadd.s32 s16, s12  }
0x13: {  	[hbm4b:s12+s13] =	stream.strided.scatter [tilespmem:s14], [sflag:$0x2], $0x2000, s8, s13, $0x20;
	[tilespmem:$0x8080] =	vst v63  }
.LBB1_5:
0x14: {  	s14 =	sadd.s32 $0x1, s9  }
0x15: {  	s12 =	sadd.s32 $0x1000, s10;
	s16 =	smov.u32 s10;
	p2 =	sgt.s32 s14, $0x31  }
0x16: {  	s16 =	smov.u32 @p2 s12  }
0x17: {  	s14 =	simm.s32 @p2 $0x0;
	p2 =	sgt.s32 s16, $0xFFF  }
0x18: {  	s16 =	smov.u32 @p2 s2;
	p2 =	sne.s32 s11, s7  }
.Ltmp1:
0x19: {  	p1 =	slt.u32 s11, $0x2;
	(pc) =	sbr.rel @!p2 .LBB1_6-.Ltmp1, $4  }
0x1a: {  	s15 =	simm.s32 @!p1 $0x2  }
0x1b: {  	s13 =	smov.u32 s10;
	p0 =	por !p0, !p0;
	_ =	swait.ge @!p1 [sflag:s15], $0x2000  }
0x1c: {  	s12 =	smov.u32 s9;
	[sflag:s15] =	ssyncset.done @!p1 $0x0;
	s9 =	smov.u32 s14  }
0x1d: {  	s11 =	sadd.s32 $0x1, s11;
	[sflag:s15] =	ssyncadd.s32 @!p1 $0xFFFFE000;
	s10 =	smov.u32 s16  }
.LBB1_1:
0x1e: {  	p1 =	sge.u32 s11, s5  }
0x1f: {  	s14 =	sand.u32 @!p1 $0x1FFFFFF, s9  }
0x20: {  	s15 =	smulhi.u32 @!p1 $0x4924925, s14;
	_ =	sdelay $0x1  }
0x21: {  	s15 =	smul.u32 @!p1 $0x38, s15  }
0x22: {  	s16 =	sxor.u32 @!p1 $0xFFFFFFFF, s11;
	s17 =	smul.u32 @!p1 $0x380, s10  }
0x23: {  	s31 =	sadd.s32 $0xFFFFFFFF, s11;
	s16 =	sshll.u32 @!p1 s16, $0xD;
	s14 =	ssub.s32 @!p1 s14, s15  }
0x24: {  	s15 =	sand.u32 @!p1 $0x2000, s16;
	s16 =	sadd.s32 @!p1 s6, s17;
	s14 =	sshll.u32 @!p1 s14, $0x4  }
0x25: {  	s17 =	simm.s32 @!p1 $0x1C00;
	s14 =	sadd.s32 @!p1 s14, s16;
	s16 =	simm.s32 @!p1 $0x40  }
0x26: {  	[tilespmem:s15], [sflag:$0x1] =	stream.strided.gather @!p1 [hbm4b:s14+s16], $0x2000, s17, s16, $0x38;
	[tilespmem:$0x8080] =	vst v63  }
0x27: {  	p1 =	sge.u32 s31, s5  }
.Ltmp2:
0x28: {  	_ = 	snop;
	(pc) =	sbr.rel @p1 .LBB1_5-.Ltmp2, $1  }
0x29: {  	_ =	sdelay $0x3  }
0x2a: {  	s14 =	simm.s32 $0x1  }
0x2b: {  	_ =	swait.ge [sflag:s4], $0x2000;
	s14 =	simm.s32 @!p0 $0x0  }
0x2c: {  	[sflag:s4] =	ssyncset.done $0x0;
	s15 =	sshll.u32 s14, $0xD  }
0x2d: {  	[sflag:s4] =	ssyncadd.s32 $0xFFFFE000;
	s18 =	sor.u32 $0x20, s15  }
0x2e: {  	s14 =	smul.u32 $0x8100, s14;
	v3 =	vld [tilespmem:s18+$0x10]  }
0x2f: {  	s30 =	sand.u32 $0x1, s11;
	v2 =	vld [tilespmem:s18+$0xFFFFFFF0]  }
0x30: {  	s15 =	smul.u32 $0x8100, s30;
	s14 =	sshrl.u32 s14, $0x2;
	v0 =	vld [tilespmem:s18+$0x0]  }
0x31: {  	v1 =	vld [tilespmem:s18+$0xFFFFFFE0];
	s16 =	sor.u32 $0x4000, s14  }
0x32: {  	s31 =	sshrl.u32 s15, $0x2;
	s15 =	sadd.s32 $0x0, s16  }
0x33: {  	s17 =	simm.s32 $0x4;
	s18 =	sadd.s32 $0x40, s18;
	s14 =	sor.u32 $0x4000, s31;
	[tilespmem:s15+$0x1830 ss:$0x81] =	vst.msk $0xffff, v3  }
.LBB1_3:
0x34: {  	v3 =	vld [tilespmem:s18+$0x10];
	p1 =	sne.s32 s17, $0x1FC;
	[tilespmem:s15+$0x810 ss:$0x81] =	vst.msk $0xffff, v2;
	s19 =	smov.u32 s17;
	s17 =	sadd.s32 $0x4, s17  }
.Ltmp3:
0x35: {  	v2 =	vld [tilespmem:s18+$0xFFFFFFF0];
	[tilespmem:s15+$0x1020 ss:$0x81] =	vst.msk $0xffff, v0;
	(pc) =	sbr.rel @p1 .LBB1_3-.Ltmp3, $4  }
0x36: {  	v0 =	vld [tilespmem:s18+$0x0];
	[tilespmem:s15+$0x0 ss:$0x81] =	vst.msk $0xffff, v1  }
0x37: {  	s15 =	sshra.s32 s19, $0x2;
	v1 =	vld [tilespmem:s18+$0xFFFFFFE0]  }
0x38: {  	s15 =	sadd.s32 s15, s16  }
0x39: {  	s18 =	sadd.s32 $0x40, s18;
	[tilespmem:s15+$0x1830 ss:$0x81] =	vst.msk $0xffff, v3  }
.Ltmp4:
0x3a: {  	_ = 	snop;
	(pc) =	sbr.rel .LBB1_4-.Ltmp4, $1  }
0x3b: {  	_ =	sdelay $0x3  }
.LBB1_6:
0x3c: {  	_ =	sfence.sel $0x180000  }
0x3d: {  	s2 =	simm.s32 $0x1;
	[bflag:$0x0] =	sbarrier.arrive $0xFFFF  }
0x3e: {  	s31 =	simm.s32 $0x2;
	[sflag:s2] =	ssyncpa.u1 $0x1  }
0x3f: {  	[sflag:s31] =	ssyncpa.u1 $0x1  }
0x40: {  	p0 =	sne.s32 s0, $0x0;
	_ =	strace $0x9000004A  }
0x41: {  	s0 =	sadd.s32 @!p0 $0x100000, s1;
	[bflag:$0x2] =	sbarrier.arrive $0xFFFF  }
0x42: {  	[sflag:s0] =	ssyncadd.tile.s32 @!p0 $0x1;
	_ =	shalt  }
.Lfunc_end1:
_tile_overlayer_lowered:
.L_overlay_start_2:
0x43: {  	(tag) =	ssettag $0x2  }
0x44: {  	s0 =	rddreg [dreg:$0x0];
	s2 =	stileid.u32  }
0x45: {  	s1 =	rddreg [dreg:$0x1];
	p0 =	sne.s32 s2, $0x0  }
0x46: {  	s3 =	rddreg [dreg:$0x2];
	[bflag:$0x3] =	sbarrier.arrive $0xFFFF;
	s2 =	simm.s32 @!p0 $0x1C01  }
0x47: {  	[timem:s3], [sflag:s2] =	dma.local @!p0 [hbm:s0], s1  }
0x48: {  	s0 =	simm.s32 @!p0 $0x1  }
0x49: {  	_ =	swait.ge @!p0 [sflag:s0], s1  }
0x4a: {  	s1 =	ssub.s32 @!p0 $0x0, s1;
	[sflag:s0] =	ssyncset.done @!p0 $0x0  }
0x4b: {  	[sflag:s0] =	ssyncadd.s32 @!p0 s1  }
0x4c: {  	[bflag:$0x3] =	sbarrier.arrive $0xFFFF  }
0x4d: {  	_ =	shalt  }

</sc_bundles>
